<compile_context>
chip_gen: v7x
topology: tpu7x:2x2x1
jax: 0.10.2.dev20260603
libtpu: 0.0.44.dev20260713+nightly
codegen_flags: <defaults>
</compile_context>

<pallas_src>
import functools

import jax
import jax.numpy as jnp
from jax import lax
from jax.experimental import pallas as pl
from jax.experimental.pallas import tpu as pltpu
from jax.experimental.pallas import tpu_sc as plsc


def _full(v, dtype=jnp.int32):
    return jnp.full((16,), v, dtype)


def _sc_scan_gather(tableT, tail_tab, idx):
    D, V = tableT.shape
    (B,) = idx.shape
    info = plsc.get_sparse_core_info()
    NC, NS, L = info.num_cores, info.num_subcores, info.num_lanes
    NW = NC * NS
    ALIGNED = (V // (NW * 512)) * (NW * 512)
    RNG = ALIGNED // NW
    NB = RNG // 512
    NCH = 8 * NB
    SCAP = 640
    MCAP = 1024
    OUTR = B + NW
    mesh = plsc.VectorSubcoreMesh(core_axis_name="c", subcore_axis_name="s")

    @functools.partial(
        pl.kernel,
        mesh=mesh,
        out_type=jax.ShapeDtypeStruct((OUTR, 128), jnp.float32),
        scratch_types=[
            pltpu.VMEM((2048 + L,), jnp.int32),
            pltpu.VMEM((MCAP + L,), jnp.int32),
            pltpu.VMEM((MCAP + L,), jnp.int32),
            pltpu.VMEM((MCAP + L,), jnp.int32),
            pltpu.VMEM((MCAP + L,), jnp.int32),
            pltpu.VMEM((NB + 1 + L,), jnp.int32),
            pltpu.VMEM((64 + L,), jnp.int32),
            pltpu.VMEM((64 + L,), jnp.int32),
            pltpu.VMEM((SCAP, 128), jnp.float32),
            pltpu.VMEM((8, 512), jnp.float32),
            pltpu.VMEM((8, 512), jnp.float32),
            pltpu.VMEM((8, 512), jnp.float32),
            pltpu.VMEM((8, 512), jnp.float32),
            pltpu.VMEM((8, 512), jnp.float32),
            pltpu.VMEM((8, 512), jnp.float32),
            pltpu.VMEM((8, 512), jnp.float32),
            pltpu.VMEM((8, 512), jnp.float32),
            pltpu.VMEM((8, 128), jnp.float32),
            pltpu.VMEM((5, 1, 128), jnp.int32),
            pltpu.SemaphoreType.DMA,
            pltpu.SemaphoreType.DMA,
        ],
        compiler_params=pltpu.CompilerParams(needs_layout_passes=False),
    )
    def gather_kernel(
        table_hbm, tail_hbm, idx_hbm, out_hbm,
        idx_v, my_id, my_pos, bin_id, bin_pos, starts, tail_id, tail_pos,
        stage, bufa, bufb, bufc, bufd, bufe, buff, bufg, bufh,
        tslab, pos5, sem, sem_out,
    ):
        wid = lax.axis_index("s") * NC + lax.axis_index("c")
        lo = wid * RNG
        hi = lo + RNG
        iota = lax.iota(jnp.int32, L)
        lane0 = iota == 0
        is_last = wid == (NW - 1)

        trash = B + wid
        for t in range(5):
            for g in range(8):
                pos5[t, 0, pl.ds(g * L, L)] = _full(0) + trash

        def issue(i, buf):
            p = i // NB
            b = i % NB
            src_r = pl.multiple_of(p * 8, 8)
            src_c = pl.multiple_of(lo + b * 512, 128)
            pltpu.async_copy(
                table_hbm.at[pl.ds(src_r, 8), pl.ds(src_c, 512)], buf, sem
            )

        bufs = (bufa, bufb, bufc, bufd, bufe, buff, bufg, bufh)
        NDEEP = len(bufs)
        for q in range(NDEEP):
            issue(q, bufs[q])

        PIECE = 2048

        def p1_piece(pc, carry):
            pltpu.sync_copy(
                idx_hbm.at[pl.ds(pc * PIECE, PIECE)], idx_v.at[pl.ds(0, PIECE)]
            )

            def p1_body(g, carry):
                n, nt = carry
                v = idx_v[pl.ds(g * L, L)]
                pos = iota + g * L + pc * PIECE
                m = (v >= lo) & (v < hi)
                c = plsc.cumsum(m.astype(jnp.int32))
                slots = n + c - 1
                plsc.store_scatter(my_id, [slots], v, mask=m)
                plsc.store_scatter(my_pos, [slots], pos, mask=m)
                n = n + jnp.max(c)
                mt = (v >= ALIGNED) & is_last
                ct = plsc.cumsum(mt.astype(jnp.int32))
                tslots = nt + ct - 1
                plsc.store_scatter(tail_id, [tslots], v, mask=mt)
                plsc.store_scatter(tail_pos, [tslots], pos, mask=mt)
                nt = nt + jnp.max(ct)
                return (n, nt)

            return lax.fori_loop(0, PIECE // L, p1_body, carry)

        n_my, n_tail = lax.fori_loop(0, B // PIECE, p1_piece, (0, 0))

        n_groups = (n_my + L - 1) // L

        def bin_b(b, nb):
            plsc.store_scatter(starts, [_full(0) + b], _full(0) + nb, mask=lane0)
            clo = lo + b * 512

            def g_body(g, nb_in):
                vid = my_id[pl.ds(g * L, L)]
                vpos = my_pos[pl.ds(g * L, L)]
                m = ((iota + g * L) < n_my) & (vid >= clo) & (vid < clo + 512)
                c = plsc.cumsum(m.astype(jnp.int32))
                slots = nb_in + c - 1
                plsc.store_scatter(bin_id, [slots], vid, mask=m)
                plsc.store_scatter(bin_pos, [slots], vpos, mask=m)
                return nb_in + jnp.max(c)

            return lax.fori_loop(0, n_groups, g_body, nb)

        n_tot = lax.fori_loop(0, NB, bin_b, 0)
        plsc.store_scatter(starts, [_full(0) + NB], _full(0) + n_tot, mask=lane0)

        def posmap_body(g, _):
            sl = iota + g * L
            m = sl < n_tot
            v = bin_pos[pl.ds(g * L, L)]
            plsc.store_scatter(
                pos5, [sl // 128, _full(0), sl % 128], v, mask=m
            )
            return 0

        lax.fori_loop(0, (n_tot + L - 1) // L, posmap_body, 0)

        def drain():
            pltpu.make_async_copy(
                table_hbm.at[pl.ds(0, 8), pl.ds(0, 512)], bufa, sem
            ).wait()

        def process(i, buf):
            p = i // NB
            b = i % NB
            clo = lo + b * 512
            s0 = starts[pl.ds(b, L)][0]
            s1 = starts[pl.ds(b + 1, L)][0]
            k = s1 - s0

            def g_body(g, _):
                sl = s0 + g * L
                cols = bin_id[pl.ds(sl, L)] - clo
                m = (iota + g * L) < k
                slots = sl + iota
                for f in range(8):
                    v = plsc.load_gather(buf, [_full(f), cols], mask=m)
                    plsc.store_scatter(
                        stage, [slots, _full(p * 8 + f)], v, mask=m
                    )
                return 0

            lax.fori_loop(0, (k + L - 1) // L, g_body, 0)

        def superstep(s, _):
            i0 = s * NDEEP
            for q in range(NDEEP):
                drain()
                process(i0 + q, bufs[q])

                @pl.when(i0 + q + NDEEP < NCH)
                def _():
                    issue(i0 + q + NDEEP, bufs[q])

            return 0

        lax.fori_loop(0, NCH // NDEEP, superstep, 0)

        @pl.when(is_last)
        def _():
            def t_body(t, _):
                r = tail_id[pl.ds(t, L)][0] - ALIGNED
                bpos = tail_pos[pl.ds(t, L)][0]
                slab = pl.multiple_of((r // 8) * 8, 8)
                pltpu.sync_copy(tail_hbm.at[pl.ds(slab, 8), :], tslab)
                rr = r - slab
                slot = n_tot + t
                plsc.store_scatter(
                    pos5,
                    [_full(0) + slot // 128, _full(0), _full(0) + slot % 128],
                    _full(0) + bpos,
                    mask=lane0,
                )
                for g in range(4):
                    v = plsc.load_gather(tslab, [_full(0) + rr, iota + g * L])
                    plsc.store_scatter(
                        stage, [_full(0) + slot, iota + g * L], v
                    )
                return 0

            lax.fori_loop(0, n_tail, t_body, 0)

        for t in range(5):
            pltpu.async_copy(
                stage.at[pl.ds(t * 128, 128), :],
                out_hbm.at[pos5.at[t, 0]],
                sem_out,
            )
        for t in range(5):
            pltpu.make_async_copy(
                stage.at[pl.ds(0, 128), :],
                out_hbm.at[pos5.at[0, 0]],
                sem_out,
            ).wait()

    return gather_kernel(tableT, tail_tab, idx)


def _tc_project_t(x128, W, b2d, B):
    BR = x128.shape[0]
    N, D = W.shape
    BN = 200
    assert N % BN == 0

    def body(x_ref, w_ref, b_ref, o_ref):
        xs = x_ref[:B, :D]
        o_ref[...] = (
            lax.dot_general(
                w_ref[...],
                xs,
                (((1,), (1,)), ((), ())),
                preferred_element_type=jnp.float32,
            )
            + b_ref[...]
        )

    return pl.pallas_call(
        body,
        grid=(N // BN,),
        in_specs=[
            pl.BlockSpec((BR, 128), lambda i: (0, 0)),
            pl.BlockSpec((BN, D), lambda i: (i, 0)),
            pl.BlockSpec((BN, 1), lambda i: (i, 0)),
        ],
        out_specs=pl.BlockSpec((BN, B), lambda i: (i, 0)),
        out_shape=jax.ShapeDtypeStruct((N, B), jnp.float32),
    )(x128, W, b2d)


def kernel(doc_id, doc_emb, W, b):
    V, D = doc_emb.shape
    B = doc_id.shape[0]
    idx = doc_id.astype(jnp.int32)
    aligned = (V // (32 * 512)) * (32 * 512)
    tail_tab = jnp.pad(doc_emb[aligned:], ((0, 0), (0, 128 - D)))
    x128 = _sc_scan_gather(doc_emb.T, tail_tab, idx)
    logits_t = _tc_project_t(x128, W, b.reshape(-1, 1), B)
    return logits_t.T

# --- scband reference (transcript-rebuilt; emitter-appended) ---
"""Pipeline reference for scband-dbow-38336878084158 (READ-ONLY COPY).

The authoritative reference and input builder live on the scoring server;
editing this copy changes nothing except your own understanding.
"""

import jax, jax.numpy as jnp
import numpy as np


def setup_inputs(seed: int = 0) -> dict:
    key = jax.random.key(seed)
    k1, k2, k3, k4 = jax.random.split(key, 4)
    doc_size = 1000000
    vocab_size = 1000
    embedding_dim = 64
    batch = 16384
    doc_id = jax.random.randint(k1, (batch,), 0, doc_size, dtype=jnp.int64)
    # xavier_uniform for embedding table (fan_in=doc_size, fan_out=embedding_dim per torch convention on 2D weight)
    limit_emb = float(np.sqrt(6.0 / (doc_size + embedding_dim)))
    doc_emb = jax.random.uniform(k2, (doc_size, embedding_dim), minval=-limit_emb, maxval=limit_emb, dtype=jnp.float32)
    # Linear(embedding_dim -> vocab_size): weight [vocab_size, embedding_dim], bias [vocab_size]
    limit_w = float(1.0 / np.sqrt(embedding_dim))
    W = jax.random.uniform(k3, (vocab_size, embedding_dim), minval=-limit_w, maxval=limit_w, dtype=jnp.float32)
    b = jax.random.uniform(k4, (vocab_size,), minval=-limit_w, maxval=limit_w, dtype=jnp.float32)
    return {"doc_id": doc_id, "doc_emb": doc_emb, "W": W, "b": b}


def reference(doc_id, doc_emb, W, b):
    # doc_vec = self.doc_emb(doc_id)
    doc_vec = jnp.take(doc_emb, doc_id, axis=0)
    # logits = self.out(doc_vec)  (nn.Linear: x @ W.T + b)
    logits = doc_vec @ W.T + b
    return logits

if __name__ == "__main__":
    import jax
    _d = setup_inputs()
    print(jax.jit(kernel)(*tuple(_d.values())))

</pallas_src>

<mosaic_0001>
#map = affine_map<(d0, d1) -> (0, 0)>
#map1 = affine_map<(d0, d1) -> (0)>
module attributes {stable_mosaic.version = 14 : i64} {
  func.func @gather_kernel(%arg0: i32, %arg1: i32, %arg2: memref<64x1000000xf32, #tpu.memory_space<hbm>>, %arg3: memref<576x128xf32, #tpu.memory_space<hbm>>, %arg4: memref<16384xi32, #tpu.memory_space<hbm>>, %arg5: memref<16416x128xf32, #tpu.memory_space<hbm>>, %arg6: memref<2064xi32, #tpu.memory_space<vmem>>, %arg7: memref<1040xi32, #tpu.memory_space<vmem>>, %arg8: memref<1040xi32, #tpu.memory_space<vmem>>, %arg9: memref<1040xi32, #tpu.memory_space<vmem>>, %arg10: memref<1040xi32, #tpu.memory_space<vmem>>, %arg11: memref<78xi32, #tpu.memory_space<vmem>>, %arg12: memref<80xi32, #tpu.memory_space<vmem>>, %arg13: memref<80xi32, #tpu.memory_space<vmem>>, %arg14: memref<640x128xf32, #tpu.memory_space<vmem>>, %arg15: memref<8x512xf32, #tpu.memory_space<vmem>>, %arg16: memref<8x512xf32, #tpu.memory_space<vmem>>, %arg17: memref<8x512xf32, #tpu.memory_space<vmem>>, %arg18: memref<8x512xf32, #tpu.memory_space<vmem>>, %arg19: memref<8x512xf32, #tpu.memory_space<vmem>>, %arg20: memref<8x512xf32, #tpu.memory_space<vmem>>, %arg21: memref<8x512xf32, #tpu.memory_space<vmem>>, %arg22: memref<8x512xf32, #tpu.memory_space<vmem>>, %arg23: memref<8x128xf32, #tpu.memory_space<vmem>>, %arg24: memref<5x1x128xi32, #tpu.memory_space<vmem>>, %arg25: memref<!tpu.dma_semaphore, #tpu.memory_space<semaphore_mem>>, %arg26: memref<!tpu.dma_semaphore, #tpu.memory_space<semaphore_mem>>) attributes {dimension_semantics = [#tpu.dimension_semantics<core_parallel>, #tpu.dimension_semantics<subcore_parallel>], iteration_bounds = array<i64: 2, 16>, scalar_prefetch = 0 : i64, scratch_operands = 21 : i64, tpu.core_type = #tpu.core_type<sc_vector_subcore>, window_params = [{transform_indices = #map}, {transform_indices = #map}, {transform_indices = #map1}, {transform_indices = #map}]} {
    %mul3A = arith.constant 2 : i32
    %mul3A_0 = arith.muli %arg1, %mul3A : i32
    %add3A = arith.addi %mul3A_0, %arg0 : i32
    %mul3A_1 = arith.constant 31232 : i32
    %mul3A_2 = arith.muli %add3A, %mul3A_1 : i32
    %add3A_3 = arith.constant 31232 : i32
    %add3A_4 = arith.addi %mul3A_2, %add3A_3 : i32
    %iota3A = tpu.iota {dimensions = array<i32: 0>} : vector<16xi32>
    %eq3A = arith.constant 0 : i32
    %eq3A_5 = vector.broadcast %eq3A : i32 to vector<16xi32>
    %eq3A_6 = arith.cmpi eq, %iota3A, %eq3A_5 : vector<16xi32>
    %eq3A_7 = arith.constant 31 : i32
    %eq3A_8 = arith.cmpi eq, %add3A, %eq3A_7 : i32
    %add3A_9 = arith.constant 16384 : i32
    %add3A_10 = arith.addi %add3A_9, %add3A : i32
    %broadcast_in_dim3A = arith.constant 0 : i32
    %broadcast_in_dim3A_11 = vector.broadcast %broadcast_in_dim3A : i32 to vector<16xi32>
    %add3A_12 = vector.broadcast %add3A_10 : i32 to vector<16xi32>
    %add3A_13 = arith.addi %broadcast_in_dim3A_11, %add3A_12 : vector<16xi32>
    %swap3A = arith.constant 0 : i32
    %swap3A_14 = arith.constant 0 : i32
    %swap3A_15 = arith.index_cast %swap3A : i32 to index
    %swap3A_16 = arith.index_cast %swap3A_14 : i32 to index
    %swap3A_17 = arith.constant 0 : index
    %swap3A_18 = tpu.vector_load %arg24[%swap3A_15, %swap3A_16, %swap3A_17] {strides = array<i32>} : memref<5x1x128xi32, #tpu.memory_space<vmem>>, vector<16xi32>,
    tpu.vector_store %arg24[%swap3A_15, %swap3A_16, %swap3A_17], %add3A_13 {strides = array<i32>} : memref<5x1x128xi32, #tpu.memory_space<vmem>>, vector<16xi32>,
    %broadcast_in_dim3A_19 = arith.constant 0 : i32
    %broadcast_in_dim3A_20 = vector.broadcast %broadcast_in_dim3A_19 : i32 to vector<16xi32>
    %add3A_21 = vector.broadcast %add3A_10 : i32 to vector<16xi32>
    %add3A_22 = arith.addi %broadcast_in_dim3A_20, %add3A_21 : vector<16xi32>
    %swap3A_23 = arith.constant 0 : i32
    %swap3A_24 = arith.constant 0 : i32
    %swap3A_25 = arith.index_cast %swap3A_23 : i32 to index
    %swap3A_26 = arith.index_cast %swap3A_24 : i32 to index
    %swap3A_27 = arith.constant 16 : index
    %swap3A_28 = tpu.vector_load %arg24[%swap3A_25, %swap3A_26, %swap3A_27] {strides = array<i32>} : memref<5x1x128xi32, #tpu.memory_space<vmem>>, vector<16xi32>,
    tpu.vector_store %arg24[%swap3A_25, %swap3A_26, %swap3A_27], %add3A_22 {strides = array<i32>} : memref<5x1x128xi32, #tpu.memory_space<vmem>>, vector<16xi32>,
    %broadcast_in_dim3A_29 = arith.constant 0 : i32
    %broadcast_in_dim3A_30 = vector.broadcast %broadcast_in_dim3A_29 : i32 to vector<16xi32>
    %add3A_31 = vector.broadcast %add3A_10 : i32 to vector<16xi32>
    %add3A_32 = arith.addi %broadcast_in_dim3A_30, %add3A_31 : vector<16xi32>
    %swap3A_33 = arith.constant 0 : i32
    %swap3A_34 = arith.constant 0 : i32
    %swap3A_35 = arith.index_cast %swap3A_33 : i32 to index
    %swap3A_36 = arith.index_cast %swap3A_34 : i32 to index
    %swap3A_37 = arith.constant 32 : index
    %swap3A_38 = tpu.vector_load %arg24[%swap3A_35, %swap3A_36, %swap3A_37] {strides = array<i32>} : memref<5x1x128xi32, #tpu.memory_space<vmem>>, vector<16xi32>,
    tpu.vector_store %arg24[%swap3A_35, %swap3A_36, %swap3A_37], %add3A_32 {strides = array<i32>} : memref<5x1x128xi32, #tpu.memory_space<vmem>>, vector<16xi32>,
    %broadcast_in_dim3A_39 = arith.constant 0 : i32
    %broadcast_in_dim3A_40 = vector.broadcast %broadcast_in_dim3A_39 : i32 to vector<16xi32>
    %add3A_41 = vector.broadcast %add3A_10 : i32 to vector<16xi32>
    %add3A_42 = arith.addi %broadcast_in_dim3A_40, %add3A_41 : vector<16xi32>
    %swap3A_43 = arith.constant 0 : i32
    %swap3A_44 = arith.constant 0 : i32
    %swap3A_45 = arith.index_cast %swap3A_43 : i32 to index
    %swap3A_46 = arith.index_cast %swap3A_44 : i32 to index
    %swap3A_47 = arith.constant 48 : index
    %swap3A_48 = tpu.vector_load %arg24[%swap3A_45, %swap3A_46, %swap3A_47] {strides = array<i32>} : memref<5x1x128xi32, #tpu.memory_space<vmem>>, vector<16xi32>,
    tpu.vector_store %arg24[%swap3A_45, %swap3A_46, %swap3A_47], %add3A_42 {strides = array<i32>} : memref<5x1x128xi32, #tpu.memory_space<vmem>>, vector<16xi32>,
    %broadcast_in_dim3A_49 = arith.constant 0 : i32
    %broadcast_in_dim3A_50 = vector.broadcast %broadcast_in_dim3A_49 : i32 to vector<16xi32>
    %add3A_51 = vector.broadcast %add3A_10 : i32 to vector<16xi32>
    %add3A_52 = arith.addi %broadcast_in_dim3A_50, %add3A_51 : vector<16xi32>
    %swap3A_53 = arith.constant 0 : i32
    %swap3A_54 = arith.constant 0 : i32
    %swap3A_55 = arith.index_cast %swap3A_53 : i32 to index
    %swap3A_56 = arith.index_cast %swap3A_54 : i32 to index
    %swap3A_57 = arith.constant 64 : index
    %swap3A_58 = tpu.vector_load %arg24[%swap3A_55, %swap3A_56, %swap3A_57] {strides = array<i32>} : memref<5x1x128xi32, #tpu.memory_space<vmem>>, vector<16xi32>,
    tpu.vector_store %arg24[%swap3A_55, %swap3A_56, %swap3A_57], %add3A_52 {strides = array<i32>} : memref<5x1x128xi32, #tpu.memory_space<vmem>>, vector<16xi32>,
    %broadcast_in_dim3A_59 = arith.constant 0 : i32
    %broadcast_in_dim3A_60 = vector.broadcast %broadcast_in_dim3A_59 : i32 to vector<16xi32>
    %add3A_61 = vector.broadcast %add3A_10 : i32 to vector<16xi32>
    %add3A_62 = arith.addi %broadcast_in_dim3A_60, %add3A_61 : vector<16xi32>
    %swap3A_63 = arith.constant 0 : i32
    %swap3A_64 = arith.constant 0 : i32
    %swap3A_65 = arith.index_cast %swap3A_63 : i32 to index
    %swap3A_66 = arith.index_cast %swap3A_64 : i32 to index
    %swap3A_67 = arith.constant 80 : index
    %swap3A_68 = tpu.vector_load %arg24[%swap3A_65, %swap3A_66, %swap3A_67] {strides = array<i32>} : memref<5x1x128xi32, #tpu.memory_space<vmem>>, vector<16xi32>,
    tpu.vector_store %arg24[%swap3A_65, %swap3A_66, %swap3A_67], %add3A_62 {strides = array<i32>} : memref<5x1x128xi32, #tpu.memory_space<vmem>>, vector<16xi32>,
    %broadcast_in_dim3A_69 = arith.constant 0 : i32
    %broadcast_in_dim3A_70 = vector.broadcast %broadcast_in_dim3A_69 : i32 to vector<16xi32>
    %add3A_71 = vector.broadcast %add3A_10 : i32 to vector<16xi32>
    %add3A_72 = arith.addi %broadcast_in_dim3A_70, %add3A_71 : vector<16xi32>
    %swap3A_73 = arith.constant 0 : i32
    %swap3A_74 = arith.constant 0 : i32
    %swap3A_75 = arith.index_cast %swap3A_73 : i32 to index
    %swap3A_76 = arith.index_cast %swap3A_74 : i32 to index
    %swap3A_77 = arith.constant 96 : index
    %swap3A_78 = tpu.vector_load %arg24[%swap3A_75, %swap3A_76, %swap3A_77] {strides = array<i32>} : memref<5x1x128xi32, #tpu.memory_space<vmem>>, vector<16xi32>,
    tpu.vector_store %arg24[%swap3A_75, %swap3A_76, %swap3A_77], %add3A_72 {strides = array<i32>} : memref<5x1x128xi32, #tpu.memory_space<vmem>>, vector<16xi32>,
    %broadcast_in_dim3A_79 = arith.constant 0 : i32
    %broadcast_in_dim3A_80 = vector.broadcast %broadcast_in_dim3A_79 : i32 to vector<16xi32>
    %add3A_81 = vector.broadcast %add3A_10 : i32 to vector<16xi32>
    %add3A_82 = arith.addi %broadcast_in_dim3A_80, %add3A_81 : vector<16xi32>
    %swap3A_83 = arith.constant 0 : i32
    %swap3A_84 = arith.constant 0 : i32
    %swap3A_85 = arith.index_cast %swap3A_83 : i32 to index
    %swap3A_86 = arith.index_cast %swap3A_84 : i32 to index
    %swap3A_87 = arith.constant 112 : index
    %swap3A_88 = tpu.vector_load %arg24[%swap3A_85, %swap3A_86, %swap3A_87] {strides = array<i32>} : memref<5x1x128xi32, #tpu.memory_space<vmem>>, vector<16xi32>,
    tpu.vector_store %arg24[%swap3A_85, %swap3A_86, %swap3A_87], %add3A_82 {strides = array<i32>} : memref<5x1x128xi32, #tpu.memory_space<vmem>>, vector<16xi32>,
    %broadcast_in_dim3A_89 = arith.constant 0 : i32
    %broadcast_in_dim3A_90 = vector.broadcast %broadcast_in_dim3A_89 : i32 to vector<16xi32>
    %add3A_91 = vector.broadcast %add3A_10 : i32 to vector<16xi32>
    %add3A_92 = arith.addi %broadcast_in_dim3A_90, %add3A_91 : vector<16xi32>
    %swap3A_93 = arith.constant 1 : i32
    %swap3A_94 = arith.constant 0 : i32
    %swap3A_95 = arith.index_cast %swap3A_93 : i32 to index
    %swap3A_96 = arith.index_cast %swap3A_94 : i32 to index
    %swap3A_97 = arith.constant 0 : index
    %swap3A_98 = tpu.vector_load %arg24[%swap3A_95, %swap3A_96, %swap3A_97] {strides = array<i32>} : memref<5x1x128xi32, #tpu.memory_space<vmem>>, vector<16xi32>,
    tpu.vector_store %arg24[%swap3A_95, %swap3A_96, %swap3A_97], %add3A_92 {strides = array<i32>} : memref<5x1x128xi32, #tpu.memory_space<vmem>>, vector<16xi32>,
    %broadcast_in_dim3A_99 = arith.constant 0 : i32
    %broadcast_in_dim3A_100 = vector.broadcast %broadcast_in_dim3A_99 : i32 to vector<16xi32>
    %add3A_101 = vector.broadcast %add3A_10 : i32 to vector<16xi32>
    %add3A_102 = arith.addi %broadcast_in_dim3A_100, %add3A_101 : vector<16xi32>
    %swap3A_103 = arith.constant 1 : i32
    %swap3A_104 = arith.constant 0 : i32
    %swap3A_105 = arith.index_cast %swap3A_103 : i32 to index
    %swap3A_106 = arith.index_cast %swap3A_104 : i32 to index
    %swap3A_107 = arith.constant 16 : index
    %swap3A_108 = tpu.vector_load %arg24[%swap3A_105, %swap3A_106, %swap3A_107] {strides = array<i32>} : memref<5x1x128xi32, #tpu.memory_space<vmem>>, vector<16xi32>,
    tpu.vector_store %arg24[%swap3A_105, %swap3A_106, %swap3A_107], %add3A_102 {strides = array<i32>} : memref<5x1x128xi32, #tpu.memory_space<vmem>>, vector<16xi32>,
    %broadcast_in_dim3A_109 = arith.constant 0 : i32
    %broadcast_in_dim3A_110 = vector.broadcast %broadcast_in_dim3A_109 : i32 to vector<16xi32>
    %add3A_111 = vector.broadcast %add3A_10 : i32 to vector<16xi32>
    %add3A_112 = arith.addi %broadcast_in_dim3A_110, %add3A_111 : vector<16xi32>
    %swap3A_113 = arith.constant 1 : i32
    %swap3A_114 = arith.constant 0 : i32
    %swap3A_115 = arith.index_cast %swap3A_113 : i32 to index
    %swap3A_116 = arith.index_cast %swap3A_114 : i32 to index
    %swap3A_117 = arith.constant 32 : index
    %swap3A_118 = tpu.vector_load %arg24[%swap3A_115, %swap3A_116, %swap3A_117] {strides = array<i32>} : memref<5x1x128xi32, #tpu.memory_space<vmem>>, vector<16xi32>,
    tpu.vector_store %arg24[%swap3A_115, %swap3A_116, %swap3A_117], %add3A_112 {strides = array<i32>} : memref<5x1x128xi32, #tpu.memory_space<vmem>>, vector<16xi32>,
    %broadcast_in_dim3A_119 = arith.constant 0 : i32
    %broadcast_in_dim3A_120 = vector.broadcast %broadcast_in_dim3A_119 : i32 to vector<16xi32>
    %add3A_121 = vector.broadcast %add3A_10 : i32 to vector<16xi32>
    %add3A_122 = arith.addi %broadcast_in_dim3A_120, %add3A_121 : vector<16xi32>
    %swap3A_123 = arith.constant 1 : i32
    %swap3A_124 = arith.constant 0 : i32
    %swap3A_125 = arith.index_cast %swap3A_123 : i32 to index
    %swap3A_126 = arith.index_cast %swap3A_124 : i32 to index
    %swap3A_127 = arith.constant 48 : index
    %swap3A_128 = tpu.vector_load %arg24[%swap3A_125, %swap3A_126, %swap3A_127] {strides = array<i32>} : memref<5x1x128xi32, #tpu.memory_space<vmem>>, vector<16xi32>,
    tpu.vector_store %arg24[%swap3A_125, %swap3A_126, %swap3A_127], %add3A_122 {strides = array<i32>} : memref<5x1x128xi32, #tpu.memory_space<vmem>>, vector<16xi32>,
    %broadcast_in_dim3A_129 = arith.constant 0 : i32
    %broadcast_in_dim3A_130 = vector.broadcast %broadcast_in_dim3A_129 : i32 to vector<16xi32>
    %add3A_131 = vector.broadcast %add3A_10 : i32 to vector<16xi32>
    %add3A_132 = arith.addi %broadcast_in_dim3A_130, %add3A_131 : vector<16xi32>
    %swap3A_133 = arith.constant 1 : i32
    %swap3A_134 = arith.constant 0 : i32
    %swap3A_135 = arith.index_cast %swap3A_133 : i32 to index
    %swap3A_136 = arith.index_cast %swap3A_134 : i32 to index
    %swap3A_137 = arith.constant 64 : index
    %swap3A_138 = tpu.vector_load %arg24[%swap3A_135, %swap3A_136, %swap3A_137] {strides = array<i32>} : memref<5x1x128xi32, #tpu.memory_space<vmem>>, vector<16xi32>,
    tpu.vector_store %arg24[%swap3A_135, %swap3A_136, %swap3A_137], %add3A_132 {strides = array<i32>} : memref<5x1x128xi32, #tpu.memory_space<vmem>>, vector<16xi32>,
    %broadcast_in_dim3A_139 = arith.constant 0 : i32
    %broadcast_in_dim3A_140 = vector.broadcast %broadcast_in_dim3A_139 : i32 to vector<16xi32>
    %add3A_141 = vector.broadcast %add3A_10 : i32 to vector<16xi32>
    %add3A_142 = arith.addi %broadcast_in_dim3A_140, %add3A_141 : vector<16xi32>
    %swap3A_143 = arith.constant 1 : i32
    %swap3A_144 = arith.constant 0 : i32
    %swap3A_145 = arith.index_cast %swap3A_143 : i32 to index
    %swap3A_146 = arith.index_cast %swap3A_144 : i32 to index
    %swap3A_147 = arith.constant 80 : index
    %swap3A_148 = tpu.vector_load %arg24[%swap3A_145, %swap3A_146, %swap3A_147] {strides = array<i32>} : memref<5x1x128xi32, #tpu.memory_space<vmem>>, vector<16xi32>,
    tpu.vector_store %arg24[%swap3A_145, %swap3A_146, %swap3A_147], %add3A_142 {strides = array<i32>} : memref<5x1x128xi32, #tpu.memory_space<vmem>>, vector<16xi32>,
    %broadcast_in_dim3A_149 = arith.constant 0 : i32
    %broadcast_in_dim3A_150 = vector.broadcast %broadcast_in_dim3A_149 : i32 to vector<16xi32>
    %add3A_151 = vector.broadcast %add3A_10 : i32 to vector<16xi32>
    %add3A_152 = arith.addi %broadcast_in_dim3A_150, %add3A_151 : vector<16xi32>
    %swap3A_153 = arith.constant 1 : i32
    %swap3A_154 = arith.constant 0 : i32
    %swap3A_155 = arith.index_cast %swap3A_153 : i32 to index
    %swap3A_156 = arith.index_cast %swap3A_154 : i32 to index
    %swap3A_157 = arith.constant 96 : index
    %swap3A_158 = tpu.vector_load %arg24[%swap3A_155, %swap3A_156, %swap3A_157] {strides = array<i32>} : memref<5x1x128xi32, #tpu.memory_space<vmem>>, vector<16xi32>,
    tpu.vector_store %arg24[%swap3A_155, %swap3A_156, %swap3A_157], %add3A_152 {strides = array<i32>} : memref<5x1x128xi32, #tpu.memory_space<vmem>>, vector<16xi32>,
    %broadcast_in_dim3A_159 = arith.constant 0 : i32
    %broadcast_in_dim3A_160 = vector.broadcast %broadcast_in_dim3A_159 : i32 to vector<16xi32>
    %add3A_161 = vector.broadcast %add3A_10 : i32 to vector<16xi32>
    %add3A_162 = arith.addi %broadcast_in_dim3A_160, %add3A_161 : vector<16xi32>
    %swap3A_163 = arith.constant 1 : i32
    %swap3A_164 = arith.constant 0 : i32
    %swap3A_165 = arith.index_cast %swap3A_163 : i32 to index
    %swap3A_166 = arith.index_cast %swap3A_164 : i32 to index
    %swap3A_167 = arith.constant 112 : index
    %swap3A_168 = tpu.vector_load %arg24[%swap3A_165, %swap3A_166, %swap3A_167] {strides = array<i32>} : memref<5x1x128xi32, #tpu.memory_space<vmem>>, vector<16xi32>,
    tpu.vector_store %arg24[%swap3A_165, %swap3A_166, %swap3A_167], %add3A_162 {strides = array<i32>} : memref<5x1x128xi32, #tpu.memory_space<vmem>>, vector<16xi32>,
    %broadcast_in_dim3A_169 = arith.constant 0 : i32
    %broadcast_in_dim3A_170 = vector.broadcast %broadcast_in_dim3A_169 : i32 to vector<16xi32>
    %add3A_171 = vector.broadcast %add3A_10 : i32 to vector<16xi32>
    %add3A_172 = arith.addi %broadcast_in_dim3A_170, %add3A_171 : vector<16xi32>
    %swap3A_173 = arith.constant 2 : i32
    %swap3A_174 = arith.constant 0 : i32
    %swap3A_175 = arith.index_cast %swap3A_173 : i32 to index
    %swap3A_176 = arith.index_cast %swap3A_174 : i32 to index
    %swap3A_177 = arith.constant 0 : index
    %swap3A_178 = tpu.vector_load %arg24[%swap3A_175, %swap3A_176, %swap3A_177] {strides = array<i32>} : memref<5x1x128xi32, #tpu.memory_space<vmem>>, vector<16xi32>,
    tpu.vector_store %arg24[%swap3A_175, %swap3A_176, %swap3A_177], %add3A_172 {strides = array<i32>} : memref<5x1x128xi32, #tpu.memory_space<vmem>>, vector<16xi32>,
    %broadcast_in_dim3A_179 = arith.constant 0 : i32
    %broadcast_in_dim3A_180 = vector.broadcast %broadcast_in_dim3A_179 : i32 to vector<16xi32>
    %add3A_181 = vector.broadcast %add3A_10 : i32 to vector<16xi32>
    %add3A_182 = arith.addi %broadcast_in_dim3A_180, %add3A_181 : vector<16xi32>
    %swap3A_183 = arith.constant 2 : i32
    %swap3A_184 = arith.constant 0 : i32
    %swap3A_185 = arith.index_cast %swap3A_183 : i32 to index
    %swap3A_186 = arith.index_cast %swap3A_184 : i32 to index
    %swap3A_187 = arith.constant 16 : index
    %swap3A_188 = tpu.vector_load %arg24[%swap3A_185, %swap3A_186, %swap3A_187] {strides = array<i32>} : memref<5x1x128xi32, #tpu.memory_space<vmem>>, vector<16xi32>,
    tpu.vector_store %arg24[%swap3A_185, %swap3A_186, %swap3A_187], %add3A_182 {strides = array<i32>} : memref<5x1x128xi32, #tpu.memory_space<vmem>>, vector<16xi32>,
    %broadcast_in_dim3A_189 = arith.constant 0 : i32
    %broadcast_in_dim3A_190 = vector.broadcast %broadcast_in_dim3A_189 : i32 to vector<16xi32>
    %add3A_191 = vector.broadcast %add3A_10 : i32 to vector<16xi32>
    %add3A_192 = arith.addi %broadcast_in_dim3A_190, %add3A_191 : vector<16xi32>
    %swap3A_193 = arith.constant 2 : i32
    %swap3A_194 = arith.constant 0 : i32
    %swap3A_195 = arith.index_cast %swap3A_193 : i32 to index
    %swap3A_196 = arith.index_cast %swap3A_194 : i32 to index
    %swap3A_197 = arith.constant 32 : index
    %swap3A_198 = tpu.vector_load %arg24[%swap3A_195, %swap3A_196, %swap3A_197] {strides = array<i32>} : memref<5x1x128xi32, #tpu.memory_space<vmem>>, vector<16xi32>,
    tpu.vector_store %arg24[%swap3A_195, %swap3A_196, %swap3A_197], %add3A_192 {strides = array<i32>} : memref<5x1x128xi32, #tpu.memory_space<vmem>>, vector<16xi32>,
    %broadcast_in_dim3A_199 = arith.constant 0 : i32
    %broadcast_in_dim3A_200 = vector.broadcast %broadcast_in_dim3A_199 : i32 to vector<16xi32>
    %add3A_201 = vector.broadcast %add3A_10 : i32 to vector<16xi32>
    %add3A_202 = arith.addi %broadcast_in_dim3A_200, %add3A_201 : vector<16xi32>
    %swap3A_203 = arith.constant 2 : i32
    %swap3A_204 = arith.constant 0 : i32
    %swap3A_205 = arith.index_cast %swap3A_203 : i32 to index
    %swap3A_206 = arith.index_cast %swap3A_204 : i32 to index
    %swap3A_207 = arith.constant 48 : index
    %swap3A_208 = tpu.vector_load %arg24[%swap3A_205, %swap3A_206, %swap3A_207] {strides = array<i32>} : memref<5x1x128xi32, #tpu.memory_space<vmem>>, vector<16xi32>,
    tpu.vector_store %arg24[%swap3A_205, %swap3A_206, %swap3A_207], %add3A_202 {strides = array<i32>} : memref<5x1x128xi32, #tpu.memory_space<vmem>>, vector<16xi32>,
    %broadcast_in_dim3A_209 = arith.constant 0 : i32
    %broadcast_in_dim3A_210 = vector.broadcast %broadcast_in_dim3A_209 : i32 to vector<16xi32>
    %add3A_211 = vector.broadcast %add3A_10 : i32 to vector<16xi32>
    %add3A_212 = arith.addi %broadcast_in_dim3A_210, %add3A_211 : vector<16xi32>
    %swap3A_213 = arith.constant 2 : i32
    %swap3A_214 = arith.constant 0 : i32
    %swap3A_215 = arith.index_cast %swap3A_213 : i32 to index
    %swap3A_216 = arith.index_cast %swap3A_214 : i32 to index
    %swap3A_217 = arith.constant 64 : index
    %swap3A_218 = tpu.vector_load %arg24[%swap3A_215, %swap3A_216, %swap3A_217] {strides = array<i32>} : memref<5x1x128xi32, #tpu.memory_space<vmem>>, vector<16xi32>,
    tpu.vector_store %arg24[%swap3A_215, %swap3A_216, %swap3A_217], %add3A_212 {strides = array<i32>} : memref<5x1x128xi32, #tpu.memory_space<vmem>>, vector<16xi32>,
    %broadcast_in_dim3A_219 = arith.constant 0 : i32
    %broadcast_in_dim3A_220 = vector.broadcast %broadcast_in_dim3A_219 : i32 to vector<16xi32>
    %add3A_221 = vector.broadcast %add3A_10 : i32 to vector<16xi32>
    %add3A_222 = arith.addi %broadcast_in_dim3A_220, %add3A_221 : vector<16xi32>
    %swap3A_223 = arith.constant 2 : i32
    %swap3A_224 = arith.constant 0 : i32
    %swap3A_225 = arith.index_cast %swap3A_223 : i32 to index
    %swap3A_226 = arith.index_cast %swap3A_224 : i32 to index
    %swap3A_227 = arith.constant 80 : index
    %swap3A_228 = tpu.vector_load %arg24[%swap3A_225, %swap3A_226, %swap3A_227] {strides = array<i32>} : memref<5x1x128xi32, #tpu.memory_space<vmem>>, vector<16xi32>,
    tpu.vector_store %arg24[%swap3A_225, %swap3A_226, %swap3A_227], %add3A_222 {strides = array<i32>} : memref<5x1x128xi32, #tpu.memory_space<vmem>>, vector<16xi32>,
    %broadcast_in_dim3A_229 = arith.constant 0 : i32
    %broadcast_in_dim3A_230 = vector.broadcast %broadcast_in_dim3A_229 : i32 to vector<16xi32>
    %add3A_231 = vector.broadcast %add3A_10 : i32 to vector<16xi32>
    %add3A_232 = arith.addi %broadcast_in_dim3A_230, %add3A_231 : vector<16xi32>
    %swap3A_233 = arith.constant 2 : i32
    %swap3A_234 = arith.constant 0 : i32
    %swap3A_235 = arith.index_cast %swap3A_233 : i32 to index
    %swap3A_236 = arith.index_cast %swap3A_234 : i32 to index
    %swap3A_237 = arith.constant 96 : index
    %swap3A_238 = tpu.vector_load %arg24[%swap3A_235, %swap3A_236, %swap3A_237] {strides = array<i32>} : memref<5x1x128xi32, #tpu.memory_space<vmem>>, vector<16xi32>,
    tpu.vector_store %arg24[%swap3A_235, %swap3A_236, %swap3A_237], %add3A_232 {strides = array<i32>} : memref<5x1x128xi32, #tpu.memory_space<vmem>>, vector<16xi32>,
    %broadcast_in_dim3A_239 = arith.constant 0 : i32
    %broadcast_in_dim3A_240 = vector.broadcast %broadcast_in_dim3A_239 : i32 to vector<16xi32>
    %add3A_241 = vector.broadcast %add3A_10 : i32 to vector<16xi32>
    %add3A_242 = arith.addi %broadcast_in_dim3A_240, %add3A_241 : vector<16xi32>
    %swap3A_243 = arith.constant 2 : i32
    %swap3A_244 = arith.constant 0 : i32
    %swap3A_245 = arith.index_cast %swap3A_243 : i32 to index
    %swap3A_246 = arith.index_cast %swap3A_244 : i32 to index
    %swap3A_247 = arith.constant 112 : index
    %swap3A_248 = tpu.vector_load %arg24[%swap3A_245, %swap3A_246, %swap3A_247] {strides = array<i32>} : memref<5x1x128xi32, #tpu.memory_space<vmem>>, vector<16xi32>,
    tpu.vector_store %arg24[%swap3A_245, %swap3A_246, %swap3A_247], %add3A_242 {strides = array<i32>} : memref<5x1x128xi32, #tpu.memory_space<vmem>>, vector<16xi32>,
    %broadcast_in_dim3A_249 = arith.constant 0 : i32
    %broadcast_in_dim3A_250 = vector.broadcast %broadcast_in_dim3A_249 : i32 to vector<16xi32>
    %add3A_251 = vector.broadcast %add3A_10 : i32 to vector<16xi32>
    %add3A_252 = arith.addi %broadcast_in_dim3A_250, %add3A_251 : vector<16xi32>
    %swap3A_253 = arith.constant 3 : i32
    %swap3A_254 = arith.constant 0 : i32
    %swap3A_255 = arith.index_cast %swap3A_253 : i32 to index
    %swap3A_256 = arith.index_cast %swap3A_254 : i32 to index
    %swap3A_257 = arith.constant 0 : index
    %swap3A_258 = tpu.vector_load %arg24[%swap3A_255, %swap3A_256, %swap3A_257] {strides = array<i32>} : memref<5x1x128xi32, #tpu.memory_space<vmem>>, vector<16xi32>,
    tpu.vector_store %arg24[%swap3A_255, %swap3A_256, %swap3A_257], %add3A_252 {strides = array<i32>} : memref<5x1x128xi32, #tpu.memory_space<vmem>>, vector<16xi32>,
    %broadcast_in_dim3A_259 = arith.constant 0 : i32
    %broadcast_in_dim3A_260 = vector.broadcast %broadcast_in_dim3A_259 : i32 to vector<16xi32>
    %add3A_261 = vector.broadcast %add3A_10 : i32 to vector<16xi32>
    %add3A_262 = arith.addi %broadcast_in_dim3A_260, %add3A_261 : vector<16xi32>
    %swap3A_263 = arith.constant 3 : i32
    %swap3A_264 = arith.constant 0 : i32
    %swap3A_265 = arith.index_cast %swap3A_263 : i32 to index
    %swap3A_266 = arith.index_cast %swap3A_264 : i32 to index
    %swap3A_267 = arith.constant 16 : index
    %swap3A_268 = tpu.vector_load %arg24[%swap3A_265, %swap3A_266, %swap3A_267] {strides = array<i32>} : memref<5x1x128xi32, #tpu.memory_space<vmem>>, vector<16xi32>,
    tpu.vector_store %arg24[%swap3A_265, %swap3A_266, %swap3A_267], %add3A_262 {strides = array<i32>} : memref<5x1x128xi32, #tpu.memory_space<vmem>>, vector<16xi32>,
    %broadcast_in_dim3A_269 = arith.constant 0 : i32
    %broadcast_in_dim3A_270 = vector.broadcast %broadcast_in_dim3A_269 : i32 to vector<16xi32>
    %add3A_271 = vector.broadcast %add3A_10 : i32 to vector<16xi32>
    %add3A_272 = arith.addi %broadcast_in_dim3A_270, %add3A_271 : vector<16xi32>
    %swap3A_273 = arith.constant 3 : i32
    %swap3A_274 = arith.constant 0 : i32
    %swap3A_275 = arith.index_cast %swap3A_273 : i32 to index
    %swap3A_276 = arith.index_cast %swap3A_274 : i32 to index
    %swap3A_277 = arith.constant 32 : index
    %swap3A_278 = tpu.vector_load %arg24[%swap3A_275, %swap3A_276, %swap3A_277] {strides = array<i32>} : memref<5x1x128xi32, #tpu.memory_space<vmem>>, vector<16xi32>,
    tpu.vector_store %arg24[%swap3A_275, %swap3A_276, %swap3A_277], %add3A_272 {strides = array<i32>} : memref<5x1x128xi32, #tpu.memory_space<vmem>>, vector<16xi32>,
    %broadcast_in_dim3A_279 = arith.constant 0 : i32
    %broadcast_in_dim3A_280 = vector.broadcast %broadcast_in_dim3A_279 : i32 to vector<16xi32>
    %add3A_281 = vector.broadcast %add3A_10 : i32 to vector<16xi32>
    %add3A_282 = arith.addi %broadcast_in_dim3A_280, %add3A_281 : vector<16xi32>
    %swap3A_283 = arith.constant 3 : i32
    %swap3A_284 = arith.constant 0 : i32
    %swap3A_285 = arith.index_cast %swap3A_283 : i32 to index
    %swap3A_286 = arith.index_cast %swap3A_284 : i32 to index
    %swap3A_287 = arith.constant 48 : index
    %swap3A_288 = tpu.vector_load %arg24[%swap3A_285, %swap3A_286, %swap3A_287] {strides = array<i32>} : memref<5x1x128xi32, #tpu.memory_space<vmem>>, vector<16xi32>,
    tpu.vector_store %arg24[%swap3A_285, %swap3A_286, %swap3A_287], %add3A_282 {strides = array<i32>} : memref<5x1x128xi32, #tpu.memory_space<vmem>>, vector<16xi32>,
    %broadcast_in_dim3A_289 = arith.constant 0 : i32
    %broadcast_in_dim3A_290 = vector.broadcast %broadcast_in_dim3A_289 : i32 to vector<16xi32>
    %add3A_291 = vector.broadcast %add3A_10 : i32 to vector<16xi32>
    %add3A_292 = arith.addi %broadcast_in_dim3A_290, %add3A_291 : vector<16xi32>
    %swap3A_293 = arith.constant 3 : i32
    %swap3A_294 = arith.constant 0 : i32
    %swap3A_295 = arith.index_cast %swap3A_293 : i32 to index
    %swap3A_296 = arith.index_cast %swap3A_294 : i32 to index
    %swap3A_297 = arith.constant 64 : index
    %swap3A_298 = tpu.vector_load %arg24[%swap3A_295, %swap3A_296, %swap3A_297] {strides = array<i32>} : memref<5x1x128xi32, #tpu.memory_space<vmem>>, vector<16xi32>,
    tpu.vector_store %arg24[%swap3A_295, %swap3A_296, %swap3A_297], %add3A_292 {strides = array<i32>} : memref<5x1x128xi32, #tpu.memory_space<vmem>>, vector<16xi32>,
    %broadcast_in_dim3A_299 = arith.constant 0 : i32
    %broadcast_in_dim3A_300 = vector.broadcast %broadcast_in_dim3A_299 : i32 to vector<16xi32>
    %add3A_301 = vector.broadcast %add3A_10 : i32 to vector<16xi32>
    %add3A_302 = arith.addi %broadcast_in_dim3A_300, %add3A_301 : vector<16xi32>
    %swap3A_303 = arith.constant 3 : i32
    %swap3A_304 = arith.constant 0 : i32
    %swap3A_305 = arith.index_cast %swap3A_303 : i32 to index
    %swap3A_306 = arith.index_cast %swap3A_304 : i32 to index
    %swap3A_307 = arith.constant 80 : index
    %swap3A_308 = tpu.vector_load %arg24[%swap3A_305, %swap3A_306, %swap3A_307] {strides = array<i32>} : memref<5x1x128xi32, #tpu.memory_space<vmem>>, vector<16xi32>,
    tpu.vector_store %arg24[%swap3A_305, %swap3A_306, %swap3A_307], %add3A_302 {strides = array<i32>} : memref<5x1x128xi32, #tpu.memory_space<vmem>>, vector<16xi32>,
    %broadcast_in_dim3A_309 = arith.constant 0 : i32
    %broadcast_in_dim3A_310 = vector.broadcast %broadcast_in_dim3A_309 : i32 to vector<16xi32>
    %add3A_311 = vector.broadcast %add3A_10 : i32 to vector<16xi32>
    %add3A_312 = arith.addi %broadcast_in_dim3A_310, %add3A_311 : vector<16xi32>
    %swap3A_313 = arith.constant 3 : i32
    %swap3A_314 = arith.constant 0 : i32
    %swap3A_315 = arith.index_cast %swap3A_313 : i32 to index
    %swap3A_316 = arith.index_cast %swap3A_314 : i32 to index
    %swap3A_317 = arith.constant 96 : index
    %swap3A_318 = tpu.vector_load %arg24[%swap3A_315, %swap3A_316, %swap3A_317] {strides = array<i32>} : memref<5x1x128xi32, #tpu.memory_space<vmem>>, vector<16xi32>,
    tpu.vector_store %arg24[%swap3A_315, %swap3A_316, %swap3A_317], %add3A_312 {strides = array<i32>} : memref<5x1x128xi32, #tpu.memory_space<vmem>>, vector<16xi32>,
    %broadcast_in_dim3A_319 = arith.constant 0 : i32
    %broadcast_in_dim3A_320 = vector.broadcast %broadcast_in_dim3A_319 : i32 to vector<16xi32>
    %add3A_321 = vector.broadcast %add3A_10 : i32 to vector<16xi32>
    %add3A_322 = arith.addi %broadcast_in_dim3A_320, %add3A_321 : vector<16xi32>
    %swap3A_323 = arith.constant 3 : i32
    %swap3A_324 = arith.constant 0 : i32
    %swap3A_325 = arith.index_cast %swap3A_323 : i32 to index
    %swap3A_326 = arith.index_cast %swap3A_324 : i32 to index
    %swap3A_327 = arith.constant 112 : index
    %swap3A_328 = tpu.vector_load %arg24[%swap3A_325, %swap3A_326, %swap3A_327] {strides = array<i32>} : memref<5x1x128xi32, #tpu.memory_space<vmem>>, vector<16xi32>,
    tpu.vector_store %arg24[%swap3A_325, %swap3A_326, %swap3A_327], %add3A_322 {strides = array<i32>} : memref<5x1x128xi32, #tpu.memory_space<vmem>>, vector<16xi32>,
    %broadcast_in_dim3A_329 = arith.constant 0 : i32
    %broadcast_in_dim3A_330 = vector.broadcast %broadcast_in_dim3A_329 : i32 to vector<16xi32>
    %add3A_331 = vector.broadcast %add3A_10 : i32 to vector<16xi32>
    %add3A_332 = arith.addi %broadcast_in_dim3A_330, %add3A_331 : vector<16xi32>
    %swap3A_333 = arith.constant 4 : i32
    %swap3A_334 = arith.constant 0 : i32
    %swap3A_335 = arith.index_cast %swap3A_333 : i32 to index
    %swap3A_336 = arith.index_cast %swap3A_334 : i32 to index
    %swap3A_337 = arith.constant 0 : index
    %swap3A_338 = tpu.vector_load %arg24[%swap3A_335, %swap3A_336, %swap3A_337] {strides = array<i32>} : memref<5x1x128xi32, #tpu.memory_space<vmem>>, vector<16xi32>,
    tpu.vector_store %arg24[%swap3A_335, %swap3A_336, %swap3A_337], %add3A_332 {strides = array<i32>} : memref<5x1x128xi32, #tpu.memory_space<vmem>>, vector<16xi32>,
    %broadcast_in_dim3A_339 = arith.constant 0 : i32
    %broadcast_in_dim3A_340 = vector.broadcast %broadcast_in_dim3A_339 : i32 to vector<16xi32>
    %add3A_341 = vector.broadcast %add3A_10 : i32 to vector<16xi32>
    %add3A_342 = arith.addi %broadcast_in_dim3A_340, %add3A_341 : vector<16xi32>
    %swap3A_343 = arith.constant 4 : i32
    %swap3A_344 = arith.constant 0 : i32
    %swap3A_345 = arith.index_cast %swap3A_343 : i32 to index
    %swap3A_346 = arith.index_cast %swap3A_344 : i32 to index
    %swap3A_347 = arith.constant 16 : index
    %swap3A_348 = tpu.vector_load %arg24[%swap3A_345, %swap3A_346, %swap3A_347] {strides = array<i32>} : memref<5x1x128xi32, #tpu.memory_space<vmem>>, vector<16xi32>,
    tpu.vector_store %arg24[%swap3A_345, %swap3A_346, %swap3A_347], %add3A_342 {strides = array<i32>} : memref<5x1x128xi32, #tpu.memory_space<vmem>>, vector<16xi32>,
    %broadcast_in_dim3A_349 = arith.constant 0 : i32
    %broadcast_in_dim3A_350 = vector.broadcast %broadcast_in_dim3A_349 : i32 to vector<16xi32>
    %add3A_351 = vector.broadcast %add3A_10 : i32 to vector<16xi32>
    %add3A_352 = arith.addi %broadcast_in_dim3A_350, %add3A_351 : vector<16xi32>
    %swap3A_353 = arith.constant 4 : i32
    %swap3A_354 = arith.constant 0 : i32
    %swap3A_355 = arith.index_cast %swap3A_353 : i32 to index
    %swap3A_356 = arith.index_cast %swap3A_354 : i32 to index
    %swap3A_357 = arith.constant 32 : index
    %swap3A_358 = tpu.vector_load %arg24[%swap3A_355, %swap3A_356, %swap3A_357] {strides = array<i32>} : memref<5x1x128xi32, #tpu.memory_space<vmem>>, vector<16xi32>,
    tpu.vector_store %arg24[%swap3A_355, %swap3A_356, %swap3A_357], %add3A_352 {strides = array<i32>} : memref<5x1x128xi32, #tpu.memory_space<vmem>>, vector<16xi32>,
    %broadcast_in_dim3A_359 = arith.constant 0 : i32
    %broadcast_in_dim3A_360 = vector.broadcast %broadcast_in_dim3A_359 : i32 to vector<16xi32>
    %add3A_361 = vector.broadcast %add3A_10 : i32 to vector<16xi32>
    %add3A_362 = arith.addi %broadcast_in_dim3A_360, %add3A_361 : vector<16xi32>
    %swap3A_363 = arith.constant 4 : i32
    %swap3A_364 = arith.constant 0 : i32
    %swap3A_365 = arith.index_cast %swap3A_363 : i32 to index
    %swap3A_366 = arith.index_cast %swap3A_364 : i32 to index
    %swap3A_367 = arith.constant 48 : index
    %swap3A_368 = tpu.vector_load %arg24[%swap3A_365, %swap3A_366, %swap3A_367] {strides = array<i32>} : memref<5x1x128xi32, #tpu.memory_space<vmem>>, vector<16xi32>,
    tpu.vector_store %arg24[%swap3A_365, %swap3A_366, %swap3A_367], %add3A_362 {strides = array<i32>} : memref<5x1x128xi32, #tpu.memory_space<vmem>>, vector<16xi32>,
    %broadcast_in_dim3A_369 = arith.constant 0 : i32
    %broadcast_in_dim3A_370 = vector.broadcast %broadcast_in_dim3A_369 : i32 to vector<16xi32>
    %add3A_371 = vector.broadcast %add3A_10 : i32 to vector<16xi32>
    %add3A_372 = arith.addi %broadcast_in_dim3A_370, %add3A_371 : vector<16xi32>
    %swap3A_373 = arith.constant 4 : i32
    %swap3A_374 = arith.constant 0 : i32
    %swap3A_375 = arith.index_cast %swap3A_373 : i32 to index
    %swap3A_376 = arith.index_cast %swap3A_374 : i32 to index
    %swap3A_377 = arith.constant 64 : index
    %swap3A_378 = tpu.vector_load %arg24[%swap3A_375, %swap3A_376, %swap3A_377] {strides = array<i32>} : memref<5x1x128xi32, #tpu.memory_space<vmem>>, vector<16xi32>,
    tpu.vector_store %arg24[%swap3A_375, %swap3A_376, %swap3A_377], %add3A_372 {strides = array<i32>} : memref<5x1x128xi32, #tpu.memory_space<vmem>>, vector<16xi32>,
    %broadcast_in_dim3A_379 = arith.constant 0 : i32
    %broadcast_in_dim3A_380 = vector.broadcast %broadcast_in_dim3A_379 : i32 to vector<16xi32>
    %add3A_381 = vector.broadcast %add3A_10 : i32 to vector<16xi32>
    %add3A_382 = arith.addi %broadcast_in_dim3A_380, %add3A_381 : vector<16xi32>
    %swap3A_383 = arith.constant 4 : i32
    %swap3A_384 = arith.constant 0 : i32
    %swap3A_385 = arith.index_cast %swap3A_383 : i32 to index
    %swap3A_386 = arith.index_cast %swap3A_384 : i32 to index
    %swap3A_387 = arith.constant 80 : index
    %swap3A_388 = tpu.vector_load %arg24[%swap3A_385, %swap3A_386, %swap3A_387] {strides = array<i32>} : memref<5x1x128xi32, #tpu.memory_space<vmem>>, vector<16xi32>,
    tpu.vector_store %arg24[%swap3A_385, %swap3A_386, %swap3A_387], %add3A_382 {strides = array<i32>} : memref<5x1x128xi32, #tpu.memory_space<vmem>>, vector<16xi32>,
    %broadcast_in_dim3A_389 = arith.constant 0 : i32
    %broadcast_in_dim3A_390 = vector.broadcast %broadcast_in_dim3A_389 : i32 to vector<16xi32>
    %add3A_391 = vector.broadcast %add3A_10 : i32 to vector<16xi32>
    %add3A_392 = arith.addi %broadcast_in_dim3A_390, %add3A_391 : vector<16xi32>
    %swap3A_393 = arith.constant 4 : i32
    %swap3A_394 = arith.constant 0 : i32
    %swap3A_395 = arith.index_cast %swap3A_393 : i32 to index
    %swap3A_396 = arith.index_cast %swap3A_394 : i32 to index
    %swap3A_397 = arith.constant 96 : index
    %swap3A_398 = tpu.vector_load %arg24[%swap3A_395, %swap3A_396, %swap3A_397] {strides = array<i32>} : memref<5x1x128xi32, #tpu.memory_space<vmem>>, vector<16xi32>,
    tpu.vector_store %arg24[%swap3A_395, %swap3A_396, %swap3A_397], %add3A_392 {strides = array<i32>} : memref<5x1x128xi32, #tpu.memory_space<vmem>>, vector<16xi32>,
    %broadcast_in_dim3A_399 = arith.constant 0 : i32
    %broadcast_in_dim3A_400 = vector.broadcast %broadcast_in_dim3A_399 : i32 to vector<16xi32>
    %add3A_401 = vector.broadcast %add3A_10 : i32 to vector<16xi32>
    %add3A_402 = arith.addi %broadcast_in_dim3A_400, %add3A_401 : vector<16xi32>
    %swap3A_403 = arith.constant 4 : i32
    %swap3A_404 = arith.constant 0 : i32
    %swap3A_405 = arith.index_cast %swap3A_403 : i32 to index
    %swap3A_406 = arith.index_cast %swap3A_404 : i32 to index
    %swap3A_407 = arith.constant 112 : index
    %swap3A_408 = tpu.vector_load %arg24[%swap3A_405, %swap3A_406, %swap3A_407] {strides = array<i32>} : memref<5x1x128xi32, #tpu.memory_space<vmem>>, vector<16xi32>,
    tpu.vector_store %arg24[%swap3A_405, %swap3A_406, %swap3A_407], %add3A_402 {strides = array<i32>} : memref<5x1x128xi32, #tpu.memory_space<vmem>>, vector<16xi32>,
    %multiple_of3A = arith.constant 0 : i32
    %multiple_of3A_409 = tpu.assume_multiple %multiple_of3A, 8 : i32
    %add3A_410 = arith.constant 0 : i32
    %add3A_411 = arith.addi %mul3A_2, %add3A_410 : i32
    %multiple_of3A_412 = tpu.assume_multiple %add3A_411, 128 : i32
    %dma_start3A = tpu.memref_slice %arg2[%multiple_of3A_409, %multiple_of3A_412] : memref<64x1000000xf32, #tpu.memory_space<hbm>> -> memref<8x512xf32, #tpu.memory_space<hbm>>
    %dma_start3A_413 = tpu.memref_slice %arg2[%multiple_of3A_409, %multiple_of3A_412] : memref<64x1000000xf32, #tpu.memory_space<hbm>> -> memref<8x512xf32, #tpu.memory_space<hbm>>
    tpu.enqueue_dma source(%dma_start3A_413 : memref<8x512xf32, #tpu.memory_space<hbm>>) target(%arg15 : memref<8x512xf32, #tpu.memory_space<vmem>>) target_semaphore(%arg25 : memref<!tpu.dma_semaphore, #tpu.memory_space<semaphore_mem>>)
    %multiple_of3A_414 = arith.constant 0 : i32
    %multiple_of3A_415 = tpu.assume_multiple %multiple_of3A_414, 8 : i32
    %add3A_416 = arith.constant 512 : i32
    %add3A_417 = arith.addi %mul3A_2, %add3A_416 : i32
    %multiple_of3A_418 = tpu.assume_multiple %add3A_417, 128 : i32
    %dma_start3A_419 = tpu.memref_slice %arg2[%multiple_of3A_415, %multiple_of3A_418] : memref<64x1000000xf32, #tpu.memory_space<hbm>> -> memref<8x512xf32, #tpu.memory_space<hbm>>
    %dma_start3A_420 = tpu.memref_slice %arg2[%multiple_of3A_415, %multiple_of3A_418] : memref<64x1000000xf32, #tpu.memory_space<hbm>> -> memref<8x512xf32, #tpu.memory_space<hbm>>
    tpu.enqueue_dma source(%dma_start3A_420 : memref<8x512xf32, #tpu.memory_space<hbm>>) target(%arg16 : memref<8x512xf32, #tpu.memory_space<vmem>>) target_semaphore(%arg25 : memref<!tpu.dma_semaphore, #tpu.memory_space<semaphore_mem>>)
    %multiple_of3A_421 = arith.constant 0 : i32
    %multiple_of3A_422 = tpu.assume_multiple %multiple_of3A_421, 8 : i32
    %add3A_423 = arith.constant 1024 : i32
    %add3A_424 = arith.addi %mul3A_2, %add3A_423 : i32
    %multiple_of3A_425 = tpu.assume_multiple %add3A_424, 128 : i32
    %dma_start3A_426 = tpu.memref_slice %arg2[%multiple_of3A_422, %multiple_of3A_425] : memref<64x1000000xf32, #tpu.memory_space<hbm>> -> memref<8x512xf32, #tpu.memory_space<hbm>>
    %dma_start3A_427 = tpu.memref_slice %arg2[%multiple_of3A_422, %multiple_of3A_425] : memref<64x1000000xf32, #tpu.memory_space<hbm>> -> memref<8x512xf32, #tpu.memory_space<hbm>>
    tpu.enqueue_dma source(%dma_start3A_427 : memref<8x512xf32, #tpu.memory_space<hbm>>) target(%arg17 : memref<8x512xf32, #tpu.memory_space<vmem>>) target_semaphore(%arg25 : memref<!tpu.dma_semaphore, #tpu.memory_space<semaphore_mem>>)
    %multiple_of3A_428 = arith.constant 0 : i32
    %multiple_of3A_429 = tpu.assume_multiple %multiple_of3A_428, 8 : i32
    %add3A_430 = arith.constant 1536 : i32
    %add3A_431 = arith.addi %mul3A_2, %add3A_430 : i32
    %multiple_of3A_432 = tpu.assume_multiple %add3A_431, 128 : i32
    %dma_start3A_433 = tpu.memref_slice %arg2[%multiple_of3A_429, %multiple_of3A_432] : memref<64x1000000xf32, #tpu.memory_space<hbm>> -> memref<8x512xf32, #tpu.memory_space<hbm>>
    %dma_start3A_434 = tpu.memref_slice %arg2[%multiple_of3A_429, %multiple_of3A_432] : memref<64x1000000xf32, #tpu.memory_space<hbm>> -> memref<8x512xf32, #tpu.memory_space<hbm>>
    tpu.enqueue_dma source(%dma_start3A_434 : memref<8x512xf32, #tpu.memory_space<hbm>>) target(%arg18 : memref<8x512xf32, #tpu.memory_space<vmem>>) target_semaphore(%arg25 : memref<!tpu.dma_semaphore, #tpu.memory_space<semaphore_mem>>)
    %multiple_of3A_435 = arith.constant 0 : i32
    %multiple_of3A_436 = tpu.assume_multiple %multiple_of3A_435, 8 : i32
    %add3A_437 = arith.constant 2048 : i32
    %add3A_438 = arith.addi %mul3A_2, %add3A_437 : i32
    %multiple_of3A_439 = tpu.assume_multiple %add3A_438, 128 : i32
    %dma_start3A_440 = tpu.memref_slice %arg2[%multiple_of3A_436, %multiple_of3A_439] : memref<64x1000000xf32, #tpu.memory_space<hbm>> -> memref<8x512xf32, #tpu.memory_space<hbm>>
    %dma_start3A_441 = tpu.memref_slice %arg2[%multiple_of3A_436, %multiple_of3A_439] : memref<64x1000000xf32, #tpu.memory_space<hbm>> -> memref<8x512xf32, #tpu.memory_space<hbm>>
    tpu.enqueue_dma source(%dma_start3A_441 : memref<8x512xf32, #tpu.memory_space<hbm>>) target(%arg19 : memref<8x512xf32, #tpu.memory_space<vmem>>) target_semaphore(%arg25 : memref<!tpu.dma_semaphore, #tpu.memory_space<semaphore_mem>>)
    %multiple_of3A_442 = arith.constant 0 : i32
    %multiple_of3A_443 = tpu.assume_multiple %multiple_of3A_442, 8 : i32
    %add3A_444 = arith.constant 2560 : i32
    %add3A_445 = arith.addi %mul3A_2, %add3A_444 : i32
    %multiple_of3A_446 = tpu.assume_multiple %add3A_445, 128 : i32
    %dma_start3A_447 = tpu.memref_slice %arg2[%multiple_of3A_443, %multiple_of3A_446] : memref<64x1000000xf32, #tpu.memory_space<hbm>> -> memref<8x512xf32, #tpu.memory_space<hbm>>
    %dma_start3A_448 = tpu.memref_slice %arg2[%multiple_of3A_443, %multiple_of3A_446] : memref<64x1000000xf32, #tpu.memory_space<hbm>> -> memref<8x512xf32, #tpu.memory_space<hbm>>
    tpu.enqueue_dma source(%dma_start3A_448 : memref<8x512xf32, #tpu.memory_space<hbm>>) target(%arg20 : memref<8x512xf32, #tpu.memory_space<vmem>>) target_semaphore(%arg25 : memref<!tpu.dma_semaphore, #tpu.memory_space<semaphore_mem>>)
    %multiple_of3A_449 = arith.constant 0 : i32
    %multiple_of3A_450 = tpu.assume_multiple %multiple_of3A_449, 8 : i32
    %add3A_451 = arith.constant 3072 : i32
    %add3A_452 = arith.addi %mul3A_2, %add3A_451 : i32
    %multiple_of3A_453 = tpu.assume_multiple %add3A_452, 128 : i32
    %dma_start3A_454 = tpu.memref_slice %arg2[%multiple_of3A_450, %multiple_of3A_453] : memref<64x1000000xf32, #tpu.memory_space<hbm>> -> memref<8x512xf32, #tpu.memory_space<hbm>>
    %dma_start3A_455 = tpu.memref_slice %arg2[%multiple_of3A_450, %multiple_of3A_453] : memref<64x1000000xf32, #tpu.memory_space<hbm>> -> memref<8x512xf32, #tpu.memory_space<hbm>>
    tpu.enqueue_dma source(%dma_start3A_455 : memref<8x512xf32, #tpu.memory_space<hbm>>) target(%arg21 : memref<8x512xf32, #tpu.memory_space<vmem>>) target_semaphore(%arg25 : memref<!tpu.dma_semaphore, #tpu.memory_space<semaphore_mem>>)
    %multiple_of3A_456 = arith.constant 0 : i32
    %multiple_of3A_457 = tpu.assume_multiple %multiple_of3A_456, 8 : i32
    %add3A_458 = arith.constant 3584 : i32
    %add3A_459 = arith.addi %mul3A_2, %add3A_458 : i32
    %multiple_of3A_460 = tpu.assume_multiple %add3A_459, 128 : i32
    %dma_start3A_461 = tpu.memref_slice %arg2[%multiple_of3A_457, %multiple_of3A_460] : memref<64x1000000xf32, #tpu.memory_space<hbm>> -> memref<8x512xf32, #tpu.memory_space<hbm>>
    %dma_start3A_462 = tpu.memref_slice %arg2[%multiple_of3A_457, %multiple_of3A_460] : memref<64x1000000xf32, #tpu.memory_space<hbm>> -> memref<8x512xf32, #tpu.memory_space<hbm>>
    tpu.enqueue_dma source(%dma_start3A_462 : memref<8x512xf32, #tpu.memory_space<hbm>>) target(%arg22 : memref<8x512xf32, #tpu.memory_space<vmem>>) target_semaphore(%arg25 : memref<!tpu.dma_semaphore, #tpu.memory_space<semaphore_mem>>)
    %scan3A = arith.constant 0 : i32
    %scan3A_463 = arith.constant 0 : i32
    %scan3A_464 = arith.constant 0 : i32
    %scan3A_465 = arith.constant 8 : i32
    %scan3A_466 = arith.addi %scan3A_464, %scan3A_465 : i32
    %scan3A_467 = arith.constant 1 : i32
    %scan3A_468:2 = scf.for %scan3A_662 = %scan3A_464 to %scan3A_466 step %scan3A_467 iter_args(%scan3A_663 = %scan3A, %scan3A_664 = %scan3A_463) -> (i32, i32)  : i32 {
      %mul3A_665 = arith.constant 2048 : i32
      %mul3A_666 = arith.muli %scan3A_662, %mul3A_665 : i32
      "tpu.region"() ({
        %run_scoped3A = tpu.sem_alloc : memref<!tpu.dma_semaphore, #tpu.memory_space<semaphore_mem>>
        %dma_start3A_673 = arith.constant 0 : i32
        %dma_start3A_674 = tpu.memref_slice %arg6[%dma_start3A_673] : memref<2064xi32, #tpu.memory_space<vmem>> -> memref<2048xi32, #tpu.memory_space<vmem>>
        %dma_start3A_675 = tpu.memref_slice %arg4[%mul3A_666] : memref<16384xi32, #tpu.memory_space<hbm>> -> memref<2048xi32, #tpu.memory_space<hbm>>
        %dma_start3A_676 = arith.constant 0 : i32
        %dma_start3A_677 = tpu.memref_slice %arg6[%dma_start3A_676] : memref<2064xi32, #tpu.memory_space<vmem>> -> memref<2048xi32, #tpu.memory_space<vmem>>
        %dma_start3A_678 = tpu.memref_slice %arg4[%mul3A_666] : memref<16384xi32, #tpu.memory_space<hbm>> -> memref<2048xi32, #tpu.memory_space<hbm>>
        tpu.enqueue_dma source(%dma_start3A_678 : memref<2048xi32, #tpu.memory_space<hbm>>) target(%dma_start3A_677 : memref<2048xi32, #tpu.memory_space<vmem>>) target_semaphore(%run_scoped3A : memref<!tpu.dma_semaphore, #tpu.memory_space<semaphore_mem>>)
        %dma_wait3A_679 = arith.constant 0 : i32
        %dma_wait3A_680 = tpu.memref_slice %arg6[%dma_wait3A_679] : memref<2064xi32, #tpu.memory_space<vmem>> -> memref<2048xi32, #tpu.memory_space<vmem>>
        %dma_wait3A_681 = tpu.memref_slice %arg4[%mul3A_666] : memref<16384xi32, #tpu.memory_space<hbm>> -> memref<2048xi32, #tpu.memory_space<hbm>>
        %dma_wait3A_682 = arith.constant 0 : i32
        %dma_wait3A_683 = tpu.memref_slice %arg6[%dma_wait3A_682] : memref<2064xi32, #tpu.memory_space<vmem>> -> memref<2048xi32, #tpu.memory_space<vmem>>
        %dma_wait3A_684 = tpu.memref_slice %arg4[%mul3A_666] : memref<16384xi32, #tpu.memory_space<hbm>> -> memref<2048xi32, #tpu.memory_space<hbm>>
        tpu.wait_dma2 semaphore(%run_scoped3A : memref<!tpu.dma_semaphore, #tpu.memory_space<semaphore_mem>>) src(%dma_wait3A_684 : memref<2048xi32, #tpu.memory_space<hbm>>) dst(%dma_wait3A_683 : memref<2048xi32, #tpu.memory_space<vmem>>)
        tpu.yield
      }) : () -> ()
      %scan3A_667 = arith.constant 0 : i32
      %scan3A_668 = arith.constant 128 : i32
      %scan3A_669 = arith.addi %scan3A_667, %scan3A_668 : i32
      %scan3A_670 = arith.constant 1 : i32
      %scan3A_671:2 = scf.for %scan3A_673 = %scan3A_667 to %scan3A_669 step %scan3A_670 iter_args(%scan3A_674 = %scan3A_663, %scan3A_675 = %scan3A_664) -> (i32, i32)  : i32 {
        %mul3A_676 = arith.constant 16 : i32
        %mul3A_677 = arith.muli %scan3A_673, %mul3A_676 : i32
        %get3A = arith.index_cast %mul3A_677 : i32 to index
        %get3A_678 = tpu.vector_load %arg6[%get3A] {strides = array<i32>} : memref<2064xi32, #tpu.memory_space<vmem>>, vector<16xi32>,
        %mul3A_679 = arith.constant 16 : i32
        %mul3A_680 = arith.muli %scan3A_673, %mul3A_679 : i32
        %add3A_681 = vector.broadcast %mul3A_680 : i32 to vector<16xi32>
        %add3A_682 = arith.addi %iota3A, %add3A_681 : vector<16xi32>
        %mul3A_683 = arith.constant 2048 : i32
        %mul3A_684 = arith.muli %scan3A_662, %mul3A_683 : i32
        %add3A_685 = vector.broadcast %mul3A_684 : i32 to vector<16xi32>
        %add3A_686 = arith.addi %add3A_682, %add3A_685 : vector<16xi32>
        %ge3A = vector.broadcast %mul3A_2 : i32 to vector<16xi32>
        %ge3A_687 = arith.cmpi sge, %get3A_678, %ge3A : vector<16xi32>
        %lt3A = vector.broadcast %add3A_4 : i32 to vector<16xi32>
        %lt3A_688 = arith.cmpi slt, %get3A_678, %lt3A : vector<16xi32>
        %and3A_689 = arith.andi %ge3A_687, %lt3A_688 : vector<16xi1>
        %convert_element_type3A_690 = arith.extui %and3A_689 : vector<16xi1> to vector<16xi32>
        %broadcast_in_dim3A_691 = arith.constant true
        %broadcast_in_dim3A_692 = vector.broadcast %broadcast_in_dim3A_691 : i1 to vector<16xi1>
        %masked_cumsum3A = tpu.scan <sum>, %convert_element_type3A_690 masked %broadcast_in_dim3A_692 : vector<16xi32>, vector<16xi1> -> vector<16xi32>
        %add3A_693 = vector.broadcast %scan3A_674 : i32 to vector<16xi32>
        %add3A_694 = arith.addi %add3A_693, %masked_cumsum3A : vector<16xi32>
        %sub3A_695 = arith.constant 1 : i32
        %sub3A_696 = vector.broadcast %sub3A_695 : i32 to vector<16xi32>
        %sub3A_697 = arith.subi %add3A_694, %sub3A_696 : vector<16xi32>
        tpu.vector_store_idx %arg7[%sub3A_697], %get3A_678 masked %and3A_689 : memref<1040xi32, #tpu.memory_space<vmem>>[vector<16xi32>], vector<16xi32>, vector<16xi1>
        tpu.vector_store_idx %arg8[%sub3A_697], %add3A_686 masked %and3A_689 : memref<1040xi32, #tpu.memory_space<vmem>>[vector<16xi32>], vector<16xi32>, vector<16xi1>
        %reduce_max3A = arith.constant true
        %reduce_max3A_698 = vector.broadcast %reduce_max3A : i1 to vector<16xi1>
        %reduce_max3A_699 = arith.constant -2147483648 : i32
        %reduce_max3A_700 = vector.broadcast %reduce_max3A_699 : i32 to vector<16xi32>
        %reduce_max3A_701 = arith.xori %masked_cumsum3A, %reduce_max3A_700 : vector<16xi32>
        %reduce_max3A_702 = tpu.scan <max>, %reduce_max3A_701 masked %reduce_max3A_698 : vector<16xi32>, vector<16xi1> -> vector<16xi32>
        %reduce_max3A_703 = arith.xori %reduce_max3A_702, %reduce_max3A_700 : vector<16xi32>
        %reduce_max3A_704 = vector.extract %reduce_max3A_703[15] : i32 from vector<16xi32>
        %add3A_705 = arith.addi %scan3A_674, %reduce_max3A_704 : i32
        %ge3A_706 = arith.constant 999424 : i32
        %ge3A_707 = vector.broadcast %ge3A_706 : i32 to vector<16xi32>
        %ge3A_708 = arith.cmpi sge, %get3A_678, %ge3A_707 : vector<16xi32>
        %and3A_709 = vector.broadcast %eq3A_8 : i1 to vector<16xi1>
        %and3A_710 = arith.andi %ge3A_708, %and3A_709 : vector<16xi1>
        %convert_element_type3A_711 = arith.extui %and3A_710 : vector<16xi1> to vector<16xi32>
        %broadcast_in_dim3A_712 = arith.constant true
        %broadcast_in_dim3A_713 = vector.broadcast %broadcast_in_dim3A_712 : i1 to vector<16xi1>
        %masked_cumsum3A_714 = tpu.scan <sum>, %convert_element_type3A_711 masked %broadcast_in_dim3A_713 : vector<16xi32>, vector<16xi1> -> vector<16xi32>
        %add3A_715 = vector.broadcast %scan3A_675 : i32 to vector<16xi32>
        %add3A_716 = arith.addi %add3A_715, %masked_cumsum3A_714 : vector<16xi32>
        %sub3A_717 = arith.constant 1 : i32
        %sub3A_718 = vector.broadcast %sub3A_717 : i32 to vector<16xi32>
        %sub3A_719 = arith.subi %add3A_716, %sub3A_718 : vector<16xi32>
        tpu.vector_store_idx %arg12[%sub3A_719], %get3A_678 masked %and3A_710 : memref<80xi32, #tpu.memory_space<vmem>>[vector<16xi32>], vector<16xi32>, vector<16xi1>
        tpu.vector_store_idx %arg13[%sub3A_719], %add3A_686 masked %and3A_710 : memref<80xi32, #tpu.memory_space<vmem>>[vector<16xi32>], vector<16xi32>, vector<16xi1>
        %reduce_max3A_720 = arith.constant true
        %reduce_max3A_721 = vector.broadcast %reduce_max3A_720 : i1 to vector<16xi1>
        %reduce_max3A_722 = arith.constant -2147483648 : i32
        %reduce_max3A_723 = vector.broadcast %reduce_max3A_722 : i32 to vector<16xi32>
        %reduce_max3A_724 = arith.xori %masked_cumsum3A_714, %reduce_max3A_723 : vector<16xi32>
        %reduce_max3A_725 = tpu.scan <max>, %reduce_max3A_724 masked %reduce_max3A_721 : vector<16xi32>, vector<16xi1> -> vector<16xi32>
        %reduce_max3A_726 = arith.xori %reduce_max3A_725, %reduce_max3A_723 : vector<16xi32>
        %reduce_max3A_727 = vector.extract %reduce_max3A_726[15] : i32 from vector<16xi32>
        %add3A_728 = arith.addi %scan3A_675, %reduce_max3A_727 : i32
        scf.yield %add3A_705, %add3A_728 : i32, i32
      }
      %scan3A_672 = arith.constant 128 : i32
      scf.yield %scan3A_671#0, %scan3A_671#1 : i32, i32
    }
    %scan3A_469 = arith.constant 8 : i32
    %add3A_470 = arith.constant 16 : i32
    %add3A_471 = arith.addi %scan3A_468#0, %add3A_470 : i32
    %sub3A = arith.constant 1 : i32
    %sub3A_472 = arith.subi %add3A_471, %sub3A : i32
    %jit3A = arith.constant 16 : i32
    %div3A = arith.divsi %sub3A_472, %jit3A : i32
    %sign3A = arith.constant 0 : i32
    %sign3A_473 = arith.cmpi sgt, %sub3A_472, %sign3A : i32
    %sign3A_474 = arith.extui %sign3A_473 : i1 to i32
    %sign3A_475 = arith.constant 0 : i32
    %sign3A_476 = arith.cmpi slt, %sub3A_472, %sign3A_475 : i32
    %sign3A_477 = arith.extui %sign3A_476 : i1 to i32
    %sign3A_478 = arith.subi %sign3A_474, %sign3A_477 : i32
    %sign3A_479 = arith.constant 0 : i32
    %sign3A_480 = arith.cmpi sgt, %jit3A, %sign3A_479 : i32
    %sign3A_481 = arith.extui %sign3A_480 : i1 to i32
    %sign3A_482 = arith.constant 0 : i32
    %sign3A_483 = arith.cmpi slt, %jit3A, %sign3A_482 : i32
    %sign3A_484 = arith.extui %sign3A_483 : i1 to i32
    %sign3A_485 = arith.subi %sign3A_481, %sign3A_484 : i32
    %ne3A = arith.cmpi ne, %sign3A_478, %sign3A_485 : i32
    %rem3A = arith.remsi %sub3A_472, %jit3A : i32
    %ne3A_486 = arith.constant 0 : i32
    %ne3A_487 = arith.cmpi ne, %rem3A, %ne3A_486 : i32
    %and3A = arith.andi %ne3A, %ne3A_487 : i1
    %sub3A_488 = arith.constant 1 : i32
    %sub3A_489 = arith.subi %div3A, %sub3A_488 : i32
    %select_n3A = arith.select %and3A, %sub3A_489, %div3A : i32
    %scan3A_490 = arith.constant 0 : i32
    %scan3A_491 = arith.constant 0 : i32
    %scan3A_492 = arith.constant 61 : i32
    %scan3A_493 = arith.addi %scan3A_491, %scan3A_492 : i32
    %scan3A_494 = arith.constant 1 : i32
    %scan3A_495 = scf.for %scan3A_662 = %scan3A_491 to %scan3A_493 step %scan3A_494 iter_args(%scan3A_663 = %scan3A_490) -> (i32)  : i32 {
      %broadcast_in_dim3A_664 = arith.constant 0 : i32
      %broadcast_in_dim3A_665 = vector.broadcast %broadcast_in_dim3A_664 : i32 to vector<16xi32>
      %add3A_666 = vector.broadcast %scan3A_662 : i32 to vector<16xi32>
      %add3A_667 = arith.addi %broadcast_in_dim3A_665, %add3A_666 : vector<16xi32>
      %broadcast_in_dim3A_668 = arith.constant 0 : i32
      %broadcast_in_dim3A_669 = vector.broadcast %broadcast_in_dim3A_668 : i32 to vector<16xi32>
      %add3A_670 = vector.broadcast %scan3A_663 : i32 to vector<16xi32>
      %add3A_671 = arith.addi %broadcast_in_dim3A_669, %add3A_670 : vector<16xi32>
      tpu.vector_store_idx %arg11[%add3A_667], %add3A_671 masked %eq3A_6 : memref<78xi32, #tpu.memory_space<vmem>>[vector<16xi32>], vector<16xi32>, vector<16xi1>
      %mul3A_672 = arith.constant 512 : i32
      %mul3A_673 = arith.muli %scan3A_662, %mul3A_672 : i32
      %add3A_674 = arith.addi %mul3A_2, %mul3A_673 : i32
      %while3A_675 = arith.constant 0 : i32
      %while3A_676 = arith.subi %select_n3A, %while3A_675 : i32
      %while3A_677 = arith.addi %while3A_675, %while3A_676 : i32
      %while3A_678 = arith.constant 1 : i32
      %while3A_679 = arith.divsi %while3A_676, %while3A_678 : i32
      %while3A_680 = arith.muli %while3A_679, %while3A_678 : i32
      %while3A_681 = arith.addi %while3A_675, %while3A_680 : i32
      %while3A_682 = arith.constant 1 : i32
      %while3A_683 = scf.for %while3A_686 = %while3A_675 to %while3A_681 step %while3A_682 iter_args(%while3A_687 = %scan3A_663) -> (i32)  : i32 {
        %mul3A_688 = arith.constant 16 : i32
        %mul3A_689 = arith.muli %while3A_686, %mul3A_688 : i32
        %get3A = arith.index_cast %mul3A_689 : i32 to index
        %get3A_690 = tpu.vector_load %arg7[%get3A] {strides = array<i32>} : memref<1040xi32, #tpu.memory_space<vmem>>, vector<16xi32>,
        %mul3A_691 = arith.constant 16 : i32
        %mul3A_692 = arith.muli %while3A_686, %mul3A_691 : i32
        %get3A_693 = arith.index_cast %mul3A_692 : i32 to index
        %get3A_694 = tpu.vector_load %arg8[%get3A_693] {strides = array<i32>} : memref<1040xi32, #tpu.memory_space<vmem>>, vector<16xi32>,
        %mul3A_695 = arith.constant 16 : i32
        %mul3A_696 = arith.muli %while3A_686, %mul3A_695 : i32
        %add3A_697 = vector.broadcast %mul3A_696 : i32 to vector<16xi32>
        %add3A_698 = arith.addi %iota3A, %add3A_697 : vector<16xi32>
        %lt3A = vector.broadcast %scan3A_468#0 : i32 to vector<16xi32>
        %lt3A_699 = arith.cmpi slt, %add3A_698, %lt3A : vector<16xi32>
        %ge3A = vector.broadcast %add3A_674 : i32 to vector<16xi32>
        %ge3A_700 = arith.cmpi sge, %get3A_690, %ge3A : vector<16xi32>
        %and3A_701 = arith.andi %lt3A_699, %ge3A_700 : vector<16xi1>
        %add3A_702 = arith.constant 512 : i32
        %add3A_703 = arith.addi %add3A_674, %add3A_702 : i32
        %lt3A_704 = vector.broadcast %add3A_703 : i32 to vector<16xi32>
        %lt3A_705 = arith.cmpi slt, %get3A_690, %lt3A_704 : vector<16xi32>
        %and3A_706 = arith.andi %and3A_701, %lt3A_705 : vector<16xi1>
        %convert_element_type3A_707 = arith.extui %and3A_706 : vector<16xi1> to vector<16xi32>
        %broadcast_in_dim3A_708 = arith.constant true
        %broadcast_in_dim3A_709 = vector.broadcast %broadcast_in_dim3A_708 : i1 to vector<16xi1>
        %masked_cumsum3A = tpu.scan <sum>, %convert_element_type3A_707 masked %broadcast_in_dim3A_709 : vector<16xi32>, vector<16xi1> -> vector<16xi32>
        %add3A_710 = vector.broadcast %while3A_687 : i32 to vector<16xi32>
        %add3A_711 = arith.addi %add3A_710, %masked_cumsum3A : vector<16xi32>
        %sub3A_712 = arith.constant 1 : i32
        %sub3A_713 = vector.broadcast %sub3A_712 : i32 to vector<16xi32>
        %sub3A_714 = arith.subi %add3A_711, %sub3A_713 : vector<16xi32>
        tpu.vector_store_idx %arg9[%sub3A_714], %get3A_690 masked %and3A_706 : memref<1040xi32, #tpu.memory_space<vmem>>[vector<16xi32>], vector<16xi32>, vector<16xi1>
        tpu.vector_store_idx %arg10[%sub3A_714], %get3A_694 masked %and3A_706 : memref<1040xi32, #tpu.memory_space<vmem>>[vector<16xi32>], vector<16xi32>, vector<16xi1>
        %reduce_max3A = arith.constant true
        %reduce_max3A_715 = vector.broadcast %reduce_max3A : i1 to vector<16xi1>
        %reduce_max3A_716 = arith.constant -2147483648 : i32
        %reduce_max3A_717 = vector.broadcast %reduce_max3A_716 : i32 to vector<16xi32>
        %reduce_max3A_718 = arith.xori %masked_cumsum3A, %reduce_max3A_717 : vector<16xi32>
        %reduce_max3A_719 = tpu.scan <max>, %reduce_max3A_718 masked %reduce_max3A_715 : vector<16xi32>, vector<16xi1> -> vector<16xi32>
        %reduce_max3A_720 = arith.xori %reduce_max3A_719, %reduce_max3A_717 : vector<16xi32>
        %reduce_max3A_721 = vector.extract %reduce_max3A_720[15] : i32 from vector<16xi32>
        %add3A_722 = arith.addi %while3A_687, %reduce_max3A_721 : i32
        scf.yield %add3A_722 : i32
      }
      %while3A_684 = arith.constant 1 : i32
      %while3A_685 = scf.for %while3A_686 = %while3A_681 to %while3A_677 step %while3A_684 iter_args(%while3A_687 = %while3A_683) -> (i32)  : i32 {
        %mul3A_688 = arith.constant 16 : i32
        %mul3A_689 = arith.muli %while3A_686, %mul3A_688 : i32
        %get3A = arith.index_cast %mul3A_689 : i32 to index
        %get3A_690 = tpu.vector_load %arg7[%get3A] {strides = array<i32>} : memref<1040xi32, #tpu.memory_space<vmem>>, vector<16xi32>,
        %mul3A_691 = arith.constant 16 : i32
        %mul3A_692 = arith.muli %while3A_686, %mul3A_691 : i32
        %get3A_693 = arith.index_cast %mul3A_692 : i32 to index
        %get3A_694 = tpu.vector_load %arg8[%get3A_693] {strides = array<i32>} : memref<1040xi32, #tpu.memory_space<vmem>>, vector<16xi32>,
        %mul3A_695 = arith.constant 16 : i32
        %mul3A_696 = arith.muli %while3A_686, %mul3A_695 : i32
        %add3A_697 = vector.broadcast %mul3A_696 : i32 to vector<16xi32>
        %add3A_698 = arith.addi %iota3A, %add3A_697 : vector<16xi32>
        %lt3A = vector.broadcast %scan3A_468#0 : i32 to vector<16xi32>
        %lt3A_699 = arith.cmpi slt, %add3A_698, %lt3A : vector<16xi32>
        %ge3A = vector.broadcast %add3A_674 : i32 to vector<16xi32>
        %ge3A_700 = arith.cmpi sge, %get3A_690, %ge3A : vector<16xi32>
        %and3A_701 = arith.andi %lt3A_699, %ge3A_700 : vector<16xi1>
        %add3A_702 = arith.constant 512 : i32
        %add3A_703 = arith.addi %add3A_674, %add3A_702 : i32
        %lt3A_704 = vector.broadcast %add3A_703 : i32 to vector<16xi32>
        %lt3A_705 = arith.cmpi slt, %get3A_690, %lt3A_704 : vector<16xi32>
        %and3A_706 = arith.andi %and3A_701, %lt3A_705 : vector<16xi1>
        %convert_element_type3A_707 = arith.extui %and3A_706 : vector<16xi1> to vector<16xi32>
        %broadcast_in_dim3A_708 = arith.constant true
        %broadcast_in_dim3A_709 = vector.broadcast %broadcast_in_dim3A_708 : i1 to vector<16xi1>
        %masked_cumsum3A = tpu.scan <sum>, %convert_element_type3A_707 masked %broadcast_in_dim3A_709 : vector<16xi32>, vector<16xi1> -> vector<16xi32>
        %add3A_710 = vector.broadcast %while3A_687 : i32 to vector<16xi32>
        %add3A_711 = arith.addi %add3A_710, %masked_cumsum3A : vector<16xi32>
        %sub3A_712 = arith.constant 1 : i32
        %sub3A_713 = vector.broadcast %sub3A_712 : i32 to vector<16xi32>
        %sub3A_714 = arith.subi %add3A_711, %sub3A_713 : vector<16xi32>
        tpu.vector_store_idx %arg9[%sub3A_714], %get3A_690 masked %and3A_706 : memref<1040xi32, #tpu.memory_space<vmem>>[vector<16xi32>], vector<16xi32>, vector<16xi1>
        tpu.vector_store_idx %arg10[%sub3A_714], %get3A_694 masked %and3A_706 : memref<1040xi32, #tpu.memory_space<vmem>>[vector<16xi32>], vector<16xi32>, vector<16xi1>
        %reduce_max3A = arith.constant true
        %reduce_max3A_715 = vector.broadcast %reduce_max3A : i1 to vector<16xi1>
        %reduce_max3A_716 = arith.constant -2147483648 : i32
        %reduce_max3A_717 = vector.broadcast %reduce_max3A_716 : i32 to vector<16xi32>
        %reduce_max3A_718 = arith.xori %masked_cumsum3A, %reduce_max3A_717 : vector<16xi32>
        %reduce_max3A_719 = tpu.scan <max>, %reduce_max3A_718 masked %reduce_max3A_715 : vector<16xi32>, vector<16xi1> -> vector<16xi32>
        %reduce_max3A_720 = arith.xori %reduce_max3A_719, %reduce_max3A_717 : vector<16xi32>
        %reduce_max3A_721 = vector.extract %reduce_max3A_720[15] : i32 from vector<16xi32>
        %add3A_722 = arith.addi %while3A_687, %reduce_max3A_721 : i32
        scf.yield %add3A_722 : i32
      }
      scf.yield %while3A_685 : i32
    }
    %scan3A_496 = arith.constant 61 : i32
    %broadcast_in_dim3A_497 = arith.constant 0 : i32
    %broadcast_in_dim3A_498 = vector.broadcast %broadcast_in_dim3A_497 : i32 to vector<16xi32>
    %add3A_499 = arith.constant 61 : i32
    %add3A_500 = vector.broadcast %add3A_499 : i32 to vector<16xi32>
    %add3A_501 = arith.addi %broadcast_in_dim3A_498, %add3A_500 : vector<16xi32>
    %broadcast_in_dim3A_502 = arith.constant 0 : i32
    %broadcast_in_dim3A_503 = vector.broadcast %broadcast_in_dim3A_502 : i32 to vector<16xi32>
    %add3A_504 = vector.broadcast %scan3A_495 : i32 to vector<16xi32>
    %add3A_505 = arith.addi %broadcast_in_dim3A_503, %add3A_504 : vector<16xi32>
    tpu.vector_store_idx %arg11[%add3A_501], %add3A_505 masked %eq3A_6 : memref<78xi32, #tpu.memory_space<vmem>>[vector<16xi32>], vector<16xi32>, vector<16xi1>
    %add3A_506 = arith.constant 16 : i32
    %add3A_507 = arith.addi %scan3A_495, %add3A_506 : i32
    %sub3A_508 = arith.constant 1 : i32
    %sub3A_509 = arith.subi %add3A_507, %sub3A_508 : i32
    %jit3A_510 = arith.constant 16 : i32
    %div3A_511 = arith.divsi %sub3A_509, %jit3A_510 : i32
    %sign3A_512 = arith.constant 0 : i32
    %sign3A_513 = arith.cmpi sgt, %sub3A_509, %sign3A_512 : i32
    %sign3A_514 = arith.extui %sign3A_513 : i1 to i32
    %sign3A_515 = arith.constant 0 : i32
    %sign3A_516 = arith.cmpi slt, %sub3A_509, %sign3A_515 : i32
    %sign3A_517 = arith.extui %sign3A_516 : i1 to i32
    %sign3A_518 = arith.subi %sign3A_514, %sign3A_517 : i32
    %sign3A_519 = arith.constant 0 : i32
    %sign3A_520 = arith.cmpi sgt, %jit3A_510, %sign3A_519 : i32
    %sign3A_521 = arith.extui %sign3A_520 : i1 to i32
    %sign3A_522 = arith.constant 0 : i32
    %sign3A_523 = arith.cmpi slt, %jit3A_510, %sign3A_522 : i32
    %sign3A_524 = arith.extui %sign3A_523 : i1 to i32
    %sign3A_525 = arith.subi %sign3A_521, %sign3A_524 : i32
    %ne3A_526 = arith.cmpi ne, %sign3A_518, %sign3A_525 : i32
    %rem3A_527 = arith.remsi %sub3A_509, %jit3A_510 : i32
    %ne3A_528 = arith.constant 0 : i32
    %ne3A_529 = arith.cmpi ne, %rem3A_527, %ne3A_528 : i32
    %and3A_530 = arith.andi %ne3A_526, %ne3A_529 : i1
    %sub3A_531 = arith.constant 1 : i32
    %sub3A_532 = arith.subi %div3A_511, %sub3A_531 : i32
    %select_n3A_533 = arith.select %and3A_530, %sub3A_532, %div3A_511 : i32
    %while3A = arith.constant 0 : i32
    %while3A_534 = arith.constant 0 : i32
    %while3A_535 = arith.subi %select_n3A_533, %while3A : i32
    %while3A_536 = arith.addi %while3A, %while3A_535 : i32
    %while3A_537 = arith.constant 1 : i32
    %while3A_538 = arith.divsi %while3A_535, %while3A_537 : i32
    %while3A_539 = arith.muli %while3A_538, %while3A_537 : i32
    %while3A_540 = arith.addi %while3A, %while3A_539 : i32
    %while3A_541 = arith.constant 1 : i32
    %while3A_542 = scf.for %while3A_662 = %while3A to %while3A_540 step %while3A_541 iter_args(%while3A_663 = %while3A_534) -> (i32)  : i32 {
      %mul3A_664 = arith.constant 16 : i32
      %mul3A_665 = arith.muli %while3A_662, %mul3A_664 : i32
      %add3A_666 = vector.broadcast %mul3A_665 : i32 to vector<16xi32>
      %add3A_667 = arith.addi %iota3A, %add3A_666 : vector<16xi32>
      %lt3A = vector.broadcast %scan3A_495 : i32 to vector<16xi32>
      %lt3A_668 = arith.cmpi slt, %add3A_667, %lt3A : vector<16xi32>
      %mul3A_669 = arith.constant 16 : i32
      %mul3A_670 = arith.muli %while3A_662, %mul3A_669 : i32
      %get3A = arith.index_cast %mul3A_670 : i32 to index
      %get3A_671 = tpu.vector_load %arg10[%get3A] {strides = array<i32>} : memref<1040xi32, #tpu.memory_space<vmem>>, vector<16xi32>,
      %jit3A_672 = arith.constant 128 : i32
      %div3A_673 = vector.broadcast %jit3A_672 : i32 to vector<16xi32>
      %div3A_674 = arith.divsi %add3A_667, %div3A_673 : vector<16xi32>
      %sign3A_675 = arith.constant 0 : i32
      %sign3A_676 = vector.broadcast %sign3A_675 : i32 to vector<16xi32>
      %sign3A_677 = arith.cmpi sgt, %add3A_667, %sign3A_676 : vector<16xi32>
      %sign3A_678 = arith.extui %sign3A_677 : vector<16xi1> to vector<16xi32>
      %sign3A_679 = arith.constant 0 : i32
      %sign3A_680 = vector.broadcast %sign3A_679 : i32 to vector<16xi32>
      %sign3A_681 = arith.cmpi slt, %add3A_667, %sign3A_680 : vector<16xi32>
      %sign3A_682 = arith.extui %sign3A_681 : vector<16xi1> to vector<16xi32>
      %sign3A_683 = arith.subi %sign3A_678, %sign3A_682 : vector<16xi32>
      %sign3A_684 = arith.constant 0 : i32
      %sign3A_685 = arith.cmpi sgt, %jit3A_672, %sign3A_684 : i32
      %sign3A_686 = arith.extui %sign3A_685 : i1 to i32
      %sign3A_687 = arith.constant 0 : i32
      %sign3A_688 = arith.cmpi slt, %jit3A_672, %sign3A_687 : i32
      %sign3A_689 = arith.extui %sign3A_688 : i1 to i32
      %sign3A_690 = arith.subi %sign3A_686, %sign3A_689 : i32
      %ne3A_691 = vector.broadcast %sign3A_690 : i32 to vector<16xi32>
      %ne3A_692 = arith.cmpi ne, %sign3A_683, %ne3A_691 : vector<16xi32>
      %rem3A_693 = vector.broadcast %jit3A_672 : i32 to vector<16xi32>
      %rem3A_694 = arith.remsi %add3A_667, %rem3A_693 : vector<16xi32>
      %ne3A_695 = arith.constant 0 : i32
      %ne3A_696 = vector.broadcast %ne3A_695 : i32 to vector<16xi32>
      %ne3A_697 = arith.cmpi ne, %rem3A_694, %ne3A_696 : vector<16xi32>
      %and3A_698 = arith.andi %ne3A_692, %ne3A_697 : vector<16xi1>
      %sub3A_699 = arith.constant 1 : i32
      %sub3A_700 = vector.broadcast %sub3A_699 : i32 to vector<16xi32>
      %sub3A_701 = arith.subi %div3A_674, %sub3A_700 : vector<16xi32>
      %select_n3A_702 = arith.select %and3A_698, %sub3A_701, %div3A_674 : vector<16xi1>, vector<16xi32>
      %broadcast_in_dim3A_703 = arith.constant 0 : i32
      %broadcast_in_dim3A_704 = vector.broadcast %broadcast_in_dim3A_703 : i32 to vector<16xi32>
      %jit3A_705 = arith.constant 128 : i32
      %eq3A_706 = arith.constant 0 : i32
      %eq3A_707 = arith.cmpi eq, %jit3A_705, %eq3A_706 : i32
      %jit3A_708 = arith.constant 1 : i32
      %select_n3A_709 = arith.select %eq3A_707, %jit3A_708, %jit3A_705 : i32
      %rem3A_710 = vector.broadcast %select_n3A_709 : i32 to vector<16xi32>
      %rem3A_711 = arith.remsi %add3A_667, %rem3A_710 : vector<16xi32>
      %ne3A_712 = arith.constant 0 : i32
      %ne3A_713 = vector.broadcast %ne3A_712 : i32 to vector<16xi32>
      %ne3A_714 = arith.cmpi ne, %rem3A_711, %ne3A_713 : vector<16xi32>
      %lt3A_715 = arith.constant 0 : i32
      %lt3A_716 = vector.broadcast %lt3A_715 : i32 to vector<16xi32>
      %lt3A_717 = arith.cmpi slt, %rem3A_711, %lt3A_716 : vector<16xi32>
      %lt3A_718 = arith.constant 0 : i32
      %lt3A_719 = arith.cmpi slt, %select_n3A_709, %lt3A_718 : i32
      %ne3A_720 = vector.broadcast %lt3A_719 : i1 to vector<16xi1>
      %ne3A_721 = vector.broadcast %ne3A_720 : vector<16xi1> to vector<16xi1>
      %ne3A_722 = arith.xori %lt3A_717, %ne3A_721 : vector<16xi1>
      %and3A_723 = arith.andi %ne3A_722, %ne3A_714 : vector<16xi1>
      %add3A_724 = vector.broadcast %select_n3A_709 : i32 to vector<16xi32>
      %add3A_725 = arith.addi %rem3A_711, %add3A_724 : vector<16xi32>
      %select_n3A_726 = arith.select %and3A_723, %add3A_725, %rem3A_711 : vector<16xi1>, vector<16xi32>
      tpu.vector_store_idx %arg24[%select_n3A_702, %broadcast_in_dim3A_704, %select_n3A_726], %get3A_671 masked %lt3A_668 : memref<5x1x128xi32, #tpu.memory_space<vmem>>[vector<16xi32>, vector<16xi32>, vector<16xi32>], vector<16xi32>, vector<16xi1>
      %while3A_727 = arith.constant 0 : i32
      scf.yield %while3A_727 : i32
    }
    %while3A_543 = arith.constant 1 : i32
    %while3A_544 = scf.for %while3A_662 = %while3A_540 to %while3A_536 step %while3A_543 iter_args(%while3A_663 = %while3A_542) -> (i32)  : i32 {
      %mul3A_664 = arith.constant 16 : i32
      %mul3A_665 = arith.muli %while3A_662, %mul3A_664 : i32
      %add3A_666 = vector.broadcast %mul3A_665 : i32 to vector<16xi32>
      %add3A_667 = arith.addi %iota3A, %add3A_666 : vector<16xi32>
      %lt3A = vector.broadcast %scan3A_495 : i32 to vector<16xi32>
      %lt3A_668 = arith.cmpi slt, %add3A_667, %lt3A : vector<16xi32>
      %mul3A_669 = arith.constant 16 : i32
      %mul3A_670 = arith.muli %while3A_662, %mul3A_669 : i32
      %get3A = arith.index_cast %mul3A_670 : i32 to index
      %get3A_671 = tpu.vector_load %arg10[%get3A] {strides = array<i32>} : memref<1040xi32, #tpu.memory_space<vmem>>, vector<16xi32>,
      %jit3A_672 = arith.constant 128 : i32
      %div3A_673 = vector.broadcast %jit3A_672 : i32 to vector<16xi32>
      %div3A_674 = arith.divsi %add3A_667, %div3A_673 : vector<16xi32>
      %sign3A_675 = arith.constant 0 : i32
      %sign3A_676 = vector.broadcast %sign3A_675 : i32 to vector<16xi32>
      %sign3A_677 = arith.cmpi sgt, %add3A_667, %sign3A_676 : vector<16xi32>
      %sign3A_678 = arith.extui %sign3A_677 : vector<16xi1> to vector<16xi32>
      %sign3A_679 = arith.constant 0 : i32
      %sign3A_680 = vector.broadcast %sign3A_679 : i32 to vector<16xi32>
      %sign3A_681 = arith.cmpi slt, %add3A_667, %sign3A_680 : vector<16xi32>
      %sign3A_682 = arith.extui %sign3A_681 : vector<16xi1> to vector<16xi32>
      %sign3A_683 = arith.subi %sign3A_678, %sign3A_682 : vector<16xi32>
      %sign3A_684 = arith.constant 0 : i32
      %sign3A_685 = arith.cmpi sgt, %jit3A_672, %sign3A_684 : i32
      %sign3A_686 = arith.extui %sign3A_685 : i1 to i32
      %sign3A_687 = arith.constant 0 : i32
      %sign3A_688 = arith.cmpi slt, %jit3A_672, %sign3A_687 : i32
      %sign3A_689 = arith.extui %sign3A_688 : i1 to i32
      %sign3A_690 = arith.subi %sign3A_686, %sign3A_689 : i32
      %ne3A_691 = vector.broadcast %sign3A_690 : i32 to vector<16xi32>
      %ne3A_692 = arith.cmpi ne, %sign3A_683, %ne3A_691 : vector<16xi32>
      %rem3A_693 = vector.broadcast %jit3A_672 : i32 to vector<16xi32>
      %rem3A_694 = arith.remsi %add3A_667, %rem3A_693 : vector<16xi32>
      %ne3A_695 = arith.constant 0 : i32
      %ne3A_696 = vector.broadcast %ne3A_695 : i32 to vector<16xi32>
      %ne3A_697 = arith.cmpi ne, %rem3A_694, %ne3A_696 : vector<16xi32>
      %and3A_698 = arith.andi %ne3A_692, %ne3A_697 : vector<16xi1>
      %sub3A_699 = arith.constant 1 : i32
      %sub3A_700 = vector.broadcast %sub3A_699 : i32 to vector<16xi32>
      %sub3A_701 = arith.subi %div3A_674, %sub3A_700 : vector<16xi32>
      %select_n3A_702 = arith.select %and3A_698, %sub3A_701, %div3A_674 : vector<16xi1>, vector<16xi32>
      %broadcast_in_dim3A_703 = arith.constant 0 : i32
      %broadcast_in_dim3A_704 = vector.broadcast %broadcast_in_dim3A_703 : i32 to vector<16xi32>
      %jit3A_705 = arith.constant 128 : i32
      %eq3A_706 = arith.constant 0 : i32
      %eq3A_707 = arith.cmpi eq, %jit3A_705, %eq3A_706 : i32
      %jit3A_708 = arith.constant 1 : i32
      %select_n3A_709 = arith.select %eq3A_707, %jit3A_708, %jit3A_705 : i32
      %rem3A_710 = vector.broadcast %select_n3A_709 : i32 to vector<16xi32>
      %rem3A_711 = arith.remsi %add3A_667, %rem3A_710 : vector<16xi32>
      %ne3A_712 = arith.constant 0 : i32
      %ne3A_713 = vector.broadcast %ne3A_712 : i32 to vector<16xi32>
      %ne3A_714 = arith.cmpi ne, %rem3A_711, %ne3A_713 : vector<16xi32>
      %lt3A_715 = arith.constant 0 : i32
      %lt3A_716 = vector.broadcast %lt3A_715 : i32 to vector<16xi32>
      %lt3A_717 = arith.cmpi slt, %rem3A_711, %lt3A_716 : vector<16xi32>
      %lt3A_718 = arith.constant 0 : i32
      %lt3A_719 = arith.cmpi slt, %select_n3A_709, %lt3A_718 : i32
      %ne3A_720 = vector.broadcast %lt3A_719 : i1 to vector<16xi1>
      %ne3A_721 = vector.broadcast %ne3A_720 : vector<16xi1> to vector<16xi1>
      %ne3A_722 = arith.xori %lt3A_717, %ne3A_721 : vector<16xi1>
      %and3A_723 = arith.andi %ne3A_722, %ne3A_714 : vector<16xi1>
      %add3A_724 = vector.broadcast %select_n3A_709 : i32 to vector<16xi32>
      %add3A_725 = arith.addi %rem3A_711, %add3A_724 : vector<16xi32>
      %select_n3A_726 = arith.select %and3A_723, %add3A_725, %rem3A_711 : vector<16xi1>, vector<16xi32>
      tpu.vector_store_idx %arg24[%select_n3A_702, %broadcast_in_dim3A_704, %select_n3A_726], %get3A_671 masked %lt3A_668 : memref<5x1x128xi32, #tpu.memory_space<vmem>>[vector<16xi32>, vector<16xi32>, vector<16xi32>], vector<16xi32>, vector<16xi1>
      %while3A_727 = arith.constant 0 : i32
      scf.yield %while3A_727 : i32
    }
    %scan3A_545 = arith.constant 0 : i32
    %scan3A_546 = arith.constant 0 : i32
    %scan3A_547 = arith.constant 61 : i32
    %scan3A_548 = arith.addi %scan3A_546, %scan3A_547 : i32
    %scan3A_549 = arith.constant 1 : i32
    %scan3A_550 = scf.for %scan3A_662 = %scan3A_546 to %scan3A_548 step %scan3A_549 iter_args(%scan3A_663 = %scan3A_545) -> (i32)  : i32 {
      %mul3A_664 = arith.constant 8 : i32
      %mul3A_665 = arith.muli %scan3A_662, %mul3A_664 : i32
      %dma_wait3A_666 = arith.constant 0 : i32
      %dma_wait3A_667 = arith.constant 0 : i32
      %dma_wait3A_668 = tpu.memref_slice %arg2[%dma_wait3A_666, %dma_wait3A_667] : memref<64x1000000xf32, #tpu.memory_space<hbm>> -> memref<8x512xf32, #tpu.memory_space<hbm>>
      %dma_wait3A_669 = arith.constant 0 : i32
      %dma_wait3A_670 = arith.constant 0 : i32
      %dma_wait3A_671 = tpu.memref_slice %arg2[%dma_wait3A_669, %dma_wait3A_670] : memref<64x1000000xf32, #tpu.memory_space<hbm>> -> memref<8x512xf32, #tpu.memory_space<hbm>>
      tpu.wait_dma2 semaphore(%arg25 : memref<!tpu.dma_semaphore, #tpu.memory_space<semaphore_mem>>) src(%dma_wait3A_671 : memref<8x512xf32, #tpu.memory_space<hbm>>) dst(%arg15 : memref<8x512xf32, #tpu.memory_space<vmem>>)
      %add3A_672 = arith.constant 0 : i32
      %add3A_673 = arith.addi %mul3A_665, %add3A_672 : i32
      %jit3A_674 = arith.constant 61 : i32
      %div3A_675 = arith.divsi %add3A_673, %jit3A_674 : i32
      %sign3A_676 = arith.constant 0 : i32
      %sign3A_677 = arith.cmpi sgt, %add3A_673, %sign3A_676 : i32
      %sign3A_678 = arith.extui %sign3A_677 : i1 to i32
      %sign3A_679 = arith.constant 0 : i32
      %sign3A_680 = arith.cmpi slt, %add3A_673, %sign3A_679 : i32
      %sign3A_681 = arith.extui %sign3A_680 : i1 to i32
      %sign3A_682 = arith.subi %sign3A_678, %sign3A_681 : i32
      %sign3A_683 = arith.constant 0 : i32
      %sign3A_684 = arith.cmpi sgt, %jit3A_674, %sign3A_683 : i32
      %sign3A_685 = arith.extui %sign3A_684 : i1 to i32
      %sign3A_686 = arith.constant 0 : i32
      %sign3A_687 = arith.cmpi slt, %jit3A_674, %sign3A_686 : i32
      %sign3A_688 = arith.extui %sign3A_687 : i1 to i32
      %sign3A_689 = arith.subi %sign3A_685, %sign3A_688 : i32
      %ne3A_690 = arith.cmpi ne, %sign3A_682, %sign3A_689 : i32
      %rem3A_691 = arith.remsi %add3A_673, %jit3A_674 : i32
      %ne3A_692 = arith.constant 0 : i32
      %ne3A_693 = arith.cmpi ne, %rem3A_691, %ne3A_692 : i32
      %and3A_694 = arith.andi %ne3A_690, %ne3A_693 : i1
      %sub3A_695 = arith.constant 1 : i32
      %sub3A_696 = arith.subi %div3A_675, %sub3A_695 : i32
      %select_n3A_697 = arith.select %and3A_694, %sub3A_696, %div3A_675 : i32
      %jit3A_698 = arith.constant 61 : i32
      %eq3A_699 = arith.constant 0 : i32
      %eq3A_700 = arith.cmpi eq, %jit3A_698, %eq3A_699 : i32
      %jit3A_701 = arith.constant 1 : i32
      %select_n3A_702 = arith.select %eq3A_700, %jit3A_701, %jit3A_698 : i32
      %rem3A_703 = arith.remsi %add3A_673, %select_n3A_702 : i32
      %ne3A_704 = arith.constant 0 : i32
      %ne3A_705 = arith.cmpi ne, %rem3A_703, %ne3A_704 : i32
      %lt3A = arith.constant 0 : i32
      %lt3A_706 = arith.cmpi slt, %rem3A_703, %lt3A : i32
      %lt3A_707 = arith.constant 0 : i32
      %lt3A_708 = arith.cmpi slt, %select_n3A_702, %lt3A_707 : i32
      %ne3A_709 = arith.xori %lt3A_706, %lt3A_708 : i1
      %and3A_710 = arith.andi %ne3A_709, %ne3A_705 : i1
      %add3A_711 = arith.addi %rem3A_703, %select_n3A_702 : i32
      %select_n3A_712 = arith.select %and3A_710, %add3A_711, %rem3A_703 : i32
      %mul3A_713 = arith.constant 512 : i32
      %mul3A_714 = arith.muli %select_n3A_712, %mul3A_713 : i32
      %add3A_715 = arith.addi %mul3A_2, %mul3A_714 : i32
      %get3A = arith.index_cast %select_n3A_712 : i32 to index
      %get3A_716 = tpu.vector_load %arg11[%get3A] {strides = array<i32>} : memref<78xi32, #tpu.memory_space<vmem>>, vector<16xi32>,
      %slice3A = vector.extract_strided_slice %get3A_716 {offsets = [0], sizes = [1], strides = [1]} : vector<16xi32> to vector<1xi32>
      %squeeze3A = vector.extract %slice3A[0] : i32 from vector<1xi32>
      %add3A_717 = arith.constant 1 : i32
      %add3A_718 = arith.addi %select_n3A_712, %add3A_717 : i32
      %get3A_719 = arith.index_cast %add3A_718 : i32 to index
      %get3A_720 = tpu.vector_load %arg11[%get3A_719] {strides = array<i32>} : memref<78xi32, #tpu.memory_space<vmem>>, vector<16xi32>,
      %slice3A_721 = vector.extract_strided_slice %get3A_720 {offsets = [0], sizes = [1], strides = [1]} : vector<16xi32> to vector<1xi32>
      %squeeze3A_722 = vector.extract %slice3A_721[0] : i32 from vector<1xi32>
      %sub3A_723 = arith.subi %squeeze3A_722, %squeeze3A : i32
      %add3A_724 = arith.constant 16 : i32
      %add3A_725 = arith.addi %sub3A_723, %add3A_724 : i32
      %sub3A_726 = arith.constant 1 : i32
      %sub3A_727 = arith.subi %add3A_725, %sub3A_726 : i32
      %jit3A_728 = arith.constant 16 : i32
      %div3A_729 = arith.divsi %sub3A_727, %jit3A_728 : i32
      %sign3A_730 = arith.constant 0 : i32
      %sign3A_731 = arith.cmpi sgt, %sub3A_727, %sign3A_730 : i32
      %sign3A_732 = arith.extui %sign3A_731 : i1 to i32
      %sign3A_733 = arith.constant 0 : i32
      %sign3A_734 = arith.cmpi slt, %sub3A_727, %sign3A_733 : i32
      %sign3A_735 = arith.extui %sign3A_734 : i1 to i32
      %sign3A_736 = arith.subi %sign3A_732, %sign3A_735 : i32
      %sign3A_737 = arith.constant 0 : i32
      %sign3A_738 = arith.cmpi sgt, %jit3A_728, %sign3A_737 : i32
      %sign3A_739 = arith.extui %sign3A_738 : i1 to i32
      %sign3A_740 = arith.constant 0 : i32
      %sign3A_741 = arith.cmpi slt, %jit3A_728, %sign3A_740 : i32
      %sign3A_742 = arith.extui %sign3A_741 : i1 to i32
      %sign3A_743 = arith.subi %sign3A_739, %sign3A_742 : i32
      %ne3A_744 = arith.cmpi ne, %sign3A_736, %sign3A_743 : i32
      %rem3A_745 = arith.remsi %sub3A_727, %jit3A_728 : i32
      %ne3A_746 = arith.constant 0 : i32
      %ne3A_747 = arith.cmpi ne, %rem3A_745, %ne3A_746 : i32
      %and3A_748 = arith.andi %ne3A_744, %ne3A_747 : i1
      %sub3A_749 = arith.constant 1 : i32
      %sub3A_750 = arith.subi %div3A_729, %sub3A_749 : i32
      %select_n3A_751 = arith.select %and3A_748, %sub3A_750, %div3A_729 : i32
      %while3A_752 = arith.constant 0 : i32
      %while3A_753 = arith.constant 0 : i32
      %while3A_754 = arith.subi %select_n3A_751, %while3A_752 : i32
      %while3A_755 = arith.addi %while3A_752, %while3A_754 : i32
      %while3A_756 = arith.constant 1 : i32
      %while3A_757 = arith.divsi %while3A_754, %while3A_756 : i32
      %while3A_758 = arith.muli %while3A_757, %while3A_756 : i32
      %while3A_759 = arith.addi %while3A_752, %while3A_758 : i32
      %while3A_760 = arith.constant 1 : i32
      %while3A_761 = scf.for %while3A_1551 = %while3A_752 to %while3A_759 step %while3A_760 iter_args(%while3A_1552 = %while3A_753) -> (i32)  : i32 {
        %mul3A_1553 = arith.constant 16 : i32
        %mul3A_1554 = arith.muli %while3A_1551, %mul3A_1553 : i32
        %add3A_1555 = arith.addi %squeeze3A, %mul3A_1554 : i32
        %get3A_1556 = arith.index_cast %add3A_1555 : i32 to index
        %get3A_1557 = tpu.vector_load %arg9[%get3A_1556] {strides = array<i32>} : memref<1040xi32, #tpu.memory_space<vmem>>, vector<16xi32>,
        %sub3A_1558 = vector.broadcast %add3A_715 : i32 to vector<16xi32>
        %sub3A_1559 = arith.subi %get3A_1557, %sub3A_1558 : vector<16xi32>
        %mul3A_1560 = arith.constant 16 : i32
        %mul3A_1561 = arith.muli %while3A_1551, %mul3A_1560 : i32
        %add3A_1562 = vector.broadcast %mul3A_1561 : i32 to vector<16xi32>
        %add3A_1563 = arith.addi %iota3A, %add3A_1562 : vector<16xi32>
        %lt3A_1564 = vector.broadcast %sub3A_723 : i32 to vector<16xi32>
        %lt3A_1565 = arith.cmpi slt, %add3A_1563, %lt3A_1564 : vector<16xi32>
        %add3A_1566 = vector.broadcast %add3A_1555 : i32 to vector<16xi32>
        %add3A_1567 = arith.addi %add3A_1566, %iota3A : vector<16xi32>
        %broadcast_in_dim3A_1568 = arith.constant 0 : i32
        %broadcast_in_dim3A_1569 = vector.broadcast %broadcast_in_dim3A_1568 : i32 to vector<16xi32>
        %gather3A = tpu.vector_load_idx %arg15[%broadcast_in_dim3A_1569, %sub3A_1559] masked %lt3A_1565 : memref<8x512xf32, #tpu.memory_space<vmem>>[vector<16xi32>, vector<16xi32>], vector<16xf32>, vector<16xi1>
        %mul3A_1570 = arith.constant 8 : i32
        %mul3A_1571 = arith.muli %select_n3A_697, %mul3A_1570 : i32
        %add3A_1572 = arith.constant 0 : i32
        %add3A_1573 = arith.addi %mul3A_1571, %add3A_1572 : i32
        %broadcast_in_dim3A_1574 = vector.broadcast %add3A_1573 : i32 to vector<16xi32>
        tpu.vector_store_idx %arg14[%add3A_1567, %broadcast_in_dim3A_1574], %gather3A masked %lt3A_1565 : memref<640x128xf32, #tpu.memory_space<vmem>>[vector<16xi32>, vector<16xi32>], vector<16xf32>, vector<16xi1>
        %broadcast_in_dim3A_1575 = arith.constant 1 : i32
        %broadcast_in_dim3A_1576 = vector.broadcast %broadcast_in_dim3A_1575 : i32 to vector<16xi32>
        %gather3A_1577 = tpu.vector_load_idx %arg15[%broadcast_in_dim3A_1576, %sub3A_1559] masked %lt3A_1565 : memref<8x512xf32, #tpu.memory_space<vmem>>[vector<16xi32>, vector<16xi32>], vector<16xf32>, vector<16xi1>
        %mul3A_1578 = arith.constant 8 : i32
        %mul3A_1579 = arith.muli %select_n3A_697, %mul3A_1578 : i32
        %add3A_1580 = arith.constant 1 : i32
        %add3A_1581 = arith.addi %mul3A_1579, %add3A_1580 : i32
        %broadcast_in_dim3A_1582 = vector.broadcast %add3A_1581 : i32 to vector<16xi32>
        tpu.vector_store_idx %arg14[%add3A_1567, %broadcast_in_dim3A_1582], %gather3A_1577 masked %lt3A_1565 : memref<640x128xf32, #tpu.memory_space<vmem>>[vector<16xi32>, vector<16xi32>], vector<16xf32>, vector<16xi1>
        %broadcast_in_dim3A_1583 = arith.constant 2 : i32
        %broadcast_in_dim3A_1584 = vector.broadcast %broadcast_in_dim3A_1583 : i32 to vector<16xi32>
        %gather3A_1585 = tpu.vector_load_idx %arg15[%broadcast_in_dim3A_1584, %sub3A_1559] masked %lt3A_1565 : memref<8x512xf32, #tpu.memory_space<vmem>>[vector<16xi32>, vector<16xi32>], vector<16xf32>, vector<16xi1>
        %mul3A_1586 = arith.constant 8 : i32
        %mul3A_1587 = arith.muli %select_n3A_697, %mul3A_1586 : i32
        %add3A_1588 = arith.constant 2 : i32
        %add3A_1589 = arith.addi %mul3A_1587, %add3A_1588 : i32
        %broadcast_in_dim3A_1590 = vector.broadcast %add3A_1589 : i32 to vector<16xi32>
        tpu.vector_store_idx %arg14[%add3A_1567, %broadcast_in_dim3A_1590], %gather3A_1585 masked %lt3A_1565 : memref<640x128xf32, #tpu.memory_space<vmem>>[vector<16xi32>, vector<16xi32>], vector<16xf32>, vector<16xi1>
        %broadcast_in_dim3A_1591 = arith.constant 3 : i32
        %broadcast_in_dim3A_1592 = vector.broadcast %broadcast_in_dim3A_1591 : i32 to vector<16xi32>
        %gather3A_1593 = tpu.vector_load_idx %arg15[%broadcast_in_dim3A_1592, %sub3A_1559] masked %lt3A_1565 : memref<8x512xf32, #tpu.memory_space<vmem>>[vector<16xi32>, vector<16xi32>], vector<16xf32>, vector<16xi1>
        %mul3A_1594 = arith.constant 8 : i32
        %mul3A_1595 = arith.muli %select_n3A_697, %mul3A_1594 : i32
        %add3A_1596 = arith.constant 3 : i32
        %add3A_1597 = arith.addi %mul3A_1595, %add3A_1596 : i32
        %broadcast_in_dim3A_1598 = vector.broadcast %add3A_1597 : i32 to vector<16xi32>
        tpu.vector_store_idx %arg14[%add3A_1567, %broadcast_in_dim3A_1598], %gather3A_1593 masked %lt3A_1565 : memref<640x128xf32, #tpu.memory_space<vmem>>[vector<16xi32>, vector<16xi32>], vector<16xf32>, vector<16xi1>
        %broadcast_in_dim3A_1599 = arith.constant 4 : i32
        %broadcast_in_dim3A_1600 = vector.broadcast %broadcast_in_dim3A_1599 : i32 to vector<16xi32>
        %gather3A_1601 = tpu.vector_load_idx %arg15[%broadcast_in_dim3A_1600, %sub3A_1559] masked %lt3A_1565 : memref<8x512xf32, #tpu.memory_space<vmem>>[vector<16xi32>, vector<16xi32>], vector<16xf32>, vector<16xi1>
        %mul3A_1602 = arith.constant 8 : i32
        %mul3A_1603 = arith.muli %select_n3A_697, %mul3A_1602 : i32
        %add3A_1604 = arith.constant 4 : i32
        %add3A_1605 = arith.addi %mul3A_1603, %add3A_1604 : i32
        %broadcast_in_dim3A_1606 = vector.broadcast %add3A_1605 : i32 to vector<16xi32>
        tpu.vector_store_idx %arg14[%add3A_1567, %broadcast_in_dim3A_1606], %gather3A_1601 masked %lt3A_1565 : memref<640x128xf32, #tpu.memory_space<vmem>>[vector<16xi32>, vector<16xi32>], vector<16xf32>, vector<16xi1>
        %broadcast_in_dim3A_1607 = arith.constant 5 : i32
        %broadcast_in_dim3A_1608 = vector.broadcast %broadcast_in_dim3A_1607 : i32 to vector<16xi32>
        %gather3A_1609 = tpu.vector_load_idx %arg15[%broadcast_in_dim3A_1608, %sub3A_1559] masked %lt3A_1565 : memref<8x512xf32, #tpu.memory_space<vmem>>[vector<16xi32>, vector<16xi32>], vector<16xf32>, vector<16xi1>
        %mul3A_1610 = arith.constant 8 : i32
        %mul3A_1611 = arith.muli %select_n3A_697, %mul3A_1610 : i32
        %add3A_1612 = arith.constant 5 : i32
        %add3A_1613 = arith.addi %mul3A_1611, %add3A_1612 : i32
        %broadcast_in_dim3A_1614 = vector.broadcast %add3A_1613 : i32 to vector<16xi32>
        tpu.vector_store_idx %arg14[%add3A_1567, %broadcast_in_dim3A_1614], %gather3A_1609 masked %lt3A_1565 : memref<640x128xf32, #tpu.memory_space<vmem>>[vector<16xi32>, vector<16xi32>], vector<16xf32>, vector<16xi1>
        %broadcast_in_dim3A_1615 = arith.constant 6 : i32
        %broadcast_in_dim3A_1616 = vector.broadcast %broadcast_in_dim3A_1615 : i32 to vector<16xi32>
        %gather3A_1617 = tpu.vector_load_idx %arg15[%broadcast_in_dim3A_1616, %sub3A_1559] masked %lt3A_1565 : memref<8x512xf32, #tpu.memory_space<vmem>>[vector<16xi32>, vector<16xi32>], vector<16xf32>, vector<16xi1>
        %mul3A_1618 = arith.constant 8 : i32
        %mul3A_1619 = arith.muli %select_n3A_697, %mul3A_1618 : i32
        %add3A_1620 = arith.constant 6 : i32
        %add3A_1621 = arith.addi %mul3A_1619, %add3A_1620 : i32
        %broadcast_in_dim3A_1622 = vector.broadcast %add3A_1621 : i32 to vector<16xi32>
        tpu.vector_store_idx %arg14[%add3A_1567, %broadcast_in_dim3A_1622], %gather3A_1617 masked %lt3A_1565 : memref<640x128xf32, #tpu.memory_space<vmem>>[vector<16xi32>, vector<16xi32>], vector<16xf32>, vector<16xi1>
        %broadcast_in_dim3A_1623 = arith.constant 7 : i32
        %broadcast_in_dim3A_1624 = vector.broadcast %broadcast_in_dim3A_1623 : i32 to vector<16xi32>
        %gather3A_1625 = tpu.vector_load_idx %arg15[%broadcast_in_dim3A_1624, %sub3A_1559] masked %lt3A_1565 : memref<8x512xf32, #tpu.memory_space<vmem>>[vector<16xi32>, vector<16xi32>], vector<16xf32>, vector<16xi1>
        %mul3A_1626 = arith.constant 8 : i32
        %mul3A_1627 = arith.muli %select_n3A_697, %mul3A_1626 : i32
        %add3A_1628 = arith.constant 7 : i32
        %add3A_1629 = arith.addi %mul3A_1627, %add3A_1628 : i32
        %broadcast_in_dim3A_1630 = vector.broadcast %add3A_1629 : i32 to vector<16xi32>
        tpu.vector_store_idx %arg14[%add3A_1567, %broadcast_in_dim3A_1630], %gather3A_1625 masked %lt3A_1565 : memref<640x128xf32, #tpu.memory_space<vmem>>[vector<16xi32>, vector<16xi32>], vector<16xf32>, vector<16xi1>
        %while3A_1631 = arith.constant 0 : i32
        scf.yield %while3A_1631 : i32
      }
      %while3A_762 = arith.constant 1 : i32
      %while3A_763 = scf.for %while3A_1551 = %while3A_759 to %while3A_755 step %while3A_762 iter_args(%while3A_1552 = %while3A_761) -> (i32)  : i32 {
        %mul3A_1553 = arith.constant 16 : i32
        %mul3A_1554 = arith.muli %while3A_1551, %mul3A_1553 : i32
        %add3A_1555 = arith.addi %squeeze3A, %mul3A_1554 : i32
        %get3A_1556 = arith.index_cast %add3A_1555 : i32 to index
        %get3A_1557 = tpu.vector_load %arg9[%get3A_1556] {strides = array<i32>} : memref<1040xi32, #tpu.memory_space<vmem>>, vector<16xi32>,
        %sub3A_1558 = vector.broadcast %add3A_715 : i32 to vector<16xi32>
        %sub3A_1559 = arith.subi %get3A_1557, %sub3A_1558 : vector<16xi32>
        %mul3A_1560 = arith.constant 16 : i32
        %mul3A_1561 = arith.muli %while3A_1551, %mul3A_1560 : i32
        %add3A_1562 = vector.broadcast %mul3A_1561 : i32 to vector<16xi32>
        %add3A_1563 = arith.addi %iota3A, %add3A_1562 : vector<16xi32>
        %lt3A_1564 = vector.broadcast %sub3A_723 : i32 to vector<16xi32>
        %lt3A_1565 = arith.cmpi slt, %add3A_1563, %lt3A_1564 : vector<16xi32>
        %add3A_1566 = vector.broadcast %add3A_1555 : i32 to vector<16xi32>
        %add3A_1567 = arith.addi %add3A_1566, %iota3A : vector<16xi32>
        %broadcast_in_dim3A_1568 = arith.constant 0 : i32
        %broadcast_in_dim3A_1569 = vector.broadcast %broadcast_in_dim3A_1568 : i32 to vector<16xi32>
        %gather3A = tpu.vector_load_idx %arg15[%broadcast_in_dim3A_1569, %sub3A_1559] masked %lt3A_1565 : memref<8x512xf32, #tpu.memory_space<vmem>>[vector<16xi32>, vector<16xi32>], vector<16xf32>, vector<16xi1>
        %mul3A_1570 = arith.constant 8 : i32
        %mul3A_1571 = arith.muli %select_n3A_697, %mul3A_1570 : i32
        %add3A_1572 = arith.constant 0 : i32
        %add3A_1573 = arith.addi %mul3A_1571, %add3A_1572 : i32
        %broadcast_in_dim3A_1574 = vector.broadcast %add3A_1573 : i32 to vector<16xi32>
        tpu.vector_store_idx %arg14[%add3A_1567, %broadcast_in_dim3A_1574], %gather3A masked %lt3A_1565 : memref<640x128xf32, #tpu.memory_space<vmem>>[vector<16xi32>, vector<16xi32>], vector<16xf32>, vector<16xi1>
        %broadcast_in_dim3A_1575 = arith.constant 1 : i32
        %broadcast_in_dim3A_1576 = vector.broadcast %broadcast_in_dim3A_1575 : i32 to vector<16xi32>
        %gather3A_1577 = tpu.vector_load_idx %arg15[%broadcast_in_dim3A_1576, %sub3A_1559] masked %lt3A_1565 : memref<8x512xf32, #tpu.memory_space<vmem>>[vector<16xi32>, vector<16xi32>], vector<16xf32>, vector<16xi1>
        %mul3A_1578 = arith.constant 8 : i32
        %mul3A_1579 = arith.muli %select_n3A_697, %mul3A_1578 : i32
        %add3A_1580 = arith.constant 1 : i32
        %add3A_1581 = arith.addi %mul3A_1579, %add3A_1580 : i32
        %broadcast_in_dim3A_1582 = vector.broadcast %add3A_1581 : i32 to vector<16xi32>
        tpu.vector_store_idx %arg14[%add3A_1567, %broadcast_in_dim3A_1582], %gather3A_1577 masked %lt3A_1565 : memref<640x128xf32, #tpu.memory_space<vmem>>[vector<16xi32>, vector<16xi32>], vector<16xf32>, vector<16xi1>
        %broadcast_in_dim3A_1583 = arith.constant 2 : i32
        %broadcast_in_dim3A_1584 = vector.broadcast %broadcast_in_dim3A_1583 : i32 to vector<16xi32>
        %gather3A_1585 = tpu.vector_load_idx %arg15[%broadcast_in_dim3A_1584, %sub3A_1559] masked %lt3A_1565 : memref<8x512xf32, #tpu.memory_space<vmem>>[vector<16xi32>, vector<16xi32>], vector<16xf32>, vector<16xi1>
        %mul3A_1586 = arith.constant 8 : i32
        %mul3A_1587 = arith.muli %select_n3A_697, %mul3A_1586 : i32
        %add3A_1588 = arith.constant 2 : i32
        %add3A_1589 = arith.addi %mul3A_1587, %add3A_1588 : i32
        %broadcast_in_dim3A_1590 = vector.broadcast %add3A_1589 : i32 to vector<16xi32>
        tpu.vector_store_idx %arg14[%add3A_1567, %broadcast_in_dim3A_1590], %gather3A_1585 masked %lt3A_1565 : memref<640x128xf32, #tpu.memory_space<vmem>>[vector<16xi32>, vector<16xi32>], vector<16xf32>, vector<16xi1>
        %broadcast_in_dim3A_1591 = arith.constant 3 : i32
        %broadcast_in_dim3A_1592 = vector.broadcast %broadcast_in_dim3A_1591 : i32 to vector<16xi32>
        %gather3A_1593 = tpu.vector_load_idx %arg15[%broadcast_in_dim3A_1592, %sub3A_1559] masked %lt3A_1565 : memref<8x512xf32, #tpu.memory_space<vmem>>[vector<16xi32>, vector<16xi32>], vector<16xf32>, vector<16xi1>
        %mul3A_1594 = arith.constant 8 : i32
        %mul3A_1595 = arith.muli %select_n3A_697, %mul3A_1594 : i32
        %add3A_1596 = arith.constant 3 : i32
        %add3A_1597 = arith.addi %mul3A_1595, %add3A_1596 : i32
        %broadcast_in_dim3A_1598 = vector.broadcast %add3A_1597 : i32 to vector<16xi32>
        tpu.vector_store_idx %arg14[%add3A_1567, %broadcast_in_dim3A_1598], %gather3A_1593 masked %lt3A_1565 : memref<640x128xf32, #tpu.memory_space<vmem>>[vector<16xi32>, vector<16xi32>], vector<16xf32>, vector<16xi1>
        %broadcast_in_dim3A_1599 = arith.constant 4 : i32
        %broadcast_in_dim3A_1600 = vector.broadcast %broadcast_in_dim3A_1599 : i32 to vector<16xi32>
        %gather3A_1601 = tpu.vector_load_idx %arg15[%broadcast_in_dim3A_1600, %sub3A_1559] masked %lt3A_1565 : memref<8x512xf32, #tpu.memory_space<vmem>>[vector<16xi32>, vector<16xi32>], vector<16xf32>, vector<16xi1>
        %mul3A_1602 = arith.constant 8 : i32
        %mul3A_1603 = arith.muli %select_n3A_697, %mul3A_1602 : i32
        %add3A_1604 = arith.constant 4 : i32
        %add3A_1605 = arith.addi %mul3A_1603, %add3A_1604 : i32
        %broadcast_in_dim3A_1606 = vector.broadcast %add3A_1605 : i32 to vector<16xi32>
        tpu.vector_store_idx %arg14[%add3A_1567, %broadcast_in_dim3A_1606], %gather3A_1601 masked %lt3A_1565 : memref<640x128xf32, #tpu.memory_space<vmem>>[vector<16xi32>, vector<16xi32>], vector<16xf32>, vector<16xi1>
        %broadcast_in_dim3A_1607 = arith.constant 5 : i32
        %broadcast_in_dim3A_1608 = vector.broadcast %broadcast_in_dim3A_1607 : i32 to vector<16xi32>
        %gather3A_1609 = tpu.vector_load_idx %arg15[%broadcast_in_dim3A_1608, %sub3A_1559] masked %lt3A_1565 : memref<8x512xf32, #tpu.memory_space<vmem>>[vector<16xi32>, vector<16xi32>], vector<16xf32>, vector<16xi1>
        %mul3A_1610 = arith.constant 8 : i32
        %mul3A_1611 = arith.muli %select_n3A_697, %mul3A_1610 : i32
        %add3A_1612 = arith.constant 5 : i32
        %add3A_1613 = arith.addi %mul3A_1611, %add3A_1612 : i32
        %broadcast_in_dim3A_1614 = vector.broadcast %add3A_1613 : i32 to vector<16xi32>
        tpu.vector_store_idx %arg14[%add3A_1567, %broadcast_in_dim3A_1614], %gather3A_1609 masked %lt3A_1565 : memref<640x128xf32, #tpu.memory_space<vmem>>[vector<16xi32>, vector<16xi32>], vector<16xf32>, vector<16xi1>
        %broadcast_in_dim3A_1615 = arith.constant 6 : i32
        %broadcast_in_dim3A_1616 = vector.broadcast %broadcast_in_dim3A_1615 : i32 to vector<16xi32>
        %gather3A_1617 = tpu.vector_load_idx %arg15[%broadcast_in_dim3A_1616, %sub3A_1559] masked %lt3A_1565 : memref<8x512xf32, #tpu.memory_space<vmem>>[vector<16xi32>, vector<16xi32>], vector<16xf32>, vector<16xi1>
        %mul3A_1618 = arith.constant 8 : i32
        %mul3A_1619 = arith.muli %select_n3A_697, %mul3A_1618 : i32
        %add3A_1620 = arith.constant 6 : i32
        %add3A_1621 = arith.addi %mul3A_1619, %add3A_1620 : i32
        %broadcast_in_dim3A_1622 = vector.broadcast %add3A_1621 : i32 to vector<16xi32>
        tpu.vector_store_idx %arg14[%add3A_1567, %broadcast_in_dim3A_1622], %gather3A_1617 masked %lt3A_1565 : memref<640x128xf32, #tpu.memory_space<vmem>>[vector<16xi32>, vector<16xi32>], vector<16xf32>, vector<16xi1>
        %broadcast_in_dim3A_1623 = arith.constant 7 : i32
        %broadcast_in_dim3A_1624 = vector.broadcast %broadcast_in_dim3A_1623 : i32 to vector<16xi32>
        %gather3A_1625 = tpu.vector_load_idx %arg15[%broadcast_in_dim3A_1624, %sub3A_1559] masked %lt3A_1565 : memref<8x512xf32, #tpu.memory_space<vmem>>[vector<16xi32>, vector<16xi32>], vector<16xf32>, vector<16xi1>
        %mul3A_1626 = arith.constant 8 : i32
        %mul3A_1627 = arith.muli %select_n3A_697, %mul3A_1626 : i32
        %add3A_1628 = arith.constant 7 : i32
        %add3A_1629 = arith.addi %mul3A_1627, %add3A_1628 : i32
        %broadcast_in_dim3A_1630 = vector.broadcast %add3A_1629 : i32 to vector<16xi32>
        tpu.vector_store_idx %arg14[%add3A_1567, %broadcast_in_dim3A_1630], %gather3A_1625 masked %lt3A_1565 : memref<640x128xf32, #tpu.memory_space<vmem>>[vector<16xi32>, vector<16xi32>], vector<16xf32>, vector<16xi1>
        %while3A_1631 = arith.constant 0 : i32
        scf.yield %while3A_1631 : i32
      }
      %add3A_764 = arith.constant 0 : i32
      %add3A_765 = arith.addi %mul3A_665, %add3A_764 : i32
      %add3A_766 = arith.constant 8 : i32
      %add3A_767 = arith.addi %add3A_765, %add3A_766 : i32
      %lt3A_768 = arith.constant 488 : i32
      %lt3A_769 = arith.cmpi slt, %add3A_767, %lt3A_768 : i32
      %convert_element_type3A_770 = arith.extui %lt3A_769 : i1 to i32
      %cond3A_771 = arith.constant 0 : i32
      %cond3A_772 = arith.cmpi ne, %convert_element_type3A_770, %cond3A_771 : i32
      scf.if %cond3A_772 {
        %add3A_1551 = arith.constant 0 : i32
        %add3A_1552 = arith.addi %mul3A_665, %add3A_1551 : i32
        %add3A_1553 = arith.constant 8 : i32
        %add3A_1554 = arith.addi %add3A_1552, %add3A_1553 : i32
        %jit3A_1555 = arith.constant 61 : i32
        %div3A_1556 = arith.divsi %add3A_1554, %jit3A_1555 : i32
        %sign3A_1557 = arith.constant 0 : i32
        %sign3A_1558 = arith.cmpi sgt, %add3A_1554, %sign3A_1557 : i32
        %sign3A_1559 = arith.extui %sign3A_1558 : i1 to i32
        %sign3A_1560 = arith.constant 0 : i32
        %sign3A_1561 = arith.cmpi slt, %add3A_1554, %sign3A_1560 : i32
        %sign3A_1562 = arith.extui %sign3A_1561 : i1 to i32
        %sign3A_1563 = arith.subi %sign3A_1559, %sign3A_1562 : i32
        %sign3A_1564 = arith.constant 0 : i32
        %sign3A_1565 = arith.cmpi sgt, %jit3A_1555, %sign3A_1564 : i32
        %sign3A_1566 = arith.extui %sign3A_1565 : i1 to i32
        %sign3A_1567 = arith.constant 0 : i32
        %sign3A_1568 = arith.cmpi slt, %jit3A_1555, %sign3A_1567 : i32
        %sign3A_1569 = arith.extui %sign3A_1568 : i1 to i32
        %sign3A_1570 = arith.subi %sign3A_1566, %sign3A_1569 : i32
        %ne3A_1571 = arith.cmpi ne, %sign3A_1563, %sign3A_1570 : i32
        %rem3A_1572 = arith.remsi %add3A_1554, %jit3A_1555 : i32
        %ne3A_1573 = arith.constant 0 : i32
        %ne3A_1574 = arith.cmpi ne, %rem3A_1572, %ne3A_1573 : i32
        %and3A_1575 = arith.andi %ne3A_1571, %ne3A_1574 : i1
        %sub3A_1576 = arith.constant 1 : i32
        %sub3A_1577 = arith.subi %div3A_1556, %sub3A_1576 : i32
        %select_n3A_1578 = arith.select %and3A_1575, %sub3A_1577, %div3A_1556 : i32
        %jit3A_1579 = arith.constant 61 : i32
        %eq3A_1580 = arith.constant 0 : i32
        %eq3A_1581 = arith.cmpi eq, %jit3A_1579, %eq3A_1580 : i32
        %jit3A_1582 = arith.constant 1 : i32
        %select_n3A_1583 = arith.select %eq3A_1581, %jit3A_1582, %jit3A_1579 : i32
        %rem3A_1584 = arith.remsi %add3A_1554, %select_n3A_1583 : i32
        %ne3A_1585 = arith.constant 0 : i32
        %ne3A_1586 = arith.cmpi ne, %rem3A_1584, %ne3A_1585 : i32
        %lt3A_1587 = arith.constant 0 : i32
        %lt3A_1588 = arith.cmpi slt, %rem3A_1584, %lt3A_1587 : i32
        %lt3A_1589 = arith.constant 0 : i32
        %lt3A_1590 = arith.cmpi slt, %select_n3A_1583, %lt3A_1589 : i32
        %ne3A_1591 = arith.xori %lt3A_1588, %lt3A_1590 : i1
        %and3A_1592 = arith.andi %ne3A_1591, %ne3A_1586 : i1
        %add3A_1593 = arith.addi %rem3A_1584, %select_n3A_1583 : i32
        %select_n3A_1594 = arith.select %and3A_1592, %add3A_1593, %rem3A_1584 : i32
        %mul3A_1595 = arith.constant 8 : i32
        %mul3A_1596 = arith.muli %select_n3A_1578, %mul3A_1595 : i32
        %multiple_of3A_1597 = tpu.assume_multiple %mul3A_1596, 8 : i32
        %mul3A_1598 = arith.constant 512 : i32
        %mul3A_1599 = arith.muli %select_n3A_1594, %mul3A_1598 : i32
        %add3A_1600 = arith.addi %mul3A_2, %mul3A_1599 : i32
        %multiple_of3A_1601 = tpu.assume_multiple %add3A_1600, 128 : i32
        %dma_start3A_1602 = tpu.memref_slice %arg2[%multiple_of3A_1597, %multiple_of3A_1601] : memref<64x1000000xf32, #tpu.memory_space<hbm>> -> memref<8x512xf32, #tpu.memory_space<hbm>>
        %dma_start3A_1603 = tpu.memref_slice %arg2[%multiple_of3A_1597, %multiple_of3A_1601] : memref<64x1000000xf32, #tpu.memory_space<hbm>> -> memref<8x512xf32, #tpu.memory_space<hbm>>
        tpu.enqueue_dma source(%dma_start3A_1603 : memref<8x512xf32, #tpu.memory_space<hbm>>) target(%arg15 : memref<8x512xf32, #tpu.memory_space<vmem>>) target_semaphore(%arg25 : memref<!tpu.dma_semaphore, #tpu.memory_space<semaphore_mem>>)
      } else {
      }
      %dma_wait3A_773 = arith.constant 0 : i32
      %dma_wait3A_774 = arith.constant 0 : i32
      %dma_wait3A_775 = tpu.memref_slice %arg2[%dma_wait3A_773, %dma_wait3A_774] : memref<64x1000000xf32, #tpu.memory_space<hbm>> -> memref<8x512xf32, #tpu.memory_space<hbm>>
      %dma_wait3A_776 = arith.constant 0 : i32
      %dma_wait3A_777 = arith.constant 0 : i32
      %dma_wait3A_778 = tpu.memref_slice %arg2[%dma_wait3A_776, %dma_wait3A_777] : memref<64x1000000xf32, #tpu.memory_space<hbm>> -> memref<8x512xf32, #tpu.memory_space<hbm>>
      tpu.wait_dma2 semaphore(%arg25 : memref<!tpu.dma_semaphore, #tpu.memory_space<semaphore_mem>>) src(%dma_wait3A_778 : memref<8x512xf32, #tpu.memory_space<hbm>>) dst(%arg15 : memref<8x512xf32, #tpu.memory_space<vmem>>)
      %add3A_779 = arith.constant 1 : i32
      %add3A_780 = arith.addi %mul3A_665, %add3A_779 : i32
      %jit3A_781 = arith.constant 61 : i32
      %div3A_782 = arith.divsi %add3A_780, %jit3A_781 : i32
      %sign3A_783 = arith.constant 0 : i32
      %sign3A_784 = arith.cmpi sgt, %add3A_780, %sign3A_783 : i32
      %sign3A_785 = arith.extui %sign3A_784 : i1 to i32
      %sign3A_786 = arith.constant 0 : i32
      %sign3A_787 = arith.cmpi slt, %add3A_780, %sign3A_786 : i32
      %sign3A_788 = arith.extui %sign3A_787 : i1 to i32
      %sign3A_789 = arith.subi %sign3A_785, %sign3A_788 : i32
      %sign3A_790 = arith.constant 0 : i32
      %sign3A_791 = arith.cmpi sgt, %jit3A_781, %sign3A_790 : i32
      %sign3A_792 = arith.extui %sign3A_791 : i1 to i32
      %sign3A_793 = arith.constant 0 : i32
      %sign3A_794 = arith.cmpi slt, %jit3A_781, %sign3A_793 : i32
      %sign3A_795 = arith.extui %sign3A_794 : i1 to i32
      %sign3A_796 = arith.subi %sign3A_792, %sign3A_795 : i32
      %ne3A_797 = arith.cmpi ne, %sign3A_789, %sign3A_796 : i32
      %rem3A_798 = arith.remsi %add3A_780, %jit3A_781 : i32
      %ne3A_799 = arith.constant 0 : i32
      %ne3A_800 = arith.cmpi ne, %rem3A_798, %ne3A_799 : i32
      %and3A_801 = arith.andi %ne3A_797, %ne3A_800 : i1
      %sub3A_802 = arith.constant 1 : i32
      %sub3A_803 = arith.subi %div3A_782, %sub3A_802 : i32
      %select_n3A_804 = arith.select %and3A_801, %sub3A_803, %div3A_782 : i32
      %jit3A_805 = arith.constant 61 : i32
      %eq3A_806 = arith.constant 0 : i32
      %eq3A_807 = arith.cmpi eq, %jit3A_805, %eq3A_806 : i32
      %jit3A_808 = arith.constant 1 : i32
      %select_n3A_809 = arith.select %eq3A_807, %jit3A_808, %jit3A_805 : i32
      %rem3A_810 = arith.remsi %add3A_780, %select_n3A_809 : i32
      %ne3A_811 = arith.constant 0 : i32
      %ne3A_812 = arith.cmpi ne, %rem3A_810, %ne3A_811 : i32
      %lt3A_813 = arith.constant 0 : i32
      %lt3A_814 = arith.cmpi slt, %rem3A_810, %lt3A_813 : i32
      %lt3A_815 = arith.constant 0 : i32
      %lt3A_816 = arith.cmpi slt, %select_n3A_809, %lt3A_815 : i32
      %ne3A_817 = arith.xori %lt3A_814, %lt3A_816 : i1
      %and3A_818 = arith.andi %ne3A_817, %ne3A_812 : i1
      %add3A_819 = arith.addi %rem3A_810, %select_n3A_809 : i32
      %select_n3A_820 = arith.select %and3A_818, %add3A_819, %rem3A_810 : i32
      %mul3A_821 = arith.constant 512 : i32
      %mul3A_822 = arith.muli %select_n3A_820, %mul3A_821 : i32
      %add3A_823 = arith.addi %mul3A_2, %mul3A_822 : i32
      %get3A_824 = arith.index_cast %select_n3A_820 : i32 to index
      %get3A_825 = tpu.vector_load %arg11[%get3A_824] {strides = array<i32>} : memref<78xi32, #tpu.memory_space<vmem>>, vector<16xi32>,
      %slice3A_826 = vector.extract_strided_slice %get3A_825 {offsets = [0], sizes = [1], strides = [1]} : vector<16xi32> to vector<1xi32>
      %squeeze3A_827 = vector.extract %slice3A_826[0] : i32 from vector<1xi32>
      %add3A_828 = arith.constant 1 : i32
      %add3A_829 = arith.addi %select_n3A_820, %add3A_828 : i32
      %get3A_830 = arith.index_cast %add3A_829 : i32 to index
      %get3A_831 = tpu.vector_load %arg11[%get3A_830] {strides = array<i32>} : memref<78xi32, #tpu.memory_space<vmem>>, vector<16xi32>,
      %slice3A_832 = vector.extract_strided_slice %get3A_831 {offsets = [0], sizes = [1], strides = [1]} : vector<16xi32> to vector<1xi32>
      %squeeze3A_833 = vector.extract %slice3A_832[0] : i32 from vector<1xi32>
      %sub3A_834 = arith.subi %squeeze3A_833, %squeeze3A_827 : i32
      %add3A_835 = arith.constant 16 : i32
      %add3A_836 = arith.addi %sub3A_834, %add3A_835 : i32
      %sub3A_837 = arith.constant 1 : i32
      %sub3A_838 = arith.subi %add3A_836, %sub3A_837 : i32
      %jit3A_839 = arith.constant 16 : i32
      %div3A_840 = arith.divsi %sub3A_838, %jit3A_839 : i32
      %sign3A_841 = arith.constant 0 : i32
      %sign3A_842 = arith.cmpi sgt, %sub3A_838, %sign3A_841 : i32
      %sign3A_843 = arith.extui %sign3A_842 : i1 to i32
      %sign3A_844 = arith.constant 0 : i32
      %sign3A_845 = arith.cmpi slt, %sub3A_838, %sign3A_844 : i32
      %sign3A_846 = arith.extui %sign3A_845 : i1 to i32
      %sign3A_847 = arith.subi %sign3A_843, %sign3A_846 : i32
      %sign3A_848 = arith.constant 0 : i32
      %sign3A_849 = arith.cmpi sgt, %jit3A_839, %sign3A_848 : i32
      %sign3A_850 = arith.extui %sign3A_849 : i1 to i32
      %sign3A_851 = arith.constant 0 : i32
      %sign3A_852 = arith.cmpi slt, %jit3A_839, %sign3A_851 : i32
      %sign3A_853 = arith.extui %sign3A_852 : i1 to i32
      %sign3A_854 = arith.subi %sign3A_850, %sign3A_853 : i32
      %ne3A_855 = arith.cmpi ne, %sign3A_847, %sign3A_854 : i32
      %rem3A_856 = arith.remsi %sub3A_838, %jit3A_839 : i32
      %ne3A_857 = arith.constant 0 : i32
      %ne3A_858 = arith.cmpi ne, %rem3A_856, %ne3A_857 : i32
      %and3A_859 = arith.andi %ne3A_855, %ne3A_858 : i1
      %sub3A_860 = arith.constant 1 : i32
      %sub3A_861 = arith.subi %div3A_840, %sub3A_860 : i32
      %select_n3A_862 = arith.select %and3A_859, %sub3A_861, %div3A_840 : i32
      %while3A_863 = arith.constant 0 : i32
      %while3A_864 = arith.constant 0 : i32
      %while3A_865 = arith.subi %select_n3A_862, %while3A_863 : i32
      %while3A_866 = arith.addi %while3A_863, %while3A_865 : i32
      %while3A_867 = arith.constant 1 : i32
      %while3A_868 = arith.divsi %while3A_865, %while3A_867 : i32
      %while3A_869 = arith.muli %while3A_868, %while3A_867 : i32
      %while3A_870 = arith.addi %while3A_863, %while3A_869 : i32
      %while3A_871 = arith.constant 1 : i32
      %while3A_872 = scf.for %while3A_1551 = %while3A_863 to %while3A_870 step %while3A_871 iter_args(%while3A_1552 = %while3A_864) -> (i32)  : i32 {
        %mul3A_1553 = arith.constant 16 : i32
        %mul3A_1554 = arith.muli %while3A_1551, %mul3A_1553 : i32
        %add3A_1555 = arith.addi %squeeze3A_827, %mul3A_1554 : i32
        %get3A_1556 = arith.index_cast %add3A_1555 : i32 to index
        %get3A_1557 = tpu.vector_load %arg9[%get3A_1556] {strides = array<i32>} : memref<1040xi32, #tpu.memory_space<vmem>>, vector<16xi32>,
        %sub3A_1558 = vector.broadcast %add3A_823 : i32 to vector<16xi32>
        %sub3A_1559 = arith.subi %get3A_1557, %sub3A_1558 : vector<16xi32>
        %mul3A_1560 = arith.constant 16 : i32
        %mul3A_1561 = arith.muli %while3A_1551, %mul3A_1560 : i32
        %add3A_1562 = vector.broadcast %mul3A_1561 : i32 to vector<16xi32>
        %add3A_1563 = arith.addi %iota3A, %add3A_1562 : vector<16xi32>
        %lt3A_1564 = vector.broadcast %sub3A_834 : i32 to vector<16xi32>
        %lt3A_1565 = arith.cmpi slt, %add3A_1563, %lt3A_1564 : vector<16xi32>
        %add3A_1566 = vector.broadcast %add3A_1555 : i32 to vector<16xi32>
        %add3A_1567 = arith.addi %add3A_1566, %iota3A : vector<16xi32>
        %broadcast_in_dim3A_1568 = arith.constant 0 : i32
        %broadcast_in_dim3A_1569 = vector.broadcast %broadcast_in_dim3A_1568 : i32 to vector<16xi32>
        %gather3A = tpu.vector_load_idx %arg16[%broadcast_in_dim3A_1569, %sub3A_1559] masked %lt3A_1565 : memref<8x512xf32, #tpu.memory_space<vmem>>[vector<16xi32>, vector<16xi32>], vector<16xf32>, vector<16xi1>
        %mul3A_1570 = arith.constant 8 : i32
        %mul3A_1571 = arith.muli %select_n3A_804, %mul3A_1570 : i32
        %add3A_1572 = arith.constant 0 : i32
        %add3A_1573 = arith.addi %mul3A_1571, %add3A_1572 : i32
        %broadcast_in_dim3A_1574 = vector.broadcast %add3A_1573 : i32 to vector<16xi32>
        tpu.vector_store_idx %arg14[%add3A_1567, %broadcast_in_dim3A_1574], %gather3A masked %lt3A_1565 : memref<640x128xf32, #tpu.memory_space<vmem>>[vector<16xi32>, vector<16xi32>], vector<16xf32>, vector<16xi1>
        %broadcast_in_dim3A_1575 = arith.constant 1 : i32
        %broadcast_in_dim3A_1576 = vector.broadcast %broadcast_in_dim3A_1575 : i32 to vector<16xi32>
        %gather3A_1577 = tpu.vector_load_idx %arg16[%broadcast_in_dim3A_1576, %sub3A_1559] masked %lt3A_1565 : memref<8x512xf32, #tpu.memory_space<vmem>>[vector<16xi32>, vector<16xi32>], vector<16xf32>, vector<16xi1>
        %mul3A_1578 = arith.constant 8 : i32
        %mul3A_1579 = arith.muli %select_n3A_804, %mul3A_1578 : i32
        %add3A_1580 = arith.constant 1 : i32
        %add3A_1581 = arith.addi %mul3A_1579, %add3A_1580 : i32
        %broadcast_in_dim3A_1582 = vector.broadcast %add3A_1581 : i32 to vector<16xi32>
        tpu.vector_store_idx %arg14[%add3A_1567, %broadcast_in_dim3A_1582], %gather3A_1577 masked %lt3A_1565 : memref<640x128xf32, #tpu.memory_space<vmem>>[vector<16xi32>, vector<16xi32>], vector<16xf32>, vector<16xi1>
        %broadcast_in_dim3A_1583 = arith.constant 2 : i32
        %broadcast_in_dim3A_1584 = vector.broadcast %broadcast_in_dim3A_1583 : i32 to vector<16xi32>
        %gather3A_1585 = tpu.vector_load_idx %arg16[%broadcast_in_dim3A_1584, %sub3A_1559] masked %lt3A_1565 : memref<8x512xf32, #tpu.memory_space<vmem>>[vector<16xi32>, vector<16xi32>], vector<16xf32>, vector<16xi1>
        %mul3A_1586 = arith.constant 8 : i32
        %mul3A_1587 = arith.muli %select_n3A_804, %mul3A_1586 : i32
        %add3A_1588 = arith.constant 2 : i32
        %add3A_1589 = arith.addi %mul3A_1587, %add3A_1588 : i32
        %broadcast_in_dim3A_1590 = vector.broadcast %add3A_1589 : i32 to vector<16xi32>
        tpu.vector_store_idx %arg14[%add3A_1567, %broadcast_in_dim3A_1590], %gather3A_1585 masked %lt3A_1565 : memref<640x128xf32, #tpu.memory_space<vmem>>[vector<16xi32>, vector<16xi32>], vector<16xf32>, vector<16xi1>
        %broadcast_in_dim3A_1591 = arith.constant 3 : i32
        %broadcast_in_dim3A_1592 = vector.broadcast %broadcast_in_dim3A_1591 : i32 to vector<16xi32>
        %gather3A_1593 = tpu.vector_load_idx %arg16[%broadcast_in_dim3A_1592, %sub3A_1559] masked %lt3A_1565 : memref<8x512xf32, #tpu.memory_space<vmem>>[vector<16xi32>, vector<16xi32>], vector<16xf32>, vector<16xi1>
        %mul3A_1594 = arith.constant 8 : i32
        %mul3A_1595 = arith.muli %select_n3A_804, %mul3A_1594 : i32
        %add3A_1596 = arith.constant 3 : i32
        %add3A_1597 = arith.addi %mul3A_1595, %add3A_1596 : i32
        %broadcast_in_dim3A_1598 = vector.broadcast %add3A_1597 : i32 to vector<16xi32>
        tpu.vector_store_idx %arg14[%add3A_1567, %broadcast_in_dim3A_1598], %gather3A_1593 masked %lt3A_1565 : memref<640x128xf32, #tpu.memory_space<vmem>>[vector<16xi32>, vector<16xi32>], vector<16xf32>, vector<16xi1>
        %broadcast_in_dim3A_1599 = arith.constant 4 : i32
        %broadcast_in_dim3A_1600 = vector.broadcast %broadcast_in_dim3A_1599 : i32 to vector<16xi32>
        %gather3A_1601 = tpu.vector_load_idx %arg16[%broadcast_in_dim3A_1600, %sub3A_1559] masked %lt3A_1565 : memref<8x512xf32, #tpu.memory_space<vmem>>[vector<16xi32>, vector<16xi32>], vector<16xf32>, vector<16xi1>
        %mul3A_1602 = arith.constant 8 : i32
        %mul3A_1603 = arith.muli %select_n3A_804, %mul3A_1602 : i32
        %add3A_1604 = arith.constant 4 : i32
        %add3A_1605 = arith.addi %mul3A_1603, %add3A_1604 : i32
        %broadcast_in_dim3A_1606 = vector.broadcast %add3A_1605 : i32 to vector<16xi32>
        tpu.vector_store_idx %arg14[%add3A_1567, %broadcast_in_dim3A_1606], %gather3A_1601 masked %lt3A_1565 : memref<640x128xf32, #tpu.memory_space<vmem>>[vector<16xi32>, vector<16xi32>], vector<16xf32>, vector<16xi1>
        %broadcast_in_dim3A_1607 = arith.constant 5 : i32
        %broadcast_in_dim3A_1608 = vector.broadcast %broadcast_in_dim3A_1607 : i32 to vector<16xi32>
        %gather3A_1609 = tpu.vector_load_idx %arg16[%broadcast_in_dim3A_1608, %sub3A_1559] masked %lt3A_1565 : memref<8x512xf32, #tpu.memory_space<vmem>>[vector<16xi32>, vector<16xi32>], vector<16xf32>, vector<16xi1>
        %mul3A_1610 = arith.constant 8 : i32
        %mul3A_1611 = arith.muli %select_n3A_804, %mul3A_1610 : i32
        %add3A_1612 = arith.constant 5 : i32
        %add3A_1613 = arith.addi %mul3A_1611, %add3A_1612 : i32
        %broadcast_in_dim3A_1614 = vector.broadcast %add3A_1613 : i32 to vector<16xi32>
        tpu.vector_store_idx %arg14[%add3A_1567, %broadcast_in_dim3A_1614], %gather3A_1609 masked %lt3A_1565 : memref<640x128xf32, #tpu.memory_space<vmem>>[vector<16xi32>, vector<16xi32>], vector<16xf32>, vector<16xi1>
        %broadcast_in_dim3A_1615 = arith.constant 6 : i32
        %broadcast_in_dim3A_1616 = vector.broadcast %broadcast_in_dim3A_1615 : i32 to vector<16xi32>
        %gather3A_1617 = tpu.vector_load_idx %arg16[%broadcast_in_dim3A_1616, %sub3A_1559] masked %lt3A_1565 : memref<8x512xf32, #tpu.memory_space<vmem>>[vector<16xi32>, vector<16xi32>], vector<16xf32>, vector<16xi1>
        %mul3A_1618 = arith.constant 8 : i32
        %mul3A_1619 = arith.muli %select_n3A_804, %mul3A_1618 : i32
        %add3A_1620 = arith.constant 6 : i32
        %add3A_1621 = arith.addi %mul3A_1619, %add3A_1620 : i32
        %broadcast_in_dim3A_1622 = vector.broadcast %add3A_1621 : i32 to vector<16xi32>
        tpu.vector_store_idx %arg14[%add3A_1567, %broadcast_in_dim3A_1622], %gather3A_1617 masked %lt3A_1565 : memref<640x128xf32, #tpu.memory_space<vmem>>[vector<16xi32>, vector<16xi32>], vector<16xf32>, vector<16xi1>
        %broadcast_in_dim3A_1623 = arith.constant 7 : i32
        %broadcast_in_dim3A_1624 = vector.broadcast %broadcast_in_dim3A_1623 : i32 to vector<16xi32>
        %gather3A_1625 = tpu.vector_load_idx %arg16[%broadcast_in_dim3A_1624, %sub3A_1559] masked %lt3A_1565 : memref<8x512xf32, #tpu.memory_space<vmem>>[vector<16xi32>, vector<16xi32>], vector<16xf32>, vector<16xi1>
        %mul3A_1626 = arith.constant 8 : i32
        %mul3A_1627 = arith.muli %select_n3A_804, %mul3A_1626 : i32
        %add3A_1628 = arith.constant 7 : i32
        %add3A_1629 = arith.addi %mul3A_1627, %add3A_1628 : i32
        %broadcast_in_dim3A_1630 = vector.broadcast %add3A_1629 : i32 to vector<16xi32>
        tpu.vector_store_idx %arg14[%add3A_1567, %broadcast_in_dim3A_1630], %gather3A_1625 masked %lt3A_1565 : memref<640x128xf32, #tpu.memory_space<vmem>>[vector<16xi32>, vector<16xi32>], vector<16xf32>, vector<16xi1>
        %while3A_1631 = arith.constant 0 : i32
        scf.yield %while3A_1631 : i32
      }
      %while3A_873 = arith.constant 1 : i32
      %while3A_874 = scf.for %while3A_1551 = %while3A_870 to %while3A_866 step %while3A_873 iter_args(%while3A_1552 = %while3A_872) -> (i32)  : i32 {
        %mul3A_1553 = arith.constant 16 : i32
        %mul3A_1554 = arith.muli %while3A_1551, %mul3A_1553 : i32
        %add3A_1555 = arith.addi %squeeze3A_827, %mul3A_1554 : i32
        %get3A_1556 = arith.index_cast %add3A_1555 : i32 to index
        %get3A_1557 = tpu.vector_load %arg9[%get3A_1556] {strides = array<i32>} : memref<1040xi32, #tpu.memory_space<vmem>>, vector<16xi32>,
        %sub3A_1558 = vector.broadcast %add3A_823 : i32 to vector<16xi32>
        %sub3A_1559 = arith.subi %get3A_1557, %sub3A_1558 : vector<16xi32>
        %mul3A_1560 = arith.constant 16 : i32
        %mul3A_1561 = arith.muli %while3A_1551, %mul3A_1560 : i32
        %add3A_1562 = vector.broadcast %mul3A_1561 : i32 to vector<16xi32>
        %add3A_1563 = arith.addi %iota3A, %add3A_1562 : vector<16xi32>
        %lt3A_1564 = vector.broadcast %sub3A_834 : i32 to vector<16xi32>
        %lt3A_1565 = arith.cmpi slt, %add3A_1563, %lt3A_1564 : vector<16xi32>
        %add3A_1566 = vector.broadcast %add3A_1555 : i32 to vector<16xi32>
        %add3A_1567 = arith.addi %add3A_1566, %iota3A : vector<16xi32>
        %broadcast_in_dim3A_1568 = arith.constant 0 : i32
        %broadcast_in_dim3A_1569 = vector.broadcast %broadcast_in_dim3A_1568 : i32 to vector<16xi32>
        %gather3A = tpu.vector_load_idx %arg16[%broadcast_in_dim3A_1569, %sub3A_1559] masked %lt3A_1565 : memref<8x512xf32, #tpu.memory_space<vmem>>[vector<16xi32>, vector<16xi32>], vector<16xf32>, vector<16xi1>
        %mul3A_1570 = arith.constant 8 : i32
        %mul3A_1571 = arith.muli %select_n3A_804, %mul3A_1570 : i32
        %add3A_1572 = arith.constant 0 : i32
        %add3A_1573 = arith.addi %mul3A_1571, %add3A_1572 : i32
        %broadcast_in_dim3A_1574 = vector.broadcast %add3A_1573 : i32 to vector<16xi32>
        tpu.vector_store_idx %arg14[%add3A_1567, %broadcast_in_dim3A_1574], %gather3A masked %lt3A_1565 : memref<640x128xf32, #tpu.memory_space<vmem>>[vector<16xi32>, vector<16xi32>], vector<16xf32>, vector<16xi1>
        %broadcast_in_dim3A_1575 = arith.constant 1 : i32
        %broadcast_in_dim3A_1576 = vector.broadcast %broadcast_in_dim3A_1575 : i32 to vector<16xi32>
        %gather3A_1577 = tpu.vector_load_idx %arg16[%broadcast_in_dim3A_1576, %sub3A_1559] masked %lt3A_1565 : memref<8x512xf32, #tpu.memory_space<vmem>>[vector<16xi32>, vector<16xi32>], vector<16xf32>, vector<16xi1>
        %mul3A_1578 = arith.constant 8 : i32
        %mul3A_1579 = arith.muli %select_n3A_804, %mul3A_1578 : i32
        %add3A_1580 = arith.constant 1 : i32
        %add3A_1581 = arith.addi %mul3A_1579, %add3A_1580 : i32
        %broadcast_in_dim3A_1582 = vector.broadcast %add3A_1581 : i32 to vector<16xi32>
        tpu.vector_store_idx %arg14[%add3A_1567, %broadcast_in_dim3A_1582], %gather3A_1577 masked %lt3A_1565 : memref<640x128xf32, #tpu.memory_space<vmem>>[vector<16xi32>, vector<16xi32>], vector<16xf32>, vector<16xi1>
        %broadcast_in_dim3A_1583 = arith.constant 2 : i32
        %broadcast_in_dim3A_1584 = vector.broadcast %broadcast_in_dim3A_1583 : i32 to vector<16xi32>
        %gather3A_1585 = tpu.vector_load_idx %arg16[%broadcast_in_dim3A_1584, %sub3A_1559] masked %lt3A_1565 : memref<8x512xf32, #tpu.memory_space<vmem>>[vector<16xi32>, vector<16xi32>], vector<16xf32>, vector<16xi1>
        %mul3A_1586 = arith.constant 8 : i32
        %mul3A_1587 = arith.muli %select_n3A_804, %mul3A_1586 : i32
        %add3A_1588 = arith.constant 2 : i32
        %add3A_1589 = arith.addi %mul3A_1587, %add3A_1588 : i32
        %broadcast_in_dim3A_1590 = vector.broadcast %add3A_1589 : i32 to vector<16xi32>
        tpu.vector_store_idx %arg14[%add3A_1567, %broadcast_in_dim3A_1590], %gather3A_1585 masked %lt3A_1565 : memref<640x128xf32, #tpu.memory_space<vmem>>[vector<16xi32>, vector<16xi32>], vector<16xf32>, vector<16xi1>
        %broadcast_in_dim3A_1591 = arith.constant 3 : i32
        %broadcast_in_dim3A_1592 = vector.broadcast %broadcast_in_dim3A_1591 : i32 to vector<16xi32>
        %gather3A_1593 = tpu.vector_load_idx %arg16[%broadcast_in_dim3A_1592, %sub3A_1559] masked %lt3A_1565 : memref<8x512xf32, #tpu.memory_space<vmem>>[vector<16xi32>, vector<16xi32>], vector<16xf32>, vector<16xi1>
        %mul3A_1594 = arith.constant 8 : i32
        %mul3A_1595 = arith.muli %select_n3A_804, %mul3A_1594 : i32
        %add3A_1596 = arith.constant 3 : i32
        %add3A_1597 = arith.addi %mul3A_1595, %add3A_1596 : i32
        %broadcast_in_dim3A_1598 = vector.broadcast %add3A_1597 : i32 to vector<16xi32>
        tpu.vector_store_idx %arg14[%add3A_1567, %broadcast_in_dim3A_1598], %gather3A_1593 masked %lt3A_1565 : memref<640x128xf32, #tpu.memory_space<vmem>>[vector<16xi32>, vector<16xi32>], vector<16xf32>, vector<16xi1>
        %broadcast_in_dim3A_1599 = arith.constant 4 : i32
        %broadcast_in_dim3A_1600 = vector.broadcast %broadcast_in_dim3A_1599 : i32 to vector<16xi32>
        %gather3A_1601 = tpu.vector_load_idx %arg16[%broadcast_in_dim3A_1600, %sub3A_1559] masked %lt3A_1565 : memref<8x512xf32, #tpu.memory_space<vmem>>[vector<16xi32>, vector<16xi32>], vector<16xf32>, vector<16xi1>
        %mul3A_1602 = arith.constant 8 : i32
        %mul3A_1603 = arith.muli %select_n3A_804, %mul3A_1602 : i32
        %add3A_1604 = arith.constant 4 : i32
        %add3A_1605 = arith.addi %mul3A_1603, %add3A_1604 : i32
        %broadcast_in_dim3A_1606 = vector.broadcast %add3A_1605 : i32 to vector<16xi32>
        tpu.vector_store_idx %arg14[%add3A_1567, %broadcast_in_dim3A_1606], %gather3A_1601 masked %lt3A_1565 : memref<640x128xf32, #tpu.memory_space<vmem>>[vector<16xi32>, vector<16xi32>], vector<16xf32>, vector<16xi1>
        %broadcast_in_dim3A_1607 = arith.constant 5 : i32
        %broadcast_in_dim3A_1608 = vector.broadcast %broadcast_in_dim3A_1607 : i32 to vector<16xi32>
        %gather3A_1609 = tpu.vector_load_idx %arg16[%broadcast_in_dim3A_1608, %sub3A_1559] masked %lt3A_1565 : memref<8x512xf32, #tpu.memory_space<vmem>>[vector<16xi32>, vector<16xi32>], vector<16xf32>, vector<16xi1>
        %mul3A_1610 = arith.constant 8 : i32
        %mul3A_1611 = arith.muli %select_n3A_804, %mul3A_1610 : i32
        %add3A_1612 = arith.constant 5 : i32
        %add3A_1613 = arith.addi %mul3A_1611, %add3A_1612 : i32
        %broadcast_in_dim3A_1614 = vector.broadcast %add3A_1613 : i32 to vector<16xi32>
        tpu.vector_store_idx %arg14[%add3A_1567, %broadcast_in_dim3A_1614], %gather3A_1609 masked %lt3A_1565 : memref<640x128xf32, #tpu.memory_space<vmem>>[vector<16xi32>, vector<16xi32>], vector<16xf32>, vector<16xi1>
        %broadcast_in_dim3A_1615 = arith.constant 6 : i32
        %broadcast_in_dim3A_1616 = vector.broadcast %broadcast_in_dim3A_1615 : i32 to vector<16xi32>
        %gather3A_1617 = tpu.vector_load_idx %arg16[%broadcast_in_dim3A_1616, %sub3A_1559] masked %lt3A_1565 : memref<8x512xf32, #tpu.memory_space<vmem>>[vector<16xi32>, vector<16xi32>], vector<16xf32>, vector<16xi1>
        %mul3A_1618 = arith.constant 8 : i32
        %mul3A_1619 = arith.muli %select_n3A_804, %mul3A_1618 : i32
        %add3A_1620 = arith.constant 6 : i32
        %add3A_1621 = arith.addi %mul3A_1619, %add3A_1620 : i32
        %broadcast_in_dim3A_1622 = vector.broadcast %add3A_1621 : i32 to vector<16xi32>
        tpu.vector_store_idx %arg14[%add3A_1567, %broadcast_in_dim3A_1622], %gather3A_1617 masked %lt3A_1565 : memref<640x128xf32, #tpu.memory_space<vmem>>[vector<16xi32>, vector<16xi32>], vector<16xf32>, vector<16xi1>
        %broadcast_in_dim3A_1623 = arith.constant 7 : i32
        %broadcast_in_dim3A_1624 = vector.broadcast %broadcast_in_dim3A_1623 : i32 to vector<16xi32>
        %gather3A_1625 = tpu.vector_load_idx %arg16[%broadcast_in_dim3A_1624, %sub3A_1559] masked %lt3A_1565 : memref<8x512xf32, #tpu.memory_space<vmem>>[vector<16xi32>, vector<16xi32>], vector<16xf32>, vector<16xi1>
        %mul3A_1626 = arith.constant 8 : i32
        %mul3A_1627 = arith.muli %select_n3A_804, %mul3A_1626 : i32
        %add3A_1628 = arith.constant 7 : i32
        %add3A_1629 = arith.addi %mul3A_1627, %add3A_1628 : i32
        %broadcast_in_dim3A_1630 = vector.broadcast %add3A_1629 : i32 to vector<16xi32>
        tpu.vector_store_idx %arg14[%add3A_1567, %broadcast_in_dim3A_1630], %gather3A_1625 masked %lt3A_1565 : memref<640x128xf32, #tpu.memory_space<vmem>>[vector<16xi32>, vector<16xi32>], vector<16xf32>, vector<16xi1>
        %while3A_1631 = arith.constant 0 : i32
        scf.yield %while3A_1631 : i32
      }
      %add3A_875 = arith.constant 1 : i32
      %add3A_876 = arith.addi %mul3A_665, %add3A_875 : i32
      %add3A_877 = arith.constant 8 : i32
      %add3A_878 = arith.addi %add3A_876, %add3A_877 : i32
      %lt3A_879 = arith.constant 488 : i32
      %lt3A_880 = arith.cmpi slt, %add3A_878, %lt3A_879 : i32
      %convert_element_type3A_881 = arith.extui %lt3A_880 : i1 to i32
      %cond3A_882 = arith.constant 0 : i32
      %cond3A_883 = arith.cmpi ne, %convert_element_type3A_881, %cond3A_882 : i32
      scf.if %cond3A_883 {
        %add3A_1551 = arith.constant 1 : i32
        %add3A_1552 = arith.addi %mul3A_665, %add3A_1551 : i32
        %add3A_1553 = arith.constant 8 : i32
        %add3A_1554 = arith.addi %add3A_1552, %add3A_1553 : i32
        %jit3A_1555 = arith.constant 61 : i32
        %div3A_1556 = arith.divsi %add3A_1554, %jit3A_1555 : i32
        %sign3A_1557 = arith.constant 0 : i32
        %sign3A_1558 = arith.cmpi sgt, %add3A_1554, %sign3A_1557 : i32
        %sign3A_1559 = arith.extui %sign3A_1558 : i1 to i32
        %sign3A_1560 = arith.constant 0 : i32
        %sign3A_1561 = arith.cmpi slt, %add3A_1554, %sign3A_1560 : i32
        %sign3A_1562 = arith.extui %sign3A_1561 : i1 to i32
        %sign3A_1563 = arith.subi %sign3A_1559, %sign3A_1562 : i32
        %sign3A_1564 = arith.constant 0 : i32
        %sign3A_1565 = arith.cmpi sgt, %jit3A_1555, %sign3A_1564 : i32
        %sign3A_1566 = arith.extui %sign3A_1565 : i1 to i32
        %sign3A_1567 = arith.constant 0 : i32
        %sign3A_1568 = arith.cmpi slt, %jit3A_1555, %sign3A_1567 : i32
        %sign3A_1569 = arith.extui %sign3A_1568 : i1 to i32
        %sign3A_1570 = arith.subi %sign3A_1566, %sign3A_1569 : i32
        %ne3A_1571 = arith.cmpi ne, %sign3A_1563, %sign3A_1570 : i32
        %rem3A_1572 = arith.remsi %add3A_1554, %jit3A_1555 : i32
        %ne3A_1573 = arith.constant 0 : i32
        %ne3A_1574 = arith.cmpi ne, %rem3A_1572, %ne3A_1573 : i32
        %and3A_1575 = arith.andi %ne3A_1571, %ne3A_1574 : i1
        %sub3A_1576 = arith.constant 1 : i32
        %sub3A_1577 = arith.subi %div3A_1556, %sub3A_1576 : i32
        %select_n3A_1578 = arith.select %and3A_1575, %sub3A_1577, %div3A_1556 : i32
        %jit3A_1579 = arith.constant 61 : i32
        %eq3A_1580 = arith.constant 0 : i32
        %eq3A_1581 = arith.cmpi eq, %jit3A_1579, %eq3A_1580 : i32
        %jit3A_1582 = arith.constant 1 : i32
        %select_n3A_1583 = arith.select %eq3A_1581, %jit3A_1582, %jit3A_1579 : i32
        %rem3A_1584 = arith.remsi %add3A_1554, %select_n3A_1583 : i32
        %ne3A_1585 = arith.constant 0 : i32
        %ne3A_1586 = arith.cmpi ne, %rem3A_1584, %ne3A_1585 : i32
        %lt3A_1587 = arith.constant 0 : i32
        %lt3A_1588 = arith.cmpi slt, %rem3A_1584, %lt3A_1587 : i32
        %lt3A_1589 = arith.constant 0 : i32
        %lt3A_1590 = arith.cmpi slt, %select_n3A_1583, %lt3A_1589 : i32
        %ne3A_1591 = arith.xori %lt3A_1588, %lt3A_1590 : i1
        %and3A_1592 = arith.andi %ne3A_1591, %ne3A_1586 : i1
        %add3A_1593 = arith.addi %rem3A_1584, %select_n3A_1583 : i32
        %select_n3A_1594 = arith.select %and3A_1592, %add3A_1593, %rem3A_1584 : i32
        %mul3A_1595 = arith.constant 8 : i32
        %mul3A_1596 = arith.muli %select_n3A_1578, %mul3A_1595 : i32
        %multiple_of3A_1597 = tpu.assume_multiple %mul3A_1596, 8 : i32
        %mul3A_1598 = arith.constant 512 : i32
        %mul3A_1599 = arith.muli %select_n3A_1594, %mul3A_1598 : i32
        %add3A_1600 = arith.addi %mul3A_2, %mul3A_1599 : i32
        %multiple_of3A_1601 = tpu.assume_multiple %add3A_1600, 128 : i32
        %dma_start3A_1602 = tpu.memref_slice %arg2[%multiple_of3A_1597, %multiple_of3A_1601] : memref<64x1000000xf32, #tpu.memory_space<hbm>> -> memref<8x512xf32, #tpu.memory_space<hbm>>
        %dma_start3A_1603 = tpu.memref_slice %arg2[%multiple_of3A_1597, %multiple_of3A_1601] : memref<64x1000000xf32, #tpu.memory_space<hbm>> -> memref<8x512xf32, #tpu.memory_space<hbm>>
        tpu.enqueue_dma source(%dma_start3A_1603 : memref<8x512xf32, #tpu.memory_space<hbm>>) target(%arg16 : memref<8x512xf32, #tpu.memory_space<vmem>>) target_semaphore(%arg25 : memref<!tpu.dma_semaphore, #tpu.memory_space<semaphore_mem>>)
      } else {
      }
      %dma_wait3A_884 = arith.constant 0 : i32
      %dma_wait3A_885 = arith.constant 0 : i32
      %dma_wait3A_886 = tpu.memref_slice %arg2[%dma_wait3A_884, %dma_wait3A_885] : memref<64x1000000xf32, #tpu.memory_space<hbm>> -> memref<8x512xf32, #tpu.memory_space<hbm>>
      %dma_wait3A_887 = arith.constant 0 : i32
      %dma_wait3A_888 = arith.constant 0 : i32
      %dma_wait3A_889 = tpu.memref_slice %arg2[%dma_wait3A_887, %dma_wait3A_888] : memref<64x1000000xf32, #tpu.memory_space<hbm>> -> memref<8x512xf32, #tpu.memory_space<hbm>>
      tpu.wait_dma2 semaphore(%arg25 : memref<!tpu.dma_semaphore, #tpu.memory_space<semaphore_mem>>) src(%dma_wait3A_889 : memref<8x512xf32, #tpu.memory_space<hbm>>) dst(%arg15 : memref<8x512xf32, #tpu.memory_space<vmem>>)
      %add3A_890 = arith.constant 2 : i32
      %add3A_891 = arith.addi %mul3A_665, %add3A_890 : i32
      %jit3A_892 = arith.constant 61 : i32
      %div3A_893 = arith.divsi %add3A_891, %jit3A_892 : i32
      %sign3A_894 = arith.constant 0 : i32
      %sign3A_895 = arith.cmpi sgt, %add3A_891, %sign3A_894 : i32
      %sign3A_896 = arith.extui %sign3A_895 : i1 to i32
      %sign3A_897 = arith.constant 0 : i32
      %sign3A_898 = arith.cmpi slt, %add3A_891, %sign3A_897 : i32
      %sign3A_899 = arith.extui %sign3A_898 : i1 to i32
      %sign3A_900 = arith.subi %sign3A_896, %sign3A_899 : i32
      %sign3A_901 = arith.constant 0 : i32
      %sign3A_902 = arith.cmpi sgt, %jit3A_892, %sign3A_901 : i32
      %sign3A_903 = arith.extui %sign3A_902 : i1 to i32
      %sign3A_904 = arith.constant 0 : i32
      %sign3A_905 = arith.cmpi slt, %jit3A_892, %sign3A_904 : i32
      %sign3A_906 = arith.extui %sign3A_905 : i1 to i32
      %sign3A_907 = arith.subi %sign3A_903, %sign3A_906 : i32
      %ne3A_908 = arith.cmpi ne, %sign3A_900, %sign3A_907 : i32
      %rem3A_909 = arith.remsi %add3A_891, %jit3A_892 : i32
      %ne3A_910 = arith.constant 0 : i32
      %ne3A_911 = arith.cmpi ne, %rem3A_909, %ne3A_910 : i32
      %and3A_912 = arith.andi %ne3A_908, %ne3A_911 : i1
      %sub3A_913 = arith.constant 1 : i32
      %sub3A_914 = arith.subi %div3A_893, %sub3A_913 : i32
      %select_n3A_915 = arith.select %and3A_912, %sub3A_914, %div3A_893 : i32
      %jit3A_916 = arith.constant 61 : i32
      %eq3A_917 = arith.constant 0 : i32
      %eq3A_918 = arith.cmpi eq, %jit3A_916, %eq3A_917 : i32
      %jit3A_919 = arith.constant 1 : i32
      %select_n3A_920 = arith.select %eq3A_918, %jit3A_919, %jit3A_916 : i32
      %rem3A_921 = arith.remsi %add3A_891, %select_n3A_920 : i32
      %ne3A_922 = arith.constant 0 : i32
      %ne3A_923 = arith.cmpi ne, %rem3A_921, %ne3A_922 : i32
      %lt3A_924 = arith.constant 0 : i32
      %lt3A_925 = arith.cmpi slt, %rem3A_921, %lt3A_924 : i32
      %lt3A_926 = arith.constant 0 : i32
      %lt3A_927 = arith.cmpi slt, %select_n3A_920, %lt3A_926 : i32
      %ne3A_928 = arith.xori %lt3A_925, %lt3A_927 : i1
      %and3A_929 = arith.andi %ne3A_928, %ne3A_923 : i1
      %add3A_930 = arith.addi %rem3A_921, %select_n3A_920 : i32
      %select_n3A_931 = arith.select %and3A_929, %add3A_930, %rem3A_921 : i32
      %mul3A_932 = arith.constant 512 : i32
      %mul3A_933 = arith.muli %select_n3A_931, %mul3A_932 : i32
      %add3A_934 = arith.addi %mul3A_2, %mul3A_933 : i32
      %get3A_935 = arith.index_cast %select_n3A_931 : i32 to index
      %get3A_936 = tpu.vector_load %arg11[%get3A_935] {strides = array<i32>} : memref<78xi32, #tpu.memory_space<vmem>>, vector<16xi32>,
      %slice3A_937 = vector.extract_strided_slice %get3A_936 {offsets = [0], sizes = [1], strides = [1]} : vector<16xi32> to vector<1xi32>
      %squeeze3A_938 = vector.extract %slice3A_937[0] : i32 from vector<1xi32>
      %add3A_939 = arith.constant 1 : i32
      %add3A_940 = arith.addi %select_n3A_931, %add3A_939 : i32
      %get3A_941 = arith.index_cast %add3A_940 : i32 to index
      %get3A_942 = tpu.vector_load %arg11[%get3A_941] {strides = array<i32>} : memref<78xi32, #tpu.memory_space<vmem>>, vector<16xi32>,
      %slice3A_943 = vector.extract_strided_slice %get3A_942 {offsets = [0], sizes = [1], strides = [1]} : vector<16xi32> to vector<1xi32>
      %squeeze3A_944 = vector.extract %slice3A_943[0] : i32 from vector<1xi32>
      %sub3A_945 = arith.subi %squeeze3A_944, %squeeze3A_938 : i32
      %add3A_946 = arith.constant 16 : i32
      %add3A_947 = arith.addi %sub3A_945, %add3A_946 : i32
      %sub3A_948 = arith.constant 1 : i32
      %sub3A_949 = arith.subi %add3A_947, %sub3A_948 : i32
      %jit3A_950 = arith.constant 16 : i32
      %div3A_951 = arith.divsi %sub3A_949, %jit3A_950 : i32
      %sign3A_952 = arith.constant 0 : i32
      %sign3A_953 = arith.cmpi sgt, %sub3A_949, %sign3A_952 : i32
      %sign3A_954 = arith.extui %sign3A_953 : i1 to i32
      %sign3A_955 = arith.constant 0 : i32
      %sign3A_956 = arith.cmpi slt, %sub3A_949, %sign3A_955 : i32
      %sign3A_957 = arith.extui %sign3A_956 : i1 to i32
      %sign3A_958 = arith.subi %sign3A_954, %sign3A_957 : i32
      %sign3A_959 = arith.constant 0 : i32
      %sign3A_960 = arith.cmpi sgt, %jit3A_950, %sign3A_959 : i32
      %sign3A_961 = arith.extui %sign3A_960 : i1 to i32
      %sign3A_962 = arith.constant 0 : i32
      %sign3A_963 = arith.cmpi slt, %jit3A_950, %sign3A_962 : i32
      %sign3A_964 = arith.extui %sign3A_963 : i1 to i32
      %sign3A_965 = arith.subi %sign3A_961, %sign3A_964 : i32
      %ne3A_966 = arith.cmpi ne, %sign3A_958, %sign3A_965 : i32
      %rem3A_967 = arith.remsi %sub3A_949, %jit3A_950 : i32
      %ne3A_968 = arith.constant 0 : i32
      %ne3A_969 = arith.cmpi ne, %rem3A_967, %ne3A_968 : i32
      %and3A_970 = arith.andi %ne3A_966, %ne3A_969 : i1
      %sub3A_971 = arith.constant 1 : i32
      %sub3A_972 = arith.subi %div3A_951, %sub3A_971 : i32
      %select_n3A_973 = arith.select %and3A_970, %sub3A_972, %div3A_951 : i32
      %while3A_974 = arith.constant 0 : i32
      %while3A_975 = arith.constant 0 : i32
      %while3A_976 = arith.subi %select_n3A_973, %while3A_974 : i32
      %while3A_977 = arith.addi %while3A_974, %while3A_976 : i32
      %while3A_978 = arith.constant 1 : i32
      %while3A_979 = arith.divsi %while3A_976, %while3A_978 : i32
      %while3A_980 = arith.muli %while3A_979, %while3A_978 : i32
      %while3A_981 = arith.addi %while3A_974, %while3A_980 : i32
      %while3A_982 = arith.constant 1 : i32
      %while3A_983 = scf.for %while3A_1551 = %while3A_974 to %while3A_981 step %while3A_982 iter_args(%while3A_1552 = %while3A_975) -> (i32)  : i32 {
        %mul3A_1553 = arith.constant 16 : i32
        %mul3A_1554 = arith.muli %while3A_1551, %mul3A_1553 : i32
        %add3A_1555 = arith.addi %squeeze3A_938, %mul3A_1554 : i32
        %get3A_1556 = arith.index_cast %add3A_1555 : i32 to index
        %get3A_1557 = tpu.vector_load %arg9[%get3A_1556] {strides = array<i32>} : memref<1040xi32, #tpu.memory_space<vmem>>, vector<16xi32>,
        %sub3A_1558 = vector.broadcast %add3A_934 : i32 to vector<16xi32>
        %sub3A_1559 = arith.subi %get3A_1557, %sub3A_1558 : vector<16xi32>
        %mul3A_1560 = arith.constant 16 : i32
        %mul3A_1561 = arith.muli %while3A_1551, %mul3A_1560 : i32
        %add3A_1562 = vector.broadcast %mul3A_1561 : i32 to vector<16xi32>
        %add3A_1563 = arith.addi %iota3A, %add3A_1562 : vector<16xi32>
        %lt3A_1564 = vector.broadcast %sub3A_945 : i32 to vector<16xi32>
        %lt3A_1565 = arith.cmpi slt, %add3A_1563, %lt3A_1564 : vector<16xi32>
        %add3A_1566 = vector.broadcast %add3A_1555 : i32 to vector<16xi32>
        %add3A_1567 = arith.addi %add3A_1566, %iota3A : vector<16xi32>
        %broadcast_in_dim3A_1568 = arith.constant 0 : i32
        %broadcast_in_dim3A_1569 = vector.broadcast %broadcast_in_dim3A_1568 : i32 to vector<16xi32>
        %gather3A = tpu.vector_load_idx %arg17[%broadcast_in_dim3A_1569, %sub3A_1559] masked %lt3A_1565 : memref<8x512xf32, #tpu.memory_space<vmem>>[vector<16xi32>, vector<16xi32>], vector<16xf32>, vector<16xi1>
        %mul3A_1570 = arith.constant 8 : i32
        %mul3A_1571 = arith.muli %select_n3A_915, %mul3A_1570 : i32
        %add3A_1572 = arith.constant 0 : i32
        %add3A_1573 = arith.addi %mul3A_1571, %add3A_1572 : i32
        %broadcast_in_dim3A_1574 = vector.broadcast %add3A_1573 : i32 to vector<16xi32>
        tpu.vector_store_idx %arg14[%add3A_1567, %broadcast_in_dim3A_1574], %gather3A masked %lt3A_1565 : memref<640x128xf32, #tpu.memory_space<vmem>>[vector<16xi32>, vector<16xi32>], vector<16xf32>, vector<16xi1>
        %broadcast_in_dim3A_1575 = arith.constant 1 : i32
        %broadcast_in_dim3A_1576 = vector.broadcast %broadcast_in_dim3A_1575 : i32 to vector<16xi32>
        %gather3A_1577 = tpu.vector_load_idx %arg17[%broadcast_in_dim3A_1576, %sub3A_1559] masked %lt3A_1565 : memref<8x512xf32, #tpu.memory_space<vmem>>[vector<16xi32>, vector<16xi32>], vector<16xf32>, vector<16xi1>
        %mul3A_1578 = arith.constant 8 : i32
        %mul3A_1579 = arith.muli %select_n3A_915, %mul3A_1578 : i32
        %add3A_1580 = arith.constant 1 : i32
        %add3A_1581 = arith.addi %mul3A_1579, %add3A_1580 : i32
        %broadcast_in_dim3A_1582 = vector.broadcast %add3A_1581 : i32 to vector<16xi32>
        tpu.vector_store_idx %arg14[%add3A_1567, %broadcast_in_dim3A_1582], %gather3A_1577 masked %lt3A_1565 : memref<640x128xf32, #tpu.memory_space<vmem>>[vector<16xi32>, vector<16xi32>], vector<16xf32>, vector<16xi1>
        %broadcast_in_dim3A_1583 = arith.constant 2 : i32
        %broadcast_in_dim3A_1584 = vector.broadcast %broadcast_in_dim3A_1583 : i32 to vector<16xi32>
        %gather3A_1585 = tpu.vector_load_idx %arg17[%broadcast_in_dim3A_1584, %sub3A_1559] masked %lt3A_1565 : memref<8x512xf32, #tpu.memory_space<vmem>>[vector<16xi32>, vector<16xi32>], vector<16xf32>, vector<16xi1>
        %mul3A_1586 = arith.constant 8 : i32
        %mul3A_1587 = arith.muli %select_n3A_915, %mul3A_1586 : i32
        %add3A_1588 = arith.constant 2 : i32
        %add3A_1589 = arith.addi %mul3A_1587, %add3A_1588 : i32
        %broadcast_in_dim3A_1590 = vector.broadcast %add3A_1589 : i32 to vector<16xi32>
        tpu.vector_store_idx %arg14[%add3A_1567, %broadcast_in_dim3A_1590], %gather3A_1585 masked %lt3A_1565 : memref<640x128xf32, #tpu.memory_space<vmem>>[vector<16xi32>, vector<16xi32>], vector<16xf32>, vector<16xi1>
        %broadcast_in_dim3A_1591 = arith.constant 3 : i32
        %broadcast_in_dim3A_1592 = vector.broadcast %broadcast_in_dim3A_1591 : i32 to vector<16xi32>
        %gather3A_1593 = tpu.vector_load_idx %arg17[%broadcast_in_dim3A_1592, %sub3A_1559] masked %lt3A_1565 : memref<8x512xf32, #tpu.memory_space<vmem>>[vector<16xi32>, vector<16xi32>], vector<16xf32>, vector<16xi1>
        %mul3A_1594 = arith.constant 8 : i32
        %mul3A_1595 = arith.muli %select_n3A_915, %mul3A_1594 : i32
        %add3A_1596 = arith.constant 3 : i32
        %add3A_1597 = arith.addi %mul3A_1595, %add3A_1596 : i32
        %broadcast_in_dim3A_1598 = vector.broadcast %add3A_1597 : i32 to vector<16xi32>
        tpu.vector_store_idx %arg14[%add3A_1567, %broadcast_in_dim3A_1598], %gather3A_1593 masked %lt3A_1565 : memref<640x128xf32, #tpu.memory_space<vmem>>[vector<16xi32>, vector<16xi32>], vector<16xf32>, vector<16xi1>
        %broadcast_in_dim3A_1599 = arith.constant 4 : i32
        %broadcast_in_dim3A_1600 = vector.broadcast %broadcast_in_dim3A_1599 : i32 to vector<16xi32>
        %gather3A_1601 = tpu.vector_load_idx %arg17[%broadcast_in_dim3A_1600, %sub3A_1559] masked %lt3A_1565 : memref<8x512xf32, #tpu.memory_space<vmem>>[vector<16xi32>, vector<16xi32>], vector<16xf32>, vector<16xi1>
        %mul3A_1602 = arith.constant 8 : i32
        %mul3A_1603 = arith.muli %select_n3A_915, %mul3A_1602 : i32
        %add3A_1604 = arith.constant 4 : i32
        %add3A_1605 = arith.addi %mul3A_1603, %add3A_1604 : i32
        %broadcast_in_dim3A_1606 = vector.broadcast %add3A_1605 : i32 to vector<16xi32>
        tpu.vector_store_idx %arg14[%add3A_1567, %broadcast_in_dim3A_1606], %gather3A_1601 masked %lt3A_1565 : memref<640x128xf32, #tpu.memory_space<vmem>>[vector<16xi32>, vector<16xi32>], vector<16xf32>, vector<16xi1>
        %broadcast_in_dim3A_1607 = arith.constant 5 : i32
        %broadcast_in_dim3A_1608 = vector.broadcast %broadcast_in_dim3A_1607 : i32 to vector<16xi32>
        %gather3A_1609 = tpu.vector_load_idx %arg17[%broadcast_in_dim3A_1608, %sub3A_1559] masked %lt3A_1565 : memref<8x512xf32, #tpu.memory_space<vmem>>[vector<16xi32>, vector<16xi32>], vector<16xf32>, vector<16xi1>
        %mul3A_1610 = arith.constant 8 : i32
        %mul3A_1611 = arith.muli %select_n3A_915, %mul3A_1610 : i32
        %add3A_1612 = arith.constant 5 : i32
        %add3A_1613 = arith.addi %mul3A_1611, %add3A_1612 : i32
        %broadcast_in_dim3A_1614 = vector.broadcast %add3A_1613 : i32 to vector<16xi32>
        tpu.vector_store_idx %arg14[%add3A_1567, %broadcast_in_dim3A_1614], %gather3A_1609 masked %lt3A_1565 : memref<640x128xf32, #tpu.memory_space<vmem>>[vector<16xi32>, vector<16xi32>], vector<16xf32>, vector<16xi1>
        %broadcast_in_dim3A_1615 = arith.constant 6 : i32
        %broadcast_in_dim3A_1616 = vector.broadcast %broadcast_in_dim3A_1615 : i32 to vector<16xi32>
        %gather3A_1617 = tpu.vector_load_idx %arg17[%broadcast_in_dim3A_1616, %sub3A_1559] masked %lt3A_1565 : memref<8x512xf32, #tpu.memory_space<vmem>>[vector<16xi32>, vector<16xi32>], vector<16xf32>, vector<16xi1>
        %mul3A_1618 = arith.constant 8 : i32
        %mul3A_1619 = arith.muli %select_n3A_915, %mul3A_1618 : i32
        %add3A_1620 = arith.constant 6 : i32
        %add3A_1621 = arith.addi %mul3A_1619, %add3A_1620 : i32
        %broadcast_in_dim3A_1622 = vector.broadcast %add3A_1621 : i32 to vector<16xi32>
        tpu.vector_store_idx %arg14[%add3A_1567, %broadcast_in_dim3A_1622], %gather3A_1617 masked %lt3A_1565 : memref<640x128xf32, #tpu.memory_space<vmem>>[vector<16xi32>, vector<16xi32>], vector<16xf32>, vector<16xi1>
        %broadcast_in_dim3A_1623 = arith.constant 7 : i32
        %broadcast_in_dim3A_1624 = vector.broadcast %broadcast_in_dim3A_1623 : i32 to vector<16xi32>
        %gather3A_1625 = tpu.vector_load_idx %arg17[%broadcast_in_dim3A_1624, %sub3A_1559] masked %lt3A_1565 : memref<8x512xf32, #tpu.memory_space<vmem>>[vector<16xi32>, vector<16xi32>], vector<16xf32>, vector<16xi1>
        %mul3A_1626 = arith.constant 8 : i32
        %mul3A_1627 = arith.muli %select_n3A_915, %mul3A_1626 : i32
        %add3A_1628 = arith.constant 7 : i32
        %add3A_1629 = arith.addi %mul3A_1627, %add3A_1628 : i32
        %broadcast_in_dim3A_1630 = vector.broadcast %add3A_1629 : i32 to vector<16xi32>
        tpu.vector_store_idx %arg14[%add3A_1567, %broadcast_in_dim3A_1630], %gather3A_1625 masked %lt3A_1565 : memref<640x128xf32, #tpu.memory_space<vmem>>[vector<16xi32>, vector<16xi32>], vector<16xf32>, vector<16xi1>
        %while3A_1631 = arith.constant 0 : i32
        scf.yield %while3A_1631 : i32
      }
      %while3A_984 = arith.constant 1 : i32
      %while3A_985 = scf.for %while3A_1551 = %while3A_981 to %while3A_977 step %while3A_984 iter_args(%while3A_1552 = %while3A_983) -> (i32)  : i32 {
        %mul3A_1553 = arith.constant 16 : i32
        %mul3A_1554 = arith.muli %while3A_1551, %mul3A_1553 : i32
        %add3A_1555 = arith.addi %squeeze3A_938, %mul3A_1554 : i32
        %get3A_1556 = arith.index_cast %add3A_1555 : i32 to index
        %get3A_1557 = tpu.vector_load %arg9[%get3A_1556] {strides = array<i32>} : memref<1040xi32, #tpu.memory_space<vmem>>, vector<16xi32>,
        %sub3A_1558 = vector.broadcast %add3A_934 : i32 to vector<16xi32>
        %sub3A_1559 = arith.subi %get3A_1557, %sub3A_1558 : vector<16xi32>
        %mul3A_1560 = arith.constant 16 : i32
        %mul3A_1561 = arith.muli %while3A_1551, %mul3A_1560 : i32
        %add3A_1562 = vector.broadcast %mul3A_1561 : i32 to vector<16xi32>
        %add3A_1563 = arith.addi %iota3A, %add3A_1562 : vector<16xi32>
        %lt3A_1564 = vector.broadcast %sub3A_945 : i32 to vector<16xi32>
        %lt3A_1565 = arith.cmpi slt, %add3A_1563, %lt3A_1564 : vector<16xi32>
        %add3A_1566 = vector.broadcast %add3A_1555 : i32 to vector<16xi32>
        %add3A_1567 = arith.addi %add3A_1566, %iota3A : vector<16xi32>
        %broadcast_in_dim3A_1568 = arith.constant 0 : i32
        %broadcast_in_dim3A_1569 = vector.broadcast %broadcast_in_dim3A_1568 : i32 to vector<16xi32>
        %gather3A = tpu.vector_load_idx %arg17[%broadcast_in_dim3A_1569, %sub3A_1559] masked %lt3A_1565 : memref<8x512xf32, #tpu.memory_space<vmem>>[vector<16xi32>, vector<16xi32>], vector<16xf32>, vector<16xi1>
        %mul3A_1570 = arith.constant 8 : i32
        %mul3A_1571 = arith.muli %select_n3A_915, %mul3A_1570 : i32
        %add3A_1572 = arith.constant 0 : i32
        %add3A_1573 = arith.addi %mul3A_1571, %add3A_1572 : i32
        %broadcast_in_dim3A_1574 = vector.broadcast %add3A_1573 : i32 to vector<16xi32>
        tpu.vector_store_idx %arg14[%add3A_1567, %broadcast_in_dim3A_1574], %gather3A masked %lt3A_1565 : memref<640x128xf32, #tpu.memory_space<vmem>>[vector<16xi32>, vector<16xi32>], vector<16xf32>, vector<16xi1>
        %broadcast_in_dim3A_1575 = arith.constant 1 : i32
        %broadcast_in_dim3A_1576 = vector.broadcast %broadcast_in_dim3A_1575 : i32 to vector<16xi32>
        %gather3A_1577 = tpu.vector_load_idx %arg17[%broadcast_in_dim3A_1576, %sub3A_1559] masked %lt3A_1565 : memref<8x512xf32, #tpu.memory_space<vmem>>[vector<16xi32>, vector<16xi32>], vector<16xf32>, vector<16xi1>
        %mul3A_1578 = arith.constant 8 : i32
        %mul3A_1579 = arith.muli %select_n3A_915, %mul3A_1578 : i32
        %add3A_1580 = arith.constant 1 : i32
        %add3A_1581 = arith.addi %mul3A_1579, %add3A_1580 : i32
        %broadcast_in_dim3A_1582 = vector.broadcast %add3A_1581 : i32 to vector<16xi32>
        tpu.vector_store_idx %arg14[%add3A_1567, %broadcast_in_dim3A_1582], %gather3A_1577 masked %lt3A_1565 : memref<640x128xf32, #tpu.memory_space<vmem>>[vector<16xi32>, vector<16xi32>], vector<16xf32>, vector<16xi1>
        %broadcast_in_dim3A_1583 = arith.constant 2 : i32
        %broadcast_in_dim3A_1584 = vector.broadcast %broadcast_in_dim3A_1583 : i32 to vector<16xi32>
        %gather3A_1585 = tpu.vector_load_idx %arg17[%broadcast_in_dim3A_1584, %sub3A_1559] masked %lt3A_1565 : memref<8x512xf32, #tpu.memory_space<vmem>>[vector<16xi32>, vector<16xi32>], vector<16xf32>, vector<16xi1>
        %mul3A_1586 = arith.constant 8 : i32
        %mul3A_1587 = arith.muli %select_n3A_915, %mul3A_1586 : i32
        %add3A_1588 = arith.constant 2 : i32
        %add3A_1589 = arith.addi %mul3A_1587, %add3A_1588 : i32
        %broadcast_in_dim3A_1590 = vector.broadcast %add3A_1589 : i32 to vector<16xi32>
        tpu.vector_store_idx %arg14[%add3A_1567, %broadcast_in_dim3A_1590], %gather3A_1585 masked %lt3A_1565 : memref<640x128xf32, #tpu.memory_space<vmem>>[vector<16xi32>, vector<16xi32>], vector<16xf32>, vector<16xi1>
        %broadcast_in_dim3A_1591 = arith.constant 3 : i32
        %broadcast_in_dim3A_1592 = vector.broadcast %broadcast_in_dim3A_1591 : i32 to vector<16xi32>
        %gather3A_1593 = tpu.vector_load_idx %arg17[%broadcast_in_dim3A_1592, %sub3A_1559] masked %lt3A_1565 : memref<8x512xf32, #tpu.memory_space<vmem>>[vector<16xi32>, vector<16xi32>], vector<16xf32>, vector<16xi1>
        %mul3A_1594 = arith.constant 8 : i32
        %mul3A_1595 = arith.muli %select_n3A_915, %mul3A_1594 : i32
        %add3A_1596 = arith.constant 3 : i32
        %add3A_1597 = arith.addi %mul3A_1595, %add3A_1596 : i32
        %broadcast_in_dim3A_1598 = vector.broadcast %add3A_1597 : i32 to vector<16xi32>
        tpu.vector_store_idx %arg14[%add3A_1567, %broadcast_in_dim3A_1598], %gather3A_1593 masked %lt3A_1565 : memref<640x128xf32, #tpu.memory_space<vmem>>[vector<16xi32>, vector<16xi32>], vector<16xf32>, vector<16xi1>
        %broadcast_in_dim3A_1599 = arith.constant 4 : i32
        %broadcast_in_dim3A_1600 = vector.broadcast %broadcast_in_dim3A_1599 : i32 to vector<16xi32>
        %gather3A_1601 = tpu.vector_load_idx %arg17[%broadcast_in_dim3A_1600, %sub3A_1559] masked %lt3A_1565 : memref<8x512xf32, #tpu.memory_space<vmem>>[vector<16xi32>, vector<16xi32>], vector<16xf32>, vector<16xi1>
        %mul3A_1602 = arith.constant 8 : i32
        %mul3A_1603 = arith.muli %select_n3A_915, %mul3A_1602 : i32
        %add3A_1604 = arith.constant 4 : i32
        %add3A_1605 = arith.addi %mul3A_1603, %add3A_1604 : i32
        %broadcast_in_dim3A_1606 = vector.broadcast %add3A_1605 : i32 to vector<16xi32>
        tpu.vector_store_idx %arg14[%add3A_1567, %broadcast_in_dim3A_1606], %gather3A_1601 masked %lt3A_1565 : memref<640x128xf32, #tpu.memory_space<vmem>>[vector<16xi32>, vector<16xi32>], vector<16xf32>, vector<16xi1>
        %broadcast_in_dim3A_1607 = arith.constant 5 : i32
        %broadcast_in_dim3A_1608 = vector.broadcast %broadcast_in_dim3A_1607 : i32 to vector<16xi32>
        %gather3A_1609 = tpu.vector_load_idx %arg17[%broadcast_in_dim3A_1608, %sub3A_1559] masked %lt3A_1565 : memref<8x512xf32, #tpu.memory_space<vmem>>[vector<16xi32>, vector<16xi32>], vector<16xf32>, vector<16xi1>
        %mul3A_1610 = arith.constant 8 : i32
        %mul3A_1611 = arith.muli %select_n3A_915, %mul3A_1610 : i32
        %add3A_1612 = arith.constant 5 : i32
        %add3A_1613 = arith.addi %mul3A_1611, %add3A_1612 : i32
        %broadcast_in_dim3A_1614 = vector.broadcast %add3A_1613 : i32 to vector<16xi32>
        tpu.vector_store_idx %arg14[%add3A_1567, %broadcast_in_dim3A_1614], %gather3A_1609 masked %lt3A_1565 : memref<640x128xf32, #tpu.memory_space<vmem>>[vector<16xi32>, vector<16xi32>], vector<16xf32>, vector<16xi1>
        %broadcast_in_dim3A_1615 = arith.constant 6 : i32
        %broadcast_in_dim3A_1616 = vector.broadcast %broadcast_in_dim3A_1615 : i32 to vector<16xi32>
        %gather3A_1617 = tpu.vector_load_idx %arg17[%broadcast_in_dim3A_1616, %sub3A_1559] masked %lt3A_1565 : memref<8x512xf32, #tpu.memory_space<vmem>>[vector<16xi32>, vector<16xi32>], vector<16xf32>, vector<16xi1>
        %mul3A_1618 = arith.constant 8 : i32
        %mul3A_1619 = arith.muli %select_n3A_915, %mul3A_1618 : i32
        %add3A_1620 = arith.constant 6 : i32
        %add3A_1621 = arith.addi %mul3A_1619, %add3A_1620 : i32
        %broadcast_in_dim3A_1622 = vector.broadcast %add3A_1621 : i32 to vector<16xi32>
        tpu.vector_store_idx %arg14[%add3A_1567, %broadcast_in_dim3A_1622], %gather3A_1617 masked %lt3A_1565 : memref<640x128xf32, #tpu.memory_space<vmem>>[vector<16xi32>, vector<16xi32>], vector<16xf32>, vector<16xi1>
        %broadcast_in_dim3A_1623 = arith.constant 7 : i32
        %broadcast_in_dim3A_1624 = vector.broadcast %broadcast_in_dim3A_1623 : i32 to vector<16xi32>
        %gather3A_1625 = tpu.vector_load_idx %arg17[%broadcast_in_dim3A_1624, %sub3A_1559] masked %lt3A_1565 : memref<8x512xf32, #tpu.memory_space<vmem>>[vector<16xi32>, vector<16xi32>], vector<16xf32>, vector<16xi1>
        %mul3A_1626 = arith.constant 8 : i32
        %mul3A_1627 = arith.muli %select_n3A_915, %mul3A_1626 : i32
        %add3A_1628 = arith.constant 7 : i32
        %add3A_1629 = arith.addi %mul3A_1627, %add3A_1628 : i32
        %broadcast_in_dim3A_1630 = vector.broadcast %add3A_1629 : i32 to vector<16xi32>
        tpu.vector_store_idx %arg14[%add3A_1567, %broadcast_in_dim3A_1630], %gather3A_1625 masked %lt3A_1565 : memref<640x128xf32, #tpu.memory_space<vmem>>[vector<16xi32>, vector<16xi32>], vector<16xf32>, vector<16xi1>
        %while3A_1631 = arith.constant 0 : i32
        scf.yield %while3A_1631 : i32
      }
      %add3A_986 = arith.constant 2 : i32
      %add3A_987 = arith.addi %mul3A_665, %add3A_986 : i32
      %add3A_988 = arith.constant 8 : i32
      %add3A_989 = arith.addi %add3A_987, %add3A_988 : i32
      %lt3A_990 = arith.constant 488 : i32
      %lt3A_991 = arith.cmpi slt, %add3A_989, %lt3A_990 : i32
      %convert_element_type3A_992 = arith.extui %lt3A_991 : i1 to i32
      %cond3A_993 = arith.constant 0 : i32
      %cond3A_994 = arith.cmpi ne, %convert_element_type3A_992, %cond3A_993 : i32
      scf.if %cond3A_994 {
        %add3A_1551 = arith.constant 2 : i32
        %add3A_1552 = arith.addi %mul3A_665, %add3A_1551 : i32
        %add3A_1553 = arith.constant 8 : i32
        %add3A_1554 = arith.addi %add3A_1552, %add3A_1553 : i32
        %jit3A_1555 = arith.constant 61 : i32
        %div3A_1556 = arith.divsi %add3A_1554, %jit3A_1555 : i32
        %sign3A_1557 = arith.constant 0 : i32
        %sign3A_1558 = arith.cmpi sgt, %add3A_1554, %sign3A_1557 : i32
        %sign3A_1559 = arith.extui %sign3A_1558 : i1 to i32
        %sign3A_1560 = arith.constant 0 : i32
        %sign3A_1561 = arith.cmpi slt, %add3A_1554, %sign3A_1560 : i32
        %sign3A_1562 = arith.extui %sign3A_1561 : i1 to i32
        %sign3A_1563 = arith.subi %sign3A_1559, %sign3A_1562 : i32
        %sign3A_1564 = arith.constant 0 : i32
        %sign3A_1565 = arith.cmpi sgt, %jit3A_1555, %sign3A_1564 : i32
        %sign3A_1566 = arith.extui %sign3A_1565 : i1 to i32
        %sign3A_1567 = arith.constant 0 : i32
        %sign3A_1568 = arith.cmpi slt, %jit3A_1555, %sign3A_1567 : i32
        %sign3A_1569 = arith.extui %sign3A_1568 : i1 to i32
        %sign3A_1570 = arith.subi %sign3A_1566, %sign3A_1569 : i32
        %ne3A_1571 = arith.cmpi ne, %sign3A_1563, %sign3A_1570 : i32
        %rem3A_1572 = arith.remsi %add3A_1554, %jit3A_1555 : i32
        %ne3A_1573 = arith.constant 0 : i32
        %ne3A_1574 = arith.cmpi ne, %rem3A_1572, %ne3A_1573 : i32
        %and3A_1575 = arith.andi %ne3A_1571, %ne3A_1574 : i1
        %sub3A_1576 = arith.constant 1 : i32
        %sub3A_1577 = arith.subi %div3A_1556, %sub3A_1576 : i32
        %select_n3A_1578 = arith.select %and3A_1575, %sub3A_1577, %div3A_1556 : i32
        %jit3A_1579 = arith.constant 61 : i32
        %eq3A_1580 = arith.constant 0 : i32
        %eq3A_1581 = arith.cmpi eq, %jit3A_1579, %eq3A_1580 : i32
        %jit3A_1582 = arith.constant 1 : i32
        %select_n3A_1583 = arith.select %eq3A_1581, %jit3A_1582, %jit3A_1579 : i32
        %rem3A_1584 = arith.remsi %add3A_1554, %select_n3A_1583 : i32
        %ne3A_1585 = arith.constant 0 : i32
        %ne3A_1586 = arith.cmpi ne, %rem3A_1584, %ne3A_1585 : i32
        %lt3A_1587 = arith.constant 0 : i32
        %lt3A_1588 = arith.cmpi slt, %rem3A_1584, %lt3A_1587 : i32
        %lt3A_1589 = arith.constant 0 : i32
        %lt3A_1590 = arith.cmpi slt, %select_n3A_1583, %lt3A_1589 : i32
        %ne3A_1591 = arith.xori %lt3A_1588, %lt3A_1590 : i1
        %and3A_1592 = arith.andi %ne3A_1591, %ne3A_1586 : i1
        %add3A_1593 = arith.addi %rem3A_1584, %select_n3A_1583 : i32
        %select_n3A_1594 = arith.select %and3A_1592, %add3A_1593, %rem3A_1584 : i32
        %mul3A_1595 = arith.constant 8 : i32
        %mul3A_1596 = arith.muli %select_n3A_1578, %mul3A_1595 : i32
        %multiple_of3A_1597 = tpu.assume_multiple %mul3A_1596, 8 : i32
        %mul3A_1598 = arith.constant 512 : i32
        %mul3A_1599 = arith.muli %select_n3A_1594, %mul3A_1598 : i32
        %add3A_1600 = arith.addi %mul3A_2, %mul3A_1599 : i32
        %multiple_of3A_1601 = tpu.assume_multiple %add3A_1600, 128 : i32
        %dma_start3A_1602 = tpu.memref_slice %arg2[%multiple_of3A_1597, %multiple_of3A_1601] : memref<64x1000000xf32, #tpu.memory_space<hbm>> -> memref<8x512xf32, #tpu.memory_space<hbm>>
        %dma_start3A_1603 = tpu.memref_slice %arg2[%multiple_of3A_1597, %multiple_of3A_1601] : memref<64x1000000xf32, #tpu.memory_space<hbm>> -> memref<8x512xf32, #tpu.memory_space<hbm>>
        tpu.enqueue_dma source(%dma_start3A_1603 : memref<8x512xf32, #tpu.memory_space<hbm>>) target(%arg17 : memref<8x512xf32, #tpu.memory_space<vmem>>) target_semaphore(%arg25 : memref<!tpu.dma_semaphore, #tpu.memory_space<semaphore_mem>>)
      } else {
      }
      %dma_wait3A_995 = arith.constant 0 : i32
      %dma_wait3A_996 = arith.constant 0 : i32
      %dma_wait3A_997 = tpu.memref_slice %arg2[%dma_wait3A_995, %dma_wait3A_996] : memref<64x1000000xf32, #tpu.memory_space<hbm>> -> memref<8x512xf32, #tpu.memory_space<hbm>>
      %dma_wait3A_998 = arith.constant 0 : i32
      %dma_wait3A_999 = arith.constant 0 : i32
      %dma_wait3A_1000 = tpu.memref_slice %arg2[%dma_wait3A_998, %dma_wait3A_999] : memref<64x1000000xf32, #tpu.memory_space<hbm>> -> memref<8x512xf32, #tpu.memory_space<hbm>>
      tpu.wait_dma2 semaphore(%arg25 : memref<!tpu.dma_semaphore, #tpu.memory_space<semaphore_mem>>) src(%dma_wait3A_1000 : memref<8x512xf32, #tpu.memory_space<hbm>>) dst(%arg15 : memref<8x512xf32, #tpu.memory_space<vmem>>)
      %add3A_1001 = arith.constant 3 : i32
      %add3A_1002 = arith.addi %mul3A_665, %add3A_1001 : i32
      %jit3A_1003 = arith.constant 61 : i32
      %div3A_1004 = arith.divsi %add3A_1002, %jit3A_1003 : i32
      %sign3A_1005 = arith.constant 0 : i32
      %sign3A_1006 = arith.cmpi sgt, %add3A_1002, %sign3A_1005 : i32
      %sign3A_1007 = arith.extui %sign3A_1006 : i1 to i32
      %sign3A_1008 = arith.constant 0 : i32
      %sign3A_1009 = arith.cmpi slt, %add3A_1002, %sign3A_1008 : i32
      %sign3A_1010 = arith.extui %sign3A_1009 : i1 to i32
      %sign3A_1011 = arith.subi %sign3A_1007, %sign3A_1010 : i32
      %sign3A_1012 = arith.constant 0 : i32
      %sign3A_1013 = arith.cmpi sgt, %jit3A_1003, %sign3A_1012 : i32
      %sign3A_1014 = arith.extui %sign3A_1013 : i1 to i32
      %sign3A_1015 = arith.constant 0 : i32
      %sign3A_1016 = arith.cmpi slt, %jit3A_1003, %sign3A_1015 : i32
      %sign3A_1017 = arith.extui %sign3A_1016 : i1 to i32
      %sign3A_1018 = arith.subi %sign3A_1014, %sign3A_1017 : i32
      %ne3A_1019 = arith.cmpi ne, %sign3A_1011, %sign3A_1018 : i32
      %rem3A_1020 = arith.remsi %add3A_1002, %jit3A_1003 : i32
      %ne3A_1021 = arith.constant 0 : i32
      %ne3A_1022 = arith.cmpi ne, %rem3A_1020, %ne3A_1021 : i32
      %and3A_1023 = arith.andi %ne3A_1019, %ne3A_1022 : i1
      %sub3A_1024 = arith.constant 1 : i32
      %sub3A_1025 = arith.subi %div3A_1004, %sub3A_1024 : i32
      %select_n3A_1026 = arith.select %and3A_1023, %sub3A_1025, %div3A_1004 : i32
      %jit3A_1027 = arith.constant 61 : i32
      %eq3A_1028 = arith.constant 0 : i32
      %eq3A_1029 = arith.cmpi eq, %jit3A_1027, %eq3A_1028 : i32
      %jit3A_1030 = arith.constant 1 : i32
      %select_n3A_1031 = arith.select %eq3A_1029, %jit3A_1030, %jit3A_1027 : i32
      %rem3A_1032 = arith.remsi %add3A_1002, %select_n3A_1031 : i32
      %ne3A_1033 = arith.constant 0 : i32
      %ne3A_1034 = arith.cmpi ne, %rem3A_1032, %ne3A_1033 : i32
      %lt3A_1035 = arith.constant 0 : i32
      %lt3A_1036 = arith.cmpi slt, %rem3A_1032, %lt3A_1035 : i32
      %lt3A_1037 = arith.constant 0 : i32
      %lt3A_1038 = arith.cmpi slt, %select_n3A_1031, %lt3A_1037 : i32
      %ne3A_1039 = arith.xori %lt3A_1036, %lt3A_1038 : i1
      %and3A_1040 = arith.andi %ne3A_1039, %ne3A_1034 : i1
      %add3A_1041 = arith.addi %rem3A_1032, %select_n3A_1031 : i32
      %select_n3A_1042 = arith.select %and3A_1040, %add3A_1041, %rem3A_1032 : i32
      %mul3A_1043 = arith.constant 512 : i32
      %mul3A_1044 = arith.muli %select_n3A_1042, %mul3A_1043 : i32
      %add3A_1045 = arith.addi %mul3A_2, %mul3A_1044 : i32
      %get3A_1046 = arith.index_cast %select_n3A_1042 : i32 to index
      %get3A_1047 = tpu.vector_load %arg11[%get3A_1046] {strides = array<i32>} : memref<78xi32, #tpu.memory_space<vmem>>, vector<16xi32>,
      %slice3A_1048 = vector.extract_strided_slice %get3A_1047 {offsets = [0], sizes = [1], strides = [1]} : vector<16xi32> to vector<1xi32>
      %squeeze3A_1049 = vector.extract %slice3A_1048[0] : i32 from vector<1xi32>
      %add3A_1050 = arith.constant 1 : i32
      %add3A_1051 = arith.addi %select_n3A_1042, %add3A_1050 : i32
      %get3A_1052 = arith.index_cast %add3A_1051 : i32 to index
      %get3A_1053 = tpu.vector_load %arg11[%get3A_1052] {strides = array<i32>} : memref<78xi32, #tpu.memory_space<vmem>>, vector<16xi32>,
      %slice3A_1054 = vector.extract_strided_slice %get3A_1053 {offsets = [0], sizes = [1], strides = [1]} : vector<16xi32> to vector<1xi32>
      %squeeze3A_1055 = vector.extract %slice3A_1054[0] : i32 from vector<1xi32>
      %sub3A_1056 = arith.subi %squeeze3A_1055, %squeeze3A_1049 : i32
      %add3A_1057 = arith.constant 16 : i32
      %add3A_1058 = arith.addi %sub3A_1056, %add3A_1057 : i32
      %sub3A_1059 = arith.constant 1 : i32
      %sub3A_1060 = arith.subi %add3A_1058, %sub3A_1059 : i32
      %jit3A_1061 = arith.constant 16 : i32
      %div3A_1062 = arith.divsi %sub3A_1060, %jit3A_1061 : i32
      %sign3A_1063 = arith.constant 0 : i32
      %sign3A_1064 = arith.cmpi sgt, %sub3A_1060, %sign3A_1063 : i32
      %sign3A_1065 = arith.extui %sign3A_1064 : i1 to i32
      %sign3A_1066 = arith.constant 0 : i32
      %sign3A_1067 = arith.cmpi slt, %sub3A_1060, %sign3A_1066 : i32
      %sign3A_1068 = arith.extui %sign3A_1067 : i1 to i32
      %sign3A_1069 = arith.subi %sign3A_1065, %sign3A_1068 : i32
      %sign3A_1070 = arith.constant 0 : i32
      %sign3A_1071 = arith.cmpi sgt, %jit3A_1061, %sign3A_1070 : i32
      %sign3A_1072 = arith.extui %sign3A_1071 : i1 to i32
      %sign3A_1073 = arith.constant 0 : i32
      %sign3A_1074 = arith.cmpi slt, %jit3A_1061, %sign3A_1073 : i32
      %sign3A_1075 = arith.extui %sign3A_1074 : i1 to i32
      %sign3A_1076 = arith.subi %sign3A_1072, %sign3A_1075 : i32
      %ne3A_1077 = arith.cmpi ne, %sign3A_1069, %sign3A_1076 : i32
      %rem3A_1078 = arith.remsi %sub3A_1060, %jit3A_1061 : i32
      %ne3A_1079 = arith.constant 0 : i32
      %ne3A_1080 = arith.cmpi ne, %rem3A_1078, %ne3A_1079 : i32
      %and3A_1081 = arith.andi %ne3A_1077, %ne3A_1080 : i1
      %sub3A_1082 = arith.constant 1 : i32
      %sub3A_1083 = arith.subi %div3A_1062, %sub3A_1082 : i32
      %select_n3A_1084 = arith.select %and3A_1081, %sub3A_1083, %div3A_1062 : i32
      %while3A_1085 = arith.constant 0 : i32
      %while3A_1086 = arith.constant 0 : i32
      %while3A_1087 = arith.subi %select_n3A_1084, %while3A_1085 : i32
      %while3A_1088 = arith.addi %while3A_1085, %while3A_1087 : i32
      %while3A_1089 = arith.constant 1 : i32
      %while3A_1090 = arith.divsi %while3A_1087, %while3A_1089 : i32
      %while3A_1091 = arith.muli %while3A_1090, %while3A_1089 : i32
      %while3A_1092 = arith.addi %while3A_1085, %while3A_1091 : i32
      %while3A_1093 = arith.constant 1 : i32
      %while3A_1094 = scf.for %while3A_1551 = %while3A_1085 to %while3A_1092 step %while3A_1093 iter_args(%while3A_1552 = %while3A_1086) -> (i32)  : i32 {
        %mul3A_1553 = arith.constant 16 : i32
        %mul3A_1554 = arith.muli %while3A_1551, %mul3A_1553 : i32
        %add3A_1555 = arith.addi %squeeze3A_1049, %mul3A_1554 : i32
        %get3A_1556 = arith.index_cast %add3A_1555 : i32 to index
        %get3A_1557 = tpu.vector_load %arg9[%get3A_1556] {strides = array<i32>} : memref<1040xi32, #tpu.memory_space<vmem>>, vector<16xi32>,
        %sub3A_1558 = vector.broadcast %add3A_1045 : i32 to vector<16xi32>
        %sub3A_1559 = arith.subi %get3A_1557, %sub3A_1558 : vector<16xi32>
        %mul3A_1560 = arith.constant 16 : i32
        %mul3A_1561 = arith.muli %while3A_1551, %mul3A_1560 : i32
        %add3A_1562 = vector.broadcast %mul3A_1561 : i32 to vector<16xi32>
        %add3A_1563 = arith.addi %iota3A, %add3A_1562 : vector<16xi32>
        %lt3A_1564 = vector.broadcast %sub3A_1056 : i32 to vector<16xi32>
        %lt3A_1565 = arith.cmpi slt, %add3A_1563, %lt3A_1564 : vector<16xi32>
        %add3A_1566 = vector.broadcast %add3A_1555 : i32 to vector<16xi32>
        %add3A_1567 = arith.addi %add3A_1566, %iota3A : vector<16xi32>
        %broadcast_in_dim3A_1568 = arith.constant 0 : i32
        %broadcast_in_dim3A_1569 = vector.broadcast %broadcast_in_dim3A_1568 : i32 to vector<16xi32>
        %gather3A = tpu.vector_load_idx %arg18[%broadcast_in_dim3A_1569, %sub3A_1559] masked %lt3A_1565 : memref<8x512xf32, #tpu.memory_space<vmem>>[vector<16xi32>, vector<16xi32>], vector<16xf32>, vector<16xi1>
        %mul3A_1570 = arith.constant 8 : i32
        %mul3A_1571 = arith.muli %select_n3A_1026, %mul3A_1570 : i32
        %add3A_1572 = arith.constant 0 : i32
        %add3A_1573 = arith.addi %mul3A_1571, %add3A_1572 : i32
        %broadcast_in_dim3A_1574 = vector.broadcast %add3A_1573 : i32 to vector<16xi32>
        tpu.vector_store_idx %arg14[%add3A_1567, %broadcast_in_dim3A_1574], %gather3A masked %lt3A_1565 : memref<640x128xf32, #tpu.memory_space<vmem>>[vector<16xi32>, vector<16xi32>], vector<16xf32>, vector<16xi1>
        %broadcast_in_dim3A_1575 = arith.constant 1 : i32
        %broadcast_in_dim3A_1576 = vector.broadcast %broadcast_in_dim3A_1575 : i32 to vector<16xi32>
        %gather3A_1577 = tpu.vector_load_idx %arg18[%broadcast_in_dim3A_1576, %sub3A_1559] masked %lt3A_1565 : memref<8x512xf32, #tpu.memory_space<vmem>>[vector<16xi32>, vector<16xi32>], vector<16xf32>, vector<16xi1>
        %mul3A_1578 = arith.constant 8 : i32
        %mul3A_1579 = arith.muli %select_n3A_1026, %mul3A_1578 : i32
        %add3A_1580 = arith.constant 1 : i32
        %add3A_1581 = arith.addi %mul3A_1579, %add3A_1580 : i32
        %broadcast_in_dim3A_1582 = vector.broadcast %add3A_1581 : i32 to vector<16xi32>
        tpu.vector_store_idx %arg14[%add3A_1567, %broadcast_in_dim3A_1582], %gather3A_1577 masked %lt3A_1565 : memref<640x128xf32, #tpu.memory_space<vmem>>[vector<16xi32>, vector<16xi32>], vector<16xf32>, vector<16xi1>
        %broadcast_in_dim3A_1583 = arith.constant 2 : i32
        %broadcast_in_dim3A_1584 = vector.broadcast %broadcast_in_dim3A_1583 : i32 to vector<16xi32>
        %gather3A_1585 = tpu.vector_load_idx %arg18[%broadcast_in_dim3A_1584, %sub3A_1559] masked %lt3A_1565 : memref<8x512xf32, #tpu.memory_space<vmem>>[vector<16xi32>, vector<16xi32>], vector<16xf32>, vector<16xi1>
        %mul3A_1586 = arith.constant 8 : i32
        %mul3A_1587 = arith.muli %select_n3A_1026, %mul3A_1586 : i32
        %add3A_1588 = arith.constant 2 : i32
        %add3A_1589 = arith.addi %mul3A_1587, %add3A_1588 : i32
        %broadcast_in_dim3A_1590 = vector.broadcast %add3A_1589 : i32 to vector<16xi32>
        tpu.vector_store_idx %arg14[%add3A_1567, %broadcast_in_dim3A_1590], %gather3A_1585 masked %lt3A_1565 : memref<640x128xf32, #tpu.memory_space<vmem>>[vector<16xi32>, vector<16xi32>], vector<16xf32>, vector<16xi1>
        %broadcast_in_dim3A_1591 = arith.constant 3 : i32
        %broadcast_in_dim3A_1592 = vector.broadcast %broadcast_in_dim3A_1591 : i32 to vector<16xi32>
        %gather3A_1593 = tpu.vector_load_idx %arg18[%broadcast_in_dim3A_1592, %sub3A_1559] masked %lt3A_1565 : memref<8x512xf32, #tpu.memory_space<vmem>>[vector<16xi32>, vector<16xi32>], vector<16xf32>, vector<16xi1>
        %mul3A_1594 = arith.constant 8 : i32
        %mul3A_1595 = arith.muli %select_n3A_1026, %mul3A_1594 : i32
        %add3A_1596 = arith.constant 3 : i32
        %add3A_1597 = arith.addi %mul3A_1595, %add3A_1596 : i32
        %broadcast_in_dim3A_1598 = vector.broadcast %add3A_1597 : i32 to vector<16xi32>
        tpu.vector_store_idx %arg14[%add3A_1567, %broadcast_in_dim3A_1598], %gather3A_1593 masked %lt3A_1565 : memref<640x128xf32, #tpu.memory_space<vmem>>[vector<16xi32>, vector<16xi32>], vector<16xf32>, vector<16xi1>
        %broadcast_in_dim3A_1599 = arith.constant 4 : i32
        %broadcast_in_dim3A_1600 = vector.broadcast %broadcast_in_dim3A_1599 : i32 to vector<16xi32>
        %gather3A_1601 = tpu.vector_load_idx %arg18[%broadcast_in_dim3A_1600, %sub3A_1559] masked %lt3A_1565 : memref<8x512xf32, #tpu.memory_space<vmem>>[vector<16xi32>, vector<16xi32>], vector<16xf32>, vector<16xi1>
        %mul3A_1602 = arith.constant 8 : i32
        %mul3A_1603 = arith.muli %select_n3A_1026, %mul3A_1602 : i32
        %add3A_1604 = arith.constant 4 : i32
        %add3A_1605 = arith.addi %mul3A_1603, %add3A_1604 : i32
        %broadcast_in_dim3A_1606 = vector.broadcast %add3A_1605 : i32 to vector<16xi32>
        tpu.vector_store_idx %arg14[%add3A_1567, %broadcast_in_dim3A_1606], %gather3A_1601 masked %lt3A_1565 : memref<640x128xf32, #tpu.memory_space<vmem>>[vector<16xi32>, vector<16xi32>], vector<16xf32>, vector<16xi1>
        %broadcast_in_dim3A_1607 = arith.constant 5 : i32
        %broadcast_in_dim3A_1608 = vector.broadcast %broadcast_in_dim3A_1607 : i32 to vector<16xi32>
        %gather3A_1609 = tpu.vector_load_idx %arg18[%broadcast_in_dim3A_1608, %sub3A_1559] masked %lt3A_1565 : memref<8x512xf32, #tpu.memory_space<vmem>>[vector<16xi32>, vector<16xi32>], vector<16xf32>, vector<16xi1>
        %mul3A_1610 = arith.constant 8 : i32
        %mul3A_1611 = arith.muli %select_n3A_1026, %mul3A_1610 : i32
        %add3A_1612 = arith.constant 5 : i32
        %add3A_1613 = arith.addi %mul3A_1611, %add3A_1612 : i32
        %broadcast_in_dim3A_1614 = vector.broadcast %add3A_1613 : i32 to vector<16xi32>
        tpu.vector_store_idx %arg14[%add3A_1567, %broadcast_in_dim3A_1614], %gather3A_1609 masked %lt3A_1565 : memref<640x128xf32, #tpu.memory_space<vmem>>[vector<16xi32>, vector<16xi32>], vector<16xf32>, vector<16xi1>
        %broadcast_in_dim3A_1615 = arith.constant 6 : i32
        %broadcast_in_dim3A_1616 = vector.broadcast %broadcast_in_dim3A_1615 : i32 to vector<16xi32>
        %gather3A_1617 = tpu.vector_load_idx %arg18[%broadcast_in_dim3A_1616, %sub3A_1559] masked %lt3A_1565 : memref<8x512xf32, #tpu.memory_space<vmem>>[vector<16xi32>, vector<16xi32>], vector<16xf32>, vector<16xi1>
        %mul3A_1618 = arith.constant 8 : i32
        %mul3A_1619 = arith.muli %select_n3A_1026, %mul3A_1618 : i32
        %add3A_1620 = arith.constant 6 : i32
        %add3A_1621 = arith.addi %mul3A_1619, %add3A_1620 : i32
        %broadcast_in_dim3A_1622 = vector.broadcast %add3A_1621 : i32 to vector<16xi32>
        tpu.vector_store_idx %arg14[%add3A_1567, %broadcast_in_dim3A_1622], %gather3A_1617 masked %lt3A_1565 : memref<640x128xf32, #tpu.memory_space<vmem>>[vector<16xi32>, vector<16xi32>], vector<16xf32>, vector<16xi1>
        %broadcast_in_dim3A_1623 = arith.constant 7 : i32
        %broadcast_in_dim3A_1624 = vector.broadcast %broadcast_in_dim3A_1623 : i32 to vector<16xi32>
        %gather3A_1625 = tpu.vector_load_idx %arg18[%broadcast_in_dim3A_1624, %sub3A_1559] masked %lt3A_1565 : memref<8x512xf32, #tpu.memory_space<vmem>>[vector<16xi32>, vector<16xi32>], vector<16xf32>, vector<16xi1>
        %mul3A_1626 = arith.constant 8 : i32
        %mul3A_1627 = arith.muli %select_n3A_1026, %mul3A_1626 : i32
        %add3A_1628 = arith.constant 7 : i32
        %add3A_1629 = arith.addi %mul3A_1627, %add3A_1628 : i32
        %broadcast_in_dim3A_1630 = vector.broadcast %add3A_1629 : i32 to vector<16xi32>
        tpu.vector_store_idx %arg14[%add3A_1567, %broadcast_in_dim3A_1630], %gather3A_1625 masked %lt3A_1565 : memref<640x128xf32, #tpu.memory_space<vmem>>[vector<16xi32>, vector<16xi32>], vector<16xf32>, vector<16xi1>
        %while3A_1631 = arith.constant 0 : i32
        scf.yield %while3A_1631 : i32
      }
      %while3A_1095 = arith.constant 1 : i32
      %while3A_1096 = scf.for %while3A_1551 = %while3A_1092 to %while3A_1088 step %while3A_1095 iter_args(%while3A_1552 = %while3A_1094) -> (i32)  : i32 {
        %mul3A_1553 = arith.constant 16 : i32
        %mul3A_1554 = arith.muli %while3A_1551, %mul3A_1553 : i32
        %add3A_1555 = arith.addi %squeeze3A_1049, %mul3A_1554 : i32
        %get3A_1556 = arith.index_cast %add3A_1555 : i32 to index
        %get3A_1557 = tpu.vector_load %arg9[%get3A_1556] {strides = array<i32>} : memref<1040xi32, #tpu.memory_space<vmem>>, vector<16xi32>,
        %sub3A_1558 = vector.broadcast %add3A_1045 : i32 to vector<16xi32>
        %sub3A_1559 = arith.subi %get3A_1557, %sub3A_1558 : vector<16xi32>
        %mul3A_1560 = arith.constant 16 : i32
        %mul3A_1561 = arith.muli %while3A_1551, %mul3A_1560 : i32
        %add3A_1562 = vector.broadcast %mul3A_1561 : i32 to vector<16xi32>
        %add3A_1563 = arith.addi %iota3A, %add3A_1562 : vector<16xi32>
        %lt3A_1564 = vector.broadcast %sub3A_1056 : i32 to vector<16xi32>
        %lt3A_1565 = arith.cmpi slt, %add3A_1563, %lt3A_1564 : vector<16xi32>
        %add3A_1566 = vector.broadcast %add3A_1555 : i32 to vector<16xi32>
        %add3A_1567 = arith.addi %add3A_1566, %iota3A : vector<16xi32>
        %broadcast_in_dim3A_1568 = arith.constant 0 : i32
        %broadcast_in_dim3A_1569 = vector.broadcast %broadcast_in_dim3A_1568 : i32 to vector<16xi32>
        %gather3A = tpu.vector_load_idx %arg18[%broadcast_in_dim3A_1569, %sub3A_1559] masked %lt3A_1565 : memref<8x512xf32, #tpu.memory_space<vmem>>[vector<16xi32>, vector<16xi32>], vector<16xf32>, vector<16xi1>
        %mul3A_1570 = arith.constant 8 : i32
        %mul3A_1571 = arith.muli %select_n3A_1026, %mul3A_1570 : i32
        %add3A_1572 = arith.constant 0 : i32
        %add3A_1573 = arith.addi %mul3A_1571, %add3A_1572 : i32
        %broadcast_in_dim3A_1574 = vector.broadcast %add3A_1573 : i32 to vector<16xi32>
        tpu.vector_store_idx %arg14[%add3A_1567, %broadcast_in_dim3A_1574], %gather3A masked %lt3A_1565 : memref<640x128xf32, #tpu.memory_space<vmem>>[vector<16xi32>, vector<16xi32>], vector<16xf32>, vector<16xi1>
        %broadcast_in_dim3A_1575 = arith.constant 1 : i32
        %broadcast_in_dim3A_1576 = vector.broadcast %broadcast_in_dim3A_1575 : i32 to vector<16xi32>
        %gather3A_1577 = tpu.vector_load_idx %arg18[%broadcast_in_dim3A_1576, %sub3A_1559] masked %lt3A_1565 : memref<8x512xf32, #tpu.memory_space<vmem>>[vector<16xi32>, vector<16xi32>], vector<16xf32>, vector<16xi1>
        %mul3A_1578 = arith.constant 8 : i32
        %mul3A_1579 = arith.muli %select_n3A_1026, %mul3A_1578 : i32
        %add3A_1580 = arith.constant 1 : i32
        %add3A_1581 = arith.addi %mul3A_1579, %add3A_1580 : i32
        %broadcast_in_dim3A_1582 = vector.broadcast %add3A_1581 : i32 to vector<16xi32>
        tpu.vector_store_idx %arg14[%add3A_1567, %broadcast_in_dim3A_1582], %gather3A_1577 masked %lt3A_1565 : memref<640x128xf32, #tpu.memory_space<vmem>>[vector<16xi32>, vector<16xi32>], vector<16xf32>, vector<16xi1>
        %broadcast_in_dim3A_1583 = arith.constant 2 : i32
        %broadcast_in_dim3A_1584 = vector.broadcast %broadcast_in_dim3A_1583 : i32 to vector<16xi32>
        %gather3A_1585 = tpu.vector_load_idx %arg18[%broadcast_in_dim3A_1584, %sub3A_1559] masked %lt3A_1565 : memref<8x512xf32, #tpu.memory_space<vmem>>[vector<16xi32>, vector<16xi32>], vector<16xf32>, vector<16xi1>
        %mul3A_1586 = arith.constant 8 : i32
        %mul3A_1587 = arith.muli %select_n3A_1026, %mul3A_1586 : i32
        %add3A_1588 = arith.constant 2 : i32
        %add3A_1589 = arith.addi %mul3A_1587, %add3A_1588 : i32
        %broadcast_in_dim3A_1590 = vector.broadcast %add3A_1589 : i32 to vector<16xi32>
        tpu.vector_store_idx %arg14[%add3A_1567, %broadcast_in_dim3A_1590], %gather3A_1585 masked %lt3A_1565 : memref<640x128xf32, #tpu.memory_space<vmem>>[vector<16xi32>, vector<16xi32>], vector<16xf32>, vector<16xi1>
        %broadcast_in_dim3A_1591 = arith.constant 3 : i32
        %broadcast_in_dim3A_1592 = vector.broadcast %broadcast_in_dim3A_1591 : i32 to vector<16xi32>
        %gather3A_1593 = tpu.vector_load_idx %arg18[%broadcast_in_dim3A_1592, %sub3A_1559] masked %lt3A_1565 : memref<8x512xf32, #tpu.memory_space<vmem>>[vector<16xi32>, vector<16xi32>], vector<16xf32>, vector<16xi1>
        %mul3A_1594 = arith.constant 8 : i32
        %mul3A_1595 = arith.muli %select_n3A_1026, %mul3A_1594 : i32
        %add3A_1596 = arith.constant 3 : i32
        %add3A_1597 = arith.addi %mul3A_1595, %add3A_1596 : i32
        %broadcast_in_dim3A_1598 = vector.broadcast %add3A_1597 : i32 to vector<16xi32>
        tpu.vector_store_idx %arg14[%add3A_1567, %broadcast_in_dim3A_1598], %gather3A_1593 masked %lt3A_1565 : memref<640x128xf32, #tpu.memory_space<vmem>>[vector<16xi32>, vector<16xi32>], vector<16xf32>, vector<16xi1>
        %broadcast_in_dim3A_1599 = arith.constant 4 : i32
        %broadcast_in_dim3A_1600 = vector.broadcast %broadcast_in_dim3A_1599 : i32 to vector<16xi32>
        %gather3A_1601 = tpu.vector_load_idx %arg18[%broadcast_in_dim3A_1600, %sub3A_1559] masked %lt3A_1565 : memref<8x512xf32, #tpu.memory_space<vmem>>[vector<16xi32>, vector<16xi32>], vector<16xf32>, vector<16xi1>
        %mul3A_1602 = arith.constant 8 : i32
        %mul3A_1603 = arith.muli %select_n3A_1026, %mul3A_1602 : i32
        %add3A_1604 = arith.constant 4 : i32
        %add3A_1605 = arith.addi %mul3A_1603, %add3A_1604 : i32
        %broadcast_in_dim3A_1606 = vector.broadcast %add3A_1605 : i32 to vector<16xi32>
        tpu.vector_store_idx %arg14[%add3A_1567, %broadcast_in_dim3A_1606], %gather3A_1601 masked %lt3A_1565 : memref<640x128xf32, #tpu.memory_space<vmem>>[vector<16xi32>, vector<16xi32>], vector<16xf32>, vector<16xi1>
        %broadcast_in_dim3A_1607 = arith.constant 5 : i32
        %broadcast_in_dim3A_1608 = vector.broadcast %broadcast_in_dim3A_1607 : i32 to vector<16xi32>
        %gather3A_1609 = tpu.vector_load_idx %arg18[%broadcast_in_dim3A_1608, %sub3A_1559] masked %lt3A_1565 : memref<8x512xf32, #tpu.memory_space<vmem>>[vector<16xi32>, vector<16xi32>], vector<16xf32>, vector<16xi1>
        %mul3A_1610 = arith.constant 8 : i32
        %mul3A_1611 = arith.muli %select_n3A_1026, %mul3A_1610 : i32
        %add3A_1612 = arith.constant 5 : i32
        %add3A_1613 = arith.addi %mul3A_1611, %add3A_1612 : i32
        %broadcast_in_dim3A_1614 = vector.broadcast %add3A_1613 : i32 to vector<16xi32>
        tpu.vector_store_idx %arg14[%add3A_1567, %broadcast_in_dim3A_1614], %gather3A_1609 masked %lt3A_1565 : memref<640x128xf32, #tpu.memory_space<vmem>>[vector<16xi32>, vector<16xi32>], vector<16xf32>, vector<16xi1>
        %broadcast_in_dim3A_1615 = arith.constant 6 : i32
        %broadcast_in_dim3A_1616 = vector.broadcast %broadcast_in_dim3A_1615 : i32 to vector<16xi32>
        %gather3A_1617 = tpu.vector_load_idx %arg18[%broadcast_in_dim3A_1616, %sub3A_1559] masked %lt3A_1565 : memref<8x512xf32, #tpu.memory_space<vmem>>[vector<16xi32>, vector<16xi32>], vector<16xf32>, vector<16xi1>
        %mul3A_1618 = arith.constant 8 : i32
        %mul3A_1619 = arith.muli %select_n3A_1026, %mul3A_1618 : i32
        %add3A_1620 = arith.constant 6 : i32
        %add3A_1621 = arith.addi %mul3A_1619, %add3A_1620 : i32
        %broadcast_in_dim3A_1622 = vector.broadcast %add3A_1621 : i32 to vector<16xi32>
        tpu.vector_store_idx %arg14[%add3A_1567, %broadcast_in_dim3A_1622], %gather3A_1617 masked %lt3A_1565 : memref<640x128xf32, #tpu.memory_space<vmem>>[vector<16xi32>, vector<16xi32>], vector<16xf32>, vector<16xi1>
        %broadcast_in_dim3A_1623 = arith.constant 7 : i32
        %broadcast_in_dim3A_1624 = vector.broadcast %broadcast_in_dim3A_1623 : i32 to vector<16xi32>
        %gather3A_1625 = tpu.vector_load_idx %arg18[%broadcast_in_dim3A_1624, %sub3A_1559] masked %lt3A_1565 : memref<8x512xf32, #tpu.memory_space<vmem>>[vector<16xi32>, vector<16xi32>], vector<16xf32>, vector<16xi1>
        %mul3A_1626 = arith.constant 8 : i32
        %mul3A_1627 = arith.muli %select_n3A_1026, %mul3A_1626 : i32
        %add3A_1628 = arith.constant 7 : i32
        %add3A_1629 = arith.addi %mul3A_1627, %add3A_1628 : i32
        %broadcast_in_dim3A_1630 = vector.broadcast %add3A_1629 : i32 to vector<16xi32>
        tpu.vector_store_idx %arg14[%add3A_1567, %broadcast_in_dim3A_1630], %gather3A_1625 masked %lt3A_1565 : memref<640x128xf32, #tpu.memory_space<vmem>>[vector<16xi32>, vector<16xi32>], vector<16xf32>, vector<16xi1>
        %while3A_1631 = arith.constant 0 : i32
        scf.yield %while3A_1631 : i32
      }
      %add3A_1097 = arith.constant 3 : i32
      %add3A_1098 = arith.addi %mul3A_665, %add3A_1097 : i32
      %add3A_1099 = arith.constant 8 : i32
      %add3A_1100 = arith.addi %add3A_1098, %add3A_1099 : i32
      %lt3A_1101 = arith.constant 488 : i32
      %lt3A_1102 = arith.cmpi slt, %add3A_1100, %lt3A_1101 : i32
      %convert_element_type3A_1103 = arith.extui %lt3A_1102 : i1 to i32
      %cond3A_1104 = arith.constant 0 : i32
      %cond3A_1105 = arith.cmpi ne, %convert_element_type3A_1103, %cond3A_1104 : i32
      scf.if %cond3A_1105 {
        %add3A_1551 = arith.constant 3 : i32
        %add3A_1552 = arith.addi %mul3A_665, %add3A_1551 : i32
        %add3A_1553 = arith.constant 8 : i32
        %add3A_1554 = arith.addi %add3A_1552, %add3A_1553 : i32
        %jit3A_1555 = arith.constant 61 : i32
        %div3A_1556 = arith.divsi %add3A_1554, %jit3A_1555 : i32
        %sign3A_1557 = arith.constant 0 : i32
        %sign3A_1558 = arith.cmpi sgt, %add3A_1554, %sign3A_1557 : i32
        %sign3A_1559 = arith.extui %sign3A_1558 : i1 to i32
        %sign3A_1560 = arith.constant 0 : i32
        %sign3A_1561 = arith.cmpi slt, %add3A_1554, %sign3A_1560 : i32
        %sign3A_1562 = arith.extui %sign3A_1561 : i1 to i32
        %sign3A_1563 = arith.subi %sign3A_1559, %sign3A_1562 : i32
        %sign3A_1564 = arith.constant 0 : i32
        %sign3A_1565 = arith.cmpi sgt, %jit3A_1555, %sign3A_1564 : i32
        %sign3A_1566 = arith.extui %sign3A_1565 : i1 to i32
        %sign3A_1567 = arith.constant 0 : i32
        %sign3A_1568 = arith.cmpi slt, %jit3A_1555, %sign3A_1567 : i32
        %sign3A_1569 = arith.extui %sign3A_1568 : i1 to i32
        %sign3A_1570 = arith.subi %sign3A_1566, %sign3A_1569 : i32
        %ne3A_1571 = arith.cmpi ne, %sign3A_1563, %sign3A_1570 : i32
        %rem3A_1572 = arith.remsi %add3A_1554, %jit3A_1555 : i32
        %ne3A_1573 = arith.constant 0 : i32
        %ne3A_1574 = arith.cmpi ne, %rem3A_1572, %ne3A_1573 : i32
        %and3A_1575 = arith.andi %ne3A_1571, %ne3A_1574 : i1
        %sub3A_1576 = arith.constant 1 : i32
        %sub3A_1577 = arith.subi %div3A_1556, %sub3A_1576 : i32
        %select_n3A_1578 = arith.select %and3A_1575, %sub3A_1577, %div3A_1556 : i32
        %jit3A_1579 = arith.constant 61 : i32
        %eq3A_1580 = arith.constant 0 : i32
        %eq3A_1581 = arith.cmpi eq, %jit3A_1579, %eq3A_1580 : i32
        %jit3A_1582 = arith.constant 1 : i32
        %select_n3A_1583 = arith.select %eq3A_1581, %jit3A_1582, %jit3A_1579 : i32
        %rem3A_1584 = arith.remsi %add3A_1554, %select_n3A_1583 : i32
        %ne3A_1585 = arith.constant 0 : i32
        %ne3A_1586 = arith.cmpi ne, %rem3A_1584, %ne3A_1585 : i32
        %lt3A_1587 = arith.constant 0 : i32
        %lt3A_1588 = arith.cmpi slt, %rem3A_1584, %lt3A_1587 : i32
        %lt3A_1589 = arith.constant 0 : i32
        %lt3A_1590 = arith.cmpi slt, %select_n3A_1583, %lt3A_1589 : i32
        %ne3A_1591 = arith.xori %lt3A_1588, %lt3A_1590 : i1
        %and3A_1592 = arith.andi %ne3A_1591, %ne3A_1586 : i1
        %add3A_1593 = arith.addi %rem3A_1584, %select_n3A_1583 : i32
        %select_n3A_1594 = arith.select %and3A_1592, %add3A_1593, %rem3A_1584 : i32
        %mul3A_1595 = arith.constant 8 : i32
        %mul3A_1596 = arith.muli %select_n3A_1578, %mul3A_1595 : i32
        %multiple_of3A_1597 = tpu.assume_multiple %mul3A_1596, 8 : i32
        %mul3A_1598 = arith.constant 512 : i32
        %mul3A_1599 = arith.muli %select_n3A_1594, %mul3A_1598 : i32
        %add3A_1600 = arith.addi %mul3A_2, %mul3A_1599 : i32
        %multiple_of3A_1601 = tpu.assume_multiple %add3A_1600, 128 : i32
        %dma_start3A_1602 = tpu.memref_slice %arg2[%multiple_of3A_1597, %multiple_of3A_1601] : memref<64x1000000xf32, #tpu.memory_space<hbm>> -> memref<8x512xf32, #tpu.memory_space<hbm>>
        %dma_start3A_1603 = tpu.memref_slice %arg2[%multiple_of3A_1597, %multiple_of3A_1601] : memref<64x1000000xf32, #tpu.memory_space<hbm>> -> memref<8x512xf32, #tpu.memory_space<hbm>>
        tpu.enqueue_dma source(%dma_start3A_1603 : memref<8x512xf32, #tpu.memory_space<hbm>>) target(%arg18 : memref<8x512xf32, #tpu.memory_space<vmem>>) target_semaphore(%arg25 : memref<!tpu.dma_semaphore, #tpu.memory_space<semaphore_mem>>)
      } else {
      }
      %dma_wait3A_1106 = arith.constant 0 : i32
      %dma_wait3A_1107 = arith.constant 0 : i32
      %dma_wait3A_1108 = tpu.memref_slice %arg2[%dma_wait3A_1106, %dma_wait3A_1107] : memref<64x1000000xf32, #tpu.memory_space<hbm>> -> memref<8x512xf32, #tpu.memory_space<hbm>>
      %dma_wait3A_1109 = arith.constant 0 : i32
      %dma_wait3A_1110 = arith.constant 0 : i32
      %dma_wait3A_1111 = tpu.memref_slice %arg2[%dma_wait3A_1109, %dma_wait3A_1110] : memref<64x1000000xf32, #tpu.memory_space<hbm>> -> memref<8x512xf32, #tpu.memory_space<hbm>>
      tpu.wait_dma2 semaphore(%arg25 : memref<!tpu.dma_semaphore, #tpu.memory_space<semaphore_mem>>) src(%dma_wait3A_1111 : memref<8x512xf32, #tpu.memory_space<hbm>>) dst(%arg15 : memref<8x512xf32, #tpu.memory_space<vmem>>)
      %add3A_1112 = arith.constant 4 : i32
      %add3A_1113 = arith.addi %mul3A_665, %add3A_1112 : i32
      %jit3A_1114 = arith.constant 61 : i32
      %div3A_1115 = arith.divsi %add3A_1113, %jit3A_1114 : i32
      %sign3A_1116 = arith.constant 0 : i32
      %sign3A_1117 = arith.cmpi sgt, %add3A_1113, %sign3A_1116 : i32
      %sign3A_1118 = arith.extui %sign3A_1117 : i1 to i32
      %sign3A_1119 = arith.constant 0 : i32
      %sign3A_1120 = arith.cmpi slt, %add3A_1113, %sign3A_1119 : i32
      %sign3A_1121 = arith.extui %sign3A_1120 : i1 to i32
      %sign3A_1122 = arith.subi %sign3A_1118, %sign3A_1121 : i32
      %sign3A_1123 = arith.constant 0 : i32
      %sign3A_1124 = arith.cmpi sgt, %jit3A_1114, %sign3A_1123 : i32
      %sign3A_1125 = arith.extui %sign3A_1124 : i1 to i32
      %sign3A_1126 = arith.constant 0 : i32
      %sign3A_1127 = arith.cmpi slt, %jit3A_1114, %sign3A_1126 : i32
      %sign3A_1128 = arith.extui %sign3A_1127 : i1 to i32
      %sign3A_1129 = arith.subi %sign3A_1125, %sign3A_1128 : i32
      %ne3A_1130 = arith.cmpi ne, %sign3A_1122, %sign3A_1129 : i32
      %rem3A_1131 = arith.remsi %add3A_1113, %jit3A_1114 : i32
      %ne3A_1132 = arith.constant 0 : i32
      %ne3A_1133 = arith.cmpi ne, %rem3A_1131, %ne3A_1132 : i32
      %and3A_1134 = arith.andi %ne3A_1130, %ne3A_1133 : i1
      %sub3A_1135 = arith.constant 1 : i32
      %sub3A_1136 = arith.subi %div3A_1115, %sub3A_1135 : i32
      %select_n3A_1137 = arith.select %and3A_1134, %sub3A_1136, %div3A_1115 : i32
      %jit3A_1138 = arith.constant 61 : i32
      %eq3A_1139 = arith.constant 0 : i32
      %eq3A_1140 = arith.cmpi eq, %jit3A_1138, %eq3A_1139 : i32
      %jit3A_1141 = arith.constant 1 : i32
      %select_n3A_1142 = arith.select %eq3A_1140, %jit3A_1141, %jit3A_1138 : i32
      %rem3A_1143 = arith.remsi %add3A_1113, %select_n3A_1142 : i32
      %ne3A_1144 = arith.constant 0 : i32
      %ne3A_1145 = arith.cmpi ne, %rem3A_1143, %ne3A_1144 : i32
      %lt3A_1146 = arith.constant 0 : i32
      %lt3A_1147 = arith.cmpi slt, %rem3A_1143, %lt3A_1146 : i32
      %lt3A_1148 = arith.constant 0 : i32
      %lt3A_1149 = arith.cmpi slt, %select_n3A_1142, %lt3A_1148 : i32
      %ne3A_1150 = arith.xori %lt3A_1147, %lt3A_1149 : i1
      %and3A_1151 = arith.andi %ne3A_1150, %ne3A_1145 : i1
      %add3A_1152 = arith.addi %rem3A_1143, %select_n3A_1142 : i32
      %select_n3A_1153 = arith.select %and3A_1151, %add3A_1152, %rem3A_1143 : i32
      %mul3A_1154 = arith.constant 512 : i32
      %mul3A_1155 = arith.muli %select_n3A_1153, %mul3A_1154 : i32
      %add3A_1156 = arith.addi %mul3A_2, %mul3A_1155 : i32
      %get3A_1157 = arith.index_cast %select_n3A_1153 : i32 to index
      %get3A_1158 = tpu.vector_load %arg11[%get3A_1157] {strides = array<i32>} : memref<78xi32, #tpu.memory_space<vmem>>, vector<16xi32>,
      %slice3A_1159 = vector.extract_strided_slice %get3A_1158 {offsets = [0], sizes = [1], strides = [1]} : vector<16xi32> to vector<1xi32>
      %squeeze3A_1160 = vector.extract %slice3A_1159[0] : i32 from vector<1xi32>
      %add3A_1161 = arith.constant 1 : i32
      %add3A_1162 = arith.addi %select_n3A_1153, %add3A_1161 : i32
      %get3A_1163 = arith.index_cast %add3A_1162 : i32 to index
      %get3A_1164 = tpu.vector_load %arg11[%get3A_1163] {strides = array<i32>} : memref<78xi32, #tpu.memory_space<vmem>>, vector<16xi32>,
      %slice3A_1165 = vector.extract_strided_slice %get3A_1164 {offsets = [0], sizes = [1], strides = [1]} : vector<16xi32> to vector<1xi32>
      %squeeze3A_1166 = vector.extract %slice3A_1165[0] : i32 from vector<1xi32>
      %sub3A_1167 = arith.subi %squeeze3A_1166, %squeeze3A_1160 : i32
      %add3A_1168 = arith.constant 16 : i32
      %add3A_1169 = arith.addi %sub3A_1167, %add3A_1168 : i32
      %sub3A_1170 = arith.constant 1 : i32
      %sub3A_1171 = arith.subi %add3A_1169, %sub3A_1170 : i32
      %jit3A_1172 = arith.constant 16 : i32
      %div3A_1173 = arith.divsi %sub3A_1171, %jit3A_1172 : i32
      %sign3A_1174 = arith.constant 0 : i32
      %sign3A_1175 = arith.cmpi sgt, %sub3A_1171, %sign3A_1174 : i32
      %sign3A_1176 = arith.extui %sign3A_1175 : i1 to i32
      %sign3A_1177 = arith.constant 0 : i32
      %sign3A_1178 = arith.cmpi slt, %sub3A_1171, %sign3A_1177 : i32
      %sign3A_1179 = arith.extui %sign3A_1178 : i1 to i32
      %sign3A_1180 = arith.subi %sign3A_1176, %sign3A_1179 : i32
      %sign3A_1181 = arith.constant 0 : i32
      %sign3A_1182 = arith.cmpi sgt, %jit3A_1172, %sign3A_1181 : i32
      %sign3A_1183 = arith.extui %sign3A_1182 : i1 to i32
      %sign3A_1184 = arith.constant 0 : i32
      %sign3A_1185 = arith.cmpi slt, %jit3A_1172, %sign3A_1184 : i32
      %sign3A_1186 = arith.extui %sign3A_1185 : i1 to i32
      %sign3A_1187 = arith.subi %sign3A_1183, %sign3A_1186 : i32
      %ne3A_1188 = arith.cmpi ne, %sign3A_1180, %sign3A_1187 : i32
      %rem3A_1189 = arith.remsi %sub3A_1171, %jit3A_1172 : i32
      %ne3A_1190 = arith.constant 0 : i32
      %ne3A_1191 = arith.cmpi ne, %rem3A_1189, %ne3A_1190 : i32
      %and3A_1192 = arith.andi %ne3A_1188, %ne3A_1191 : i1
      %sub3A_1193 = arith.constant 1 : i32
      %sub3A_1194 = arith.subi %div3A_1173, %sub3A_1193 : i32
      %select_n3A_1195 = arith.select %and3A_1192, %sub3A_1194, %div3A_1173 : i32
      %while3A_1196 = arith.constant 0 : i32
      %while3A_1197 = arith.constant 0 : i32
      %while3A_1198 = arith.subi %select_n3A_1195, %while3A_1196 : i32
      %while3A_1199 = arith.addi %while3A_1196, %while3A_1198 : i32
      %while3A_1200 = arith.constant 1 : i32
      %while3A_1201 = arith.divsi %while3A_1198, %while3A_1200 : i32
      %while3A_1202 = arith.muli %while3A_1201, %while3A_1200 : i32
      %while3A_1203 = arith.addi %while3A_1196, %while3A_1202 : i32
      %while3A_1204 = arith.constant 1 : i32
      %while3A_1205 = scf.for %while3A_1551 = %while3A_1196 to %while3A_1203 step %while3A_1204 iter_args(%while3A_1552 = %while3A_1197) -> (i32)  : i32 {
        %mul3A_1553 = arith.constant 16 : i32
        %mul3A_1554 = arith.muli %while3A_1551, %mul3A_1553 : i32
        %add3A_1555 = arith.addi %squeeze3A_1160, %mul3A_1554 : i32
        %get3A_1556 = arith.index_cast %add3A_1555 : i32 to index
        %get3A_1557 = tpu.vector_load %arg9[%get3A_1556] {strides = array<i32>} : memref<1040xi32, #tpu.memory_space<vmem>>, vector<16xi32>,
        %sub3A_1558 = vector.broadcast %add3A_1156 : i32 to vector<16xi32>
        %sub3A_1559 = arith.subi %get3A_1557, %sub3A_1558 : vector<16xi32>
        %mul3A_1560 = arith.constant 16 : i32
        %mul3A_1561 = arith.muli %while3A_1551, %mul3A_1560 : i32
        %add3A_1562 = vector.broadcast %mul3A_1561 : i32 to vector<16xi32>
        %add3A_1563 = arith.addi %iota3A, %add3A_1562 : vector<16xi32>
        %lt3A_1564 = vector.broadcast %sub3A_1167 : i32 to vector<16xi32>
        %lt3A_1565 = arith.cmpi slt, %add3A_1563, %lt3A_1564 : vector<16xi32>
        %add3A_1566 = vector.broadcast %add3A_1555 : i32 to vector<16xi32>
        %add3A_1567 = arith.addi %add3A_1566, %iota3A : vector<16xi32>
        %broadcast_in_dim3A_1568 = arith.constant 0 : i32
        %broadcast_in_dim3A_1569 = vector.broadcast %broadcast_in_dim3A_1568 : i32 to vector<16xi32>
        %gather3A = tpu.vector_load_idx %arg19[%broadcast_in_dim3A_1569, %sub3A_1559] masked %lt3A_1565 : memref<8x512xf32, #tpu.memory_space<vmem>>[vector<16xi32>, vector<16xi32>], vector<16xf32>, vector<16xi1>
        %mul3A_1570 = arith.constant 8 : i32
        %mul3A_1571 = arith.muli %select_n3A_1137, %mul3A_1570 : i32
        %add3A_1572 = arith.constant 0 : i32
        %add3A_1573 = arith.addi %mul3A_1571, %add3A_1572 : i32
        %broadcast_in_dim3A_1574 = vector.broadcast %add3A_1573 : i32 to vector<16xi32>
        tpu.vector_store_idx %arg14[%add3A_1567, %broadcast_in_dim3A_1574], %gather3A masked %lt3A_1565 : memref<640x128xf32, #tpu.memory_space<vmem>>[vector<16xi32>, vector<16xi32>], vector<16xf32>, vector<16xi1>
        %broadcast_in_dim3A_1575 = arith.constant 1 : i32
        %broadcast_in_dim3A_1576 = vector.broadcast %broadcast_in_dim3A_1575 : i32 to vector<16xi32>
        %gather3A_1577 = tpu.vector_load_idx %arg19[%broadcast_in_dim3A_1576, %sub3A_1559] masked %lt3A_1565 : memref<8x512xf32, #tpu.memory_space<vmem>>[vector<16xi32>, vector<16xi32>], vector<16xf32>, vector<16xi1>
        %mul3A_1578 = arith.constant 8 : i32
        %mul3A_1579 = arith.muli %select_n3A_1137, %mul3A_1578 : i32
        %add3A_1580 = arith.constant 1 : i32
        %add3A_1581 = arith.addi %mul3A_1579, %add3A_1580 : i32
        %broadcast_in_dim3A_1582 = vector.broadcast %add3A_1581 : i32 to vector<16xi32>
        tpu.vector_store_idx %arg14[%add3A_1567, %broadcast_in_dim3A_1582], %gather3A_1577 masked %lt3A_1565 : memref<640x128xf32, #tpu.memory_space<vmem>>[vector<16xi32>, vector<16xi32>], vector<16xf32>, vector<16xi1>
        %broadcast_in_dim3A_1583 = arith.constant 2 : i32
        %broadcast_in_dim3A_1584 = vector.broadcast %broadcast_in_dim3A_1583 : i32 to vector<16xi32>
        %gather3A_1585 = tpu.vector_load_idx %arg19[%broadcast_in_dim3A_1584, %sub3A_1559] masked %lt3A_1565 : memref<8x512xf32, #tpu.memory_space<vmem>>[vector<16xi32>, vector<16xi32>], vector<16xf32>, vector<16xi1>
        %mul3A_1586 = arith.constant 8 : i32
        %mul3A_1587 = arith.muli %select_n3A_1137, %mul3A_1586 : i32
        %add3A_1588 = arith.constant 2 : i32
        %add3A_1589 = arith.addi %mul3A_1587, %add3A_1588 : i32
        %broadcast_in_dim3A_1590 = vector.broadcast %add3A_1589 : i32 to vector<16xi32>
        tpu.vector_store_idx %arg14[%add3A_1567, %broadcast_in_dim3A_1590], %gather3A_1585 masked %lt3A_1565 : memref<640x128xf32, #tpu.memory_space<vmem>>[vector<16xi32>, vector<16xi32>], vector<16xf32>, vector<16xi1>
        %broadcast_in_dim3A_1591 = arith.constant 3 : i32
        %broadcast_in_dim3A_1592 = vector.broadcast %broadcast_in_dim3A_1591 : i32 to vector<16xi32>
        %gather3A_1593 = tpu.vector_load_idx %arg19[%broadcast_in_dim3A_1592, %sub3A_1559] masked %lt3A_1565 : memref<8x512xf32, #tpu.memory_space<vmem>>[vector<16xi32>, vector<16xi32>], vector<16xf32>, vector<16xi1>
        %mul3A_1594 = arith.constant 8 : i32
        %mul3A_1595 = arith.muli %select_n3A_1137, %mul3A_1594 : i32
        %add3A_1596 = arith.constant 3 : i32
        %add3A_1597 = arith.addi %mul3A_1595, %add3A_1596 : i32
        %broadcast_in_dim3A_1598 = vector.broadcast %add3A_1597 : i32 to vector<16xi32>
        tpu.vector_store_idx %arg14[%add3A_1567, %broadcast_in_dim3A_1598], %gather3A_1593 masked %lt3A_1565 : memref<640x128xf32, #tpu.memory_space<vmem>>[vector<16xi32>, vector<16xi32>], vector<16xf32>, vector<16xi1>
        %broadcast_in_dim3A_1599 = arith.constant 4 : i32
        %broadcast_in_dim3A_1600 = vector.broadcast %broadcast_in_dim3A_1599 : i32 to vector<16xi32>
        %gather3A_1601 = tpu.vector_load_idx %arg19[%broadcast_in_dim3A_1600, %sub3A_1559] masked %lt3A_1565 : memref<8x512xf32, #tpu.memory_space<vmem>>[vector<16xi32>, vector<16xi32>], vector<16xf32>, vector<16xi1>
        %mul3A_1602 = arith.constant 8 : i32
        %mul3A_1603 = arith.muli %select_n3A_1137, %mul3A_1602 : i32
        %add3A_1604 = arith.constant 4 : i32
        %add3A_1605 = arith.addi %mul3A_1603, %add3A_1604 : i32
        %broadcast_in_dim3A_1606 = vector.broadcast %add3A_1605 : i32 to vector<16xi32>
        tpu.vector_store_idx %arg14[%add3A_1567, %broadcast_in_dim3A_1606], %gather3A_1601 masked %lt3A_1565 : memref<640x128xf32, #tpu.memory_space<vmem>>[vector<16xi32>, vector<16xi32>], vector<16xf32>, vector<16xi1>
        %broadcast_in_dim3A_1607 = arith.constant 5 : i32
        %broadcast_in_dim3A_1608 = vector.broadcast %broadcast_in_dim3A_1607 : i32 to vector<16xi32>
        %gather3A_1609 = tpu.vector_load_idx %arg19[%broadcast_in_dim3A_1608, %sub3A_1559] masked %lt3A_1565 : memref<8x512xf32, #tpu.memory_space<vmem>>[vector<16xi32>, vector<16xi32>], vector<16xf32>, vector<16xi1>
        %mul3A_1610 = arith.constant 8 : i32
        %mul3A_1611 = arith.muli %select_n3A_1137, %mul3A_1610 : i32
        %add3A_1612 = arith.constant 5 : i32
        %add3A_1613 = arith.addi %mul3A_1611, %add3A_1612 : i32
        %broadcast_in_dim3A_1614 = vector.broadcast %add3A_1613 : i32 to vector<16xi32>
        tpu.vector_store_idx %arg14[%add3A_1567, %broadcast_in_dim3A_1614], %gather3A_1609 masked %lt3A_1565 : memref<640x128xf32, #tpu.memory_space<vmem>>[vector<16xi32>, vector<16xi32>], vector<16xf32>, vector<16xi1>
        %broadcast_in_dim3A_1615 = arith.constant 6 : i32
        %broadcast_in_dim3A_1616 = vector.broadcast %broadcast_in_dim3A_1615 : i32 to vector<16xi32>
        %gather3A_1617 = tpu.vector_load_idx %arg19[%broadcast_in_dim3A_1616, %sub3A_1559] masked %lt3A_1565 : memref<8x512xf32, #tpu.memory_space<vmem>>[vector<16xi32>, vector<16xi32>], vector<16xf32>, vector<16xi1>
        %mul3A_1618 = arith.constant 8 : i32
        %mul3A_1619 = arith.muli %select_n3A_1137, %mul3A_1618 : i32
        %add3A_1620 = arith.constant 6 : i32
        %add3A_1621 = arith.addi %mul3A_1619, %add3A_1620 : i32
        %broadcast_in_dim3A_1622 = vector.broadcast %add3A_1621 : i32 to vector<16xi32>
        tpu.vector_store_idx %arg14[%add3A_1567, %broadcast_in_dim3A_1622], %gather3A_1617 masked %lt3A_1565 : memref<640x128xf32, #tpu.memory_space<vmem>>[vector<16xi32>, vector<16xi32>], vector<16xf32>, vector<16xi1>
        %broadcast_in_dim3A_1623 = arith.constant 7 : i32
        %broadcast_in_dim3A_1624 = vector.broadcast %broadcast_in_dim3A_1623 : i32 to vector<16xi32>
        %gather3A_1625 = tpu.vector_load_idx %arg19[%broadcast_in_dim3A_1624, %sub3A_1559] masked %lt3A_1565 : memref<8x512xf32, #tpu.memory_space<vmem>>[vector<16xi32>, vector<16xi32>], vector<16xf32>, vector<16xi1>
        %mul3A_1626 = arith.constant 8 : i32
        %mul3A_1627 = arith.muli %select_n3A_1137, %mul3A_1626 : i32
        %add3A_1628 = arith.constant 7 : i32
        %add3A_1629 = arith.addi %mul3A_1627, %add3A_1628 : i32
        %broadcast_in_dim3A_1630 = vector.broadcast %add3A_1629 : i32 to vector<16xi32>
        tpu.vector_store_idx %arg14[%add3A_1567, %broadcast_in_dim3A_1630], %gather3A_1625 masked %lt3A_1565 : memref<640x128xf32, #tpu.memory_space<vmem>>[vector<16xi32>, vector<16xi32>], vector<16xf32>, vector<16xi1>
        %while3A_1631 = arith.constant 0 : i32
        scf.yield %while3A_1631 : i32
      }
      %while3A_1206 = arith.constant 1 : i32
      %while3A_1207 = scf.for %while3A_1551 = %while3A_1203 to %while3A_1199 step %while3A_1206 iter_args(%while3A_1552 = %while3A_1205) -> (i32)  : i32 {
        %mul3A_1553 = arith.constant 16 : i32
        %mul3A_1554 = arith.muli %while3A_1551, %mul3A_1553 : i32
        %add3A_1555 = arith.addi %squeeze3A_1160, %mul3A_1554 : i32
        %get3A_1556 = arith.index_cast %add3A_1555 : i32 to index
        %get3A_1557 = tpu.vector_load %arg9[%get3A_1556] {strides = array<i32>} : memref<1040xi32, #tpu.memory_space<vmem>>, vector<16xi32>,
        %sub3A_1558 = vector.broadcast %add3A_1156 : i32 to vector<16xi32>
        %sub3A_1559 = arith.subi %get3A_1557, %sub3A_1558 : vector<16xi32>
        %mul3A_1560 = arith.constant 16 : i32
        %mul3A_1561 = arith.muli %while3A_1551, %mul3A_1560 : i32
        %add3A_1562 = vector.broadcast %mul3A_1561 : i32 to vector<16xi32>
        %add3A_1563 = arith.addi %iota3A, %add3A_1562 : vector<16xi32>
        %lt3A_1564 = vector.broadcast %sub3A_1167 : i32 to vector<16xi32>
        %lt3A_1565 = arith.cmpi slt, %add3A_1563, %lt3A_1564 : vector<16xi32>
        %add3A_1566 = vector.broadcast %add3A_1555 : i32 to vector<16xi32>
        %add3A_1567 = arith.addi %add3A_1566, %iota3A : vector<16xi32>
        %broadcast_in_dim3A_1568 = arith.constant 0 : i32
        %broadcast_in_dim3A_1569 = vector.broadcast %broadcast_in_dim3A_1568 : i32 to vector<16xi32>
        %gather3A = tpu.vector_load_idx %arg19[%broadcast_in_dim3A_1569, %sub3A_1559] masked %lt3A_1565 : memref<8x512xf32, #tpu.memory_space<vmem>>[vector<16xi32>, vector<16xi32>], vector<16xf32>, vector<16xi1>
        %mul3A_1570 = arith.constant 8 : i32
        %mul3A_1571 = arith.muli %select_n3A_1137, %mul3A_1570 : i32
        %add3A_1572 = arith.constant 0 : i32
        %add3A_1573 = arith.addi %mul3A_1571, %add3A_1572 : i32
        %broadcast_in_dim3A_1574 = vector.broadcast %add3A_1573 : i32 to vector<16xi32>
        tpu.vector_store_idx %arg14[%add3A_1567, %broadcast_in_dim3A_1574], %gather3A masked %lt3A_1565 : memref<640x128xf32, #tpu.memory_space<vmem>>[vector<16xi32>, vector<16xi32>], vector<16xf32>, vector<16xi1>
        %broadcast_in_dim3A_1575 = arith.constant 1 : i32
        %broadcast_in_dim3A_1576 = vector.broadcast %broadcast_in_dim3A_1575 : i32 to vector<16xi32>
        %gather3A_1577 = tpu.vector_load_idx %arg19[%broadcast_in_dim3A_1576, %sub3A_1559] masked %lt3A_1565 : memref<8x512xf32, #tpu.memory_space<vmem>>[vector<16xi32>, vector<16xi32>], vector<16xf32>, vector<16xi1>
        %mul3A_1578 = arith.constant 8 : i32
        %mul3A_1579 = arith.muli %select_n3A_1137, %mul3A_1578 : i32
        %add3A_1580 = arith.constant 1 : i32
        %add3A_1581 = arith.addi %mul3A_1579, %add3A_1580 : i32
        %broadcast_in_dim3A_1582 = vector.broadcast %add3A_1581 : i32 to vector<16xi32>
        tpu.vector_store_idx %arg14[%add3A_1567, %broadcast_in_dim3A_1582], %gather3A_1577 masked %lt3A_1565 : memref<640x128xf32, #tpu.memory_space<vmem>>[vector<16xi32>, vector<16xi32>], vector<16xf32>, vector<16xi1>
        %broadcast_in_dim3A_1583 = arith.constant 2 : i32
        %broadcast_in_dim3A_1584 = vector.broadcast %broadcast_in_dim3A_1583 : i32 to vector<16xi32>
        %gather3A_1585 = tpu.vector_load_idx %arg19[%broadcast_in_dim3A_1584, %sub3A_1559] masked %lt3A_1565 : memref<8x512xf32, #tpu.memory_space<vmem>>[vector<16xi32>, vector<16xi32>], vector<16xf32>, vector<16xi1>
        %mul3A_1586 = arith.constant 8 : i32
        %mul3A_1587 = arith.muli %select_n3A_1137, %mul3A_1586 : i32
        %add3A_1588 = arith.constant 2 : i32
        %add3A_1589 = arith.addi %mul3A_1587, %add3A_1588 : i32
        %broadcast_in_dim3A_1590 = vector.broadcast %add3A_1589 : i32 to vector<16xi32>
        tpu.vector_store_idx %arg14[%add3A_1567, %broadcast_in_dim3A_1590], %gather3A_1585 masked %lt3A_1565 : memref<640x128xf32, #tpu.memory_space<vmem>>[vector<16xi32>, vector<16xi32>], vector<16xf32>, vector<16xi1>
        %broadcast_in_dim3A_1591 = arith.constant 3 : i32
        %broadcast_in_dim3A_1592 = vector.broadcast %broadcast_in_dim3A_1591 : i32 to vector<16xi32>
        %gather3A_1593 = tpu.vector_load_idx %arg19[%broadcast_in_dim3A_1592, %sub3A_1559] masked %lt3A_1565 : memref<8x512xf32, #tpu.memory_space<vmem>>[vector<16xi32>, vector<16xi32>], vector<16xf32>, vector<16xi1>
        %mul3A_1594 = arith.constant 8 : i32
        %mul3A_1595 = arith.muli %select_n3A_1137, %mul3A_1594 : i32
        %add3A_1596 = arith.constant 3 : i32
        %add3A_1597 = arith.addi %mul3A_1595, %add3A_1596 : i32
        %broadcast_in_dim3A_1598 = vector.broadcast %add3A_1597 : i32 to vector<16xi32>
        tpu.vector_store_idx %arg14[%add3A_1567, %broadcast_in_dim3A_1598], %gather3A_1593 masked %lt3A_1565 : memref<640x128xf32, #tpu.memory_space<vmem>>[vector<16xi32>, vector<16xi32>], vector<16xf32>, vector<16xi1>
        %broadcast_in_dim3A_1599 = arith.constant 4 : i32
        %broadcast_in_dim3A_1600 = vector.broadcast %broadcast_in_dim3A_1599 : i32 to vector<16xi32>
        %gather3A_1601 = tpu.vector_load_idx %arg19[%broadcast_in_dim3A_1600, %sub3A_1559] masked %lt3A_1565 : memref<8x512xf32, #tpu.memory_space<vmem>>[vector<16xi32>, vector<16xi32>], vector<16xf32>, vector<16xi1>
        %mul3A_1602 = arith.constant 8 : i32
        %mul3A_1603 = arith.muli %select_n3A_1137, %mul3A_1602 : i32
        %add3A_1604 = arith.constant 4 : i32
        %add3A_1605 = arith.addi %mul3A_1603, %add3A_1604 : i32
        %broadcast_in_dim3A_1606 = vector.broadcast %add3A_1605 : i32 to vector<16xi32>
        tpu.vector_store_idx %arg14[%add3A_1567, %broadcast_in_dim3A_1606], %gather3A_1601 masked %lt3A_1565 : memref<640x128xf32, #tpu.memory_space<vmem>>[vector<16xi32>, vector<16xi32>], vector<16xf32>, vector<16xi1>
        %broadcast_in_dim3A_1607 = arith.constant 5 : i32
        %broadcast_in_dim3A_1608 = vector.broadcast %broadcast_in_dim3A_1607 : i32 to vector<16xi32>
        %gather3A_1609 = tpu.vector_load_idx %arg19[%broadcast_in_dim3A_1608, %sub3A_1559] masked %lt3A_1565 : memref<8x512xf32, #tpu.memory_space<vmem>>[vector<16xi32>, vector<16xi32>], vector<16xf32>, vector<16xi1>
        %mul3A_1610 = arith.constant 8 : i32
        %mul3A_1611 = arith.muli %select_n3A_1137, %mul3A_1610 : i32
        %add3A_1612 = arith.constant 5 : i32
        %add3A_1613 = arith.addi %mul3A_1611, %add3A_1612 : i32
        %broadcast_in_dim3A_1614 = vector.broadcast %add3A_1613 : i32 to vector<16xi32>
        tpu.vector_store_idx %arg14[%add3A_1567, %broadcast_in_dim3A_1614], %gather3A_1609 masked %lt3A_1565 : memref<640x128xf32, #tpu.memory_space<vmem>>[vector<16xi32>, vector<16xi32>], vector<16xf32>, vector<16xi1>
        %broadcast_in_dim3A_1615 = arith.constant 6 : i32
        %broadcast_in_dim3A_1616 = vector.broadcast %broadcast_in_dim3A_1615 : i32 to vector<16xi32>
        %gather3A_1617 = tpu.vector_load_idx %arg19[%broadcast_in_dim3A_1616, %sub3A_1559] masked %lt3A_1565 : memref<8x512xf32, #tpu.memory_space<vmem>>[vector<16xi32>, vector<16xi32>], vector<16xf32>, vector<16xi1>
        %mul3A_1618 = arith.constant 8 : i32
        %mul3A_1619 = arith.muli %select_n3A_1137, %mul3A_1618 : i32
        %add3A_1620 = arith.constant 6 : i32
        %add3A_1621 = arith.addi %mul3A_1619, %add3A_1620 : i32
        %broadcast_in_dim3A_1622 = vector.broadcast %add3A_1621 : i32 to vector<16xi32>
        tpu.vector_store_idx %arg14[%add3A_1567, %broadcast_in_dim3A_1622], %gather3A_1617 masked %lt3A_1565 : memref<640x128xf32, #tpu.memory_space<vmem>>[vector<16xi32>, vector<16xi32>], vector<16xf32>, vector<16xi1>
        %broadcast_in_dim3A_1623 = arith.constant 7 : i32
        %broadcast_in_dim3A_1624 = vector.broadcast %broadcast_in_dim3A_1623 : i32 to vector<16xi32>
        %gather3A_1625 = tpu.vector_load_idx %arg19[%broadcast_in_dim3A_1624, %sub3A_1559] masked %lt3A_1565 : memref<8x512xf32, #tpu.memory_space<vmem>>[vector<16xi32>, vector<16xi32>], vector<16xf32>, vector<16xi1>
        %mul3A_1626 = arith.constant 8 : i32
        %mul3A_1627 = arith.muli %select_n3A_1137, %mul3A_1626 : i32
        %add3A_1628 = arith.constant 7 : i32
        %add3A_1629 = arith.addi %mul3A_1627, %add3A_1628 : i32
        %broadcast_in_dim3A_1630 = vector.broadcast %add3A_1629 : i32 to vector<16xi32>
        tpu.vector_store_idx %arg14[%add3A_1567, %broadcast_in_dim3A_1630], %gather3A_1625 masked %lt3A_1565 : memref<640x128xf32, #tpu.memory_space<vmem>>[vector<16xi32>, vector<16xi32>], vector<16xf32>, vector<16xi1>
        %while3A_1631 = arith.constant 0 : i32
        scf.yield %while3A_1631 : i32
      }
      %add3A_1208 = arith.constant 4 : i32
      %add3A_1209 = arith.addi %mul3A_665, %add3A_1208 : i32
      %add3A_1210 = arith.constant 8 : i32
      %add3A_1211 = arith.addi %add3A_1209, %add3A_1210 : i32
      %lt3A_1212 = arith.constant 488 : i32
      %lt3A_1213 = arith.cmpi slt, %add3A_1211, %lt3A_1212 : i32
      %convert_element_type3A_1214 = arith.extui %lt3A_1213 : i1 to i32
      %cond3A_1215 = arith.constant 0 : i32
      %cond3A_1216 = arith.cmpi ne, %convert_element_type3A_1214, %cond3A_1215 : i32
      scf.if %cond3A_1216 {
        %add3A_1551 = arith.constant 4 : i32
        %add3A_1552 = arith.addi %mul3A_665, %add3A_1551 : i32
        %add3A_1553 = arith.constant 8 : i32
        %add3A_1554 = arith.addi %add3A_1552, %add3A_1553 : i32
        %jit3A_1555 = arith.constant 61 : i32
        %div3A_1556 = arith.divsi %add3A_1554, %jit3A_1555 : i32
        %sign3A_1557 = arith.constant 0 : i32
        %sign3A_1558 = arith.cmpi sgt, %add3A_1554, %sign3A_1557 : i32
        %sign3A_1559 = arith.extui %sign3A_1558 : i1 to i32
        %sign3A_1560 = arith.constant 0 : i32
        %sign3A_1561 = arith.cmpi slt, %add3A_1554, %sign3A_1560 : i32
        %sign3A_1562 = arith.extui %sign3A_1561 : i1 to i32
        %sign3A_1563 = arith.subi %sign3A_1559, %sign3A_1562 : i32
        %sign3A_1564 = arith.constant 0 : i32
        %sign3A_1565 = arith.cmpi sgt, %jit3A_1555, %sign3A_1564 : i32
        %sign3A_1566 = arith.extui %sign3A_1565 : i1 to i32
        %sign3A_1567 = arith.constant 0 : i32
        %sign3A_1568 = arith.cmpi slt, %jit3A_1555, %sign3A_1567 : i32
        %sign3A_1569 = arith.extui %sign3A_1568 : i1 to i32
        %sign3A_1570 = arith.subi %sign3A_1566, %sign3A_1569 : i32
        %ne3A_1571 = arith.cmpi ne, %sign3A_1563, %sign3A_1570 : i32
        %rem3A_1572 = arith.remsi %add3A_1554, %jit3A_1555 : i32
        %ne3A_1573 = arith.constant 0 : i32
        %ne3A_1574 = arith.cmpi ne, %rem3A_1572, %ne3A_1573 : i32
        %and3A_1575 = arith.andi %ne3A_1571, %ne3A_1574 : i1
        %sub3A_1576 = arith.constant 1 : i32
        %sub3A_1577 = arith.subi %div3A_1556, %sub3A_1576 : i32
        %select_n3A_1578 = arith.select %and3A_1575, %sub3A_1577, %div3A_1556 : i32
        %jit3A_1579 = arith.constant 61 : i32
        %eq3A_1580 = arith.constant 0 : i32
        %eq3A_1581 = arith.cmpi eq, %jit3A_1579, %eq3A_1580 : i32
        %jit3A_1582 = arith.constant 1 : i32
        %select_n3A_1583 = arith.select %eq3A_1581, %jit3A_1582, %jit3A_1579 : i32
        %rem3A_1584 = arith.remsi %add3A_1554, %select_n3A_1583 : i32
        %ne3A_1585 = arith.constant 0 : i32
        %ne3A_1586 = arith.cmpi ne, %rem3A_1584, %ne3A_1585 : i32
        %lt3A_1587 = arith.constant 0 : i32
        %lt3A_1588 = arith.cmpi slt, %rem3A_1584, %lt3A_1587 : i32
        %lt3A_1589 = arith.constant 0 : i32
        %lt3A_1590 = arith.cmpi slt, %select_n3A_1583, %lt3A_1589 : i32
        %ne3A_1591 = arith.xori %lt3A_1588, %lt3A_1590 : i1
        %and3A_1592 = arith.andi %ne3A_1591, %ne3A_1586 : i1
        %add3A_1593 = arith.addi %rem3A_1584, %select_n3A_1583 : i32
        %select_n3A_1594 = arith.select %and3A_1592, %add3A_1593, %rem3A_1584 : i32
        %mul3A_1595 = arith.constant 8 : i32
        %mul3A_1596 = arith.muli %select_n3A_1578, %mul3A_1595 : i32
        %multiple_of3A_1597 = tpu.assume_multiple %mul3A_1596, 8 : i32
        %mul3A_1598 = arith.constant 512 : i32
        %mul3A_1599 = arith.muli %select_n3A_1594, %mul3A_1598 : i32
        %add3A_1600 = arith.addi %mul3A_2, %mul3A_1599 : i32
        %multiple_of3A_1601 = tpu.assume_multiple %add3A_1600, 128 : i32
        %dma_start3A_1602 = tpu.memref_slice %arg2[%multiple_of3A_1597, %multiple_of3A_1601] : memref<64x1000000xf32, #tpu.memory_space<hbm>> -> memref<8x512xf32, #tpu.memory_space<hbm>>
        %dma_start3A_1603 = tpu.memref_slice %arg2[%multiple_of3A_1597, %multiple_of3A_1601] : memref<64x1000000xf32, #tpu.memory_space<hbm>> -> memref<8x512xf32, #tpu.memory_space<hbm>>
        tpu.enqueue_dma source(%dma_start3A_1603 : memref<8x512xf32, #tpu.memory_space<hbm>>) target(%arg19 : memref<8x512xf32, #tpu.memory_space<vmem>>) target_semaphore(%arg25 : memref<!tpu.dma_semaphore, #tpu.memory_space<semaphore_mem>>)
      } else {
      }
      %dma_wait3A_1217 = arith.constant 0 : i32
      %dma_wait3A_1218 = arith.constant 0 : i32
      %dma_wait3A_1219 = tpu.memref_slice %arg2[%dma_wait3A_1217, %dma_wait3A_1218] : memref<64x1000000xf32, #tpu.memory_space<hbm>> -> memref<8x512xf32, #tpu.memory_space<hbm>>
      %dma_wait3A_1220 = arith.constant 0 : i32
      %dma_wait3A_1221 = arith.constant 0 : i32
      %dma_wait3A_1222 = tpu.memref_slice %arg2[%dma_wait3A_1220, %dma_wait3A_1221] : memref<64x1000000xf32, #tpu.memory_space<hbm>> -> memref<8x512xf32, #tpu.memory_space<hbm>>
      tpu.wait_dma2 semaphore(%arg25 : memref<!tpu.dma_semaphore, #tpu.memory_space<semaphore_mem>>) src(%dma_wait3A_1222 : memref<8x512xf32, #tpu.memory_space<hbm>>) dst(%arg15 : memref<8x512xf32, #tpu.memory_space<vmem>>)
      %add3A_1223 = arith.constant 5 : i32
      %add3A_1224 = arith.addi %mul3A_665, %add3A_1223 : i32
      %jit3A_1225 = arith.constant 61 : i32
      %div3A_1226 = arith.divsi %add3A_1224, %jit3A_1225 : i32
      %sign3A_1227 = arith.constant 0 : i32
      %sign3A_1228 = arith.cmpi sgt, %add3A_1224, %sign3A_1227 : i32
      %sign3A_1229 = arith.extui %sign3A_1228 : i1 to i32
      %sign3A_1230 = arith.constant 0 : i32
      %sign3A_1231 = arith.cmpi slt, %add3A_1224, %sign3A_1230 : i32
      %sign3A_1232 = arith.extui %sign3A_1231 : i1 to i32
      %sign3A_1233 = arith.subi %sign3A_1229, %sign3A_1232 : i32
      %sign3A_1234 = arith.constant 0 : i32
      %sign3A_1235 = arith.cmpi sgt, %jit3A_1225, %sign3A_1234 : i32
      %sign3A_1236 = arith.extui %sign3A_1235 : i1 to i32
      %sign3A_1237 = arith.constant 0 : i32
      %sign3A_1238 = arith.cmpi slt, %jit3A_1225, %sign3A_1237 : i32
      %sign3A_1239 = arith.extui %sign3A_1238 : i1 to i32
      %sign3A_1240 = arith.subi %sign3A_1236, %sign3A_1239 : i32
      %ne3A_1241 = arith.cmpi ne, %sign3A_1233, %sign3A_1240 : i32
      %rem3A_1242 = arith.remsi %add3A_1224, %jit3A_1225 : i32
      %ne3A_1243 = arith.constant 0 : i32
      %ne3A_1244 = arith.cmpi ne, %rem3A_1242, %ne3A_1243 : i32
      %and3A_1245 = arith.andi %ne3A_1241, %ne3A_1244 : i1
      %sub3A_1246 = arith.constant 1 : i32
      %sub3A_1247 = arith.subi %div3A_1226, %sub3A_1246 : i32
      %select_n3A_1248 = arith.select %and3A_1245, %sub3A_1247, %div3A_1226 : i32
      %jit3A_1249 = arith.constant 61 : i32
      %eq3A_1250 = arith.constant 0 : i32
      %eq3A_1251 = arith.cmpi eq, %jit3A_1249, %eq3A_1250 : i32
      %jit3A_1252 = arith.constant 1 : i32
      %select_n3A_1253 = arith.select %eq3A_1251, %jit3A_1252, %jit3A_1249 : i32
      %rem3A_1254 = arith.remsi %add3A_1224, %select_n3A_1253 : i32
      %ne3A_1255 = arith.constant 0 : i32
      %ne3A_1256 = arith.cmpi ne, %rem3A_1254, %ne3A_1255 : i32
      %lt3A_1257 = arith.constant 0 : i32
      %lt3A_1258 = arith.cmpi slt, %rem3A_1254, %lt3A_1257 : i32
      %lt3A_1259 = arith.constant 0 : i32
      %lt3A_1260 = arith.cmpi slt, %select_n3A_1253, %lt3A_1259 : i32
      %ne3A_1261 = arith.xori %lt3A_1258, %lt3A_1260 : i1
      %and3A_1262 = arith.andi %ne3A_1261, %ne3A_1256 : i1
      %add3A_1263 = arith.addi %rem3A_1254, %select_n3A_1253 : i32
      %select_n3A_1264 = arith.select %and3A_1262, %add3A_1263, %rem3A_1254 : i32
      %mul3A_1265 = arith.constant 512 : i32
      %mul3A_1266 = arith.muli %select_n3A_1264, %mul3A_1265 : i32
      %add3A_1267 = arith.addi %mul3A_2, %mul3A_1266 : i32
      %get3A_1268 = arith.index_cast %select_n3A_1264 : i32 to index
      %get3A_1269 = tpu.vector_load %arg11[%get3A_1268] {strides = array<i32>} : memref<78xi32, #tpu.memory_space<vmem>>, vector<16xi32>,
      %slice3A_1270 = vector.extract_strided_slice %get3A_1269 {offsets = [0], sizes = [1], strides = [1]} : vector<16xi32> to vector<1xi32>
      %squeeze3A_1271 = vector.extract %slice3A_1270[0] : i32 from vector<1xi32>
      %add3A_1272 = arith.constant 1 : i32
      %add3A_1273 = arith.addi %select_n3A_1264, %add3A_1272 : i32
      %get3A_1274 = arith.index_cast %add3A_1273 : i32 to index
      %get3A_1275 = tpu.vector_load %arg11[%get3A_1274] {strides = array<i32>} : memref<78xi32, #tpu.memory_space<vmem>>, vector<16xi32>,
      %slice3A_1276 = vector.extract_strided_slice %get3A_1275 {offsets = [0], sizes = [1], strides = [1]} : vector<16xi32> to vector<1xi32>
      %squeeze3A_1277 = vector.extract %slice3A_1276[0] : i32 from vector<1xi32>
      %sub3A_1278 = arith.subi %squeeze3A_1277, %squeeze3A_1271 : i32
      %add3A_1279 = arith.constant 16 : i32
      %add3A_1280 = arith.addi %sub3A_1278, %add3A_1279 : i32
      %sub3A_1281 = arith.constant 1 : i32
      %sub3A_1282 = arith.subi %add3A_1280, %sub3A_1281 : i32
      %jit3A_1283 = arith.constant 16 : i32
      %div3A_1284 = arith.divsi %sub3A_1282, %jit3A_1283 : i32
      %sign3A_1285 = arith.constant 0 : i32
      %sign3A_1286 = arith.cmpi sgt, %sub3A_1282, %sign3A_1285 : i32
      %sign3A_1287 = arith.extui %sign3A_1286 : i1 to i32
      %sign3A_1288 = arith.constant 0 : i32
      %sign3A_1289 = arith.cmpi slt, %sub3A_1282, %sign3A_1288 : i32
      %sign3A_1290 = arith.extui %sign3A_1289 : i1 to i32
      %sign3A_1291 = arith.subi %sign3A_1287, %sign3A_1290 : i32
      %sign3A_1292 = arith.constant 0 : i32
      %sign3A_1293 = arith.cmpi sgt, %jit3A_1283, %sign3A_1292 : i32
      %sign3A_1294 = arith.extui %sign3A_1293 : i1 to i32
      %sign3A_1295 = arith.constant 0 : i32
      %sign3A_1296 = arith.cmpi slt, %jit3A_1283, %sign3A_1295 : i32
      %sign3A_1297 = arith.extui %sign3A_1296 : i1 to i32
      %sign3A_1298 = arith.subi %sign3A_1294, %sign3A_1297 : i32
      %ne3A_1299 = arith.cmpi ne, %sign3A_1291, %sign3A_1298 : i32
      %rem3A_1300 = arith.remsi %sub3A_1282, %jit3A_1283 : i32
      %ne3A_1301 = arith.constant 0 : i32
      %ne3A_1302 = arith.cmpi ne, %rem3A_1300, %ne3A_1301 : i32
      %and3A_1303 = arith.andi %ne3A_1299, %ne3A_1302 : i1
      %sub3A_1304 = arith.constant 1 : i32
      %sub3A_1305 = arith.subi %div3A_1284, %sub3A_1304 : i32
      %select_n3A_1306 = arith.select %and3A_1303, %sub3A_1305, %div3A_1284 : i32
      %while3A_1307 = arith.constant 0 : i32
      %while3A_1308 = arith.constant 0 : i32
      %while3A_1309 = arith.subi %select_n3A_1306, %while3A_1307 : i32
      %while3A_1310 = arith.addi %while3A_1307, %while3A_1309 : i32
      %while3A_1311 = arith.constant 1 : i32
      %while3A_1312 = arith.divsi %while3A_1309, %while3A_1311 : i32
      %while3A_1313 = arith.muli %while3A_1312, %while3A_1311 : i32
      %while3A_1314 = arith.addi %while3A_1307, %while3A_1313 : i32
      %while3A_1315 = arith.constant 1 : i32
      %while3A_1316 = scf.for %while3A_1551 = %while3A_1307 to %while3A_1314 step %while3A_1315 iter_args(%while3A_1552 = %while3A_1308) -> (i32)  : i32 {
        %mul3A_1553 = arith.constant 16 : i32
        %mul3A_1554 = arith.muli %while3A_1551, %mul3A_1553 : i32
        %add3A_1555 = arith.addi %squeeze3A_1271, %mul3A_1554 : i32
        %get3A_1556 = arith.index_cast %add3A_1555 : i32 to index
        %get3A_1557 = tpu.vector_load %arg9[%get3A_1556] {strides = array<i32>} : memref<1040xi32, #tpu.memory_space<vmem>>, vector<16xi32>,
        %sub3A_1558 = vector.broadcast %add3A_1267 : i32 to vector<16xi32>
        %sub3A_1559 = arith.subi %get3A_1557, %sub3A_1558 : vector<16xi32>
        %mul3A_1560 = arith.constant 16 : i32
        %mul3A_1561 = arith.muli %while3A_1551, %mul3A_1560 : i32
        %add3A_1562 = vector.broadcast %mul3A_1561 : i32 to vector<16xi32>
        %add3A_1563 = arith.addi %iota3A, %add3A_1562 : vector<16xi32>
        %lt3A_1564 = vector.broadcast %sub3A_1278 : i32 to vector<16xi32>
        %lt3A_1565 = arith.cmpi slt, %add3A_1563, %lt3A_1564 : vector<16xi32>
        %add3A_1566 = vector.broadcast %add3A_1555 : i32 to vector<16xi32>
        %add3A_1567 = arith.addi %add3A_1566, %iota3A : vector<16xi32>
        %broadcast_in_dim3A_1568 = arith.constant 0 : i32
        %broadcast_in_dim3A_1569 = vector.broadcast %broadcast_in_dim3A_1568 : i32 to vector<16xi32>
        %gather3A = tpu.vector_load_idx %arg20[%broadcast_in_dim3A_1569, %sub3A_1559] masked %lt3A_1565 : memref<8x512xf32, #tpu.memory_space<vmem>>[vector<16xi32>, vector<16xi32>], vector<16xf32>, vector<16xi1>
        %mul3A_1570 = arith.constant 8 : i32
        %mul3A_1571 = arith.muli %select_n3A_1248, %mul3A_1570 : i32
        %add3A_1572 = arith.constant 0 : i32
        %add3A_1573 = arith.addi %mul3A_1571, %add3A_1572 : i32
        %broadcast_in_dim3A_1574 = vector.broadcast %add3A_1573 : i32 to vector<16xi32>
        tpu.vector_store_idx %arg14[%add3A_1567, %broadcast_in_dim3A_1574], %gather3A masked %lt3A_1565 : memref<640x128xf32, #tpu.memory_space<vmem>>[vector<16xi32>, vector<16xi32>], vector<16xf32>, vector<16xi1>
        %broadcast_in_dim3A_1575 = arith.constant 1 : i32
        %broadcast_in_dim3A_1576 = vector.broadcast %broadcast_in_dim3A_1575 : i32 to vector<16xi32>
        %gather3A_1577 = tpu.vector_load_idx %arg20[%broadcast_in_dim3A_1576, %sub3A_1559] masked %lt3A_1565 : memref<8x512xf32, #tpu.memory_space<vmem>>[vector<16xi32>, vector<16xi32>], vector<16xf32>, vector<16xi1>
        %mul3A_1578 = arith.constant 8 : i32
        %mul3A_1579 = arith.muli %select_n3A_1248, %mul3A_1578 : i32
        %add3A_1580 = arith.constant 1 : i32
        %add3A_1581 = arith.addi %mul3A_1579, %add3A_1580 : i32
        %broadcast_in_dim3A_1582 = vector.broadcast %add3A_1581 : i32 to vector<16xi32>
        tpu.vector_store_idx %arg14[%add3A_1567, %broadcast_in_dim3A_1582], %gather3A_1577 masked %lt3A_1565 : memref<640x128xf32, #tpu.memory_space<vmem>>[vector<16xi32>, vector<16xi32>], vector<16xf32>, vector<16xi1>
        %broadcast_in_dim3A_1583 = arith.constant 2 : i32
        %broadcast_in_dim3A_1584 = vector.broadcast %broadcast_in_dim3A_1583 : i32 to vector<16xi32>
        %gather3A_1585 = tpu.vector_load_idx %arg20[%broadcast_in_dim3A_1584, %sub3A_1559] masked %lt3A_1565 : memref<8x512xf32, #tpu.memory_space<vmem>>[vector<16xi32>, vector<16xi32>], vector<16xf32>, vector<16xi1>
        %mul3A_1586 = arith.constant 8 : i32
        %mul3A_1587 = arith.muli %select_n3A_1248, %mul3A_1586 : i32
        %add3A_1588 = arith.constant 2 : i32
        %add3A_1589 = arith.addi %mul3A_1587, %add3A_1588 : i32
        %broadcast_in_dim3A_1590 = vector.broadcast %add3A_1589 : i32 to vector<16xi32>
        tpu.vector_store_idx %arg14[%add3A_1567, %broadcast_in_dim3A_1590], %gather3A_1585 masked %lt3A_1565 : memref<640x128xf32, #tpu.memory_space<vmem>>[vector<16xi32>, vector<16xi32>], vector<16xf32>, vector<16xi1>
        %broadcast_in_dim3A_1591 = arith.constant 3 : i32
        %broadcast_in_dim3A_1592 = vector.broadcast %broadcast_in_dim3A_1591 : i32 to vector<16xi32>
        %gather3A_1593 = tpu.vector_load_idx %arg20[%broadcast_in_dim3A_1592, %sub3A_1559] masked %lt3A_1565 : memref<8x512xf32, #tpu.memory_space<vmem>>[vector<16xi32>, vector<16xi32>], vector<16xf32>, vector<16xi1>
        %mul3A_1594 = arith.constant 8 : i32
        %mul3A_1595 = arith.muli %select_n3A_1248, %mul3A_1594 : i32
        %add3A_1596 = arith.constant 3 : i32
        %add3A_1597 = arith.addi %mul3A_1595, %add3A_1596 : i32
        %broadcast_in_dim3A_1598 = vector.broadcast %add3A_1597 : i32 to vector<16xi32>
        tpu.vector_store_idx %arg14[%add3A_1567, %broadcast_in_dim3A_1598], %gather3A_1593 masked %lt3A_1565 : memref<640x128xf32, #tpu.memory_space<vmem>>[vector<16xi32>, vector<16xi32>], vector<16xf32>, vector<16xi1>
        %broadcast_in_dim3A_1599 = arith.constant 4 : i32
        %broadcast_in_dim3A_1600 = vector.broadcast %broadcast_in_dim3A_1599 : i32 to vector<16xi32>
        %gather3A_1601 = tpu.vector_load_idx %arg20[%broadcast_in_dim3A_1600, %sub3A_1559] masked %lt3A_1565 : memref<8x512xf32, #tpu.memory_space<vmem>>[vector<16xi32>, vector<16xi32>], vector<16xf32>, vector<16xi1>
        %mul3A_1602 = arith.constant 8 : i32
        %mul3A_1603 = arith.muli %select_n3A_1248, %mul3A_1602 : i32
        %add3A_1604 = arith.constant 4 : i32
        %add3A_1605 = arith.addi %mul3A_1603, %add3A_1604 : i32
        %broadcast_in_dim3A_1606 = vector.broadcast %add3A_1605 : i32 to vector<16xi32>
        tpu.vector_store_idx %arg14[%add3A_1567, %broadcast_in_dim3A_1606], %gather3A_1601 masked %lt3A_1565 : memref<640x128xf32, #tpu.memory_space<vmem>>[vector<16xi32>, vector<16xi32>], vector<16xf32>, vector<16xi1>
        %broadcast_in_dim3A_1607 = arith.constant 5 : i32
        %broadcast_in_dim3A_1608 = vector.broadcast %broadcast_in_dim3A_1607 : i32 to vector<16xi32>
        %gather3A_1609 = tpu.vector_load_idx %arg20[%broadcast_in_dim3A_1608, %sub3A_1559] masked %lt3A_1565 : memref<8x512xf32, #tpu.memory_space<vmem>>[vector<16xi32>, vector<16xi32>], vector<16xf32>, vector<16xi1>
        %mul3A_1610 = arith.constant 8 : i32
        %mul3A_1611 = arith.muli %select_n3A_1248, %mul3A_1610 : i32
        %add3A_1612 = arith.constant 5 : i32
        %add3A_1613 = arith.addi %mul3A_1611, %add3A_1612 : i32
        %broadcast_in_dim3A_1614 = vector.broadcast %add3A_1613 : i32 to vector<16xi32>
        tpu.vector_store_idx %arg14[%add3A_1567, %broadcast_in_dim3A_1614], %gather3A_1609 masked %lt3A_1565 : memref<640x128xf32, #tpu.memory_space<vmem>>[vector<16xi32>, vector<16xi32>], vector<16xf32>, vector<16xi1>
        %broadcast_in_dim3A_1615 = arith.constant 6 : i32
        %broadcast_in_dim3A_1616 = vector.broadcast %broadcast_in_dim3A_1615 : i32 to vector<16xi32>
        %gather3A_1617 = tpu.vector_load_idx %arg20[%broadcast_in_dim3A_1616, %sub3A_1559] masked %lt3A_1565 : memref<8x512xf32, #tpu.memory_space<vmem>>[vector<16xi32>, vector<16xi32>], vector<16xf32>, vector<16xi1>
        %mul3A_1618 = arith.constant 8 : i32
        %mul3A_1619 = arith.muli %select_n3A_1248, %mul3A_1618 : i32
        %add3A_1620 = arith.constant 6 : i32
        %add3A_1621 = arith.addi %mul3A_1619, %add3A_1620 : i32
        %broadcast_in_dim3A_1622 = vector.broadcast %add3A_1621 : i32 to vector<16xi32>
        tpu.vector_store_idx %arg14[%add3A_1567, %broadcast_in_dim3A_1622], %gather3A_1617 masked %lt3A_1565 : memref<640x128xf32, #tpu.memory_space<vmem>>[vector<16xi32>, vector<16xi32>], vector<16xf32>, vector<16xi1>
        %broadcast_in_dim3A_1623 = arith.constant 7 : i32
        %broadcast_in_dim3A_1624 = vector.broadcast %broadcast_in_dim3A_1623 : i32 to vector<16xi32>
        %gather3A_1625 = tpu.vector_load_idx %arg20[%broadcast_in_dim3A_1624, %sub3A_1559] masked %lt3A_1565 : memref<8x512xf32, #tpu.memory_space<vmem>>[vector<16xi32>, vector<16xi32>], vector<16xf32>, vector<16xi1>
        %mul3A_1626 = arith.constant 8 : i32
        %mul3A_1627 = arith.muli %select_n3A_1248, %mul3A_1626 : i32
        %add3A_1628 = arith.constant 7 : i32
        %add3A_1629 = arith.addi %mul3A_1627, %add3A_1628 : i32
        %broadcast_in_dim3A_1630 = vector.broadcast %add3A_1629 : i32 to vector<16xi32>
        tpu.vector_store_idx %arg14[%add3A_1567, %broadcast_in_dim3A_1630], %gather3A_1625 masked %lt3A_1565 : memref<640x128xf32, #tpu.memory_space<vmem>>[vector<16xi32>, vector<16xi32>], vector<16xf32>, vector<16xi1>
        %while3A_1631 = arith.constant 0 : i32
        scf.yield %while3A_1631 : i32
      }
      %while3A_1317 = arith.constant 1 : i32
      %while3A_1318 = scf.for %while3A_1551 = %while3A_1314 to %while3A_1310 step %while3A_1317 iter_args(%while3A_1552 = %while3A_1316) -> (i32)  : i32 {
        %mul3A_1553 = arith.constant 16 : i32
        %mul3A_1554 = arith.muli %while3A_1551, %mul3A_1553 : i32
        %add3A_1555 = arith.addi %squeeze3A_1271, %mul3A_1554 : i32
        %get3A_1556 = arith.index_cast %add3A_1555 : i32 to index
        %get3A_1557 = tpu.vector_load %arg9[%get3A_1556] {strides = array<i32>} : memref<1040xi32, #tpu.memory_space<vmem>>, vector<16xi32>,
        %sub3A_1558 = vector.broadcast %add3A_1267 : i32 to vector<16xi32>
        %sub3A_1559 = arith.subi %get3A_1557, %sub3A_1558 : vector<16xi32>
        %mul3A_1560 = arith.constant 16 : i32
        %mul3A_1561 = arith.muli %while3A_1551, %mul3A_1560 : i32
        %add3A_1562 = vector.broadcast %mul3A_1561 : i32 to vector<16xi32>
        %add3A_1563 = arith.addi %iota3A, %add3A_1562 : vector<16xi32>
        %lt3A_1564 = vector.broadcast %sub3A_1278 : i32 to vector<16xi32>
        %lt3A_1565 = arith.cmpi slt, %add3A_1563, %lt3A_1564 : vector<16xi32>
        %add3A_1566 = vector.broadcast %add3A_1555 : i32 to vector<16xi32>
        %add3A_1567 = arith.addi %add3A_1566, %iota3A : vector<16xi32>
        %broadcast_in_dim3A_1568 = arith.constant 0 : i32
        %broadcast_in_dim3A_1569 = vector.broadcast %broadcast_in_dim3A_1568 : i32 to vector<16xi32>
        %gather3A = tpu.vector_load_idx %arg20[%broadcast_in_dim3A_1569, %sub3A_1559] masked %lt3A_1565 : memref<8x512xf32, #tpu.memory_space<vmem>>[vector<16xi32>, vector<16xi32>], vector<16xf32>, vector<16xi1>
        %mul3A_1570 = arith.constant 8 : i32
        %mul3A_1571 = arith.muli %select_n3A_1248, %mul3A_1570 : i32
        %add3A_1572 = arith.constant 0 : i32
        %add3A_1573 = arith.addi %mul3A_1571, %add3A_1572 : i32
        %broadcast_in_dim3A_1574 = vector.broadcast %add3A_1573 : i32 to vector<16xi32>
        tpu.vector_store_idx %arg14[%add3A_1567, %broadcast_in_dim3A_1574], %gather3A masked %lt3A_1565 : memref<640x128xf32, #tpu.memory_space<vmem>>[vector<16xi32>, vector<16xi32>], vector<16xf32>, vector<16xi1>
        %broadcast_in_dim3A_1575 = arith.constant 1 : i32
        %broadcast_in_dim3A_1576 = vector.broadcast %broadcast_in_dim3A_1575 : i32 to vector<16xi32>
        %gather3A_1577 = tpu.vector_load_idx %arg20[%broadcast_in_dim3A_1576, %sub3A_1559] masked %lt3A_1565 : memref<8x512xf32, #tpu.memory_space<vmem>>[vector<16xi32>, vector<16xi32>], vector<16xf32>, vector<16xi1>
        %mul3A_1578 = arith.constant 8 : i32
        %mul3A_1579 = arith.muli %select_n3A_1248, %mul3A_1578 : i32
        %add3A_1580 = arith.constant 1 : i32
        %add3A_1581 = arith.addi %mul3A_1579, %add3A_1580 : i32
        %broadcast_in_dim3A_1582 = vector.broadcast %add3A_1581 : i32 to vector<16xi32>
        tpu.vector_store_idx %arg14[%add3A_1567, %broadcast_in_dim3A_1582], %gather3A_1577 masked %lt3A_1565 : memref<640x128xf32, #tpu.memory_space<vmem>>[vector<16xi32>, vector<16xi32>], vector<16xf32>, vector<16xi1>
        %broadcast_in_dim3A_1583 = arith.constant 2 : i32
        %broadcast_in_dim3A_1584 = vector.broadcast %broadcast_in_dim3A_1583 : i32 to vector<16xi32>
        %gather3A_1585 = tpu.vector_load_idx %arg20[%broadcast_in_dim3A_1584, %sub3A_1559] masked %lt3A_1565 : memref<8x512xf32, #tpu.memory_space<vmem>>[vector<16xi32>, vector<16xi32>], vector<16xf32>, vector<16xi1>
        %mul3A_1586 = arith.constant 8 : i32
        %mul3A_1587 = arith.muli %select_n3A_1248, %mul3A_1586 : i32
        %add3A_1588 = arith.constant 2 : i32
        %add3A_1589 = arith.addi %mul3A_1587, %add3A_1588 : i32
        %broadcast_in_dim3A_1590 = vector.broadcast %add3A_1589 : i32 to vector<16xi32>
        tpu.vector_store_idx %arg14[%add3A_1567, %broadcast_in_dim3A_1590], %gather3A_1585 masked %lt3A_1565 : memref<640x128xf32, #tpu.memory_space<vmem>>[vector<16xi32>, vector<16xi32>], vector<16xf32>, vector<16xi1>
        %broadcast_in_dim3A_1591 = arith.constant 3 : i32
        %broadcast_in_dim3A_1592 = vector.broadcast %broadcast_in_dim3A_1591 : i32 to vector<16xi32>
        %gather3A_1593 = tpu.vector_load_idx %arg20[%broadcast_in_dim3A_1592, %sub3A_1559] masked %lt3A_1565 : memref<8x512xf32, #tpu.memory_space<vmem>>[vector<16xi32>, vector<16xi32>], vector<16xf32>, vector<16xi1>
        %mul3A_1594 = arith.constant 8 : i32
        %mul3A_1595 = arith.muli %select_n3A_1248, %mul3A_1594 : i32
        %add3A_1596 = arith.constant 3 : i32
        %add3A_1597 = arith.addi %mul3A_1595, %add3A_1596 : i32
        %broadcast_in_dim3A_1598 = vector.broadcast %add3A_1597 : i32 to vector<16xi32>
        tpu.vector_store_idx %arg14[%add3A_1567, %broadcast_in_dim3A_1598], %gather3A_1593 masked %lt3A_1565 : memref<640x128xf32, #tpu.memory_space<vmem>>[vector<16xi32>, vector<16xi32>], vector<16xf32>, vector<16xi1>
        %broadcast_in_dim3A_1599 = arith.constant 4 : i32
        %broadcast_in_dim3A_1600 = vector.broadcast %broadcast_in_dim3A_1599 : i32 to vector<16xi32>
        %gather3A_1601 = tpu.vector_load_idx %arg20[%broadcast_in_dim3A_1600, %sub3A_1559] masked %lt3A_1565 : memref<8x512xf32, #tpu.memory_space<vmem>>[vector<16xi32>, vector<16xi32>], vector<16xf32>, vector<16xi1>
        %mul3A_1602 = arith.constant 8 : i32
        %mul3A_1603 = arith.muli %select_n3A_1248, %mul3A_1602 : i32
        %add3A_1604 = arith.constant 4 : i32
        %add3A_1605 = arith.addi %mul3A_1603, %add3A_1604 : i32
        %broadcast_in_dim3A_1606 = vector.broadcast %add3A_1605 : i32 to vector<16xi32>
        tpu.vector_store_idx %arg14[%add3A_1567, %broadcast_in_dim3A_1606], %gather3A_1601 masked %lt3A_1565 : memref<640x128xf32, #tpu.memory_space<vmem>>[vector<16xi32>, vector<16xi32>], vector<16xf32>, vector<16xi1>
        %broadcast_in_dim3A_1607 = arith.constant 5 : i32
        %broadcast_in_dim3A_1608 = vector.broadcast %broadcast_in_dim3A_1607 : i32 to vector<16xi32>
        %gather3A_1609 = tpu.vector_load_idx %arg20[%broadcast_in_dim3A_1608, %sub3A_1559] masked %lt3A_1565 : memref<8x512xf32, #tpu.memory_space<vmem>>[vector<16xi32>, vector<16xi32>], vector<16xf32>, vector<16xi1>
        %mul3A_1610 = arith.constant 8 : i32
        %mul3A_1611 = arith.muli %select_n3A_1248, %mul3A_1610 : i32
        %add3A_1612 = arith.constant 5 : i32
        %add3A_1613 = arith.addi %mul3A_1611, %add3A_1612 : i32
        %broadcast_in_dim3A_1614 = vector.broadcast %add3A_1613 : i32 to vector<16xi32>
        tpu.vector_store_idx %arg14[%add3A_1567, %broadcast_in_dim3A_1614], %gather3A_1609 masked %lt3A_1565 : memref<640x128xf32, #tpu.memory_space<vmem>>[vector<16xi32>, vector<16xi32>], vector<16xf32>, vector<16xi1>
        %broadcast_in_dim3A_1615 = arith.constant 6 : i32
        %broadcast_in_dim3A_1616 = vector.broadcast %broadcast_in_dim3A_1615 : i32 to vector<16xi32>
        %gather3A_1617 = tpu.vector_load_idx %arg20[%broadcast_in_dim3A_1616, %sub3A_1559] masked %lt3A_1565 : memref<8x512xf32, #tpu.memory_space<vmem>>[vector<16xi32>, vector<16xi32>], vector<16xf32>, vector<16xi1>
        %mul3A_1618 = arith.constant 8 : i32
        %mul3A_1619 = arith.muli %select_n3A_1248, %mul3A_1618 : i32
        %add3A_1620 = arith.constant 6 : i32
        %add3A_1621 = arith.addi %mul3A_1619, %add3A_1620 : i32
        %broadcast_in_dim3A_1622 = vector.broadcast %add3A_1621 : i32 to vector<16xi32>
        tpu.vector_store_idx %arg14[%add3A_1567, %broadcast_in_dim3A_1622], %gather3A_1617 masked %lt3A_1565 : memref<640x128xf32, #tpu.memory_space<vmem>>[vector<16xi32>, vector<16xi32>], vector<16xf32>, vector<16xi1>
        %broadcast_in_dim3A_1623 = arith.constant 7 : i32
        %broadcast_in_dim3A_1624 = vector.broadcast %broadcast_in_dim3A_1623 : i32 to vector<16xi32>
        %gather3A_1625 = tpu.vector_load_idx %arg20[%broadcast_in_dim3A_1624, %sub3A_1559] masked %lt3A_1565 : memref<8x512xf32, #tpu.memory_space<vmem>>[vector<16xi32>, vector<16xi32>], vector<16xf32>, vector<16xi1>
        %mul3A_1626 = arith.constant 8 : i32
        %mul3A_1627 = arith.muli %select_n3A_1248, %mul3A_1626 : i32
        %add3A_1628 = arith.constant 7 : i32
        %add3A_1629 = arith.addi %mul3A_1627, %add3A_1628 : i32
        %broadcast_in_dim3A_1630 = vector.broadcast %add3A_1629 : i32 to vector<16xi32>
        tpu.vector_store_idx %arg14[%add3A_1567, %broadcast_in_dim3A_1630], %gather3A_1625 masked %lt3A_1565 : memref<640x128xf32, #tpu.memory_space<vmem>>[vector<16xi32>, vector<16xi32>], vector<16xf32>, vector<16xi1>
        %while3A_1631 = arith.constant 0 : i32
        scf.yield %while3A_1631 : i32
      }
      %add3A_1319 = arith.constant 5 : i32
      %add3A_1320 = arith.addi %mul3A_665, %add3A_1319 : i32
      %add3A_1321 = arith.constant 8 : i32
      %add3A_1322 = arith.addi %add3A_1320, %add3A_1321 : i32
      %lt3A_1323 = arith.constant 488 : i32
      %lt3A_1324 = arith.cmpi slt, %add3A_1322, %lt3A_1323 : i32
      %convert_element_type3A_1325 = arith.extui %lt3A_1324 : i1 to i32
      %cond3A_1326 = arith.constant 0 : i32
      %cond3A_1327 = arith.cmpi ne, %convert_element_type3A_1325, %cond3A_1326 : i32
      scf.if %cond3A_1327 {
        %add3A_1551 = arith.constant 5 : i32
        %add3A_1552 = arith.addi %mul3A_665, %add3A_1551 : i32
        %add3A_1553 = arith.constant 8 : i32
        %add3A_1554 = arith.addi %add3A_1552, %add3A_1553 : i32
        %jit3A_1555 = arith.constant 61 : i32
        %div3A_1556 = arith.divsi %add3A_1554, %jit3A_1555 : i32
        %sign3A_1557 = arith.constant 0 : i32
        %sign3A_1558 = arith.cmpi sgt, %add3A_1554, %sign3A_1557 : i32
        %sign3A_1559 = arith.extui %sign3A_1558 : i1 to i32
        %sign3A_1560 = arith.constant 0 : i32
        %sign3A_1561 = arith.cmpi slt, %add3A_1554, %sign3A_1560 : i32
        %sign3A_1562 = arith.extui %sign3A_1561 : i1 to i32
        %sign3A_1563 = arith.subi %sign3A_1559, %sign3A_1562 : i32
        %sign3A_1564 = arith.constant 0 : i32
        %sign3A_1565 = arith.cmpi sgt, %jit3A_1555, %sign3A_1564 : i32
        %sign3A_1566 = arith.extui %sign3A_1565 : i1 to i32
        %sign3A_1567 = arith.constant 0 : i32
        %sign3A_1568 = arith.cmpi slt, %jit3A_1555, %sign3A_1567 : i32
        %sign3A_1569 = arith.extui %sign3A_1568 : i1 to i32
        %sign3A_1570 = arith.subi %sign3A_1566, %sign3A_1569 : i32
        %ne3A_1571 = arith.cmpi ne, %sign3A_1563, %sign3A_1570 : i32
        %rem3A_1572 = arith.remsi %add3A_1554, %jit3A_1555 : i32
        %ne3A_1573 = arith.constant 0 : i32
        %ne3A_1574 = arith.cmpi ne, %rem3A_1572, %ne3A_1573 : i32
        %and3A_1575 = arith.andi %ne3A_1571, %ne3A_1574 : i1
        %sub3A_1576 = arith.constant 1 : i32
        %sub3A_1577 = arith.subi %div3A_1556, %sub3A_1576 : i32
        %select_n3A_1578 = arith.select %and3A_1575, %sub3A_1577, %div3A_1556 : i32
        %jit3A_1579 = arith.constant 61 : i32
        %eq3A_1580 = arith.constant 0 : i32
        %eq3A_1581 = arith.cmpi eq, %jit3A_1579, %eq3A_1580 : i32
        %jit3A_1582 = arith.constant 1 : i32
        %select_n3A_1583 = arith.select %eq3A_1581, %jit3A_1582, %jit3A_1579 : i32
        %rem3A_1584 = arith.remsi %add3A_1554, %select_n3A_1583 : i32
        %ne3A_1585 = arith.constant 0 : i32
        %ne3A_1586 = arith.cmpi ne, %rem3A_1584, %ne3A_1585 : i32
        %lt3A_1587 = arith.constant 0 : i32
        %lt3A_1588 = arith.cmpi slt, %rem3A_1584, %lt3A_1587 : i32
        %lt3A_1589 = arith.constant 0 : i32
        %lt3A_1590 = arith.cmpi slt, %select_n3A_1583, %lt3A_1589 : i32
        %ne3A_1591 = arith.xori %lt3A_1588, %lt3A_1590 : i1
        %and3A_1592 = arith.andi %ne3A_1591, %ne3A_1586 : i1
        %add3A_1593 = arith.addi %rem3A_1584, %select_n3A_1583 : i32
        %select_n3A_1594 = arith.select %and3A_1592, %add3A_1593, %rem3A_1584 : i32
        %mul3A_1595 = arith.constant 8 : i32
        %mul3A_1596 = arith.muli %select_n3A_1578, %mul3A_1595 : i32
        %multiple_of3A_1597 = tpu.assume_multiple %mul3A_1596, 8 : i32
        %mul3A_1598 = arith.constant 512 : i32
        %mul3A_1599 = arith.muli %select_n3A_1594, %mul3A_1598 : i32
        %add3A_1600 = arith.addi %mul3A_2, %mul3A_1599 : i32
        %multiple_of3A_1601 = tpu.assume_multiple %add3A_1600, 128 : i32
        %dma_start3A_1602 = tpu.memref_slice %arg2[%multiple_of3A_1597, %multiple_of3A_1601] : memref<64x1000000xf32, #tpu.memory_space<hbm>> -> memref<8x512xf32, #tpu.memory_space<hbm>>
        %dma_start3A_1603 = tpu.memref_slice %arg2[%multiple_of3A_1597, %multiple_of3A_1601] : memref<64x1000000xf32, #tpu.memory_space<hbm>> -> memref<8x512xf32, #tpu.memory_space<hbm>>
        tpu.enqueue_dma source(%dma_start3A_1603 : memref<8x512xf32, #tpu.memory_space<hbm>>) target(%arg20 : memref<8x512xf32, #tpu.memory_space<vmem>>) target_semaphore(%arg25 : memref<!tpu.dma_semaphore, #tpu.memory_space<semaphore_mem>>)
      } else {
      }
      %dma_wait3A_1328 = arith.constant 0 : i32
      %dma_wait3A_1329 = arith.constant 0 : i32
      %dma_wait3A_1330 = tpu.memref_slice %arg2[%dma_wait3A_1328, %dma_wait3A_1329] : memref<64x1000000xf32, #tpu.memory_space<hbm>> -> memref<8x512xf32, #tpu.memory_space<hbm>>
      %dma_wait3A_1331 = arith.constant 0 : i32
      %dma_wait3A_1332 = arith.constant 0 : i32
      %dma_wait3A_1333 = tpu.memref_slice %arg2[%dma_wait3A_1331, %dma_wait3A_1332] : memref<64x1000000xf32, #tpu.memory_space<hbm>> -> memref<8x512xf32, #tpu.memory_space<hbm>>
      tpu.wait_dma2 semaphore(%arg25 : memref<!tpu.dma_semaphore, #tpu.memory_space<semaphore_mem>>) src(%dma_wait3A_1333 : memref<8x512xf32, #tpu.memory_space<hbm>>) dst(%arg15 : memref<8x512xf32, #tpu.memory_space<vmem>>)
      %add3A_1334 = arith.constant 6 : i32
      %add3A_1335 = arith.addi %mul3A_665, %add3A_1334 : i32
      %jit3A_1336 = arith.constant 61 : i32
      %div3A_1337 = arith.divsi %add3A_1335, %jit3A_1336 : i32
      %sign3A_1338 = arith.constant 0 : i32
      %sign3A_1339 = arith.cmpi sgt, %add3A_1335, %sign3A_1338 : i32
      %sign3A_1340 = arith.extui %sign3A_1339 : i1 to i32
      %sign3A_1341 = arith.constant 0 : i32
      %sign3A_1342 = arith.cmpi slt, %add3A_1335, %sign3A_1341 : i32
      %sign3A_1343 = arith.extui %sign3A_1342 : i1 to i32
      %sign3A_1344 = arith.subi %sign3A_1340, %sign3A_1343 : i32
      %sign3A_1345 = arith.constant 0 : i32
      %sign3A_1346 = arith.cmpi sgt, %jit3A_1336, %sign3A_1345 : i32
      %sign3A_1347 = arith.extui %sign3A_1346 : i1 to i32
      %sign3A_1348 = arith.constant 0 : i32
      %sign3A_1349 = arith.cmpi slt, %jit3A_1336, %sign3A_1348 : i32
      %sign3A_1350 = arith.extui %sign3A_1349 : i1 to i32
      %sign3A_1351 = arith.subi %sign3A_1347, %sign3A_1350 : i32
      %ne3A_1352 = arith.cmpi ne, %sign3A_1344, %sign3A_1351 : i32
      %rem3A_1353 = arith.remsi %add3A_1335, %jit3A_1336 : i32
      %ne3A_1354 = arith.constant 0 : i32
      %ne3A_1355 = arith.cmpi ne, %rem3A_1353, %ne3A_1354 : i32
      %and3A_1356 = arith.andi %ne3A_1352, %ne3A_1355 : i1
      %sub3A_1357 = arith.constant 1 : i32
      %sub3A_1358 = arith.subi %div3A_1337, %sub3A_1357 : i32
      %select_n3A_1359 = arith.select %and3A_1356, %sub3A_1358, %div3A_1337 : i32
      %jit3A_1360 = arith.constant 61 : i32
      %eq3A_1361 = arith.constant 0 : i32
      %eq3A_1362 = arith.cmpi eq, %jit3A_1360, %eq3A_1361 : i32
      %jit3A_1363 = arith.constant 1 : i32
      %select_n3A_1364 = arith.select %eq3A_1362, %jit3A_1363, %jit3A_1360 : i32
      %rem3A_1365 = arith.remsi %add3A_1335, %select_n3A_1364 : i32
      %ne3A_1366 = arith.constant 0 : i32
      %ne3A_1367 = arith.cmpi ne, %rem3A_1365, %ne3A_1366 : i32
      %lt3A_1368 = arith.constant 0 : i32
      %lt3A_1369 = arith.cmpi slt, %rem3A_1365, %lt3A_1368 : i32
      %lt3A_1370 = arith.constant 0 : i32
      %lt3A_1371 = arith.cmpi slt, %select_n3A_1364, %lt3A_1370 : i32
      %ne3A_1372 = arith.xori %lt3A_1369, %lt3A_1371 : i1
      %and3A_1373 = arith.andi %ne3A_1372, %ne3A_1367 : i1
      %add3A_1374 = arith.addi %rem3A_1365, %select_n3A_1364 : i32
      %select_n3A_1375 = arith.select %and3A_1373, %add3A_1374, %rem3A_1365 : i32
      %mul3A_1376 = arith.constant 512 : i32
      %mul3A_1377 = arith.muli %select_n3A_1375, %mul3A_1376 : i32
      %add3A_1378 = arith.addi %mul3A_2, %mul3A_1377 : i32
      %get3A_1379 = arith.index_cast %select_n3A_1375 : i32 to index
      %get3A_1380 = tpu.vector_load %arg11[%get3A_1379] {strides = array<i32>} : memref<78xi32, #tpu.memory_space<vmem>>, vector<16xi32>,
      %slice3A_1381 = vector.extract_strided_slice %get3A_1380 {offsets = [0], sizes = [1], strides = [1]} : vector<16xi32> to vector<1xi32>
      %squeeze3A_1382 = vector.extract %slice3A_1381[0] : i32 from vector<1xi32>
      %add3A_1383 = arith.constant 1 : i32
      %add3A_1384 = arith.addi %select_n3A_1375, %add3A_1383 : i32
      %get3A_1385 = arith.index_cast %add3A_1384 : i32 to index
      %get3A_1386 = tpu.vector_load %arg11[%get3A_1385] {strides = array<i32>} : memref<78xi32, #tpu.memory_space<vmem>>, vector<16xi32>,
      %slice3A_1387 = vector.extract_strided_slice %get3A_1386 {offsets = [0], sizes = [1], strides = [1]} : vector<16xi32> to vector<1xi32>
      %squeeze3A_1388 = vector.extract %slice3A_1387[0] : i32 from vector<1xi32>
      %sub3A_1389 = arith.subi %squeeze3A_1388, %squeeze3A_1382 : i32
      %add3A_1390 = arith.constant 16 : i32
      %add3A_1391 = arith.addi %sub3A_1389, %add3A_1390 : i32
      %sub3A_1392 = arith.constant 1 : i32
      %sub3A_1393 = arith.subi %add3A_1391, %sub3A_1392 : i32
      %jit3A_1394 = arith.constant 16 : i32
      %div3A_1395 = arith.divsi %sub3A_1393, %jit3A_1394 : i32
      %sign3A_1396 = arith.constant 0 : i32
      %sign3A_1397 = arith.cmpi sgt, %sub3A_1393, %sign3A_1396 : i32
      %sign3A_1398 = arith.extui %sign3A_1397 : i1 to i32
      %sign3A_1399 = arith.constant 0 : i32
      %sign3A_1400 = arith.cmpi slt, %sub3A_1393, %sign3A_1399 : i32
      %sign3A_1401 = arith.extui %sign3A_1400 : i1 to i32
      %sign3A_1402 = arith.subi %sign3A_1398, %sign3A_1401 : i32
      %sign3A_1403 = arith.constant 0 : i32
      %sign3A_1404 = arith.cmpi sgt, %jit3A_1394, %sign3A_1403 : i32
      %sign3A_1405 = arith.extui %sign3A_1404 : i1 to i32
      %sign3A_1406 = arith.constant 0 : i32
      %sign3A_1407 = arith.cmpi slt, %jit3A_1394, %sign3A_1406 : i32
      %sign3A_1408 = arith.extui %sign3A_1407 : i1 to i32
      %sign3A_1409 = arith.subi %sign3A_1405, %sign3A_1408 : i32
      %ne3A_1410 = arith.cmpi ne, %sign3A_1402, %sign3A_1409 : i32
      %rem3A_1411 = arith.remsi %sub3A_1393, %jit3A_1394 : i32
      %ne3A_1412 = arith.constant 0 : i32
      %ne3A_1413 = arith.cmpi ne, %rem3A_1411, %ne3A_1412 : i32
      %and3A_1414 = arith.andi %ne3A_1410, %ne3A_1413 : i1
      %sub3A_1415 = arith.constant 1 : i32
      %sub3A_1416 = arith.subi %div3A_1395, %sub3A_1415 : i32
      %select_n3A_1417 = arith.select %and3A_1414, %sub3A_1416, %div3A_1395 : i32
      %while3A_1418 = arith.constant 0 : i32
      %while3A_1419 = arith.constant 0 : i32
      %while3A_1420 = arith.subi %select_n3A_1417, %while3A_1418 : i32
      %while3A_1421 = arith.addi %while3A_1418, %while3A_1420 : i32
      %while3A_1422 = arith.constant 1 : i32
      %while3A_1423 = arith.divsi %while3A_1420, %while3A_1422 : i32
      %while3A_1424 = arith.muli %while3A_1423, %while3A_1422 : i32
      %while3A_1425 = arith.addi %while3A_1418, %while3A_1424 : i32
      %while3A_1426 = arith.constant 1 : i32
      %while3A_1427 = scf.for %while3A_1551 = %while3A_1418 to %while3A_1425 step %while3A_1426 iter_args(%while3A_1552 = %while3A_1419) -> (i32)  : i32 {
        %mul3A_1553 = arith.constant 16 : i32
        %mul3A_1554 = arith.muli %while3A_1551, %mul3A_1553 : i32
        %add3A_1555 = arith.addi %squeeze3A_1382, %mul3A_1554 : i32
        %get3A_1556 = arith.index_cast %add3A_1555 : i32 to index
        %get3A_1557 = tpu.vector_load %arg9[%get3A_1556] {strides = array<i32>} : memref<1040xi32, #tpu.memory_space<vmem>>, vector<16xi32>,
        %sub3A_1558 = vector.broadcast %add3A_1378 : i32 to vector<16xi32>
        %sub3A_1559 = arith.subi %get3A_1557, %sub3A_1558 : vector<16xi32>
        %mul3A_1560 = arith.constant 16 : i32
        %mul3A_1561 = arith.muli %while3A_1551, %mul3A_1560 : i32
        %add3A_1562 = vector.broadcast %mul3A_1561 : i32 to vector<16xi32>
        %add3A_1563 = arith.addi %iota3A, %add3A_1562 : vector<16xi32>
        %lt3A_1564 = vector.broadcast %sub3A_1389 : i32 to vector<16xi32>
        %lt3A_1565 = arith.cmpi slt, %add3A_1563, %lt3A_1564 : vector<16xi32>
        %add3A_1566 = vector.broadcast %add3A_1555 : i32 to vector<16xi32>
        %add3A_1567 = arith.addi %add3A_1566, %iota3A : vector<16xi32>
        %broadcast_in_dim3A_1568 = arith.constant 0 : i32
        %broadcast_in_dim3A_1569 = vector.broadcast %broadcast_in_dim3A_1568 : i32 to vector<16xi32>
        %gather3A = tpu.vector_load_idx %arg21[%broadcast_in_dim3A_1569, %sub3A_1559] masked %lt3A_1565 : memref<8x512xf32, #tpu.memory_space<vmem>>[vector<16xi32>, vector<16xi32>], vector<16xf32>, vector<16xi1>
        %mul3A_1570 = arith.constant 8 : i32
        %mul3A_1571 = arith.muli %select_n3A_1359, %mul3A_1570 : i32
        %add3A_1572 = arith.constant 0 : i32
        %add3A_1573 = arith.addi %mul3A_1571, %add3A_1572 : i32
        %broadcast_in_dim3A_1574 = vector.broadcast %add3A_1573 : i32 to vector<16xi32>
        tpu.vector_store_idx %arg14[%add3A_1567, %broadcast_in_dim3A_1574], %gather3A masked %lt3A_1565 : memref<640x128xf32, #tpu.memory_space<vmem>>[vector<16xi32>, vector<16xi32>], vector<16xf32>, vector<16xi1>
        %broadcast_in_dim3A_1575 = arith.constant 1 : i32
        %broadcast_in_dim3A_1576 = vector.broadcast %broadcast_in_dim3A_1575 : i32 to vector<16xi32>
        %gather3A_1577 = tpu.vector_load_idx %arg21[%broadcast_in_dim3A_1576, %sub3A_1559] masked %lt3A_1565 : memref<8x512xf32, #tpu.memory_space<vmem>>[vector<16xi32>, vector<16xi32>], vector<16xf32>, vector<16xi1>
        %mul3A_1578 = arith.constant 8 : i32
        %mul3A_1579 = arith.muli %select_n3A_1359, %mul3A_1578 : i32
        %add3A_1580 = arith.constant 1 : i32
        %add3A_1581 = arith.addi %mul3A_1579, %add3A_1580 : i32
        %broadcast_in_dim3A_1582 = vector.broadcast %add3A_1581 : i32 to vector<16xi32>
        tpu.vector_store_idx %arg14[%add3A_1567, %broadcast_in_dim3A_1582], %gather3A_1577 masked %lt3A_1565 : memref<640x128xf32, #tpu.memory_space<vmem>>[vector<16xi32>, vector<16xi32>], vector<16xf32>, vector<16xi1>
        %broadcast_in_dim3A_1583 = arith.constant 2 : i32
        %broadcast_in_dim3A_1584 = vector.broadcast %broadcast_in_dim3A_1583 : i32 to vector<16xi32>
        %gather3A_1585 = tpu.vector_load_idx %arg21[%broadcast_in_dim3A_1584, %sub3A_1559] masked %lt3A_1565 : memref<8x512xf32, #tpu.memory_space<vmem>>[vector<16xi32>, vector<16xi32>], vector<16xf32>, vector<16xi1>
        %mul3A_1586 = arith.constant 8 : i32
        %mul3A_1587 = arith.muli %select_n3A_1359, %mul3A_1586 : i32
        %add3A_1588 = arith.constant 2 : i32
        %add3A_1589 = arith.addi %mul3A_1587, %add3A_1588 : i32
        %broadcast_in_dim3A_1590 = vector.broadcast %add3A_1589 : i32 to vector<16xi32>
        tpu.vector_store_idx %arg14[%add3A_1567, %broadcast_in_dim3A_1590], %gather3A_1585 masked %lt3A_1565 : memref<640x128xf32, #tpu.memory_space<vmem>>[vector<16xi32>, vector<16xi32>], vector<16xf32>, vector<16xi1>
        %broadcast_in_dim3A_1591 = arith.constant 3 : i32
        %broadcast_in_dim3A_1592 = vector.broadcast %broadcast_in_dim3A_1591 : i32 to vector<16xi32>
        %gather3A_1593 = tpu.vector_load_idx %arg21[%broadcast_in_dim3A_1592, %sub3A_1559] masked %lt3A_1565 : memref<8x512xf32, #tpu.memory_space<vmem>>[vector<16xi32>, vector<16xi32>], vector<16xf32>, vector<16xi1>
        %mul3A_1594 = arith.constant 8 : i32
        %mul3A_1595 = arith.muli %select_n3A_1359, %mul3A_1594 : i32
        %add3A_1596 = arith.constant 3 : i32
        %add3A_1597 = arith.addi %mul3A_1595, %add3A_1596 : i32
        %broadcast_in_dim3A_1598 = vector.broadcast %add3A_1597 : i32 to vector<16xi32>
        tpu.vector_store_idx %arg14[%add3A_1567, %broadcast_in_dim3A_1598], %gather3A_1593 masked %lt3A_1565 : memref<640x128xf32, #tpu.memory_space<vmem>>[vector<16xi32>, vector<16xi32>], vector<16xf32>, vector<16xi1>
        %broadcast_in_dim3A_1599 = arith.constant 4 : i32
        %broadcast_in_dim3A_1600 = vector.broadcast %broadcast_in_dim3A_1599 : i32 to vector<16xi32>
        %gather3A_1601 = tpu.vector_load_idx %arg21[%broadcast_in_dim3A_1600, %sub3A_1559] masked %lt3A_1565 : memref<8x512xf32, #tpu.memory_space<vmem>>[vector<16xi32>, vector<16xi32>], vector<16xf32>, vector<16xi1>
        %mul3A_1602 = arith.constant 8 : i32
        %mul3A_1603 = arith.muli %select_n3A_1359, %mul3A_1602 : i32
        %add3A_1604 = arith.constant 4 : i32
        %add3A_1605 = arith.addi %mul3A_1603, %add3A_1604 : i32
        %broadcast_in_dim3A_1606 = vector.broadcast %add3A_1605 : i32 to vector<16xi32>
        tpu.vector_store_idx %arg14[%add3A_1567, %broadcast_in_dim3A_1606], %gather3A_1601 masked %lt3A_1565 : memref<640x128xf32, #tpu.memory_space<vmem>>[vector<16xi32>, vector<16xi32>], vector<16xf32>, vector<16xi1>
        %broadcast_in_dim3A_1607 = arith.constant 5 : i32
        %broadcast_in_dim3A_1608 = vector.broadcast %broadcast_in_dim3A_1607 : i32 to vector<16xi32>
        %gather3A_1609 = tpu.vector_load_idx %arg21[%broadcast_in_dim3A_1608, %sub3A_1559] masked %lt3A_1565 : memref<8x512xf32, #tpu.memory_space<vmem>>[vector<16xi32>, vector<16xi32>], vector<16xf32>, vector<16xi1>
        %mul3A_1610 = arith.constant 8 : i32
        %mul3A_1611 = arith.muli %select_n3A_1359, %mul3A_1610 : i32
        %add3A_1612 = arith.constant 5 : i32
        %add3A_1613 = arith.addi %mul3A_1611, %add3A_1612 : i32
        %broadcast_in_dim3A_1614 = vector.broadcast %add3A_1613 : i32 to vector<16xi32>
        tpu.vector_store_idx %arg14[%add3A_1567, %broadcast_in_dim3A_1614], %gather3A_1609 masked %lt3A_1565 : memref<640x128xf32, #tpu.memory_space<vmem>>[vector<16xi32>, vector<16xi32>], vector<16xf32>, vector<16xi1>
        %broadcast_in_dim3A_1615 = arith.constant 6 : i32
        %broadcast_in_dim3A_1616 = vector.broadcast %broadcast_in_dim3A_1615 : i32 to vector<16xi32>
        %gather3A_1617 = tpu.vector_load_idx %arg21[%broadcast_in_dim3A_1616, %sub3A_1559] masked %lt3A_1565 : memref<8x512xf32, #tpu.memory_space<vmem>>[vector<16xi32>, vector<16xi32>], vector<16xf32>, vector<16xi1>
        %mul3A_1618 = arith.constant 8 : i32
        %mul3A_1619 = arith.muli %select_n3A_1359, %mul3A_1618 : i32
        %add3A_1620 = arith.constant 6 : i32
        %add3A_1621 = arith.addi %mul3A_1619, %add3A_1620 : i32
        %broadcast_in_dim3A_1622 = vector.broadcast %add3A_1621 : i32 to vector<16xi32>
        tpu.vector_store_idx %arg14[%add3A_1567, %broadcast_in_dim3A_1622], %gather3A_1617 masked %lt3A_1565 : memref<640x128xf32, #tpu.memory_space<vmem>>[vector<16xi32>, vector<16xi32>], vector<16xf32>, vector<16xi1>
        %broadcast_in_dim3A_1623 = arith.constant 7 : i32
        %broadcast_in_dim3A_1624 = vector.broadcast %broadcast_in_dim3A_1623 : i32 to vector<16xi32>
        %gather3A_1625 = tpu.vector_load_idx %arg21[%broadcast_in_dim3A_1624, %sub3A_1559] masked %lt3A_1565 : memref<8x512xf32, #tpu.memory_space<vmem>>[vector<16xi32>, vector<16xi32>], vector<16xf32>, vector<16xi1>
        %mul3A_1626 = arith.constant 8 : i32
        %mul3A_1627 = arith.muli %select_n3A_1359, %mul3A_1626 : i32
        %add3A_1628 = arith.constant 7 : i32
        %add3A_1629 = arith.addi %mul3A_1627, %add3A_1628 : i32
        %broadcast_in_dim3A_1630 = vector.broadcast %add3A_1629 : i32 to vector<16xi32>
        tpu.vector_store_idx %arg14[%add3A_1567, %broadcast_in_dim3A_1630], %gather3A_1625 masked %lt3A_1565 : memref<640x128xf32, #tpu.memory_space<vmem>>[vector<16xi32>, vector<16xi32>], vector<16xf32>, vector<16xi1>
        %while3A_1631 = arith.constant 0 : i32
        scf.yield %while3A_1631 : i32
      }
      %while3A_1428 = arith.constant 1 : i32
      %while3A_1429 = scf.for %while3A_1551 = %while3A_1425 to %while3A_1421 step %while3A_1428 iter_args(%while3A_1552 = %while3A_1427) -> (i32)  : i32 {
        %mul3A_1553 = arith.constant 16 : i32
        %mul3A_1554 = arith.muli %while3A_1551, %mul3A_1553 : i32
        %add3A_1555 = arith.addi %squeeze3A_1382, %mul3A_1554 : i32
        %get3A_1556 = arith.index_cast %add3A_1555 : i32 to index
        %get3A_1557 = tpu.vector_load %arg9[%get3A_1556] {strides = array<i32>} : memref<1040xi32, #tpu.memory_space<vmem>>, vector<16xi32>,
        %sub3A_1558 = vector.broadcast %add3A_1378 : i32 to vector<16xi32>
        %sub3A_1559 = arith.subi %get3A_1557, %sub3A_1558 : vector<16xi32>
        %mul3A_1560 = arith.constant 16 : i32
        %mul3A_1561 = arith.muli %while3A_1551, %mul3A_1560 : i32
        %add3A_1562 = vector.broadcast %mul3A_1561 : i32 to vector<16xi32>
        %add3A_1563 = arith.addi %iota3A, %add3A_1562 : vector<16xi32>
        %lt3A_1564 = vector.broadcast %sub3A_1389 : i32 to vector<16xi32>
        %lt3A_1565 = arith.cmpi slt, %add3A_1563, %lt3A_1564 : vector<16xi32>
        %add3A_1566 = vector.broadcast %add3A_1555 : i32 to vector<16xi32>
        %add3A_1567 = arith.addi %add3A_1566, %iota3A : vector<16xi32>
        %broadcast_in_dim3A_1568 = arith.constant 0 : i32
        %broadcast_in_dim3A_1569 = vector.broadcast %broadcast_in_dim3A_1568 : i32 to vector<16xi32>
        %gather3A = tpu.vector_load_idx %arg21[%broadcast_in_dim3A_1569, %sub3A_1559] masked %lt3A_1565 : memref<8x512xf32, #tpu.memory_space<vmem>>[vector<16xi32>, vector<16xi32>], vector<16xf32>, vector<16xi1>
        %mul3A_1570 = arith.constant 8 : i32
        %mul3A_1571 = arith.muli %select_n3A_1359, %mul3A_1570 : i32
        %add3A_1572 = arith.constant 0 : i32
        %add3A_1573 = arith.addi %mul3A_1571, %add3A_1572 : i32
        %broadcast_in_dim3A_1574 = vector.broadcast %add3A_1573 : i32 to vector<16xi32>
        tpu.vector_store_idx %arg14[%add3A_1567, %broadcast_in_dim3A_1574], %gather3A masked %lt3A_1565 : memref<640x128xf32, #tpu.memory_space<vmem>>[vector<16xi32>, vector<16xi32>], vector<16xf32>, vector<16xi1>
        %broadcast_in_dim3A_1575 = arith.constant 1 : i32
        %broadcast_in_dim3A_1576 = vector.broadcast %broadcast_in_dim3A_1575 : i32 to vector<16xi32>
        %gather3A_1577 = tpu.vector_load_idx %arg21[%broadcast_in_dim3A_1576, %sub3A_1559] masked %lt3A_1565 : memref<8x512xf32, #tpu.memory_space<vmem>>[vector<16xi32>, vector<16xi32>], vector<16xf32>, vector<16xi1>
        %mul3A_1578 = arith.constant 8 : i32
        %mul3A_1579 = arith.muli %select_n3A_1359, %mul3A_1578 : i32
        %add3A_1580 = arith.constant 1 : i32
        %add3A_1581 = arith.addi %mul3A_1579, %add3A_1580 : i32
        %broadcast_in_dim3A_1582 = vector.broadcast %add3A_1581 : i32 to vector<16xi32>
        tpu.vector_store_idx %arg14[%add3A_1567, %broadcast_in_dim3A_1582], %gather3A_1577 masked %lt3A_1565 : memref<640x128xf32, #tpu.memory_space<vmem>>[vector<16xi32>, vector<16xi32>], vector<16xf32>, vector<16xi1>
        %broadcast_in_dim3A_1583 = arith.constant 2 : i32
        %broadcast_in_dim3A_1584 = vector.broadcast %broadcast_in_dim3A_1583 : i32 to vector<16xi32>
        %gather3A_1585 = tpu.vector_load_idx %arg21[%broadcast_in_dim3A_1584, %sub3A_1559] masked %lt3A_1565 : memref<8x512xf32, #tpu.memory_space<vmem>>[vector<16xi32>, vector<16xi32>], vector<16xf32>, vector<16xi1>
        %mul3A_1586 = arith.constant 8 : i32
        %mul3A_1587 = arith.muli %select_n3A_1359, %mul3A_1586 : i32
        %add3A_1588 = arith.constant 2 : i32
        %add3A_1589 = arith.addi %mul3A_1587, %add3A_1588 : i32
        %broadcast_in_dim3A_1590 = vector.broadcast %add3A_1589 : i32 to vector<16xi32>
        tpu.vector_store_idx %arg14[%add3A_1567, %broadcast_in_dim3A_1590], %gather3A_1585 masked %lt3A_1565 : memref<640x128xf32, #tpu.memory_space<vmem>>[vector<16xi32>, vector<16xi32>], vector<16xf32>, vector<16xi1>
        %broadcast_in_dim3A_1591 = arith.constant 3 : i32
        %broadcast_in_dim3A_1592 = vector.broadcast %broadcast_in_dim3A_1591 : i32 to vector<16xi32>
        %gather3A_1593 = tpu.vector_load_idx %arg21[%broadcast_in_dim3A_1592, %sub3A_1559] masked %lt3A_1565 : memref<8x512xf32, #tpu.memory_space<vmem>>[vector<16xi32>, vector<16xi32>], vector<16xf32>, vector<16xi1>
        %mul3A_1594 = arith.constant 8 : i32
        %mul3A_1595 = arith.muli %select_n3A_1359, %mul3A_1594 : i32
        %add3A_1596 = arith.constant 3 : i32
        %add3A_1597 = arith.addi %mul3A_1595, %add3A_1596 : i32
        %broadcast_in_dim3A_1598 = vector.broadcast %add3A_1597 : i32 to vector<16xi32>
        tpu.vector_store_idx %arg14[%add3A_1567, %broadcast_in_dim3A_1598], %gather3A_1593 masked %lt3A_1565 : memref<640x128xf32, #tpu.memory_space<vmem>>[vector<16xi32>, vector<16xi32>], vector<16xf32>, vector<16xi1>
        %broadcast_in_dim3A_1599 = arith.constant 4 : i32
        %broadcast_in_dim3A_1600 = vector.broadcast %broadcast_in_dim3A_1599 : i32 to vector<16xi32>
        %gather3A_1601 = tpu.vector_load_idx %arg21[%broadcast_in_dim3A_1600, %sub3A_1559] masked %lt3A_1565 : memref<8x512xf32, #tpu.memory_space<vmem>>[vector<16xi32>, vector<16xi32>], vector<16xf32>, vector<16xi1>
        %mul3A_1602 = arith.constant 8 : i32
        %mul3A_1603 = arith.muli %select_n3A_1359, %mul3A_1602 : i32
        %add3A_1604 = arith.constant 4 : i32
        %add3A_1605 = arith.addi %mul3A_1603, %add3A_1604 : i32
        %broadcast_in_dim3A_1606 = vector.broadcast %add3A_1605 : i32 to vector<16xi32>
        tpu.vector_store_idx %arg14[%add3A_1567, %broadcast_in_dim3A_1606], %gather3A_1601 masked %lt3A_1565 : memref<640x128xf32, #tpu.memory_space<vmem>>[vector<16xi32>, vector<16xi32>], vector<16xf32>, vector<16xi1>
        %broadcast_in_dim3A_1607 = arith.constant 5 : i32
        %broadcast_in_dim3A_1608 = vector.broadcast %broadcast_in_dim3A_1607 : i32 to vector<16xi32>
        %gather3A_1609 = tpu.vector_load_idx %arg21[%broadcast_in_dim3A_1608, %sub3A_1559] masked %lt3A_1565 : memref<8x512xf32, #tpu.memory_space<vmem>>[vector<16xi32>, vector<16xi32>], vector<16xf32>, vector<16xi1>
        %mul3A_1610 = arith.constant 8 : i32
        %mul3A_1611 = arith.muli %select_n3A_1359, %mul3A_1610 : i32
        %add3A_1612 = arith.constant 5 : i32
        %add3A_1613 = arith.addi %mul3A_1611, %add3A_1612 : i32
        %broadcast_in_dim3A_1614 = vector.broadcast %add3A_1613 : i32 to vector<16xi32>
        tpu.vector_store_idx %arg14[%add3A_1567, %broadcast_in_dim3A_1614], %gather3A_1609 masked %lt3A_1565 : memref<640x128xf32, #tpu.memory_space<vmem>>[vector<16xi32>, vector<16xi32>], vector<16xf32>, vector<16xi1>
        %broadcast_in_dim3A_1615 = arith.constant 6 : i32
        %broadcast_in_dim3A_1616 = vector.broadcast %broadcast_in_dim3A_1615 : i32 to vector<16xi32>
        %gather3A_1617 = tpu.vector_load_idx %arg21[%broadcast_in_dim3A_1616, %sub3A_1559] masked %lt3A_1565 : memref<8x512xf32, #tpu.memory_space<vmem>>[vector<16xi32>, vector<16xi32>], vector<16xf32>, vector<16xi1>
        %mul3A_1618 = arith.constant 8 : i32
        %mul3A_1619 = arith.muli %select_n3A_1359, %mul3A_1618 : i32
        %add3A_1620 = arith.constant 6 : i32
        %add3A_1621 = arith.addi %mul3A_1619, %add3A_1620 : i32
        %broadcast_in_dim3A_1622 = vector.broadcast %add3A_1621 : i32 to vector<16xi32>
        tpu.vector_store_idx %arg14[%add3A_1567, %broadcast_in_dim3A_1622], %gather3A_1617 masked %lt3A_1565 : memref<640x128xf32, #tpu.memory_space<vmem>>[vector<16xi32>, vector<16xi32>], vector<16xf32>, vector<16xi1>
        %broadcast_in_dim3A_1623 = arith.constant 7 : i32
        %broadcast_in_dim3A_1624 = vector.broadcast %broadcast_in_dim3A_1623 : i32 to vector<16xi32>
        %gather3A_1625 = tpu.vector_load_idx %arg21[%broadcast_in_dim3A_1624, %sub3A_1559] masked %lt3A_1565 : memref<8x512xf32, #tpu.memory_space<vmem>>[vector<16xi32>, vector<16xi32>], vector<16xf32>, vector<16xi1>
        %mul3A_1626 = arith.constant 8 : i32
        %mul3A_1627 = arith.muli %select_n3A_1359, %mul3A_1626 : i32
        %add3A_1628 = arith.constant 7 : i32
        %add3A_1629 = arith.addi %mul3A_1627, %add3A_1628 : i32
        %broadcast_in_dim3A_1630 = vector.broadcast %add3A_1629 : i32 to vector<16xi32>
        tpu.vector_store_idx %arg14[%add3A_1567, %broadcast_in_dim3A_1630], %gather3A_1625 masked %lt3A_1565 : memref<640x128xf32, #tpu.memory_space<vmem>>[vector<16xi32>, vector<16xi32>], vector<16xf32>, vector<16xi1>
        %while3A_1631 = arith.constant 0 : i32
        scf.yield %while3A_1631 : i32
      }
      %add3A_1430 = arith.constant 6 : i32
      %add3A_1431 = arith.addi %mul3A_665, %add3A_1430 : i32
      %add3A_1432 = arith.constant 8 : i32
      %add3A_1433 = arith.addi %add3A_1431, %add3A_1432 : i32
      %lt3A_1434 = arith.constant 488 : i32
      %lt3A_1435 = arith.cmpi slt, %add3A_1433, %lt3A_1434 : i32
      %convert_element_type3A_1436 = arith.extui %lt3A_1435 : i1 to i32
      %cond3A_1437 = arith.constant 0 : i32
      %cond3A_1438 = arith.cmpi ne, %convert_element_type3A_1436, %cond3A_1437 : i32
      scf.if %cond3A_1438 {
        %add3A_1551 = arith.constant 6 : i32
        %add3A_1552 = arith.addi %mul3A_665, %add3A_1551 : i32
        %add3A_1553 = arith.constant 8 : i32
        %add3A_1554 = arith.addi %add3A_1552, %add3A_1553 : i32
        %jit3A_1555 = arith.constant 61 : i32
        %div3A_1556 = arith.divsi %add3A_1554, %jit3A_1555 : i32
        %sign3A_1557 = arith.constant 0 : i32
        %sign3A_1558 = arith.cmpi sgt, %add3A_1554, %sign3A_1557 : i32
        %sign3A_1559 = arith.extui %sign3A_1558 : i1 to i32
        %sign3A_1560 = arith.constant 0 : i32
        %sign3A_1561 = arith.cmpi slt, %add3A_1554, %sign3A_1560 : i32
        %sign3A_1562 = arith.extui %sign3A_1561 : i1 to i32
        %sign3A_1563 = arith.subi %sign3A_1559, %sign3A_1562 : i32
        %sign3A_1564 = arith.constant 0 : i32
        %sign3A_1565 = arith.cmpi sgt, %jit3A_1555, %sign3A_1564 : i32
        %sign3A_1566 = arith.extui %sign3A_1565 : i1 to i32
        %sign3A_1567 = arith.constant 0 : i32
        %sign3A_1568 = arith.cmpi slt, %jit3A_1555, %sign3A_1567 : i32
        %sign3A_1569 = arith.extui %sign3A_1568 : i1 to i32
        %sign3A_1570 = arith.subi %sign3A_1566, %sign3A_1569 : i32
        %ne3A_1571 = arith.cmpi ne, %sign3A_1563, %sign3A_1570 : i32
        %rem3A_1572 = arith.remsi %add3A_1554, %jit3A_1555 : i32
        %ne3A_1573 = arith.constant 0 : i32
        %ne3A_1574 = arith.cmpi ne, %rem3A_1572, %ne3A_1573 : i32
        %and3A_1575 = arith.andi %ne3A_1571, %ne3A_1574 : i1
        %sub3A_1576 = arith.constant 1 : i32
        %sub3A_1577 = arith.subi %div3A_1556, %sub3A_1576 : i32
        %select_n3A_1578 = arith.select %and3A_1575, %sub3A_1577, %div3A_1556 : i32
        %jit3A_1579 = arith.constant 61 : i32
        %eq3A_1580 = arith.constant 0 : i32
        %eq3A_1581 = arith.cmpi eq, %jit3A_1579, %eq3A_1580 : i32
        %jit3A_1582 = arith.constant 1 : i32
        %select_n3A_1583 = arith.select %eq3A_1581, %jit3A_1582, %jit3A_1579 : i32
        %rem3A_1584 = arith.remsi %add3A_1554, %select_n3A_1583 : i32
        %ne3A_1585 = arith.constant 0 : i32
        %ne3A_1586 = arith.cmpi ne, %rem3A_1584, %ne3A_1585 : i32
        %lt3A_1587 = arith.constant 0 : i32
        %lt3A_1588 = arith.cmpi slt, %rem3A_1584, %lt3A_1587 : i32
        %lt3A_1589 = arith.constant 0 : i32
        %lt3A_1590 = arith.cmpi slt, %select_n3A_1583, %lt3A_1589 : i32
        %ne3A_1591 = arith.xori %lt3A_1588, %lt3A_1590 : i1
        %and3A_1592 = arith.andi %ne3A_1591, %ne3A_1586 : i1
        %add3A_1593 = arith.addi %rem3A_1584, %select_n3A_1583 : i32
        %select_n3A_1594 = arith.select %and3A_1592, %add3A_1593, %rem3A_1584 : i32
        %mul3A_1595 = arith.constant 8 : i32
        %mul3A_1596 = arith.muli %select_n3A_1578, %mul3A_1595 : i32
        %multiple_of3A_1597 = tpu.assume_multiple %mul3A_1596, 8 : i32
        %mul3A_1598 = arith.constant 512 : i32
        %mul3A_1599 = arith.muli %select_n3A_1594, %mul3A_1598 : i32
        %add3A_1600 = arith.addi %mul3A_2, %mul3A_1599 : i32
        %multiple_of3A_1601 = tpu.assume_multiple %add3A_1600, 128 : i32
        %dma_start3A_1602 = tpu.memref_slice %arg2[%multiple_of3A_1597, %multiple_of3A_1601] : memref<64x1000000xf32, #tpu.memory_space<hbm>> -> memref<8x512xf32, #tpu.memory_space<hbm>>
        %dma_start3A_1603 = tpu.memref_slice %arg2[%multiple_of3A_1597, %multiple_of3A_1601] : memref<64x1000000xf32, #tpu.memory_space<hbm>> -> memref<8x512xf32, #tpu.memory_space<hbm>>
        tpu.enqueue_dma source(%dma_start3A_1603 : memref<8x512xf32, #tpu.memory_space<hbm>>) target(%arg21 : memref<8x512xf32, #tpu.memory_space<vmem>>) target_semaphore(%arg25 : memref<!tpu.dma_semaphore, #tpu.memory_space<semaphore_mem>>)
      } else {
      }
      %dma_wait3A_1439 = arith.constant 0 : i32
      %dma_wait3A_1440 = arith.constant 0 : i32
      %dma_wait3A_1441 = tpu.memref_slice %arg2[%dma_wait3A_1439, %dma_wait3A_1440] : memref<64x1000000xf32, #tpu.memory_space<hbm>> -> memref<8x512xf32, #tpu.memory_space<hbm>>
      %dma_wait3A_1442 = arith.constant 0 : i32
      %dma_wait3A_1443 = arith.constant 0 : i32
      %dma_wait3A_1444 = tpu.memref_slice %arg2[%dma_wait3A_1442, %dma_wait3A_1443] : memref<64x1000000xf32, #tpu.memory_space<hbm>> -> memref<8x512xf32, #tpu.memory_space<hbm>>
      tpu.wait_dma2 semaphore(%arg25 : memref<!tpu.dma_semaphore, #tpu.memory_space<semaphore_mem>>) src(%dma_wait3A_1444 : memref<8x512xf32, #tpu.memory_space<hbm>>) dst(%arg15 : memref<8x512xf32, #tpu.memory_space<vmem>>)
      %add3A_1445 = arith.constant 7 : i32
      %add3A_1446 = arith.addi %mul3A_665, %add3A_1445 : i32
      %jit3A_1447 = arith.constant 61 : i32
      %div3A_1448 = arith.divsi %add3A_1446, %jit3A_1447 : i32
      %sign3A_1449 = arith.constant 0 : i32
      %sign3A_1450 = arith.cmpi sgt, %add3A_1446, %sign3A_1449 : i32
      %sign3A_1451 = arith.extui %sign3A_1450 : i1 to i32
      %sign3A_1452 = arith.constant 0 : i32
      %sign3A_1453 = arith.cmpi slt, %add3A_1446, %sign3A_1452 : i32
      %sign3A_1454 = arith.extui %sign3A_1453 : i1 to i32
      %sign3A_1455 = arith.subi %sign3A_1451, %sign3A_1454 : i32
      %sign3A_1456 = arith.constant 0 : i32
      %sign3A_1457 = arith.cmpi sgt, %jit3A_1447, %sign3A_1456 : i32
      %sign3A_1458 = arith.extui %sign3A_1457 : i1 to i32
      %sign3A_1459 = arith.constant 0 : i32
      %sign3A_1460 = arith.cmpi slt, %jit3A_1447, %sign3A_1459 : i32
      %sign3A_1461 = arith.extui %sign3A_1460 : i1 to i32
      %sign3A_1462 = arith.subi %sign3A_1458, %sign3A_1461 : i32
      %ne3A_1463 = arith.cmpi ne, %sign3A_1455, %sign3A_1462 : i32
      %rem3A_1464 = arith.remsi %add3A_1446, %jit3A_1447 : i32
      %ne3A_1465 = arith.constant 0 : i32
      %ne3A_1466 = arith.cmpi ne, %rem3A_1464, %ne3A_1465 : i32
      %and3A_1467 = arith.andi %ne3A_1463, %ne3A_1466 : i1
      %sub3A_1468 = arith.constant 1 : i32
      %sub3A_1469 = arith.subi %div3A_1448, %sub3A_1468 : i32
      %select_n3A_1470 = arith.select %and3A_1467, %sub3A_1469, %div3A_1448 : i32
      %jit3A_1471 = arith.constant 61 : i32
      %eq3A_1472 = arith.constant 0 : i32
      %eq3A_1473 = arith.cmpi eq, %jit3A_1471, %eq3A_1472 : i32
      %jit3A_1474 = arith.constant 1 : i32
      %select_n3A_1475 = arith.select %eq3A_1473, %jit3A_1474, %jit3A_1471 : i32
      %rem3A_1476 = arith.remsi %add3A_1446, %select_n3A_1475 : i32
      %ne3A_1477 = arith.constant 0 : i32
      %ne3A_1478 = arith.cmpi ne, %rem3A_1476, %ne3A_1477 : i32
      %lt3A_1479 = arith.constant 0 : i32
      %lt3A_1480 = arith.cmpi slt, %rem3A_1476, %lt3A_1479 : i32
      %lt3A_1481 = arith.constant 0 : i32
      %lt3A_1482 = arith.cmpi slt, %select_n3A_1475, %lt3A_1481 : i32
      %ne3A_1483 = arith.xori %lt3A_1480, %lt3A_1482 : i1
      %and3A_1484 = arith.andi %ne3A_1483, %ne3A_1478 : i1
      %add3A_1485 = arith.addi %rem3A_1476, %select_n3A_1475 : i32
      %select_n3A_1486 = arith.select %and3A_1484, %add3A_1485, %rem3A_1476 : i32
      %mul3A_1487 = arith.constant 512 : i32
      %mul3A_1488 = arith.muli %select_n3A_1486, %mul3A_1487 : i32
      %add3A_1489 = arith.addi %mul3A_2, %mul3A_1488 : i32
      %get3A_1490 = arith.index_cast %select_n3A_1486 : i32 to index
      %get3A_1491 = tpu.vector_load %arg11[%get3A_1490] {strides = array<i32>} : memref<78xi32, #tpu.memory_space<vmem>>, vector<16xi32>,
      %slice3A_1492 = vector.extract_strided_slice %get3A_1491 {offsets = [0], sizes = [1], strides = [1]} : vector<16xi32> to vector<1xi32>
      %squeeze3A_1493 = vector.extract %slice3A_1492[0] : i32 from vector<1xi32>
      %add3A_1494 = arith.constant 1 : i32
      %add3A_1495 = arith.addi %select_n3A_1486, %add3A_1494 : i32
      %get3A_1496 = arith.index_cast %add3A_1495 : i32 to index
      %get3A_1497 = tpu.vector_load %arg11[%get3A_1496] {strides = array<i32>} : memref<78xi32, #tpu.memory_space<vmem>>, vector<16xi32>,
      %slice3A_1498 = vector.extract_strided_slice %get3A_1497 {offsets = [0], sizes = [1], strides = [1]} : vector<16xi32> to vector<1xi32>
      %squeeze3A_1499 = vector.extract %slice3A_1498[0] : i32 from vector<1xi32>
      %sub3A_1500 = arith.subi %squeeze3A_1499, %squeeze3A_1493 : i32
      %add3A_1501 = arith.constant 16 : i32
      %add3A_1502 = arith.addi %sub3A_1500, %add3A_1501 : i32
      %sub3A_1503 = arith.constant 1 : i32
      %sub3A_1504 = arith.subi %add3A_1502, %sub3A_1503 : i32
      %jit3A_1505 = arith.constant 16 : i32
      %div3A_1506 = arith.divsi %sub3A_1504, %jit3A_1505 : i32
      %sign3A_1507 = arith.constant 0 : i32
      %sign3A_1508 = arith.cmpi sgt, %sub3A_1504, %sign3A_1507 : i32
      %sign3A_1509 = arith.extui %sign3A_1508 : i1 to i32
      %sign3A_1510 = arith.constant 0 : i32
      %sign3A_1511 = arith.cmpi slt, %sub3A_1504, %sign3A_1510 : i32
      %sign3A_1512 = arith.extui %sign3A_1511 : i1 to i32
      %sign3A_1513 = arith.subi %sign3A_1509, %sign3A_1512 : i32
      %sign3A_1514 = arith.constant 0 : i32
      %sign3A_1515 = arith.cmpi sgt, %jit3A_1505, %sign3A_1514 : i32
      %sign3A_1516 = arith.extui %sign3A_1515 : i1 to i32
      %sign3A_1517 = arith.constant 0 : i32
      %sign3A_1518 = arith.cmpi slt, %jit3A_1505, %sign3A_1517 : i32
      %sign3A_1519 = arith.extui %sign3A_1518 : i1 to i32
      %sign3A_1520 = arith.subi %sign3A_1516, %sign3A_1519 : i32
      %ne3A_1521 = arith.cmpi ne, %sign3A_1513, %sign3A_1520 : i32
      %rem3A_1522 = arith.remsi %sub3A_1504, %jit3A_1505 : i32
      %ne3A_1523 = arith.constant 0 : i32
      %ne3A_1524 = arith.cmpi ne, %rem3A_1522, %ne3A_1523 : i32
      %and3A_1525 = arith.andi %ne3A_1521, %ne3A_1524 : i1
      %sub3A_1526 = arith.constant 1 : i32
      %sub3A_1527 = arith.subi %div3A_1506, %sub3A_1526 : i32
      %select_n3A_1528 = arith.select %and3A_1525, %sub3A_1527, %div3A_1506 : i32
      %while3A_1529 = arith.constant 0 : i32
      %while3A_1530 = arith.constant 0 : i32
      %while3A_1531 = arith.subi %select_n3A_1528, %while3A_1529 : i32
      %while3A_1532 = arith.addi %while3A_1529, %while3A_1531 : i32
      %while3A_1533 = arith.constant 1 : i32
      %while3A_1534 = arith.divsi %while3A_1531, %while3A_1533 : i32
      %while3A_1535 = arith.muli %while3A_1534, %while3A_1533 : i32
      %while3A_1536 = arith.addi %while3A_1529, %while3A_1535 : i32
      %while3A_1537 = arith.constant 1 : i32
      %while3A_1538 = scf.for %while3A_1551 = %while3A_1529 to %while3A_1536 step %while3A_1537 iter_args(%while3A_1552 = %while3A_1530) -> (i32)  : i32 {
        %mul3A_1553 = arith.constant 16 : i32
        %mul3A_1554 = arith.muli %while3A_1551, %mul3A_1553 : i32
        %add3A_1555 = arith.addi %squeeze3A_1493, %mul3A_1554 : i32
        %get3A_1556 = arith.index_cast %add3A_1555 : i32 to index
        %get3A_1557 = tpu.vector_load %arg9[%get3A_1556] {strides = array<i32>} : memref<1040xi32, #tpu.memory_space<vmem>>, vector<16xi32>,
        %sub3A_1558 = vector.broadcast %add3A_1489 : i32 to vector<16xi32>
        %sub3A_1559 = arith.subi %get3A_1557, %sub3A_1558 : vector<16xi32>
        %mul3A_1560 = arith.constant 16 : i32
        %mul3A_1561 = arith.muli %while3A_1551, %mul3A_1560 : i32
        %add3A_1562 = vector.broadcast %mul3A_1561 : i32 to vector<16xi32>
        %add3A_1563 = arith.addi %iota3A, %add3A_1562 : vector<16xi32>
        %lt3A_1564 = vector.broadcast %sub3A_1500 : i32 to vector<16xi32>
        %lt3A_1565 = arith.cmpi slt, %add3A_1563, %lt3A_1564 : vector<16xi32>
        %add3A_1566 = vector.broadcast %add3A_1555 : i32 to vector<16xi32>
        %add3A_1567 = arith.addi %add3A_1566, %iota3A : vector<16xi32>
        %broadcast_in_dim3A_1568 = arith.constant 0 : i32
        %broadcast_in_dim3A_1569 = vector.broadcast %broadcast_in_dim3A_1568 : i32 to vector<16xi32>
        %gather3A = tpu.vector_load_idx %arg22[%broadcast_in_dim3A_1569, %sub3A_1559] masked %lt3A_1565 : memref<8x512xf32, #tpu.memory_space<vmem>>[vector<16xi32>, vector<16xi32>], vector<16xf32>, vector<16xi1>
        %mul3A_1570 = arith.constant 8 : i32
        %mul3A_1571 = arith.muli %select_n3A_1470, %mul3A_1570 : i32
        %add3A_1572 = arith.constant 0 : i32
        %add3A_1573 = arith.addi %mul3A_1571, %add3A_1572 : i32
        %broadcast_in_dim3A_1574 = vector.broadcast %add3A_1573 : i32 to vector<16xi32>
        tpu.vector_store_idx %arg14[%add3A_1567, %broadcast_in_dim3A_1574], %gather3A masked %lt3A_1565 : memref<640x128xf32, #tpu.memory_space<vmem>>[vector<16xi32>, vector<16xi32>], vector<16xf32>, vector<16xi1>
        %broadcast_in_dim3A_1575 = arith.constant 1 : i32
        %broadcast_in_dim3A_1576 = vector.broadcast %broadcast_in_dim3A_1575 : i32 to vector<16xi32>
        %gather3A_1577 = tpu.vector_load_idx %arg22[%broadcast_in_dim3A_1576, %sub3A_1559] masked %lt3A_1565 : memref<8x512xf32, #tpu.memory_space<vmem>>[vector<16xi32>, vector<16xi32>], vector<16xf32>, vector<16xi1>
        %mul3A_1578 = arith.constant 8 : i32
        %mul3A_1579 = arith.muli %select_n3A_1470, %mul3A_1578 : i32
        %add3A_1580 = arith.constant 1 : i32
        %add3A_1581 = arith.addi %mul3A_1579, %add3A_1580 : i32
        %broadcast_in_dim3A_1582 = vector.broadcast %add3A_1581 : i32 to vector<16xi32>
        tpu.vector_store_idx %arg14[%add3A_1567, %broadcast_in_dim3A_1582], %gather3A_1577 masked %lt3A_1565 : memref<640x128xf32, #tpu.memory_space<vmem>>[vector<16xi32>, vector<16xi32>], vector<16xf32>, vector<16xi1>
        %broadcast_in_dim3A_1583 = arith.constant 2 : i32
        %broadcast_in_dim3A_1584 = vector.broadcast %broadcast_in_dim3A_1583 : i32 to vector<16xi32>
        %gather3A_1585 = tpu.vector_load_idx %arg22[%broadcast_in_dim3A_1584, %sub3A_1559] masked %lt3A_1565 : memref<8x512xf32, #tpu.memory_space<vmem>>[vector<16xi32>, vector<16xi32>], vector<16xf32>, vector<16xi1>
        %mul3A_1586 = arith.constant 8 : i32
        %mul3A_1587 = arith.muli %select_n3A_1470, %mul3A_1586 : i32
        %add3A_1588 = arith.constant 2 : i32
        %add3A_1589 = arith.addi %mul3A_1587, %add3A_1588 : i32
        %broadcast_in_dim3A_1590 = vector.broadcast %add3A_1589 : i32 to vector<16xi32>
        tpu.vector_store_idx %arg14[%add3A_1567, %broadcast_in_dim3A_1590], %gather3A_1585 masked %lt3A_1565 : memref<640x128xf32, #tpu.memory_space<vmem>>[vector<16xi32>, vector<16xi32>], vector<16xf32>, vector<16xi1>
        %broadcast_in_dim3A_1591 = arith.constant 3 : i32
        %broadcast_in_dim3A_1592 = vector.broadcast %broadcast_in_dim3A_1591 : i32 to vector<16xi32>
        %gather3A_1593 = tpu.vector_load_idx %arg22[%broadcast_in_dim3A_1592, %sub3A_1559] masked %lt3A_1565 : memref<8x512xf32, #tpu.memory_space<vmem>>[vector<16xi32>, vector<16xi32>], vector<16xf32>, vector<16xi1>
        %mul3A_1594 = arith.constant 8 : i32
        %mul3A_1595 = arith.muli %select_n3A_1470, %mul3A_1594 : i32
        %add3A_1596 = arith.constant 3 : i32
        %add3A_1597 = arith.addi %mul3A_1595, %add3A_1596 : i32
        %broadcast_in_dim3A_1598 = vector.broadcast %add3A_1597 : i32 to vector<16xi32>
        tpu.vector_store_idx %arg14[%add3A_1567, %broadcast_in_dim3A_1598], %gather3A_1593 masked %lt3A_1565 : memref<640x128xf32, #tpu.memory_space<vmem>>[vector<16xi32>, vector<16xi32>], vector<16xf32>, vector<16xi1>
        %broadcast_in_dim3A_1599 = arith.constant 4 : i32
        %broadcast_in_dim3A_1600 = vector.broadcast %broadcast_in_dim3A_1599 : i32 to vector<16xi32>
        %gather3A_1601 = tpu.vector_load_idx %arg22[%broadcast_in_dim3A_1600, %sub3A_1559] masked %lt3A_1565 : memref<8x512xf32, #tpu.memory_space<vmem>>[vector<16xi32>, vector<16xi32>], vector<16xf32>, vector<16xi1>
        %mul3A_1602 = arith.constant 8 : i32
        %mul3A_1603 = arith.muli %select_n3A_1470, %mul3A_1602 : i32
        %add3A_1604 = arith.constant 4 : i32
        %add3A_1605 = arith.addi %mul3A_1603, %add3A_1604 : i32
        %broadcast_in_dim3A_1606 = vector.broadcast %add3A_1605 : i32 to vector<16xi32>
        tpu.vector_store_idx %arg14[%add3A_1567, %broadcast_in_dim3A_1606], %gather3A_1601 masked %lt3A_1565 : memref<640x128xf32, #tpu.memory_space<vmem>>[vector<16xi32>, vector<16xi32>], vector<16xf32>, vector<16xi1>
        %broadcast_in_dim3A_1607 = arith.constant 5 : i32
        %broadcast_in_dim3A_1608 = vector.broadcast %broadcast_in_dim3A_1607 : i32 to vector<16xi32>
        %gather3A_1609 = tpu.vector_load_idx %arg22[%broadcast_in_dim3A_1608, %sub3A_1559] masked %lt3A_1565 : memref<8x512xf32, #tpu.memory_space<vmem>>[vector<16xi32>, vector<16xi32>], vector<16xf32>, vector<16xi1>
        %mul3A_1610 = arith.constant 8 : i32
        %mul3A_1611 = arith.muli %select_n3A_1470, %mul3A_1610 : i32
        %add3A_1612 = arith.constant 5 : i32
        %add3A_1613 = arith.addi %mul3A_1611, %add3A_1612 : i32
        %broadcast_in_dim3A_1614 = vector.broadcast %add3A_1613 : i32 to vector<16xi32>
        tpu.vector_store_idx %arg14[%add3A_1567, %broadcast_in_dim3A_1614], %gather3A_1609 masked %lt3A_1565 : memref<640x128xf32, #tpu.memory_space<vmem>>[vector<16xi32>, vector<16xi32>], vector<16xf32>, vector<16xi1>
        %broadcast_in_dim3A_1615 = arith.constant 6 : i32
        %broadcast_in_dim3A_1616 = vector.broadcast %broadcast_in_dim3A_1615 : i32 to vector<16xi32>
        %gather3A_1617 = tpu.vector_load_idx %arg22[%broadcast_in_dim3A_1616, %sub3A_1559] masked %lt3A_1565 : memref<8x512xf32, #tpu.memory_space<vmem>>[vector<16xi32>, vector<16xi32>], vector<16xf32>, vector<16xi1>
        %mul3A_1618 = arith.constant 8 : i32
        %mul3A_1619 = arith.muli %select_n3A_1470, %mul3A_1618 : i32
        %add3A_1620 = arith.constant 6 : i32
        %add3A_1621 = arith.addi %mul3A_1619, %add3A_1620 : i32
        %broadcast_in_dim3A_1622 = vector.broadcast %add3A_1621 : i32 to vector<16xi32>
        tpu.vector_store_idx %arg14[%add3A_1567, %broadcast_in_dim3A_1622], %gather3A_1617 masked %lt3A_1565 : memref<640x128xf32, #tpu.memory_space<vmem>>[vector<16xi32>, vector<16xi32>], vector<16xf32>, vector<16xi1>
        %broadcast_in_dim3A_1623 = arith.constant 7 : i32
        %broadcast_in_dim3A_1624 = vector.broadcast %broadcast_in_dim3A_1623 : i32 to vector<16xi32>
        %gather3A_1625 = tpu.vector_load_idx %arg22[%broadcast_in_dim3A_1624, %sub3A_1559] masked %lt3A_1565 : memref<8x512xf32, #tpu.memory_space<vmem>>[vector<16xi32>, vector<16xi32>], vector<16xf32>, vector<16xi1>
        %mul3A_1626 = arith.constant 8 : i32
        %mul3A_1627 = arith.muli %select_n3A_1470, %mul3A_1626 : i32
        %add3A_1628 = arith.constant 7 : i32
        %add3A_1629 = arith.addi %mul3A_1627, %add3A_1628 : i32
        %broadcast_in_dim3A_1630 = vector.broadcast %add3A_1629 : i32 to vector<16xi32>
        tpu.vector_store_idx %arg14[%add3A_1567, %broadcast_in_dim3A_1630], %gather3A_1625 masked %lt3A_1565 : memref<640x128xf32, #tpu.memory_space<vmem>>[vector<16xi32>, vector<16xi32>], vector<16xf32>, vector<16xi1>
        %while3A_1631 = arith.constant 0 : i32
        scf.yield %while3A_1631 : i32
      }
      %while3A_1539 = arith.constant 1 : i32
      %while3A_1540 = scf.for %while3A_1551 = %while3A_1536 to %while3A_1532 step %while3A_1539 iter_args(%while3A_1552 = %while3A_1538) -> (i32)  : i32 {
        %mul3A_1553 = arith.constant 16 : i32
        %mul3A_1554 = arith.muli %while3A_1551, %mul3A_1553 : i32
        %add3A_1555 = arith.addi %squeeze3A_1493, %mul3A_1554 : i32
        %get3A_1556 = arith.index_cast %add3A_1555 : i32 to index
        %get3A_1557 = tpu.vector_load %arg9[%get3A_1556] {strides = array<i32>} : memref<1040xi32, #tpu.memory_space<vmem>>, vector<16xi32>,
        %sub3A_1558 = vector.broadcast %add3A_1489 : i32 to vector<16xi32>
        %sub3A_1559 = arith.subi %get3A_1557, %sub3A_1558 : vector<16xi32>
        %mul3A_1560 = arith.constant 16 : i32
        %mul3A_1561 = arith.muli %while3A_1551, %mul3A_1560 : i32
        %add3A_1562 = vector.broadcast %mul3A_1561 : i32 to vector<16xi32>
        %add3A_1563 = arith.addi %iota3A, %add3A_1562 : vector<16xi32>
        %lt3A_1564 = vector.broadcast %sub3A_1500 : i32 to vector<16xi32>
        %lt3A_1565 = arith.cmpi slt, %add3A_1563, %lt3A_1564 : vector<16xi32>
        %add3A_1566 = vector.broadcast %add3A_1555 : i32 to vector<16xi32>
        %add3A_1567 = arith.addi %add3A_1566, %iota3A : vector<16xi32>
        %broadcast_in_dim3A_1568 = arith.constant 0 : i32
        %broadcast_in_dim3A_1569 = vector.broadcast %broadcast_in_dim3A_1568 : i32 to vector<16xi32>
        %gather3A = tpu.vector_load_idx %arg22[%broadcast_in_dim3A_1569, %sub3A_1559] masked %lt3A_1565 : memref<8x512xf32, #tpu.memory_space<vmem>>[vector<16xi32>, vector<16xi32>], vector<16xf32>, vector<16xi1>
        %mul3A_1570 = arith.constant 8 : i32
        %mul3A_1571 = arith.muli %select_n3A_1470, %mul3A_1570 : i32
        %add3A_1572 = arith.constant 0 : i32
        %add3A_1573 = arith.addi %mul3A_1571, %add3A_1572 : i32
        %broadcast_in_dim3A_1574 = vector.broadcast %add3A_1573 : i32 to vector<16xi32>
        tpu.vector_store_idx %arg14[%add3A_1567, %broadcast_in_dim3A_1574], %gather3A masked %lt3A_1565 : memref<640x128xf32, #tpu.memory_space<vmem>>[vector<16xi32>, vector<16xi32>], vector<16xf32>, vector<16xi1>
        %broadcast_in_dim3A_1575 = arith.constant 1 : i32
        %broadcast_in_dim3A_1576 = vector.broadcast %broadcast_in_dim3A_1575 : i32 to vector<16xi32>
        %gather3A_1577 = tpu.vector_load_idx %arg22[%broadcast_in_dim3A_1576, %sub3A_1559] masked %lt3A_1565 : memref<8x512xf32, #tpu.memory_space<vmem>>[vector<16xi32>, vector<16xi32>], vector<16xf32>, vector<16xi1>
        %mul3A_1578 = arith.constant 8 : i32
        %mul3A_1579 = arith.muli %select_n3A_1470, %mul3A_1578 : i32
        %add3A_1580 = arith.constant 1 : i32
        %add3A_1581 = arith.addi %mul3A_1579, %add3A_1580 : i32
        %broadcast_in_dim3A_1582 = vector.broadcast %add3A_1581 : i32 to vector<16xi32>
        tpu.vector_store_idx %arg14[%add3A_1567, %broadcast_in_dim3A_1582], %gather3A_1577 masked %lt3A_1565 : memref<640x128xf32, #tpu.memory_space<vmem>>[vector<16xi32>, vector<16xi32>], vector<16xf32>, vector<16xi1>
        %broadcast_in_dim3A_1583 = arith.constant 2 : i32
        %broadcast_in_dim3A_1584 = vector.broadcast %broadcast_in_dim3A_1583 : i32 to vector<16xi32>
        %gather3A_1585 = tpu.vector_load_idx %arg22[%broadcast_in_dim3A_1584, %sub3A_1559] masked %lt3A_1565 : memref<8x512xf32, #tpu.memory_space<vmem>>[vector<16xi32>, vector<16xi32>], vector<16xf32>, vector<16xi1>
        %mul3A_1586 = arith.constant 8 : i32
        %mul3A_1587 = arith.muli %select_n3A_1470, %mul3A_1586 : i32
        %add3A_1588 = arith.constant 2 : i32
        %add3A_1589 = arith.addi %mul3A_1587, %add3A_1588 : i32
        %broadcast_in_dim3A_1590 = vector.broadcast %add3A_1589 : i32 to vector<16xi32>
        tpu.vector_store_idx %arg14[%add3A_1567, %broadcast_in_dim3A_1590], %gather3A_1585 masked %lt3A_1565 : memref<640x128xf32, #tpu.memory_space<vmem>>[vector<16xi32>, vector<16xi32>], vector<16xf32>, vector<16xi1>
        %broadcast_in_dim3A_1591 = arith.constant 3 : i32
        %broadcast_in_dim3A_1592 = vector.broadcast %broadcast_in_dim3A_1591 : i32 to vector<16xi32>
        %gather3A_1593 = tpu.vector_load_idx %arg22[%broadcast_in_dim3A_1592, %sub3A_1559] masked %lt3A_1565 : memref<8x512xf32, #tpu.memory_space<vmem>>[vector<16xi32>, vector<16xi32>], vector<16xf32>, vector<16xi1>
        %mul3A_1594 = arith.constant 8 : i32
        %mul3A_1595 = arith.muli %select_n3A_1470, %mul3A_1594 : i32
        %add3A_1596 = arith.constant 3 : i32
        %add3A_1597 = arith.addi %mul3A_1595, %add3A_1596 : i32
        %broadcast_in_dim3A_1598 = vector.broadcast %add3A_1597 : i32 to vector<16xi32>
        tpu.vector_store_idx %arg14[%add3A_1567, %broadcast_in_dim3A_1598], %gather3A_1593 masked %lt3A_1565 : memref<640x128xf32, #tpu.memory_space<vmem>>[vector<16xi32>, vector<16xi32>], vector<16xf32>, vector<16xi1>
        %broadcast_in_dim3A_1599 = arith.constant 4 : i32
        %broadcast_in_dim3A_1600 = vector.broadcast %broadcast_in_dim3A_1599 : i32 to vector<16xi32>
        %gather3A_1601 = tpu.vector_load_idx %arg22[%broadcast_in_dim3A_1600, %sub3A_1559] masked %lt3A_1565 : memref<8x512xf32, #tpu.memory_space<vmem>>[vector<16xi32>, vector<16xi32>], vector<16xf32>, vector<16xi1>
        %mul3A_1602 = arith.constant 8 : i32
        %mul3A_1603 = arith.muli %select_n3A_1470, %mul3A_1602 : i32
        %add3A_1604 = arith.constant 4 : i32
        %add3A_1605 = arith.addi %mul3A_1603, %add3A_1604 : i32
        %broadcast_in_dim3A_1606 = vector.broadcast %add3A_1605 : i32 to vector<16xi32>
        tpu.vector_store_idx %arg14[%add3A_1567, %broadcast_in_dim3A_1606], %gather3A_1601 masked %lt3A_1565 : memref<640x128xf32, #tpu.memory_space<vmem>>[vector<16xi32>, vector<16xi32>], vector<16xf32>, vector<16xi1>
        %broadcast_in_dim3A_1607 = arith.constant 5 : i32
        %broadcast_in_dim3A_1608 = vector.broadcast %broadcast_in_dim3A_1607 : i32 to vector<16xi32>
        %gather3A_1609 = tpu.vector_load_idx %arg22[%broadcast_in_dim3A_1608, %sub3A_1559] masked %lt3A_1565 : memref<8x512xf32, #tpu.memory_space<vmem>>[vector<16xi32>, vector<16xi32>], vector<16xf32>, vector<16xi1>
        %mul3A_1610 = arith.constant 8 : i32
        %mul3A_1611 = arith.muli %select_n3A_1470, %mul3A_1610 : i32
        %add3A_1612 = arith.constant 5 : i32
        %add3A_1613 = arith.addi %mul3A_1611, %add3A_1612 : i32
        %broadcast_in_dim3A_1614 = vector.broadcast %add3A_1613 : i32 to vector<16xi32>
        tpu.vector_store_idx %arg14[%add3A_1567, %broadcast_in_dim3A_1614], %gather3A_1609 masked %lt3A_1565 : memref<640x128xf32, #tpu.memory_space<vmem>>[vector<16xi32>, vector<16xi32>], vector<16xf32>, vector<16xi1>
        %broadcast_in_dim3A_1615 = arith.constant 6 : i32
        %broadcast_in_dim3A_1616 = vector.broadcast %broadcast_in_dim3A_1615 : i32 to vector<16xi32>
        %gather3A_1617 = tpu.vector_load_idx %arg22[%broadcast_in_dim3A_1616, %sub3A_1559] masked %lt3A_1565 : memref<8x512xf32, #tpu.memory_space<vmem>>[vector<16xi32>, vector<16xi32>], vector<16xf32>, vector<16xi1>
        %mul3A_1618 = arith.constant 8 : i32
        %mul3A_1619 = arith.muli %select_n3A_1470, %mul3A_1618 : i32
        %add3A_1620 = arith.constant 6 : i32
        %add3A_1621 = arith.addi %mul3A_1619, %add3A_1620 : i32
        %broadcast_in_dim3A_1622 = vector.broadcast %add3A_1621 : i32 to vector<16xi32>
        tpu.vector_store_idx %arg14[%add3A_1567, %broadcast_in_dim3A_1622], %gather3A_1617 masked %lt3A_1565 : memref<640x128xf32, #tpu.memory_space<vmem>>[vector<16xi32>, vector<16xi32>], vector<16xf32>, vector<16xi1>
        %broadcast_in_dim3A_1623 = arith.constant 7 : i32
        %broadcast_in_dim3A_1624 = vector.broadcast %broadcast_in_dim3A_1623 : i32 to vector<16xi32>
        %gather3A_1625 = tpu.vector_load_idx %arg22[%broadcast_in_dim3A_1624, %sub3A_1559] masked %lt3A_1565 : memref<8x512xf32, #tpu.memory_space<vmem>>[vector<16xi32>, vector<16xi32>], vector<16xf32>, vector<16xi1>
        %mul3A_1626 = arith.constant 8 : i32
        %mul3A_1627 = arith.muli %select_n3A_1470, %mul3A_1626 : i32
        %add3A_1628 = arith.constant 7 : i32
        %add3A_1629 = arith.addi %mul3A_1627, %add3A_1628 : i32
        %broadcast_in_dim3A_1630 = vector.broadcast %add3A_1629 : i32 to vector<16xi32>
        tpu.vector_store_idx %arg14[%add3A_1567, %broadcast_in_dim3A_1630], %gather3A_1625 masked %lt3A_1565 : memref<640x128xf32, #tpu.memory_space<vmem>>[vector<16xi32>, vector<16xi32>], vector<16xf32>, vector<16xi1>
        %while3A_1631 = arith.constant 0 : i32
        scf.yield %while3A_1631 : i32
      }
      %add3A_1541 = arith.constant 7 : i32
      %add3A_1542 = arith.addi %mul3A_665, %add3A_1541 : i32
      %add3A_1543 = arith.constant 8 : i32
      %add3A_1544 = arith.addi %add3A_1542, %add3A_1543 : i32
      %lt3A_1545 = arith.constant 488 : i32
      %lt3A_1546 = arith.cmpi slt, %add3A_1544, %lt3A_1545 : i32
      %convert_element_type3A_1547 = arith.extui %lt3A_1546 : i1 to i32
      %cond3A_1548 = arith.constant 0 : i32
      %cond3A_1549 = arith.cmpi ne, %convert_element_type3A_1547, %cond3A_1548 : i32
      scf.if %cond3A_1549 {
        %add3A_1551 = arith.constant 7 : i32
        %add3A_1552 = arith.addi %mul3A_665, %add3A_1551 : i32
        %add3A_1553 = arith.constant 8 : i32
        %add3A_1554 = arith.addi %add3A_1552, %add3A_1553 : i32
        %jit3A_1555 = arith.constant 61 : i32
        %div3A_1556 = arith.divsi %add3A_1554, %jit3A_1555 : i32
        %sign3A_1557 = arith.constant 0 : i32
        %sign3A_1558 = arith.cmpi sgt, %add3A_1554, %sign3A_1557 : i32
        %sign3A_1559 = arith.extui %sign3A_1558 : i1 to i32
        %sign3A_1560 = arith.constant 0 : i32
        %sign3A_1561 = arith.cmpi slt, %add3A_1554, %sign3A_1560 : i32
        %sign3A_1562 = arith.extui %sign3A_1561 : i1 to i32
        %sign3A_1563 = arith.subi %sign3A_1559, %sign3A_1562 : i32
        %sign3A_1564 = arith.constant 0 : i32
        %sign3A_1565 = arith.cmpi sgt, %jit3A_1555, %sign3A_1564 : i32
        %sign3A_1566 = arith.extui %sign3A_1565 : i1 to i32
        %sign3A_1567 = arith.constant 0 : i32
        %sign3A_1568 = arith.cmpi slt, %jit3A_1555, %sign3A_1567 : i32
        %sign3A_1569 = arith.extui %sign3A_1568 : i1 to i32
        %sign3A_1570 = arith.subi %sign3A_1566, %sign3A_1569 : i32
        %ne3A_1571 = arith.cmpi ne, %sign3A_1563, %sign3A_1570 : i32
        %rem3A_1572 = arith.remsi %add3A_1554, %jit3A_1555 : i32
        %ne3A_1573 = arith.constant 0 : i32
        %ne3A_1574 = arith.cmpi ne, %rem3A_1572, %ne3A_1573 : i32
        %and3A_1575 = arith.andi %ne3A_1571, %ne3A_1574 : i1
        %sub3A_1576 = arith.constant 1 : i32
        %sub3A_1577 = arith.subi %div3A_1556, %sub3A_1576 : i32
        %select_n3A_1578 = arith.select %and3A_1575, %sub3A_1577, %div3A_1556 : i32
        %jit3A_1579 = arith.constant 61 : i32
        %eq3A_1580 = arith.constant 0 : i32
        %eq3A_1581 = arith.cmpi eq, %jit3A_1579, %eq3A_1580 : i32
        %jit3A_1582 = arith.constant 1 : i32
        %select_n3A_1583 = arith.select %eq3A_1581, %jit3A_1582, %jit3A_1579 : i32
        %rem3A_1584 = arith.remsi %add3A_1554, %select_n3A_1583 : i32
        %ne3A_1585 = arith.constant 0 : i32
        %ne3A_1586 = arith.cmpi ne, %rem3A_1584, %ne3A_1585 : i32
        %lt3A_1587 = arith.constant 0 : i32
        %lt3A_1588 = arith.cmpi slt, %rem3A_1584, %lt3A_1587 : i32
        %lt3A_1589 = arith.constant 0 : i32
        %lt3A_1590 = arith.cmpi slt, %select_n3A_1583, %lt3A_1589 : i32
        %ne3A_1591 = arith.xori %lt3A_1588, %lt3A_1590 : i1
        %and3A_1592 = arith.andi %ne3A_1591, %ne3A_1586 : i1
        %add3A_1593 = arith.addi %rem3A_1584, %select_n3A_1583 : i32
        %select_n3A_1594 = arith.select %and3A_1592, %add3A_1593, %rem3A_1584 : i32
        %mul3A_1595 = arith.constant 8 : i32
        %mul3A_1596 = arith.muli %select_n3A_1578, %mul3A_1595 : i32
        %multiple_of3A_1597 = tpu.assume_multiple %mul3A_1596, 8 : i32
        %mul3A_1598 = arith.constant 512 : i32
        %mul3A_1599 = arith.muli %select_n3A_1594, %mul3A_1598 : i32
        %add3A_1600 = arith.addi %mul3A_2, %mul3A_1599 : i32
        %multiple_of3A_1601 = tpu.assume_multiple %add3A_1600, 128 : i32
        %dma_start3A_1602 = tpu.memref_slice %arg2[%multiple_of3A_1597, %multiple_of3A_1601] : memref<64x1000000xf32, #tpu.memory_space<hbm>> -> memref<8x512xf32, #tpu.memory_space<hbm>>
        %dma_start3A_1603 = tpu.memref_slice %arg2[%multiple_of3A_1597, %multiple_of3A_1601] : memref<64x1000000xf32, #tpu.memory_space<hbm>> -> memref<8x512xf32, #tpu.memory_space<hbm>>
        tpu.enqueue_dma source(%dma_start3A_1603 : memref<8x512xf32, #tpu.memory_space<hbm>>) target(%arg22 : memref<8x512xf32, #tpu.memory_space<vmem>>) target_semaphore(%arg25 : memref<!tpu.dma_semaphore, #tpu.memory_space<semaphore_mem>>)
      } else {
      }
      %scan3A_1550 = arith.constant 0 : i32
      scf.yield %scan3A_1550 : i32
    }
    %scan3A_551 = arith.constant 61 : i32
    %convert_element_type3A = arith.extui %eq3A_8 : i1 to i32
    %cond3A = arith.constant 0 : i32
    %cond3A_552 = arith.cmpi ne, %convert_element_type3A, %cond3A : i32
    scf.if %cond3A_552 {
      %while3A_662 = arith.constant 0 : i32
      %while3A_663 = arith.constant 0 : i32
      %while3A_664 = arith.subi %scan3A_468#1, %while3A_662 : i32
      %while3A_665 = arith.addi %while3A_662, %while3A_664 : i32
      %while3A_666 = arith.constant 1 : i32
      %while3A_667 = arith.divsi %while3A_664, %while3A_666 : i32
      %while3A_668 = arith.muli %while3A_667, %while3A_666 : i32
      %while3A_669 = arith.addi %while3A_662, %while3A_668 : i32
      %while3A_670 = arith.constant 1 : i32
      %while3A_671 = scf.for %while3A_674 = %while3A_662 to %while3A_669 step %while3A_670 iter_args(%while3A_675 = %while3A_663) -> (i32)  : i32 {
        %get3A = arith.index_cast %while3A_674 : i32 to index
        %get3A_676 = tpu.vector_load %arg12[%get3A] {strides = array<i32>} : memref<80xi32, #tpu.memory_space<vmem>>, vector<16xi32>,
        %slice3A = vector.extract_strided_slice %get3A_676 {offsets = [0], sizes = [1], strides = [1]} : vector<16xi32> to vector<1xi32>
        %squeeze3A = vector.extract %slice3A[0] : i32 from vector<1xi32>
        %sub3A_677 = arith.constant 999424 : i32
        %sub3A_678 = arith.subi %squeeze3A, %sub3A_677 : i32
        %get3A_679 = arith.index_cast %while3A_674 : i32 to index
        %get3A_680 = tpu.vector_load %arg13[%get3A_679] {strides = array<i32>} : memref<80xi32, #tpu.memory_space<vmem>>, vector<16xi32>,
        %slice3A_681 = vector.extract_strided_slice %get3A_680 {offsets = [0], sizes = [1], strides = [1]} : vector<16xi32> to vector<1xi32>
        %squeeze3A_682 = vector.extract %slice3A_681[0] : i32 from vector<1xi32>
        %jit3A_683 = arith.constant 8 : i32
        %div3A_684 = arith.divsi %sub3A_678, %jit3A_683 : i32
        %sign3A_685 = arith.constant 0 : i32
        %sign3A_686 = arith.cmpi sgt, %sub3A_678, %sign3A_685 : i32
        %sign3A_687 = arith.extui %sign3A_686 : i1 to i32
        %sign3A_688 = arith.constant 0 : i32
        %sign3A_689 = arith.cmpi slt, %sub3A_678, %sign3A_688 : i32
        %sign3A_690 = arith.extui %sign3A_689 : i1 to i32
        %sign3A_691 = arith.subi %sign3A_687, %sign3A_690 : i32
        %sign3A_692 = arith.constant 0 : i32
        %sign3A_693 = arith.cmpi sgt, %jit3A_683, %sign3A_692 : i32
        %sign3A_694 = arith.extui %sign3A_693 : i1 to i32
        %sign3A_695 = arith.constant 0 : i32
        %sign3A_696 = arith.cmpi slt, %jit3A_683, %sign3A_695 : i32
        %sign3A_697 = arith.extui %sign3A_696 : i1 to i32
        %sign3A_698 = arith.subi %sign3A_694, %sign3A_697 : i32
        %ne3A_699 = arith.cmpi ne, %sign3A_691, %sign3A_698 : i32
        %rem3A_700 = arith.remsi %sub3A_678, %jit3A_683 : i32
        %ne3A_701 = arith.constant 0 : i32
        %ne3A_702 = arith.cmpi ne, %rem3A_700, %ne3A_701 : i32
        %and3A_703 = arith.andi %ne3A_699, %ne3A_702 : i1
        %sub3A_704 = arith.constant 1 : i32
        %sub3A_705 = arith.subi %div3A_684, %sub3A_704 : i32
        %select_n3A_706 = arith.select %and3A_703, %sub3A_705, %div3A_684 : i32
        %mul3A_707 = arith.constant 8 : i32
        %mul3A_708 = arith.muli %select_n3A_706, %mul3A_707 : i32
        %multiple_of3A_709 = tpu.assume_multiple %mul3A_708, 8 : i32
        "tpu.region"() ({
          %run_scoped3A = tpu.sem_alloc : memref<!tpu.dma_semaphore, #tpu.memory_space<semaphore_mem>>
          %dma_start3A_825 = arith.constant 0 : i32
          %dma_start3A_826 = tpu.memref_slice %arg3[%multiple_of3A_709, %dma_start3A_825] : memref<576x128xf32, #tpu.memory_space<hbm>> -> memref<8x128xf32, #tpu.memory_space<hbm>>
          %dma_start3A_827 = arith.constant 0 : i32
          %dma_start3A_828 = tpu.memref_slice %arg3[%multiple_of3A_709, %dma_start3A_827] : memref<576x128xf32, #tpu.memory_space<hbm>> -> memref<8x128xf32, #tpu.memory_space<hbm>>
          tpu.enqueue_dma source(%dma_start3A_828 : memref<8x128xf32, #tpu.memory_space<hbm>>) target(%arg23 : memref<8x128xf32, #tpu.memory_space<vmem>>) target_semaphore(%run_scoped3A : memref<!tpu.dma_semaphore, #tpu.memory_space<semaphore_mem>>)
          %dma_wait3A_829 = arith.constant 0 : i32
          %dma_wait3A_830 = tpu.memref_slice %arg3[%multiple_of3A_709, %dma_wait3A_829] : memref<576x128xf32, #tpu.memory_space<hbm>> -> memref<8x128xf32, #tpu.memory_space<hbm>>
          %dma_wait3A_831 = arith.constant 0 : i32
          %dma_wait3A_832 = tpu.memref_slice %arg3[%multiple_of3A_709, %dma_wait3A_831] : memref<576x128xf32, #tpu.memory_space<hbm>> -> memref<8x128xf32, #tpu.memory_space<hbm>>
          tpu.wait_dma2 semaphore(%run_scoped3A : memref<!tpu.dma_semaphore, #tpu.memory_space<semaphore_mem>>) src(%dma_wait3A_832 : memref<8x128xf32, #tpu.memory_space<hbm>>) dst(%arg23 : memref<8x128xf32, #tpu.memory_space<vmem>>)
          tpu.yield
        }) : () -> ()
        %sub3A_710 = arith.subi %sub3A_678, %multiple_of3A_709 : i32
        %add3A_711 = arith.addi %scan3A_495, %while3A_674 : i32
        %broadcast_in_dim3A_712 = arith.constant 0 : i32
        %broadcast_in_dim3A_713 = vector.broadcast %broadcast_in_dim3A_712 : i32 to vector<16xi32>
        %jit3A_714 = arith.constant 128 : i32
        %div3A_715 = arith.divsi %add3A_711, %jit3A_714 : i32
        %sign3A_716 = arith.constant 0 : i32
        %sign3A_717 = arith.cmpi sgt, %add3A_711, %sign3A_716 : i32
        %sign3A_718 = arith.extui %sign3A_717 : i1 to i32
        %sign3A_719 = arith.constant 0 : i32
        %sign3A_720 = arith.cmpi slt, %add3A_711, %sign3A_719 : i32
        %sign3A_721 = arith.extui %sign3A_720 : i1 to i32
        %sign3A_722 = arith.subi %sign3A_718, %sign3A_721 : i32
        %sign3A_723 = arith.constant 0 : i32
        %sign3A_724 = arith.cmpi sgt, %jit3A_714, %sign3A_723 : i32
        %sign3A_725 = arith.extui %sign3A_724 : i1 to i32
        %sign3A_726 = arith.constant 0 : i32
        %sign3A_727 = arith.cmpi slt, %jit3A_714, %sign3A_726 : i32
        %sign3A_728 = arith.extui %sign3A_727 : i1 to i32
        %sign3A_729 = arith.subi %sign3A_725, %sign3A_728 : i32
        %ne3A_730 = arith.cmpi ne, %sign3A_722, %sign3A_729 : i32
        %rem3A_731 = arith.remsi %add3A_711, %jit3A_714 : i32
        %ne3A_732 = arith.constant 0 : i32
        %ne3A_733 = arith.cmpi ne, %rem3A_731, %ne3A_732 : i32
        %and3A_734 = arith.andi %ne3A_730, %ne3A_733 : i1
        %sub3A_735 = arith.constant 1 : i32
        %sub3A_736 = arith.subi %div3A_715, %sub3A_735 : i32
        %select_n3A_737 = arith.select %and3A_734, %sub3A_736, %div3A_715 : i32
        %add3A_738 = vector.broadcast %select_n3A_737 : i32 to vector<16xi32>
        %add3A_739 = arith.addi %broadcast_in_dim3A_713, %add3A_738 : vector<16xi32>
        %broadcast_in_dim3A_740 = arith.constant 0 : i32
        %broadcast_in_dim3A_741 = vector.broadcast %broadcast_in_dim3A_740 : i32 to vector<16xi32>
        %broadcast_in_dim3A_742 = arith.constant 0 : i32
        %broadcast_in_dim3A_743 = vector.broadcast %broadcast_in_dim3A_742 : i32 to vector<16xi32>
        %jit3A_744 = arith.constant 128 : i32
        %eq3A_745 = arith.constant 0 : i32
        %eq3A_746 = arith.cmpi eq, %jit3A_744, %eq3A_745 : i32
        %jit3A_747 = arith.constant 1 : i32
        %select_n3A_748 = arith.select %eq3A_746, %jit3A_747, %jit3A_744 : i32
        %rem3A_749 = arith.remsi %add3A_711, %select_n3A_748 : i32
        %ne3A_750 = arith.constant 0 : i32
        %ne3A_751 = arith.cmpi ne, %rem3A_749, %ne3A_750 : i32
        %lt3A = arith.constant 0 : i32
        %lt3A_752 = arith.cmpi slt, %rem3A_749, %lt3A : i32
        %lt3A_753 = arith.constant 0 : i32
        %lt3A_754 = arith.cmpi slt, %select_n3A_748, %lt3A_753 : i32
        %ne3A_755 = arith.xori %lt3A_752, %lt3A_754 : i1
        %and3A_756 = arith.andi %ne3A_755, %ne3A_751 : i1
        %add3A_757 = arith.addi %rem3A_749, %select_n3A_748 : i32
        %select_n3A_758 = arith.select %and3A_756, %add3A_757, %rem3A_749 : i32
        %add3A_759 = vector.broadcast %select_n3A_758 : i32 to vector<16xi32>
        %add3A_760 = arith.addi %broadcast_in_dim3A_743, %add3A_759 : vector<16xi32>
        %broadcast_in_dim3A_761 = arith.constant 0 : i32
        %broadcast_in_dim3A_762 = vector.broadcast %broadcast_in_dim3A_761 : i32 to vector<16xi32>
        %add3A_763 = vector.broadcast %squeeze3A_682 : i32 to vector<16xi32>
        %add3A_764 = arith.addi %broadcast_in_dim3A_762, %add3A_763 : vector<16xi32>
        tpu.vector_store_idx %arg24[%add3A_739, %broadcast_in_dim3A_741, %add3A_760], %add3A_764 masked %eq3A_6 : memref<5x1x128xi32, #tpu.memory_space<vmem>>[vector<16xi32>, vector<16xi32>, vector<16xi32>], vector<16xi32>, vector<16xi1>
        %broadcast_in_dim3A_765 = arith.constant 0 : i32
        %broadcast_in_dim3A_766 = vector.broadcast %broadcast_in_dim3A_765 : i32 to vector<16xi32>
        %add3A_767 = vector.broadcast %sub3A_710 : i32 to vector<16xi32>
        %add3A_768 = arith.addi %broadcast_in_dim3A_766, %add3A_767 : vector<16xi32>
        %add3A_769 = arith.constant 0 : i32
        %add3A_770 = vector.broadcast %add3A_769 : i32 to vector<16xi32>
        %add3A_771 = arith.addi %iota3A, %add3A_770 : vector<16xi32>
        %gather3A = tpu.vector_load_idx %arg23[%add3A_768, %add3A_771] : memref<8x128xf32, #tpu.memory_space<vmem>>[vector<16xi32>, vector<16xi32>], vector<16xf32>,
        %broadcast_in_dim3A_772 = arith.constant 0 : i32
        %broadcast_in_dim3A_773 = vector.broadcast %broadcast_in_dim3A_772 : i32 to vector<16xi32>
        %add3A_774 = vector.broadcast %add3A_711 : i32 to vector<16xi32>
        %add3A_775 = arith.addi %broadcast_in_dim3A_773, %add3A_774 : vector<16xi32>
        %add3A_776 = arith.constant 0 : i32
        %add3A_777 = vector.broadcast %add3A_776 : i32 to vector<16xi32>
        %add3A_778 = arith.addi %iota3A, %add3A_777 : vector<16xi32>
        tpu.vector_store_idx %arg14[%add3A_775, %add3A_778], %gather3A : memref<640x128xf32, #tpu.memory_space<vmem>>[vector<16xi32>, vector<16xi32>], vector<16xf32>,
        %broadcast_in_dim3A_779 = arith.constant 0 : i32
        %broadcast_in_dim3A_780 = vector.broadcast %broadcast_in_dim3A_779 : i32 to vector<16xi32>
        %add3A_781 = vector.broadcast %sub3A_710 : i32 to vector<16xi32>
        %add3A_782 = arith.addi %broadcast_in_dim3A_780, %add3A_781 : vector<16xi32>
        %add3A_783 = arith.constant 16 : i32
        %add3A_784 = vector.broadcast %add3A_783 : i32 to vector<16xi32>
        %add3A_785 = arith.addi %iota3A, %add3A_784 : vector<16xi32>
        %gather3A_786 = tpu.vector_load_idx %arg23[%add3A_782, %add3A_785] : memref<8x128xf32, #tpu.memory_space<vmem>>[vector<16xi32>, vector<16xi32>], vector<16xf32>,
        %broadcast_in_dim3A_787 = arith.constant 0 : i32
        %broadcast_in_dim3A_788 = vector.broadcast %broadcast_in_dim3A_787 : i32 to vector<16xi32>
        %add3A_789 = vector.broadcast %add3A_711 : i32 to vector<16xi32>
        %add3A_790 = arith.addi %broadcast_in_dim3A_788, %add3A_789 : vector<16xi32>
        %add3A_791 = arith.constant 16 : i32
        %add3A_792 = vector.broadcast %add3A_791 : i32 to vector<16xi32>
        %add3A_793 = arith.addi %iota3A, %add3A_792 : vector<16xi32>
        tpu.vector_store_idx %arg14[%add3A_790, %add3A_793], %gather3A_786 : memref<640x128xf32, #tpu.memory_space<vmem>>[vector<16xi32>, vector<16xi32>], vector<16xf32>,
        %broadcast_in_dim3A_794 = arith.constant 0 : i32
        %broadcast_in_dim3A_795 = vector.broadcast %broadcast_in_dim3A_794 : i32 to vector<16xi32>
        %add3A_796 = vector.broadcast %sub3A_710 : i32 to vector<16xi32>
        %add3A_797 = arith.addi %broadcast_in_dim3A_795, %add3A_796 : vector<16xi32>
        %add3A_798 = arith.constant 32 : i32
        %add3A_799 = vector.broadcast %add3A_798 : i32 to vector<16xi32>
        %add3A_800 = arith.addi %iota3A, %add3A_799 : vector<16xi32>
        %gather3A_801 = tpu.vector_load_idx %arg23[%add3A_797, %add3A_800] : memref<8x128xf32, #tpu.memory_space<vmem>>[vector<16xi32>, vector<16xi32>], vector<16xf32>,
        %broadcast_in_dim3A_802 = arith.constant 0 : i32
        %broadcast_in_dim3A_803 = vector.broadcast %broadcast_in_dim3A_802 : i32 to vector<16xi32>
        %add3A_804 = vector.broadcast %add3A_711 : i32 to vector<16xi32>
        %add3A_805 = arith.addi %broadcast_in_dim3A_803, %add3A_804 : vector<16xi32>
        %add3A_806 = arith.constant 32 : i32
        %add3A_807 = vector.broadcast %add3A_806 : i32 to vector<16xi32>
        %add3A_808 = arith.addi %iota3A, %add3A_807 : vector<16xi32>
        tpu.vector_store_idx %arg14[%add3A_805, %add3A_808], %gather3A_801 : memref<640x128xf32, #tpu.memory_space<vmem>>[vector<16xi32>, vector<16xi32>], vector<16xf32>,
        %broadcast_in_dim3A_809 = arith.constant 0 : i32
        %broadcast_in_dim3A_810 = vector.broadcast %broadcast_in_dim3A_809 : i32 to vector<16xi32>
        %add3A_811 = vector.broadcast %sub3A_710 : i32 to vector<16xi32>
        %add3A_812 = arith.addi %broadcast_in_dim3A_810, %add3A_811 : vector<16xi32>
        %add3A_813 = arith.constant 48 : i32
        %add3A_814 = vector.broadcast %add3A_813 : i32 to vector<16xi32>
        %add3A_815 = arith.addi %iota3A, %add3A_814 : vector<16xi32>
        %gather3A_816 = tpu.vector_load_idx %arg23[%add3A_812, %add3A_815] : memref<8x128xf32, #tpu.memory_space<vmem>>[vector<16xi32>, vector<16xi32>], vector<16xf32>,
        %broadcast_in_dim3A_817 = arith.constant 0 : i32
        %broadcast_in_dim3A_818 = vector.broadcast %broadcast_in_dim3A_817 : i32 to vector<16xi32>
        %add3A_819 = vector.broadcast %add3A_711 : i32 to vector<16xi32>
        %add3A_820 = arith.addi %broadcast_in_dim3A_818, %add3A_819 : vector<16xi32>
        %add3A_821 = arith.constant 48 : i32
        %add3A_822 = vector.broadcast %add3A_821 : i32 to vector<16xi32>
        %add3A_823 = arith.addi %iota3A, %add3A_822 : vector<16xi32>
        tpu.vector_store_idx %arg14[%add3A_820, %add3A_823], %gather3A_816 : memref<640x128xf32, #tpu.memory_space<vmem>>[vector<16xi32>, vector<16xi32>], vector<16xf32>,
        %while3A_824 = arith.constant 0 : i32
        scf.yield %while3A_824 : i32
      }
      %while3A_672 = arith.constant 1 : i32
      %while3A_673 = scf.for %while3A_674 = %while3A_669 to %while3A_665 step %while3A_672 iter_args(%while3A_675 = %while3A_671) -> (i32)  : i32 {
        %get3A = arith.index_cast %while3A_674 : i32 to index
        %get3A_676 = tpu.vector_load %arg12[%get3A] {strides = array<i32>} : memref<80xi32, #tpu.memory_space<vmem>>, vector<16xi32>,
        %slice3A = vector.extract_strided_slice %get3A_676 {offsets = [0], sizes = [1], strides = [1]} : vector<16xi32> to vector<1xi32>
        %squeeze3A = vector.extract %slice3A[0] : i32 from vector<1xi32>
        %sub3A_677 = arith.constant 999424 : i32
        %sub3A_678 = arith.subi %squeeze3A, %sub3A_677 : i32
        %get3A_679 = arith.index_cast %while3A_674 : i32 to index
        %get3A_680 = tpu.vector_load %arg13[%get3A_679] {strides = array<i32>} : memref<80xi32, #tpu.memory_space<vmem>>, vector<16xi32>,
        %slice3A_681 = vector.extract_strided_slice %get3A_680 {offsets = [0], sizes = [1], strides = [1]} : vector<16xi32> to vector<1xi32>
        %squeeze3A_682 = vector.extract %slice3A_681[0] : i32 from vector<1xi32>
        %jit3A_683 = arith.constant 8 : i32
        %div3A_684 = arith.divsi %sub3A_678, %jit3A_683 : i32
        %sign3A_685 = arith.constant 0 : i32
        %sign3A_686 = arith.cmpi sgt, %sub3A_678, %sign3A_685 : i32
        %sign3A_687 = arith.extui %sign3A_686 : i1 to i32
        %sign3A_688 = arith.constant 0 : i32
        %sign3A_689 = arith.cmpi slt, %sub3A_678, %sign3A_688 : i32
        %sign3A_690 = arith.extui %sign3A_689 : i1 to i32
        %sign3A_691 = arith.subi %sign3A_687, %sign3A_690 : i32
        %sign3A_692 = arith.constant 0 : i32
        %sign3A_693 = arith.cmpi sgt, %jit3A_683, %sign3A_692 : i32
        %sign3A_694 = arith.extui %sign3A_693 : i1 to i32
        %sign3A_695 = arith.constant 0 : i32
        %sign3A_696 = arith.cmpi slt, %jit3A_683, %sign3A_695 : i32
        %sign3A_697 = arith.extui %sign3A_696 : i1 to i32
        %sign3A_698 = arith.subi %sign3A_694, %sign3A_697 : i32
        %ne3A_699 = arith.cmpi ne, %sign3A_691, %sign3A_698 : i32
        %rem3A_700 = arith.remsi %sub3A_678, %jit3A_683 : i32
        %ne3A_701 = arith.constant 0 : i32
        %ne3A_702 = arith.cmpi ne, %rem3A_700, %ne3A_701 : i32
        %and3A_703 = arith.andi %ne3A_699, %ne3A_702 : i1
        %sub3A_704 = arith.constant 1 : i32
        %sub3A_705 = arith.subi %div3A_684, %sub3A_704 : i32
        %select_n3A_706 = arith.select %and3A_703, %sub3A_705, %div3A_684 : i32
        %mul3A_707 = arith.constant 8 : i32
        %mul3A_708 = arith.muli %select_n3A_706, %mul3A_707 : i32
        %multiple_of3A_709 = tpu.assume_multiple %mul3A_708, 8 : i32
        "tpu.region"() ({
          %run_scoped3A = tpu.sem_alloc : memref<!tpu.dma_semaphore, #tpu.memory_space<semaphore_mem>>
          %dma_start3A_825 = arith.constant 0 : i32
          %dma_start3A_826 = tpu.memref_slice %arg3[%multiple_of3A_709, %dma_start3A_825] : memref<576x128xf32, #tpu.memory_space<hbm>> -> memref<8x128xf32, #tpu.memory_space<hbm>>
          %dma_start3A_827 = arith.constant 0 : i32
          %dma_start3A_828 = tpu.memref_slice %arg3[%multiple_of3A_709, %dma_start3A_827] : memref<576x128xf32, #tpu.memory_space<hbm>> -> memref<8x128xf32, #tpu.memory_space<hbm>>
          tpu.enqueue_dma source(%dma_start3A_828 : memref<8x128xf32, #tpu.memory_space<hbm>>) target(%arg23 : memref<8x128xf32, #tpu.memory_space<vmem>>) target_semaphore(%run_scoped3A : memref<!tpu.dma_semaphore, #tpu.memory_space<semaphore_mem>>)
          %dma_wait3A_829 = arith.constant 0 : i32
          %dma_wait3A_830 = tpu.memref_slice %arg3[%multiple_of3A_709, %dma_wait3A_829] : memref<576x128xf32, #tpu.memory_space<hbm>> -> memref<8x128xf32, #tpu.memory_space<hbm>>
          %dma_wait3A_831 = arith.constant 0 : i32
          %dma_wait3A_832 = tpu.memref_slice %arg3[%multiple_of3A_709, %dma_wait3A_831] : memref<576x128xf32, #tpu.memory_space<hbm>> -> memref<8x128xf32, #tpu.memory_space<hbm>>
          tpu.wait_dma2 semaphore(%run_scoped3A : memref<!tpu.dma_semaphore, #tpu.memory_space<semaphore_mem>>) src(%dma_wait3A_832 : memref<8x128xf32, #tpu.memory_space<hbm>>) dst(%arg23 : memref<8x128xf32, #tpu.memory_space<vmem>>)
          tpu.yield
        }) : () -> ()
        %sub3A_710 = arith.subi %sub3A_678, %multiple_of3A_709 : i32
        %add3A_711 = arith.addi %scan3A_495, %while3A_674 : i32
        %broadcast_in_dim3A_712 = arith.constant 0 : i32
        %broadcast_in_dim3A_713 = vector.broadcast %broadcast_in_dim3A_712 : i32 to vector<16xi32>
        %jit3A_714 = arith.constant 128 : i32
        %div3A_715 = arith.divsi %add3A_711, %jit3A_714 : i32
        %sign3A_716 = arith.constant 0 : i32
        %sign3A_717 = arith.cmpi sgt, %add3A_711, %sign3A_716 : i32
        %sign3A_718 = arith.extui %sign3A_717 : i1 to i32
        %sign3A_719 = arith.constant 0 : i32
        %sign3A_720 = arith.cmpi slt, %add3A_711, %sign3A_719 : i32
        %sign3A_721 = arith.extui %sign3A_720 : i1 to i32
        %sign3A_722 = arith.subi %sign3A_718, %sign3A_721 : i32
        %sign3A_723 = arith.constant 0 : i32
        %sign3A_724 = arith.cmpi sgt, %jit3A_714, %sign3A_723 : i32
        %sign3A_725 = arith.extui %sign3A_724 : i1 to i32
        %sign3A_726 = arith.constant 0 : i32
        %sign3A_727 = arith.cmpi slt, %jit3A_714, %sign3A_726 : i32
        %sign3A_728 = arith.extui %sign3A_727 : i1 to i32
        %sign3A_729 = arith.subi %sign3A_725, %sign3A_728 : i32
        %ne3A_730 = arith.cmpi ne, %sign3A_722, %sign3A_729 : i32
        %rem3A_731 = arith.remsi %add3A_711, %jit3A_714 : i32
        %ne3A_732 = arith.constant 0 : i32
        %ne3A_733 = arith.cmpi ne, %rem3A_731, %ne3A_732 : i32
        %and3A_734 = arith.andi %ne3A_730, %ne3A_733 : i1
        %sub3A_735 = arith.constant 1 : i32
        %sub3A_736 = arith.subi %div3A_715, %sub3A_735 : i32
        %select_n3A_737 = arith.select %and3A_734, %sub3A_736, %div3A_715 : i32
        %add3A_738 = vector.broadcast %select_n3A_737 : i32 to vector<16xi32>
        %add3A_739 = arith.addi %broadcast_in_dim3A_713, %add3A_738 : vector<16xi32>
        %broadcast_in_dim3A_740 = arith.constant 0 : i32
        %broadcast_in_dim3A_741 = vector.broadcast %broadcast_in_dim3A_740 : i32 to vector<16xi32>
        %broadcast_in_dim3A_742 = arith.constant 0 : i32
        %broadcast_in_dim3A_743 = vector.broadcast %broadcast_in_dim3A_742 : i32 to vector<16xi32>
        %jit3A_744 = arith.constant 128 : i32
        %eq3A_745 = arith.constant 0 : i32
        %eq3A_746 = arith.cmpi eq, %jit3A_744, %eq3A_745 : i32
        %jit3A_747 = arith.constant 1 : i32
        %select_n3A_748 = arith.select %eq3A_746, %jit3A_747, %jit3A_744 : i32
        %rem3A_749 = arith.remsi %add3A_711, %select_n3A_748 : i32
        %ne3A_750 = arith.constant 0 : i32
        %ne3A_751 = arith.cmpi ne, %rem3A_749, %ne3A_750 : i32
        %lt3A = arith.constant 0 : i32
        %lt3A_752 = arith.cmpi slt, %rem3A_749, %lt3A : i32
        %lt3A_753 = arith.constant 0 : i32
        %lt3A_754 = arith.cmpi slt, %select_n3A_748, %lt3A_753 : i32
        %ne3A_755 = arith.xori %lt3A_752, %lt3A_754 : i1
        %and3A_756 = arith.andi %ne3A_755, %ne3A_751 : i1
        %add3A_757 = arith.addi %rem3A_749, %select_n3A_748 : i32
        %select_n3A_758 = arith.select %and3A_756, %add3A_757, %rem3A_749 : i32
        %add3A_759 = vector.broadcast %select_n3A_758 : i32 to vector<16xi32>
        %add3A_760 = arith.addi %broadcast_in_dim3A_743, %add3A_759 : vector<16xi32>
        %broadcast_in_dim3A_761 = arith.constant 0 : i32
        %broadcast_in_dim3A_762 = vector.broadcast %broadcast_in_dim3A_761 : i32 to vector<16xi32>
        %add3A_763 = vector.broadcast %squeeze3A_682 : i32 to vector<16xi32>
        %add3A_764 = arith.addi %broadcast_in_dim3A_762, %add3A_763 : vector<16xi32>
        tpu.vector_store_idx %arg24[%add3A_739, %broadcast_in_dim3A_741, %add3A_760], %add3A_764 masked %eq3A_6 : memref<5x1x128xi32, #tpu.memory_space<vmem>>[vector<16xi32>, vector<16xi32>, vector<16xi32>], vector<16xi32>, vector<16xi1>
        %broadcast_in_dim3A_765 = arith.constant 0 : i32
        %broadcast_in_dim3A_766 = vector.broadcast %broadcast_in_dim3A_765 : i32 to vector<16xi32>
        %add3A_767 = vector.broadcast %sub3A_710 : i32 to vector<16xi32>
        %add3A_768 = arith.addi %broadcast_in_dim3A_766, %add3A_767 : vector<16xi32>
        %add3A_769 = arith.constant 0 : i32
        %add3A_770 = vector.broadcast %add3A_769 : i32 to vector<16xi32>
        %add3A_771 = arith.addi %iota3A, %add3A_770 : vector<16xi32>
        %gather3A = tpu.vector_load_idx %arg23[%add3A_768, %add3A_771] : memref<8x128xf32, #tpu.memory_space<vmem>>[vector<16xi32>, vector<16xi32>], vector<16xf32>,
        %broadcast_in_dim3A_772 = arith.constant 0 : i32
        %broadcast_in_dim3A_773 = vector.broadcast %broadcast_in_dim3A_772 : i32 to vector<16xi32>
        %add3A_774 = vector.broadcast %add3A_711 : i32 to vector<16xi32>
        %add3A_775 = arith.addi %broadcast_in_dim3A_773, %add3A_774 : vector<16xi32>
        %add3A_776 = arith.constant 0 : i32
        %add3A_777 = vector.broadcast %add3A_776 : i32 to vector<16xi32>
        %add3A_778 = arith.addi %iota3A, %add3A_777 : vector<16xi32>
        tpu.vector_store_idx %arg14[%add3A_775, %add3A_778], %gather3A : memref<640x128xf32, #tpu.memory_space<vmem>>[vector<16xi32>, vector<16xi32>], vector<16xf32>,
        %broadcast_in_dim3A_779 = arith.constant 0 : i32
        %broadcast_in_dim3A_780 = vector.broadcast %broadcast_in_dim3A_779 : i32 to vector<16xi32>
        %add3A_781 = vector.broadcast %sub3A_710 : i32 to vector<16xi32>
        %add3A_782 = arith.addi %broadcast_in_dim3A_780, %add3A_781 : vector<16xi32>
        %add3A_783 = arith.constant 16 : i32
        %add3A_784 = vector.broadcast %add3A_783 : i32 to vector<16xi32>
        %add3A_785 = arith.addi %iota3A, %add3A_784 : vector<16xi32>
        %gather3A_786 = tpu.vector_load_idx %arg23[%add3A_782, %add3A_785] : memref<8x128xf32, #tpu.memory_space<vmem>>[vector<16xi32>, vector<16xi32>], vector<16xf32>,
        %broadcast_in_dim3A_787 = arith.constant 0 : i32
        %broadcast_in_dim3A_788 = vector.broadcast %broadcast_in_dim3A_787 : i32 to vector<16xi32>
        %add3A_789 = vector.broadcast %add3A_711 : i32 to vector<16xi32>
        %add3A_790 = arith.addi %broadcast_in_dim3A_788, %add3A_789 : vector<16xi32>
        %add3A_791 = arith.constant 16 : i32
        %add3A_792 = vector.broadcast %add3A_791 : i32 to vector<16xi32>
        %add3A_793 = arith.addi %iota3A, %add3A_792 : vector<16xi32>
        tpu.vector_store_idx %arg14[%add3A_790, %add3A_793], %gather3A_786 : memref<640x128xf32, #tpu.memory_space<vmem>>[vector<16xi32>, vector<16xi32>], vector<16xf32>,
        %broadcast_in_dim3A_794 = arith.constant 0 : i32
        %broadcast_in_dim3A_795 = vector.broadcast %broadcast_in_dim3A_794 : i32 to vector<16xi32>
        %add3A_796 = vector.broadcast %sub3A_710 : i32 to vector<16xi32>
        %add3A_797 = arith.addi %broadcast_in_dim3A_795, %add3A_796 : vector<16xi32>
        %add3A_798 = arith.constant 32 : i32
        %add3A_799 = vector.broadcast %add3A_798 : i32 to vector<16xi32>
        %add3A_800 = arith.addi %iota3A, %add3A_799 : vector<16xi32>
        %gather3A_801 = tpu.vector_load_idx %arg23[%add3A_797, %add3A_800] : memref<8x128xf32, #tpu.memory_space<vmem>>[vector<16xi32>, vector<16xi32>], vector<16xf32>,
        %broadcast_in_dim3A_802 = arith.constant 0 : i32
        %broadcast_in_dim3A_803 = vector.broadcast %broadcast_in_dim3A_802 : i32 to vector<16xi32>
        %add3A_804 = vector.broadcast %add3A_711 : i32 to vector<16xi32>
        %add3A_805 = arith.addi %broadcast_in_dim3A_803, %add3A_804 : vector<16xi32>
        %add3A_806 = arith.constant 32 : i32
        %add3A_807 = vector.broadcast %add3A_806 : i32 to vector<16xi32>
        %add3A_808 = arith.addi %iota3A, %add3A_807 : vector<16xi32>
        tpu.vector_store_idx %arg14[%add3A_805, %add3A_808], %gather3A_801 : memref<640x128xf32, #tpu.memory_space<vmem>>[vector<16xi32>, vector<16xi32>], vector<16xf32>,
        %broadcast_in_dim3A_809 = arith.constant 0 : i32
        %broadcast_in_dim3A_810 = vector.broadcast %broadcast_in_dim3A_809 : i32 to vector<16xi32>
        %add3A_811 = vector.broadcast %sub3A_710 : i32 to vector<16xi32>
        %add3A_812 = arith.addi %broadcast_in_dim3A_810, %add3A_811 : vector<16xi32>
        %add3A_813 = arith.constant 48 : i32
        %add3A_814 = vector.broadcast %add3A_813 : i32 to vector<16xi32>
        %add3A_815 = arith.addi %iota3A, %add3A_814 : vector<16xi32>
        %gather3A_816 = tpu.vector_load_idx %arg23[%add3A_812, %add3A_815] : memref<8x128xf32, #tpu.memory_space<vmem>>[vector<16xi32>, vector<16xi32>], vector<16xf32>,
        %broadcast_in_dim3A_817 = arith.constant 0 : i32
        %broadcast_in_dim3A_818 = vector.broadcast %broadcast_in_dim3A_817 : i32 to vector<16xi32>
        %add3A_819 = vector.broadcast %add3A_711 : i32 to vector<16xi32>
        %add3A_820 = arith.addi %broadcast_in_dim3A_818, %add3A_819 : vector<16xi32>
        %add3A_821 = arith.constant 48 : i32
        %add3A_822 = vector.broadcast %add3A_821 : i32 to vector<16xi32>
        %add3A_823 = arith.addi %iota3A, %add3A_822 : vector<16xi32>
        tpu.vector_store_idx %arg14[%add3A_820, %add3A_823], %gather3A_816 : memref<640x128xf32, #tpu.memory_space<vmem>>[vector<16xi32>, vector<16xi32>], vector<16xf32>,
        %while3A_824 = arith.constant 0 : i32
        scf.yield %while3A_824 : i32
      }
    } else {
    }
    %dma_start3A_553 = arith.constant 0 : i32
    %dma_start3A_554 = arith.constant 0 : i32
    %dma_start3A_555 = arith.constant 0 : i32
    %dma_start3A_556 = arith.constant 0 : i32
    %dma_start3A_557 = tpu.memref_slice %arg14[%dma_start3A_555, %dma_start3A_556] : memref<640x128xf32, #tpu.memory_space<vmem>> -> memref<128x128xf32, #tpu.memory_space<vmem>>
    %dma_start3A_558 = arith.constant 0 : i32
    %dma_start3A_559 = tpu.memref_slice %arg24[%dma_start3A_553, %dma_start3A_554, %dma_start3A_558] : memref<5x1x128xi32, #tpu.memory_space<vmem>> -> memref<1x1x128xi32, #tpu.memory_space<vmem>>
    %dma_start3A_560 = tpu.memref_squeeze %dma_start3A_559 : memref<1x1x128xi32, #tpu.memory_space<vmem>> -> memref<128xi32, #tpu.memory_space<vmem>>
    %dma_start3A_561 = arith.constant 0 : i32
    %dma_start3A_562 = arith.constant 0 : i32
    %dma_start3A_563 = tpu.memref_slice %arg5[%dma_start3A_561, %dma_start3A_562] : memref<16416x128xf32, #tpu.memory_space<hbm>> -> memref<16416x128xf32, #tpu.memory_space<hbm>>
    tpu.enqueue_indirect_dma source(%dma_start3A_557 : memref<128x128xf32, #tpu.memory_space<vmem>>) target(%dma_start3A_563 : memref<16416x128xf32, #tpu.memory_space<hbm>>) offsets(%dma_start3A_560 : memref<128xi32, #tpu.memory_space<vmem>>) semaphore(%arg26 : memref<!tpu.dma_semaphore, #tpu.memory_space<semaphore_mem>>)
    %dma_start3A_564 = arith.constant 1 : i32
    %dma_start3A_565 = arith.constant 0 : i32
    %dma_start3A_566 = arith.constant 128 : i32
    %dma_start3A_567 = arith.constant 0 : i32
    %dma_start3A_568 = tpu.memref_slice %arg14[%dma_start3A_566, %dma_start3A_567] : memref<640x128xf32, #tpu.memory_space<vmem>> -> memref<128x128xf32, #tpu.memory_space<vmem>>
    %dma_start3A_569 = arith.constant 0 : i32
    %dma_start3A_570 = tpu.memref_slice %arg24[%dma_start3A_564, %dma_start3A_565, %dma_start3A_569] : memref<5x1x128xi32, #tpu.memory_space<vmem>> -> memref<1x1x128xi32, #tpu.memory_space<vmem>>
    %dma_start3A_571 = tpu.memref_squeeze %dma_start3A_570 : memref<1x1x128xi32, #tpu.memory_space<vmem>> -> memref<128xi32, #tpu.memory_space<vmem>>
    %dma_start3A_572 = arith.constant 0 : i32
    %dma_start3A_573 = arith.constant 0 : i32
    %dma_start3A_574 = tpu.memref_slice %arg5[%dma_start3A_572, %dma_start3A_573] : memref<16416x128xf32, #tpu.memory_space<hbm>> -> memref<16416x128xf32, #tpu.memory_space<hbm>>
    tpu.enqueue_indirect_dma source(%dma_start3A_568 : memref<128x128xf32, #tpu.memory_space<vmem>>) target(%dma_start3A_574 : memref<16416x128xf32, #tpu.memory_space<hbm>>) offsets(%dma_start3A_571 : memref<128xi32, #tpu.memory_space<vmem>>) semaphore(%arg26 : memref<!tpu.dma_semaphore, #tpu.memory_space<semaphore_mem>>)
    %dma_start3A_575 = arith.constant 2 : i32
    %dma_start3A_576 = arith.constant 0 : i32
    %dma_start3A_577 = arith.constant 256 : i32
    %dma_start3A_578 = arith.constant 0 : i32
    %dma_start3A_579 = tpu.memref_slice %arg14[%dma_start3A_577, %dma_start3A_578] : memref<640x128xf32, #tpu.memory_space<vmem>> -> memref<128x128xf32, #tpu.memory_space<vmem>>
    %dma_start3A_580 = arith.constant 0 : i32
    %dma_start3A_581 = tpu.memref_slice %arg24[%dma_start3A_575, %dma_start3A_576, %dma_start3A_580] : memref<5x1x128xi32, #tpu.memory_space<vmem>> -> memref<1x1x128xi32, #tpu.memory_space<vmem>>
    %dma_start3A_582 = tpu.memref_squeeze %dma_start3A_581 : memref<1x1x128xi32, #tpu.memory_space<vmem>> -> memref<128xi32, #tpu.memory_space<vmem>>
    %dma_start3A_583 = arith.constant 0 : i32
    %dma_start3A_584 = arith.constant 0 : i32
    %dma_start3A_585 = tpu.memref_slice %arg5[%dma_start3A_583, %dma_start3A_584] : memref<16416x128xf32, #tpu.memory_space<hbm>> -> memref<16416x128xf32, #tpu.memory_space<hbm>>
    tpu.enqueue_indirect_dma source(%dma_start3A_579 : memref<128x128xf32, #tpu.memory_space<vmem>>) target(%dma_start3A_585 : memref<16416x128xf32, #tpu.memory_space<hbm>>) offsets(%dma_start3A_582 : memref<128xi32, #tpu.memory_space<vmem>>) semaphore(%arg26 : memref<!tpu.dma_semaphore, #tpu.memory_space<semaphore_mem>>)
    %dma_start3A_586 = arith.constant 3 : i32
    %dma_start3A_587 = arith.constant 0 : i32
    %dma_start3A_588 = arith.constant 384 : i32
    %dma_start3A_589 = arith.constant 0 : i32
    %dma_start3A_590 = tpu.memref_slice %arg14[%dma_start3A_588, %dma_start3A_589] : memref<640x128xf32, #tpu.memory_space<vmem>> -> memref<128x128xf32, #tpu.memory_space<vmem>>
    %dma_start3A_591 = arith.constant 0 : i32
    %dma_start3A_592 = tpu.memref_slice %arg24[%dma_start3A_586, %dma_start3A_587, %dma_start3A_591] : memref<5x1x128xi32, #tpu.memory_space<vmem>> -> memref<1x1x128xi32, #tpu.memory_space<vmem>>
    %dma_start3A_593 = tpu.memref_squeeze %dma_start3A_592 : memref<1x1x128xi32, #tpu.memory_space<vmem>> -> memref<128xi32, #tpu.memory_space<vmem>>
    %dma_start3A_594 = arith.constant 0 : i32
    %dma_start3A_595 = arith.constant 0 : i32
    %dma_start3A_596 = tpu.memref_slice %arg5[%dma_start3A_594, %dma_start3A_595] : memref<16416x128xf32, #tpu.memory_space<hbm>> -> memref<16416x128xf32, #tpu.memory_space<hbm>>
    tpu.enqueue_indirect_dma source(%dma_start3A_590 : memref<128x128xf32, #tpu.memory_space<vmem>>) target(%dma_start3A_596 : memref<16416x128xf32, #tpu.memory_space<hbm>>) offsets(%dma_start3A_593 : memref<128xi32, #tpu.memory_space<vmem>>) semaphore(%arg26 : memref<!tpu.dma_semaphore, #tpu.memory_space<semaphore_mem>>)
    %dma_start3A_597 = arith.constant 4 : i32
    %dma_start3A_598 = arith.constant 0 : i32
    %dma_start3A_599 = arith.constant 512 : i32
    %dma_start3A_600 = arith.constant 0 : i32
    %dma_start3A_601 = tpu.memref_slice %arg14[%dma_start3A_599, %dma_start3A_600] : memref<640x128xf32, #tpu.memory_space<vmem>> -> memref<128x128xf32, #tpu.memory_space<vmem>>
    %dma_start3A_602 = arith.constant 0 : i32
    %dma_start3A_603 = tpu.memref_slice %arg24[%dma_start3A_597, %dma_start3A_598, %dma_start3A_602] : memref<5x1x128xi32, #tpu.memory_space<vmem>> -> memref<1x1x128xi32, #tpu.memory_space<vmem>>
    %dma_start3A_604 = tpu.memref_squeeze %dma_start3A_603 : memref<1x1x128xi32, #tpu.memory_space<vmem>> -> memref<128xi32, #tpu.memory_space<vmem>>
    %dma_start3A_605 = arith.constant 0 : i32
    %dma_start3A_606 = arith.constant 0 : i32
    %dma_start3A_607 = tpu.memref_slice %arg5[%dma_start3A_605, %dma_start3A_606] : memref<16416x128xf32, #tpu.memory_space<hbm>> -> memref<16416x128xf32, #tpu.memory_space<hbm>>
    tpu.enqueue_indirect_dma source(%dma_start3A_601 : memref<128x128xf32, #tpu.memory_space<vmem>>) target(%dma_start3A_607 : memref<16416x128xf32, #tpu.memory_space<hbm>>) offsets(%dma_start3A_604 : memref<128xi32, #tpu.memory_space<vmem>>) semaphore(%arg26 : memref<!tpu.dma_semaphore, #tpu.memory_space<semaphore_mem>>)
    %dma_wait3A = arith.constant 0 : i32
    %dma_wait3A_608 = arith.constant 0 : i32
    %dma_wait3A_609 = arith.constant 0 : i32
    %dma_wait3A_610 = arith.constant 0 : i32
    %dma_wait3A_611 = tpu.memref_slice %arg14[%dma_wait3A_609, %dma_wait3A_610] : memref<640x128xf32, #tpu.memory_space<vmem>> -> memref<128x128xf32, #tpu.memory_space<vmem>>
    %dma_wait3A_612 = arith.constant 0 : i32
    %dma_wait3A_613 = tpu.memref_slice %arg24[%dma_wait3A, %dma_wait3A_608, %dma_wait3A_612] : memref<5x1x128xi32, #tpu.memory_space<vmem>> -> memref<1x1x128xi32, #tpu.memory_space<vmem>>
    %dma_wait3A_614 = tpu.memref_squeeze %dma_wait3A_613 : memref<1x1x128xi32, #tpu.memory_space<vmem>> -> memref<128xi32, #tpu.memory_space<vmem>>
    %dma_wait3A_615 = arith.constant 0 : i32
    %dma_wait3A_616 = arith.constant 0 : i32
    %dma_wait3A_617 = tpu.memref_slice %arg5[%dma_wait3A_615, %dma_wait3A_616] : memref<16416x128xf32, #tpu.memory_space<hbm>> -> memref<16416x128xf32, #tpu.memory_space<hbm>>
    tpu.wait_indirect_dma semaphore(%arg26 : memref<!tpu.dma_semaphore, #tpu.memory_space<semaphore_mem>>) src(%dma_wait3A_611 : memref<128x128xf32, #tpu.memory_space<vmem>>) dst(%dma_wait3A_617 : memref<16416x128xf32, #tpu.memory_space<hbm>>)
    %dma_wait3A_618 = arith.constant 0 : i32
    %dma_wait3A_619 = arith.constant 0 : i32
    %dma_wait3A_620 = arith.constant 0 : i32
    %dma_wait3A_621 = arith.constant 0 : i32
    %dma_wait3A_622 = tpu.memref_slice %arg14[%dma_wait3A_620, %dma_wait3A_621] : memref<640x128xf32, #tpu.memory_space<vmem>> -> memref<128x128xf32, #tpu.memory_space<vmem>>
    %dma_wait3A_623 = arith.constant 0 : i32
    %dma_wait3A_624 = tpu.memref_slice %arg24[%dma_wait3A_618, %dma_wait3A_619, %dma_wait3A_623] : memref<5x1x128xi32, #tpu.memory_space<vmem>> -> memref<1x1x128xi32, #tpu.memory_space<vmem>>
    %dma_wait3A_625 = tpu.memref_squeeze %dma_wait3A_624 : memref<1x1x128xi32, #tpu.memory_space<vmem>> -> memref<128xi32, #tpu.memory_space<vmem>>
    %dma_wait3A_626 = arith.constant 0 : i32
    %dma_wait3A_627 = arith.constant 0 : i32
    %dma_wait3A_628 = tpu.memref_slice %arg5[%dma_wait3A_626, %dma_wait3A_627] : memref<16416x128xf32, #tpu.memory_space<hbm>> -> memref<16416x128xf32, #tpu.memory_space<hbm>>
    tpu.wait_indirect_dma semaphore(%arg26 : memref<!tpu.dma_semaphore, #tpu.memory_space<semaphore_mem>>) src(%dma_wait3A_622 : memref<128x128xf32, #tpu.memory_space<vmem>>) dst(%dma_wait3A_628 : memref<16416x128xf32, #tpu.memory_space<hbm>>)
    %dma_wait3A_629 = arith.constant 0 : i32
    %dma_wait3A_630 = arith.constant 0 : i32
    %dma_wait3A_631 = arith.constant 0 : i32
    %dma_wait3A_632 = arith.constant 0 : i32
    %dma_wait3A_633 = tpu.memref_slice %arg14[%dma_wait3A_631, %dma_wait3A_632] : memref<640x128xf32, #tpu.memory_space<vmem>> -> memref<128x128xf32, #tpu.memory_space<vmem>>
    %dma_wait3A_634 = arith.constant 0 : i32
    %dma_wait3A_635 = tpu.memref_slice %arg24[%dma_wait3A_629, %dma_wait3A_630, %dma_wait3A_634] : memref<5x1x128xi32, #tpu.memory_space<vmem>> -> memref<1x1x128xi32, #tpu.memory_space<vmem>>
    %dma_wait3A_636 = tpu.memref_squeeze %dma_wait3A_635 : memref<1x1x128xi32, #tpu.memory_space<vmem>> -> memref<128xi32, #tpu.memory_space<vmem>>
    %dma_wait3A_637 = arith.constant 0 : i32
    %dma_wait3A_638 = arith.constant 0 : i32
    %dma_wait3A_639 = tpu.memref_slice %arg5[%dma_wait3A_637, %dma_wait3A_638] : memref<16416x128xf32, #tpu.memory_space<hbm>> -> memref<16416x128xf32, #tpu.memory_space<hbm>>
    tpu.wait_indirect_dma semaphore(%arg26 : memref<!tpu.dma_semaphore, #tpu.memory_space<semaphore_mem>>) src(%dma_wait3A_633 : memref<128x128xf32, #tpu.memory_space<vmem>>) dst(%dma_wait3A_639 : memref<16416x128xf32, #tpu.memory_space<hbm>>)
    %dma_wait3A_640 = arith.constant 0 : i32
    %dma_wait3A_641 = arith.constant 0 : i32
    %dma_wait3A_642 = arith.constant 0 : i32
    %dma_wait3A_643 = arith.constant 0 : i32
    %dma_wait3A_644 = tpu.memref_slice %arg14[%dma_wait3A_642, %dma_wait3A_643] : memref<640x128xf32, #tpu.memory_space<vmem>> -> memref<128x128xf32, #tpu.memory_space<vmem>>
    %dma_wait3A_645 = arith.constant 0 : i32
    %dma_wait3A_646 = tpu.memref_slice %arg24[%dma_wait3A_640, %dma_wait3A_641, %dma_wait3A_645] : memref<5x1x128xi32, #tpu.memory_space<vmem>> -> memref<1x1x128xi32, #tpu.memory_space<vmem>>
    %dma_wait3A_647 = tpu.memref_squeeze %dma_wait3A_646 : memref<1x1x128xi32, #tpu.memory_space<vmem>> -> memref<128xi32, #tpu.memory_space<vmem>>
    %dma_wait3A_648 = arith.constant 0 : i32
    %dma_wait3A_649 = arith.constant 0 : i32
    %dma_wait3A_650 = tpu.memref_slice %arg5[%dma_wait3A_648, %dma_wait3A_649] : memref<16416x128xf32, #tpu.memory_space<hbm>> -> memref<16416x128xf32, #tpu.memory_space<hbm>>
    tpu.wait_indirect_dma semaphore(%arg26 : memref<!tpu.dma_semaphore, #tpu.memory_space<semaphore_mem>>) src(%dma_wait3A_644 : memref<128x128xf32, #tpu.memory_space<vmem>>) dst(%dma_wait3A_650 : memref<16416x128xf32, #tpu.memory_space<hbm>>)
    %dma_wait3A_651 = arith.constant 0 : i32
    %dma_wait3A_652 = arith.constant 0 : i32
    %dma_wait3A_653 = arith.constant 0 : i32
    %dma_wait3A_654 = arith.constant 0 : i32
    %dma_wait3A_655 = tpu.memref_slice %arg14[%dma_wait3A_653, %dma_wait3A_654] : memref<640x128xf32, #tpu.memory_space<vmem>> -> memref<128x128xf32, #tpu.memory_space<vmem>>
    %dma_wait3A_656 = arith.constant 0 : i32
    %dma_wait3A_657 = tpu.memref_slice %arg24[%dma_wait3A_651, %dma_wait3A_652, %dma_wait3A_656] : memref<5x1x128xi32, #tpu.memory_space<vmem>> -> memref<1x1x128xi32, #tpu.memory_space<vmem>>
    %dma_wait3A_658 = tpu.memref_squeeze %dma_wait3A_657 : memref<1x1x128xi32, #tpu.memory_space<vmem>> -> memref<128xi32, #tpu.memory_space<vmem>>
    %dma_wait3A_659 = arith.constant 0 : i32
    %dma_wait3A_660 = arith.constant 0 : i32
    %dma_wait3A_661 = tpu.memref_slice %arg5[%dma_wait3A_659, %dma_wait3A_660] : memref<16416x128xf32, #tpu.memory_space<hbm>> -> memref<16416x128xf32, #tpu.memory_space<hbm>>
    tpu.wait_indirect_dma semaphore(%arg26 : memref<!tpu.dma_semaphore, #tpu.memory_space<semaphore_mem>>) src(%dma_wait3A_655 : memref<128x128xf32, #tpu.memory_space<vmem>>) dst(%dma_wait3A_661 : memref<16416x128xf32, #tpu.memory_space<hbm>>)
    return
  }
}

module attributes {stable_mosaic.version = 14 : i64} {
  func.func @body(%arg0: i32, %arg1: memref<16416x128xf32, #tpu.memory_space<vmem>>, %arg2: memref<200x64xf32, #tpu.memory_space<vmem>>, %arg3: memref<200x1xf32, #tpu.memory_space<vmem>>, %arg4: memref<200x16384xf32, #tpu.memory_space<vmem>>) attributes {dimension_semantics = [#tpu.dimension_semantics<arbitrary>], iteration_bounds = array<i64: 5>, scalar_prefetch = 0 : i64, scratch_operands = 0 : i64, tpu.core_type = #tpu.core_type<tc>, window_params = [{pipeline_mode = #tpu.pipeline_mode<synchronous>, transform_indices = @transform_0, window_bounds = array<i64: 16416, 128>}, {transform_indices = @transform_1, window_bounds = array<i64: 200, 64>}, {transform_indices = @transform_2, window_bounds = array<i64: 200, 1>}, {transform_indices = @transform_3, window_bounds = array<i64: 200, 16384>}]} {
    %get3A = arith.constant 0 : index
    %get3A_0 = arith.constant 0 : index
    %get3A_1 = vector.load %arg1[%get3A, %get3A_0] : memref<16416x128xf32, #tpu.memory_space<vmem>>, vector<16384x64xf32>
    %get3A_2 = arith.constant 0 : index
    %get3A_3 = arith.constant 0 : index
    %get3A_4 = vector.load %arg2[%get3A_2, %get3A_3] : memref<200x64xf32, #tpu.memory_space<vmem>>, vector<200x64xf32>
    %dot_general3A = arith.constant dense<0.000000e+00> : vector<200x16384xf32>
    %dot_general3A_5 = tpu.matmul %get3A_4, %get3A_1, %dot_general3A {dimension_numbers = #tpu.dot_dimension_numbers<[1], [1], [0], [0], [0, 0, 1, 0], [], []>, transpose_lhs_hint = false} : vector<200x64xf32>, vector<16384x64xf32>, vector<200x16384xf32> -> vector<200x16384xf32>
    %get3A_6 = arith.constant 0 : index
    %get3A_7 = arith.constant 0 : index
    %get3A_8 = vector.load %arg3[%get3A_6, %get3A_7] : memref<200x1xf32, #tpu.memory_space<vmem>>, vector<200x1xf32>
    %add3A = vector.broadcast %get3A_8 : vector<200x1xf32> to vector<200x16384xf32>
    %add3A_9 = arith.addf %dot_general3A_5, %add3A : vector<200x16384xf32>
    %swap3A = arith.constant 0 : index
    %swap3A_10 = arith.constant 0 : index
    %swap3A_11 = vector.load %arg4[%swap3A, %swap3A_10] : memref<200x16384xf32, #tpu.memory_space<vmem>>, vector<200x16384xf32>
    tpu.vector_store %arg4[%swap3A, %swap3A_10], %add3A_9 {strides = array<i32>} : memref<200x16384xf32, #tpu.memory_space<vmem>>, vector<200x16384xf32>,
    return
  }
  func.func @transform_0(%arg0: i32) -> (i32, i32) {
    %c0_i32 = arith.constant 0 : i32
    %c0_i32_0 = arith.constant 0 : i32
    %c0_i32_1 = arith.constant 0 : i32
    return %c0_i32, %c0_i32_0 : i32, i32
  }
  func.func @transform_1(%arg0: i32) -> (i32, i32) {
    %c0_i32 = arith.constant 0 : i32
    %c0_i32_0 = arith.constant 0 : i32
    return %arg0, %c0_i32 : i32, i32
  }
  func.func @transform_2(%arg0: i32) -> (i32, i32) {
    %c0_i32 = arith.constant 0 : i32
    %c0_i32_0 = arith.constant 0 : i32
    return %arg0, %c0_i32 : i32, i32
  }
  func.func @transform_3(%arg0: i32) -> (i32, i32) {
    %c0_i32 = arith.constant 0 : i32
    %c0_i32_0 = arith.constant 0 : i32
    return %arg0, %c0_i32 : i32, i32
  }
}

</mosaic_0001>

<sc_bundles>
// kernel: kernel.4.cloned.1.call-start
scs
__scs_entry_jumppad:
0x0: {  	(pc) =	sbr.rel $0x88, $3  }
0x1: {  	(tag) =	ssettag $0x0;
	lr =	simm.s32 $0x1  }
0x2: {  	[smem:$0x3F9D] =	sst lr;
	_ =	strace $0xD0000000  }
0x3: {  	_ = 	snop  }
0x4: {  	_ = 	snop  }
0x5: {  	_ = 	snop  }
0x6: {  	_ = 	snop  }
0x7: {  	_ = 	snop  }
__scs_overlays_trampoline_lowered:
0x8: {  	[smem:$0x3FAC] =	sst s0  }
0x9: {  	[smem:$0x3FAD] =	sst s1  }
0xa: {  	[smem:$0x3FAE] =	sst s2  }
0xb: {  	[smem:$0x3FAF] =	sst s3  }
0xc: {  	[smem:$0x3FB0] =	sst s4  }
0xd: {  	[smem:$0x3FB1] =	sst s5  }
0xe: {  	[smem:$0x3FB2] =	sst s6  }
0xf: {  	[smem:$0x3FB3] =	sst s7  }
0x10: {  	[smem:$0x3FB4] =	sst s8  }
0x11: {  	[smem:$0x3FB5] =	sst s9;
	s0 =	simm.s32 @!p0 $0x0  }
0x12: {  	s1 =	sld [smem:$0x3F9B];
	s0 =	simm.s32 @p0 $0x1  }
0x13: {  	[smem:$0x3FB6] =	sst s0;
	s0 =	simm.s32 @!p1 $0x0  }
0x14: {  	s2 =	sld [smem:$0x3F9A];
	s0 =	simm.s32 @p1 $0x1  }
0x15: {  	[smem:$0x3FB7] =	sst s0;
	s0 =	simm.s32 @!p2 $0x0  }
0x16: {  	s3 =	sld [smem:$0x3FDB];
	s0 =	simm.s32 @p2 $0x1  }
0x17: {  	s4 =	simm.s32 $0x1BF5;
	[smem:$0x3FB9] =	sst s0  }
0x18: {  	s0 =	sld [smem:$0x3F9C];
	_ =	swait.ge [sflag:s4], $0x0  }
0x19: {  	s7 =	sld [smem:$0x3F9D]  }
0x1a: {  	s8 =	sadd.s32 $0xFFFFE003, lr  }
0x1b: {  	s9 =	sadd.s32 $0xFFFFFEF7, lr;
	s5 =	simm.s32 $0xFFFFFFFF;
	p2 =	slt.u32 s8, $0xFFFFF086  }
0x1c: {  	p1 =	slt.u32 s9, $0xF7A;
	s5 =	simm.s32 @!p2 $0x0  }
0x1d: {  	s5 =	simm.s32 @p1 $0x1;
	p0 =	seq.s32 s7, s2  }
0x1e: {  	s7 =	smul.u32 @!p0 $0xF7A, s2;
	p2 =	seq.s32 @!p0 s5, $0x0  }
0x1f: {  	s9 =	smul.u32 $0xF7A, s1;
	s8 =	simm.s32 @!p0 $0x1BF5;
	p2 =	por !p2, p0  }
0x20: {  	[sflag:s8] =	ssyncset.s32 @!p0 $0xFFFFF086;
	s6 =	sadd.s32 @!p0 s3, s7;
	s7 =	simm.s32 @!p0 $0x108  }
0x21: {  	s3 =	sadd.s32 s3, s9;
	s6 =	sadd.s32 @!p0 $0x88, s6;
	s7 =	simm.s32 @p2 $0x1082  }
0x22: {  	[simem:s7], [sflag:s8] =	dma.local @!p0 [hbm:s6], $0xF7A  }
0x23: {  	s9 =	sor.u32 $0xD0000000, s2;
	s6 =	simm.s32 $0x108;
	_ =	swait.ge @!p0 [sflag:s8], $0x0  }
0x24: {  	s3 =	sadd.s32 $0x88, s3;
	s6 =	simm.s32 @!p1 $0x1082;
	[sflag:s4] =	ssyncset.s32 $0xFFFFF086  }
0x25: {  	[simem:s6], [sflag:s4] =	dma.local [hbm:s3], $0xF7A  }
0x26: {  	[smem:$0x3F9D] =	sst s1;
	(tag) =	ssettag s2;
	_ =	strace s9  }
0x27: {  	s1 =	sld [smem:$0x3FAD]  }
0x28: {  	s2 =	sld [smem:$0x3FAE]  }
0x29: {  	s4 =	sld [smem:$0x3FB0]  }
0x2a: {  	p0 =	seq.s32 s5, $0x0;
	s5 =	sld [smem:$0x3FB1]  }
0x2b: {  	s6 =	sld [smem:$0x3FB2]  }
0x2c: {  	s7 =	sld [smem:$0x3FB3]  }
0x2d: {  	s3 =	simm.s32 $0x108;
	s8 =	sld [smem:$0x3FB4]  }
0x2e: {  	s3 =	simm.s32 @!p0 $0x1082;
	s9 =	sld [smem:$0x3FB5]  }
0x2f: {  	lr =	sadd.s32 s0, s3;
	s0 =	sld [smem:$0x3FAC]  }
0x30: {  	s3 =	sld [smem:$0x3FAF]  }
0x31: {  	[smem:$0x3FB8] =	sst s10  }
0x32: {  	s10 =	sld [smem:$0x3FB6];
	_ =	sdelay $0x3  }
0x33: {  	p0 =	seq.s32 s10, $0x1;
	s10 =	sld [smem:$0x3FB8];
	_ =	sdelay $0x3  }
0x34: {  	[smem:$0x3FB8] =	sst s10  }
0x35: {  	s10 =	sld [smem:$0x3FB7];
	_ =	sdelay $0x3  }
0x36: {  	p1 =	seq.s32 s10, $0x1;
	s10 =	sld [smem:$0x3FB8];
	_ =	sdelay $0x3  }
0x37: {  	[smem:$0x3FB8] =	sst s10  }
0x38: {  	s10 =	sld [smem:$0x3FB9]  }
0x39: {  	_ = 	snop;
	(pc) =	sbr.ind lr, $3  }
0x3a: {  	_ = 	snop  }
0x3b: {  	_ = 	snop  }
0x3c: {  	p2 =	seq.s32 s10, $0x1;
	s10 =	sld [smem:$0x3FB8]  }
0x3d: {  	_ =	shalt  }
0x3e: {  	_ =	shalt  }
0x3f: {  	_ =	shalt  }
0x40: {  	_ =	shalt  }
0x41: {  	_ =	shalt  }
0x42: {  	_ =	shalt  }
0x43: {  	_ =	shalt  }
0x44: {  	_ =	shalt  }
0x45: {  	_ =	shalt  }
0x46: {  	_ =	shalt  }
0x47: {  	_ =	shalt  }
0x48: {  	_ =	shalt  }
0x49: {  	_ =	shalt  }
0x4a: {  	_ =	shalt  }
0x4b: {  	_ =	shalt  }
0x4c: {  	_ =	shalt  }
0x4d: {  	_ =	shalt  }
0x4e: {  	_ =	shalt  }
0x4f: {  	_ =	shalt  }
0x50: {  	_ =	shalt  }
0x51: {  	_ =	shalt  }
0x52: {  	_ =	shalt  }
0x53: {  	_ =	shalt  }
0x54: {  	_ =	shalt  }
0x55: {  	_ =	shalt  }
0x56: {  	_ =	shalt  }
0x57: {  	_ =	shalt  }
0x58: {  	_ =	shalt  }
0x59: {  	_ =	shalt  }
0x5a: {  	_ =	shalt  }
0x5b: {  	_ =	shalt  }
0x5c: {  	_ =	shalt  }
0x5d: {  	_ =	shalt  }
0x5e: {  	_ =	shalt  }
0x5f: {  	_ =	shalt  }
0x60: {  	_ =	shalt  }
0x61: {  	_ =	shalt  }
0x62: {  	_ =	shalt  }
0x63: {  	_ =	shalt  }
0x64: {  	_ =	shalt  }
0x65: {  	_ =	shalt  }
0x66: {  	_ =	shalt  }
0x67: {  	_ =	shalt  }
0x68: {  	_ =	shalt  }
0x69: {  	_ =	shalt  }
0x6a: {  	_ =	shalt  }
0x6b: {  	_ =	shalt  }
0x6c: {  	_ =	shalt  }
0x6d: {  	_ =	shalt  }
0x6e: {  	_ =	shalt  }
0x6f: {  	_ =	shalt  }
0x70: {  	_ =	shalt  }
0x71: {  	_ =	shalt  }
0x72: {  	_ =	shalt  }
0x73: {  	_ =	shalt  }
0x74: {  	_ =	shalt  }
0x75: {  	_ =	shalt  }
0x76: {  	_ =	shalt  }
0x77: {  	_ =	shalt  }
0x78: {  	_ =	shalt  }
0x79: {  	_ =	shalt  }
0x7a: {  	_ =	shalt  }
0x7b: {  	_ =	shalt  }
0x7c: {  	_ =	shalt  }
0x7d: {  	_ =	shalt  }
0x7e: {  	_ =	shalt  }
0x7f: {  	_ =	shalt  }
0x80: {  	_ =	shalt  }
0x81: {  	_ =	shalt  }
0x82: {  	_ =	shalt  }
0x83: {  	_ =	shalt  }
0x84: {  	_ =	shalt  }
0x85: {  	_ =	shalt  }
0x86: {  	_ =	shalt  }
0x87: {  	_ =	shalt  }
.Lfunc_end0:
.L_simem_size_0:
called_computation_lowered:
.L_overlay_start_0:
0x88: {  	s2 =	sld [smem:$0x3FD9]  }
0x89: {  	s3 =	sld [smem:$0x3FFE];
	_ =	sdelay $0x1  }
0x8a: {  	s1 =	srdreg.scid  }
0x8b: {  	s0 =	sand.u32 $0x1, s1  }
0x8c: {  	s17 =	sshll.u32 s0, $0xA;
	s2 =	sadd.s32 s3, s2  }
0x8d: {  	s2 =	sadd.s32 s2, s17  }
0x8e: {  	[smem:$0x3FC4] =	sst s2  }
0x8f: {  	_ = 	snop  }
0x90: {  	s2 =	sld [smem:$0x3FC9]  }
0x91: {  	s18 =	sld [smem:$0x3FC8]  }
0x92: {  	s4 =	sld [smem:$0x3FD0];
	(tm) =	ssettm $0x1  }
0x93: {  	s5 =	sld [smem:$0x3FFB];
	_ =	sdelay $0x3  }
0x94: {  	_ =	strace s5  }
0x95: {  	s5 =	sld [smem:$0x3FFC];
	_ =	sdelay $0x3  }
0x96: {  	_ =	strace s5  }
0x97: {  	s5 =	sld [smem:$0x3FFD];
	_ =	sdelay $0x3  }
0x98: {  	_ =	strace s5  }
0x99: {  	_ =	strace $0x8FFFFFFF  }
0x9a: {  	s19 =	sld [smem:$0x3FDB];
	_ =	sdelay $0x1  }
0x9b: {  	s6 =	simm.s32 $_scs_section_size  }
0x9c: {  	s7 =	simm.s32 $_size__tile_overlayer_lowered;
	s8 =	simm.s32 $_tile_overlayer_lowered  }
0x9d: {  	s22 =	simm.s32 $0x1BFF;
	s21 =	sshll.u32 s8, $0x1;
	s5 =	sadd.s32 s6, s19  }
0x9e: {  	s9 =	simm.s32 $0x0;
	s20 =	sshll.u32 s7, $0x1;
	s7 =	sadd.s32 s21, s5  }
0x9f: {  	[timem:s9], [sflag:s22] =	dma.local [hbm:s7], s20  }
0xa0: {  	_ =	swait.ge [sflag:s22], s20  }
0xa1: {  	s6 =	ssub.s32 $0x0, s20;
	[sflag:s22] =	ssyncset.done $0x0  }
0xa2: {  	[sflag:s22] =	ssyncadd.s32 s6;
	_ =	sdelay $0x1  }
0xa3: {  	s23 =	simm.s32 $0x1B8B  }
0xa4: {  	_ =	swait.ge [sflag:s23], $0x1  }
0xa5: {  	[sflag:s23] =	ssyncset.done $0x0  }
0xa6: {  	s25 =	simm.s32 $0x1B8E;
	s24 =	sld [smem:$0x3FFE];
	[sflag:s23] =	ssyncadd.s32 $0xFFFFFFFF  }
0xa7: {  	s26 =	simm.s32 $execute0_lowered;
	[smem:$0x3FD2] =	sst s25  }
0xa8: {  	s7 =	sshll.u32 s26, $0x1;
	_ =	strace $0x80000046;
	[dreg:$0x1] =	wrdreg $0xFFFFFFFF  }
0xa9: {  	s28 =	simm.s32 $_size_execute0_lowered;
	s5 =	sadd.s32 s5, s7;
	[dreg:$0x0] =	wrdreg $0x0  }
0xaa: {  	s7 =	sshll.u32 s28, $0x1;
	[dreg:$0x2] =	wrdreg s5  }
0xab: {  	[dreg:$0x3] =	wrdreg s7  }
0xac: {  	[dreg:$0x4] =	wrdreg $0xC0  }
0xad: {  	_ =	task [dreg:s9], $0x5FFFF  }
0xae: {  	[dreg:$0x1] =	wrdreg $0xFFFFFFFF  }
0xaf: {  	[dreg:$0x0] =	wrdreg $0x60  }
0xb0: {  	[dreg:$0x2] =	wrdreg s18  }
0xb1: {  	[dreg:$0x3] =	wrdreg s24  }
0xb2: {  	[dreg:$0x4] =	wrdreg s2  }
0xb3: {  	[dreg:$0x5] =	wrdreg s4  }
0xb4: {  	[dreg:$0x6] =	wrdreg $0x9  }
0xb5: {  	_ =	task.clear_ibuf [dreg:s9], $0x7FFFF;
	_ =	strace $0x90000046  }
0xb6: {  	s29 =	simm.s32 $0x9;
	_ =	strace $0x80000048  }
0xb7: {  	_ =	swait.ge [sflag:s29], $0x1  }
0xb8: {  	[sflag:s29] =	ssyncadd.s32 $0xFFFFFFFF  }
0xb9: {  	_ =	strace $0x90000048  }
0xba: {  	_ =	sfence  }
0xbb: {  	s30 =	sld [smem:$0x0];
	_ =	sdelay $0x2  }
0xbc: {  	s31 =	sshll.u32 s1, $0xD;
	s1 =	sshrl.u32 s1, $0x2  }
0xbd: {  	s3 =	sand.u32 $0x4000, s31;
	s1 =	sadd.s32 s1, s30  }
0xbe: {  	s0 =	sor.u32 s3, s0;
	s1 =	sshll.u32 s1, $0x11  }
0xbf: {  	s0 =	sor.u32 s1, s0  }
0xc0: {  	s0 =	sadd.s32 $0x8F2B, s0  }
0xc1: {  	[sflag:s0] =	ssyncadd.remote.s32 $0x1  }
0xc2: {  	_ =	sfence.sel $0xFFFF  }
0xc3: {  	[dreg:$0x0] =	wrdreg $0xFFFFFFFF;
	(pc) =	sbr.abs _section_cstart, $3  }
0xc4: {  	[dreg:$0x1] =	wrdreg $0xFFFFFFFF  }
0xc5: {  	_ =	task.clear_ibuf [dreg:s9], $0x2FFFF;
	_ =	strace $0x9FFFFFFF  }
0xc6: {  	(tm) =	ssettm $0x7FFFFFFF  }
0xc7: {  	_ =	shalt  }
tec
execute0_lowered:
.L_overlay_start_1:
0x0: {  	(tag) =	ssettag $0x1  }
0x1: {  	s0 =	rddreg [dreg:$0x0]  }
0x2: {  	s1 =	rddreg [dreg:$0x1];
	s2 =	srdreg.scid  }
0x3: {  	s3 =	stileid.u32;
	s30 =	simm.s32 $0x0;
	s15 =	simm.s32 $0x15C00  }
0x4: {  	s16 =	simm.s32 $0x16C00;
	s17 =	simm.s32 $0x17C00;
	s18 =	simm.s32 $0x18C00  }
0x5: {  	s28 =	simm.s32 $0x1B80;
	s29 =	simm.s32 $0x1;
	s31 =	simm.s32 $0x1180  }
0x6: {  	s7 =	simm.s32 $0x1C00;
	s2 =	sand.u32 $0x1, s2;
	s3 =	sshll.u32 s3, $0x1  }
0x7: {  	s8 =	simm.s32 $0x1DC00;
	[smem:$0x7FF] =	sst s30;
	s3 =	sor.u32 s2, s3  }
0x8: {  	s1 =	sadd.s32 $0xA00, s1;
	s2 =	ssub.s32 $0x2, s2;
	s5 =	smul.u32 $0x3D000, s3  }
0x9: {  	_ =	strace $0x80000047;
	s6 =	sshrl.u32 s2, $0x1;
	s4 =	smul.u32 $0x7A00, s3  }
0xa: {  	[dreg:$0x5] =	wrdreg s1;
	s1 =	simm.s32 $0x1E000;
	s11 =	ssub.s32 s2, s6  }
0xb: {  	s12 =	sshrl.u32 s5, $0x3;
	s26 =	smax.u32 s11, $0x1;
	[dreg:$0x6] =	wrdreg s4  }
0xc: {  	s2 =	sadd.s32 s0, s12;
	s0 =	sadd.s32 s0, s4;
	[dreg:$0xf] =	wrdreg s26  }
0xd: {  	p1 =	seq.s32 s3, $0x1F;
	[dreg:$0x7] =	wrdreg s0;
	s19 =	sadd.s32 $0x200, s2  }
0xe: {  	s14 =	sor.u32 $0x4000, s3;
	s20 =	sadd.s32 $0x400, s2;
	[dreg:$0x8] =	wrdreg s19  }
0xf: {  	p0 =	sne.s32 s3, $0x1F;
	s21 =	sadd.s32 $0x600, s2;
	[dreg:$0x9] =	wrdreg s20  }
0x10: {  	s6 =	simm.s32 $0x0;
	s22 =	sadd.s32 $0x800, s2;
	[dreg:$0xa] =	wrdreg s21  }
0x11: {  	s13 =	sadd.s32 $0x7A00, s4;
	s23 =	sadd.s32 $0xA00, s2;
	[dreg:$0xb] =	wrdreg s22  }
.Ltmp0:
0x12: {  	s24 =	sadd.s32 $0xC00, s2;
	[dreg:$0xc] =	wrdreg s23;
	(pc) =	sbr.rel .LBB2_1-.Ltmp0, $4  }
0x13: {  	vm0 =	vmxor vm0, vm0;
	v3 =	vlaneseq.u32;
	v4 =	vimm.s32 $0x0;
	s26 =	simm.s32 $0x1B00;
	s25 =	sadd.s32 $0xE00, s2;
	[dreg:$0xd] =	wrdreg s24  }
0x14: {  	v5 =	vimm.s32 $0x3D;
	v6 =	vmul.u32 $0x80, v3;
	v7 =	vor.u32 $0x10, v3;
	s0 =	simm.s32 $0x1600;
	[dreg:$0xe] =	wrdreg s25;
	s19 =	simm.s32 $0x19C00  }
0x15: {  	v8 =	vor.u32 $0x20, v3;
	v9 =	vor.u32 $0x30, v3;
	v0 =	vmov s14;
	s20 =	simm.s32 $0x1AC00;
	s21 =	simm.s32 $0x1BC00;
	s22 =	simm.s32 $0x1CC00  }
0x16: {  	vm0 =	vmneg @p1 vm0;
	v2 =	vmov s4;
	v1 =	vmov s13;
	s23 =	simm.s32 $0x3;
	s24 =	simm.s32 $0x880;
	s25 =	simm.s32 $0xD00  }
.LBB2_61:
0x17: {  	_ =	sdelay $0x3  }
0x18: {  	[tilespmem:v10+s7+$0x0] =	vst.idx.msk $0xffff, v11;
	s6 =	rddreg [dreg:$0x10]  }
.LBB2_62:
0x19: {  	s2 =	rddreg [dreg:$0x3];
	s3 =	simm.s32 $0x80  }
0x1a: {  	[hbm4b:s2+s3] =	stream.indirect.scatter [tilespmem:s7], [sflag:$0x2], $0x80, s1, s3, $0xb8;
	[tilespmem:$0x1E280] =	vst v63  }
0x1b: {  	s4 =	simm.s32 $0x1E080;
	s5 =	simm.s32 $0x5C00  }
0x1c: {  	[hbm4b:s2+s3] =	stream.indirect.scatter [tilespmem:s5], [sflag:$0x2], $0x80, s4, s3, $0xb8;
	[tilespmem:$0x1E280] =	vst v63  }
0x1d: {  	s13 =	simm.s32 $0x1E100;
	s14 =	simm.s32 $0x9C00  }
0x1e: {  	[hbm4b:s2+s3] =	stream.indirect.scatter [tilespmem:s14], [sflag:$0x2], $0x80, s13, s3, $0xb8;
	[tilespmem:$0x1E280] =	vst v63  }
0x1f: {  	s9 =	simm.s32 $0x1E180;
	s10 =	simm.s32 $0xDC00  }
0x20: {  	[hbm4b:s2+s3] =	stream.indirect.scatter [tilespmem:s10], [sflag:$0x2], $0x80, s9, s3, $0xb8;
	[tilespmem:$0x1E280] =	vst v63  }
0x21: {  	s11 =	simm.s32 $0x1E200;
	s12 =	simm.s32 $0x11C00;
	s13 =	simm.s32 $0x2  }
0x22: {  	[hbm4b:s2+s3] =	stream.indirect.scatter [tilespmem:s12], [sflag:$0x2], $0x80, s11, s3, $0xb8;
	[tilespmem:$0x1E280] =	vst v63  }
0x23: {  	_ =	swait.ge [sflag:s13], $0x4000  }
0x24: {  	[sflag:s13] =	ssyncset.done $0x0  }
0x25: {  	[sflag:s13] =	ssyncadd.s32 $0xFFFFC000  }
0x26: {  	_ =	swait.ge [sflag:s13], $0x4000  }
0x27: {  	[sflag:s13] =	ssyncset.done $0x0  }
0x28: {  	[sflag:s13] =	ssyncadd.s32 $0xFFFFC000  }
0x29: {  	_ =	swait.ge [sflag:s13], $0x4000  }
0x2a: {  	[sflag:s13] =	ssyncset.done $0x0  }
0x2b: {  	[sflag:s13] =	ssyncadd.s32 $0xFFFFC000  }
0x2c: {  	_ =	swait.ge [sflag:s13], $0x4000  }
0x2d: {  	[sflag:s13] =	ssyncset.done $0x0  }
0x2e: {  	[sflag:s13] =	ssyncadd.s32 $0xFFFFC000  }
0x2f: {  	_ =	swait.ge [sflag:s13], $0x4000  }
0x30: {  	s6 =	sadd.s32 $0x1, s6;
	s14 =	rddreg [dreg:$0xf]  }
0x31: {  	p1 =	sne.s32 s6, s14  }
.Ltmp1:
0x32: {  	_ = 	snop;
	(pc) =	sbr.rel @!p1 .LBB2_63-.Ltmp1, $3  }
0x33: {  	_ =	sdelay $0x1  }
0x34: {  	[sflag:s13] =	ssyncset.done $0x0  }
0x35: {  	[sflag:s13] =	ssyncadd.s32 $0xFFFFC000  }
.LBB2_1:
0x36: {  	[tilespmem:$0x1E000] =	vst v0  }
0x37: {  	[tilespmem:$0x1E010] =	vst v0  }
0x38: {  	[tilespmem:$0x1E020] =	vst v0  }
0x39: {  	[tilespmem:$0x1E030] =	vst v0  }
0x3a: {  	[tilespmem:$0x1E040] =	vst v0  }
0x3b: {  	[tilespmem:$0x1E050] =	vst v0  }
0x3c: {  	[tilespmem:$0x1E060] =	vst v0  }
0x3d: {  	[tilespmem:$0x1E070] =	vst v0  }
0x3e: {  	[tilespmem:$0x1E080] =	vst v0  }
0x3f: {  	[tilespmem:$0x1E090] =	vst v0  }
0x40: {  	[tilespmem:$0x1E0A0] =	vst v0  }
0x41: {  	[tilespmem:$0x1E0B0] =	vst v0  }
0x42: {  	[tilespmem:$0x1E0C0] =	vst v0  }
0x43: {  	[tilespmem:$0x1E0D0] =	vst v0  }
0x44: {  	[tilespmem:$0x1E0E0] =	vst v0  }
0x45: {  	[tilespmem:$0x1E0F0] =	vst v0  }
0x46: {  	[tilespmem:$0x1E100] =	vst v0  }
0x47: {  	[tilespmem:$0x1E110] =	vst v0  }
0x48: {  	[tilespmem:$0x1E120] =	vst v0  }
0x49: {  	[tilespmem:$0x1E130] =	vst v0  }
0x4a: {  	[tilespmem:$0x1E140] =	vst v0  }
0x4b: {  	[tilespmem:$0x1E150] =	vst v0  }
0x4c: {  	[tilespmem:$0x1E160] =	vst v0  }
0x4d: {  	[tilespmem:$0x1E170] =	vst v0  }
0x4e: {  	[tilespmem:$0x1E180] =	vst v0  }
0x4f: {  	[tilespmem:$0x1E190] =	vst v0  }
0x50: {  	[tilespmem:$0x1E1A0] =	vst v0  }
0x51: {  	[tilespmem:$0x1E1B0] =	vst v0  }
0x52: {  	[tilespmem:$0x1E1C0] =	vst v0  }
0x53: {  	[tilespmem:$0x1E1D0] =	vst v0  }
0x54: {  	[tilespmem:$0x1E1E0] =	vst v0  }
0x55: {  	[tilespmem:$0x1E1F0] =	vst v0  }
0x56: {  	[tilespmem:$0x1E200] =	vst v0  }
0x57: {  	[tilespmem:$0x1E210] =	vst v0  }
0x58: {  	[tilespmem:$0x1E220] =	vst v0  }
0x59: {  	[tilespmem:$0x1E230] =	vst v0  }
0x5a: {  	[tilespmem:$0x1E240] =	vst v0  }
0x5b: {  	[dreg:$0x10] =	wrdreg s6;
	[tilespmem:$0x1E250] =	vst v0  }
0x5c: {  	[tilespmem:$0x1E260] =	vst v0;
	s2 =	rddreg [dreg:$0x7]  }
0x5d: {  	[tilespmem:$0x1E270] =	vst v0;
	s6 =	rddreg [dreg:$0x8]  }
0x5e: {  	[tilespmem:s15], [sflag:$0x1] =	stream.linear.gather [hbm4b:s2+s30], $0x1000, $0x38;
	[tilespmem:$0x1E280] =	vst v63  }
0x5f: {  	s9 =	rddreg [dreg:$0x9]  }
0x60: {  	[tilespmem:s16], [sflag:$0x1] =	stream.linear.gather [hbm4b:s6+s30], $0x1000, $0x38;
	[tilespmem:$0x1E280] =	vst v63  }
0x61: {  	s10 =	rddreg [dreg:$0xa]  }
0x62: {  	[tilespmem:s17], [sflag:$0x1] =	stream.linear.gather [hbm4b:s9+s30], $0x1000, $0x38;
	[tilespmem:$0x1E280] =	vst v63  }
0x63: {  	s11 =	rddreg [dreg:$0xb]  }
0x64: {  	[tilespmem:s18], [sflag:$0x1] =	stream.linear.gather [hbm4b:s10+s30], $0x1000, $0x38;
	[tilespmem:$0x1E280] =	vst v63  }
0x65: {  	s12 =	rddreg [dreg:$0xc]  }
0x66: {  	[tilespmem:s19], [sflag:$0x1] =	stream.linear.gather [hbm4b:s11+s30], $0x1000, $0x38;
	[tilespmem:$0x1E280] =	vst v63  }
0x67: {  	s13 =	rddreg [dreg:$0xd]  }
0x68: {  	[tilespmem:s20], [sflag:$0x1] =	stream.linear.gather [hbm4b:s12+s30], $0x1000, $0x38;
	[tilespmem:$0x1E280] =	vst v63  }
0x69: {  	s14 =	rddreg [dreg:$0xe]  }
0x6a: {  	[tilespmem:s21], [sflag:$0x1] =	stream.linear.gather [hbm4b:s13+s30], $0x1000, $0x38;
	[tilespmem:$0x1E280] =	vst v63  }
0x6b: {  	s2 =	simm.s32 $0x0;
	s10 =	simm.s32 $0x0;
	s13 =	simm.s32 $0x0  }
0x6c: {  	[tilespmem:s22], [sflag:$0x1] =	stream.linear.gather [hbm4b:s14+s30], $0x1000, $0x38;
	[tilespmem:$0x1E280] =	vst v63  }
.LBB2_2:
0x6d: {  	s3 =	sshll.u32 s2, $0x8;
	s4 =	rddreg [dreg:$0x2]  }
0x6e: {  	s5 =	simm.s32 $0x0;
	s3 =	sadd.s32 s4, s3  }
0x6f: {  	[tilespmem:s5], [sflag:$0x3] =	stream.linear.gather [hbm4b:s3+s5], $0x800, $0x38;
	[tilespmem:$0x1E280] =	vst v63  }
0x70: {  	_ =	swait.ge [sflag:s23], $0x800  }
0x71: {  	[sflag:s23] =	ssyncset.done $0x0  }
0x72: {  	[sflag:s23] =	ssyncadd.s32 $0xFFFFF800  }
0x73: {  	v10 =	vld [tilespmem:s5+$0x0];
	_ =	sdelay $0x4  }
0x74: {  	vm1 =	vge.s32 v10, v2;
	vm2 =	vlt.s32 v10, v1  }
0x75: {  	vm3 =	vgt.s32 v10, $0xF3FFF;
	vm1 =	vmand vm1, vm2  }
0x76: {  	vm2 =	vmand vm0, vm3;
	v11 =	vsel vm1, $0x1, v4  }
0x77: {  	v12 =	vsel vm2, $0x1, v4;
	(xrf0) =	vadd.scan.msk.s32 $0xffff, v11  }
0x78: {  	(xrf0) =	vadd.scan.msk.s32 $0xffff, v12;
	_ =	sdelay $0x4  }
0x79: {  	v58 =	vmov s10;
	v11, _, _ =	vpop (xrf0)  }
0x7a: {  	v12 =	vadd.s32 $0xFFFFFFFF, v58;
	v57 =	vxor.u32 $0x80000000, v11;
	v13, _, _ =	vpop (xrf0)  }
0x7b: {  	v59 =	vmov s13;
	v12 =	vbroadcast v12, $0x0;
	v14 =	vxor.u32 $0x80000000, v13;
	(xrf0) =	vmax.scan.msk.u32 $0xffff, v57  }
0x7c: {  	(xrf0) =	vmax.scan.msk.u32 $0xffff, v14;
	v14 =	vadd.s32 $0xFFFFFFFF, v59  }
0x7d: {  	v11 =	vadd.s32 v11, v12;
	v14 =	vbroadcast v14, $0x0;
	_ =	sdelay $0x1  }
0x7e: {  	v13 =	vadd.s32 v13, v14  }
0x7f: {  	s3 =	sshll.u32 s2, $0xB  }
0x80: {  	s5 =	sor.u32 s3, s5;
	v60, _, _ =	vpop (xrf0)  }
0x81: {  	v62 =	vor.u32 s5, v3;
	[tilespmem:v11+s24+$0x0] =	vst.idx.msk vm1, v10;
	(v2sf) =	vpush v60, $0xF;
	v61, _, _ =	vpop (xrf0)  }
0x82: {  	[tilespmem:v11+s25+$0x0] =	vst.idx.msk vm1, v62;
	(v2sf) =	vpush v61, $0xF  }
0x83: {  	[tilespmem:v13+s26+$0x0] =	vst.idx.msk vm2, v10  }
0x84: {  	s5 =	simm.s32 $0x10;
	[tilespmem:v13+s28+$0x0] =	vst.idx.msk vm2, v62  }
0x85: {  	v10 =	vld [tilespmem:s5+$0x0];
	_ =	sdelay $0x4  }
0x86: {  	vm1 =	vge.s32 v10, v2;
	vm2 =	vlt.s32 v10, v1  }
0x87: {  	vm3 =	vgt.s32 v10, $0xF3FFF;
	vm2 =	vmand vm1, vm2  }
0x88: {  	vm1 =	vmand vm0, vm3;
	v11 =	vsel vm2, $0x1, v4  }
0x89: {  	v63 =	vsel vm1, $0x1, v4;
	(xrf0) =	vadd.scan.msk.s32 $0xffff, v11  }
0x8a: {  	(xrf0) =	vadd.scan.msk.s32 $0xffff, v63;
	_ =	sdelay $0x1  }
0x8b: {  	s9 =	simm.s32 $0x20;
	s6 =	spop (v2sf)  }
0x8c: {  	s6 =	sadd.s32 s6, s10;
	s12 =	spop (v2sf);
	s10 =	simm.s32 $0x10  }
.LBB2_3:
0x8d: {  	p1 =	sne.s32 s9, $0x7F0;
	s11 =	sadd.s32 $0x80000000, s6;
	s6 =	sadd.s32 s12, s13  }
0x8e: {  	v11 =	vmov s11;
	v12, _, _ =	vpop (xrf0);
	s13 =	sadd.s32 $0x80000000, s6;
	s6 =	smov.u32 s9;
	s9 =	sadd.s32 $0x10, s9  }
0x8f: {  	v11 =	vadd.s32 $0xFFFFFFFF, v11;
	v13 =	vxor.u32 $0x80000000, v12;
	v14 =	vmov s13;
	v15, _, _ =	vpop (xrf0)  }
0x90: {  	v11 =	vbroadcast v11, $0x0;
	v14 =	vadd.s32 $0xFFFFFFFF, v14;
	v16 =	vxor.u32 $0x80000000, v15;
	(xrf0) =	vmax.scan.msk.u32 $0xffff, v13  }
0x91: {  	v13 =	vbroadcast v14, $0x0;
	(xrf0) =	vmax.scan.msk.u32 $0xffff, v16  }
0x92: {  	v11 =	vadd.s32 v12, v11;
	_ =	sdelay $0x1  }
0x93: {  	v12 =	vadd.s32 v15, v13;
	_ =	sdelay $0x1  }
0x94: {  	s12 =	sor.u32 s3, s5;
	s5 =	smov.u32 s6;
	v13, _, _ =	vpop (xrf0)  }
0x95: {  	v14 =	vor.u32 s12, v3;
	[tilespmem:v11+s24+$0x0] =	vst.idx.msk vm2, v10;
	(v2sf) =	vpush v13, $0xF;
	v13, _, _ =	vpop (xrf0)  }
0x96: {  	[tilespmem:v11+s25+$0x0] =	vst.idx.msk vm2, v14;
	(v2sf) =	vpush v13, $0xF  }
0x97: {  	[tilespmem:v12+s26+$0x0] =	vst.idx.msk vm1, v10  }
0x98: {  	s10 =	sadd.s32 $0x10, s10;
	[tilespmem:v12+s28+$0x0] =	vst.idx.msk vm1, v14  }
0x99: {  	v10 =	vld [tilespmem:s10+$0x0];
	_ =	sdelay $0x4  }
0x9a: {  	vm1 =	vge.s32 v10, v2;
	vm2 =	vlt.s32 v10, v1;
	vm3 =	vgt.s32 v10, $0xF3FFF  }
0x9b: {  	vm2 =	vmand vm1, vm2;
	vm1 =	vmand vm0, vm3  }
0x9c: {  	v11 =	vsel vm2, $0x1, v4;
	v12 =	vsel vm1, $0x1, v4  }
.Ltmp2:
0x9d: {  	(xrf0) =	vadd.scan.msk.s32 $0xffff, v11;
	(pc) =	sbr.rel @p1 .LBB2_3-.Ltmp2, $3  }
0x9e: {  	(xrf0) =	vadd.scan.msk.s32 $0xffff, v12;
	_ =	sdelay $0x1  }
0x9f: {  	s6 =	spop (v2sf)  }
0xa0: {  	s6 =	sadd.s32 s6, s11;
	s12 =	spop (v2sf)  }
0xa1: {  	_ = 	snop  }
0xa2: {  	v11, _, _ =	vpop (xrf0)  }
0xa3: {  	v12 =	vxor.u32 $0x80000000, v11;
	v13, _, _ =	vpop (xrf0)  }
0xa4: {  	v14 =	vxor.u32 $0x80000000, v13;
	(xrf0) =	vmax.scan.msk.u32 $0xffff, v12  }
0xa5: {  	(xrf0) =	vmax.scan.msk.u32 $0xffff, v14;
	_ =	sdelay $0x4  }
0xa6: {  	v12, _, _ =	vpop (xrf0)  }
0xa7: {  	(v2sf) =	vpush v12, $0xF;
	v59, _, _ =	vpop (xrf0)  }
0xa8: {  	(v2sf) =	vpush v59, $0xF;
	_ =	sdelay $0x3  }
0xa9: {  	s6 =	sadd.s32 $0x80000000, s6  }
0xaa: {  	s9 =	sadd.s32 s12, s13;
	v60 =	vmov s6  }
0xab: {  	s4 =	sadd.s32 $0x80000000, s9;
	v12 =	vadd.s32 $0xFFFFFFFF, v60  }
0xac: {  	v61 =	vmov s4;
	v12 =	vbroadcast v12, $0x0  }
0xad: {  	v14 =	vadd.s32 $0xFFFFFFFF, v61  }
0xae: {  	v14 =	vbroadcast v14, $0x0;
	v11 =	vadd.s32 v11, v12;
	_ =	sdelay $0x1  }
0xaf: {  	s2 =	sadd.s32 $0x1, s2;
	v62 =	vadd.s32 v13, v14  }
0xb0: {  	p1 =	sne.s32 s2, $0x8  }
.Ltmp3:
0xb1: {  	s3 =	sor.u32 s3, s5;
	(pc) =	sbr.rel @p1 .LBB2_2-.Ltmp3, $4  }
0xb2: {  	v63 =	vor.u32 s3, v3;
	[tilespmem:v11+s24+$0x0] =	vst.idx.msk vm2, v10;
	s14 =	spop (v2sf)  }
0xb3: {  	[tilespmem:v11+s25+$0x0] =	vst.idx.msk vm2, v63;
	s9 =	spop (v2sf)  }
0xb4: {  	[tilespmem:v62+s26+$0x0] =	vst.idx.msk vm1, v10;
	s3 =	sadd.s32 s14, s6;
	s30 =	sadd.s32 s9, s4  }
0xb5: {  	[tilespmem:v62+s28+$0x0] =	vst.idx.msk vm1, v63;
	s10 =	sadd.s32 $0x80000000, s3;
	s13 =	sadd.s32 $0x80000000, s30  }
0xb6: {  	s2 =	sadd.s32 $0xF, s10  }
0xb7: {  	s3 =	sand.u32 $0xF, s2  }
0xb8: {  	s30 =	sshra.s32 s2, $0x1F;
	p2 =	slt.s32 s2, $0x1;
	p1 =	sne.s32 s3, $0x0  }
.Ltmp4:
0xb9: {  	s3 =	sshrl.u32 s30, $0x1C;
	p1 =	por !p2, !p1;
	(pc) =	sbr.rel .LBB2_6-.Ltmp4, $4  }
0xba: {  	s2 =	sadd.s32 s3, s2;
	s3 =	simm.s32 $0x1;
	p1 =	por !p1, !p1  }
0xbb: {  	[dreg:$0x12] =	wrdreg s9;
	s2 =	sshra.s32 s2, $0x4;
	s3 =	simm.s32 @!p1 $0x0  }
0xbc: {  	[dreg:$0x11] =	wrdreg s4;
	s2 =	ssub.s32 s2, s3  }
0xbd: {  	v10 =	vmov s10;
	s12 =	simm.s32 $0x0;
	s3 =	simm.s32 $0x0;
	p1 =	slt.s32 s2, $0x1  }
.LBB2_8:
0xbe: {  	s30 =	simm.s32 $0x0;
	s11 =	smov.u32 s12;
	s10 =	simm.s32 $0xD00  }
.LBB2_12:
0xbf: {  	s4 =	sadd.s32 @p2 $0x10, s30  }
0xc0: {  	s5 =	smov.u32 @p2 s4  }
0xc1: {  	v14 =	vor.u32 s5, v3  }
0xc2: {  	vm2 =	vlt.s32 v11, v13;
	vm1 =	vlt.s32 v14, v10  }
0xc3: {  	vm3 =	vge.s32 v11, v12;
	vm1 =	vmand vm1, vm2  }
0xc4: {  	vm1 =	vmand vm1, vm3  }
0xc5: {  	v60 =	vsel vm1, $0x1, v4  }
0xc6: {  	(xrf0) =	vadd.scan.msk.s32 $0xffff, v60;
	_ =	sdelay $0x5  }
0xc7: {  	v12, _, _ =	vpop (xrf0)  }
0xc8: {  	v61 =	vxor.u32 $0x80000000, v12  }
0xc9: {  	(xrf0) =	vmax.scan.msk.u32 $0xffff, v61;
	_ =	sdelay $0x5  }
0xca: {  	v13, _, _ =	vpop (xrf0)  }
0xcb: {  	(v2sf) =	vpush v13, $0xF;
	_ =	sdelay $0x2  }
0xcc: {  	s4 =	spop @p2 (v2sf)  }
0xcd: {  	s4 =	sadd.s32 @p2 s4, s11  }
0xce: {  	s4 =	sadd.s32 @p2 $0x80000000, s4  }
0xcf: {  	s12 =	smov.u32 @p2 s4  }
0xd0: {  	v62 =	vmov s12  }
0xd1: {  	v13 =	vadd.s32 $0xFFFFFFFF, v62  }
0xd2: {  	v13 =	vbroadcast v13, $0x0  }
0xd3: {  	s4 =	sadd.s32 @p2 $0x10, s10  }
0xd4: {  	s9 =	smov.u32 @p2 s4;
	v12 =	vadd.s32 v12, v13  }
0xd5: {  	v63 =	vld [tilespmem:s9+$0x0];
	_ =	sdelay $0x2  }
0xd6: {  	s30 =	spop (v2sf)  }
0xd7: {  	[tilespmem:v12+s31+$0x0] =	vst.idx.msk vm1, v11;
	s4 =	sadd.s32 s30, s12  }
0xd8: {  	[tilespmem:v12+s0+$0x0] =	vst.idx.msk vm1, v63;
	s12 =	sadd.s32 $0x80000000, s4  }
.LBB2_13:
0xd9: {  	s3 =	sadd.s32 $0x1, s3  }
0xda: {  	p2 =	sne.s32 s3, $0x3D  }
.Ltmp5:
0xdb: {  	_ = 	snop;
	(pc) =	sbr.rel @!p2 .LBB2_14-.Ltmp5, $1  }
0xdc: {  	_ =	sdelay $0x3  }
.LBB2_6:
0xdd: {  	v11 =	vmov s3  }
.Ltmp6:
0xde: {  	_ = 	snop;
	(pc) =	sbr.rel @p1 .LBB2_13-.Ltmp6, $3  }
0xdf: {  	_ =	sdelay $0x1  }
0xe0: {  	v14 =	vmov s12;
	s4 =	simm.s32 $0x1A80  }
0xe1: {  	[tilespmem:v11+s4+$0x0] =	vst.idx.msk $0x1, v14  }
0xe2: {  	p3 =	sne.s32 s2, $0x1  }
.Ltmp7:
0xe3: {  	_ = 	snop;
	(pc) =	sbr.rel @!p3 .LBB2_8-.Ltmp7, $4  }
0xe4: {  	s5 =	sshll.u32 s3, $0x9;
	s4 =	rddreg [dreg:$0x6]  }
0xe5: {  	s10 =	simm.s32 $0x880;
	s5 =	sadd.s32 s4, s5  }
0xe6: {  	s9 =	simm.s32 $0xD00;
	v11 =	vld [tilespmem:s10+$0x0];
	s6 =	sadd.s32 $0x200, s5  }
0xe7: {  	p2 =	por $0x0, $0x0;
	v12 =	vmov s5;
	s5 =	simm.s32 $0x0;
	v13 =	vmov s6;
	s6 =	sadd.s32 $0xFFFFFFFF, s2  }
0xe8: {  	_ =	sdelay $0x1  }
0xe9: {  	v15 =	vor.u32 s5, v3  }
0xea: {  	vm1 =	vlt.s32 v15, v10;
	vm2 =	vlt.s32 v11, v13  }
0xeb: {  	vm3 =	vge.s32 v11, v12;
	vm1 =	vmand vm1, vm2  }
0xec: {  	vm1 =	vmand vm1, vm3  }
0xed: {  	v15 =	vsel vm1, $0x1, v4  }
0xee: {  	(xrf0) =	vadd.scan.msk.s32 $0xffff, v15;
	_ =	sdelay $0x5  }
0xef: {  	v14 =	vadd.s32 $0xFFFFFFFF, v14;
	v15, _, _ =	vpop (xrf0)  }
0xf0: {  	v14 =	vbroadcast v14, $0x0;
	v16 =	vxor.u32 $0x80000000, v15  }
0xf1: {  	(xrf0) =	vmax.scan.msk.u32 $0xffff, v16  }
0xf2: {  	v14 =	vadd.s32 v15, v14;
	_ =	sdelay $0x1  }
0xf3: {  	v15 =	vld [tilespmem:s9+$0x0];
	_ =	sdelay $0x1  }
0xf4: {  	p3 =	sne.s32 s6, $0x1  }
.Ltmp8:
0xf5: {  	[tilespmem:v14+s31+$0x0] =	vst.idx.msk vm1, v11;
	v11, _, _ =	vpop (xrf0);
	(pc) =	sbr.rel @!p3 .LBB2_10-.Ltmp8, $4  }
0xf6: {  	(v2sf) =	vpush v11, $0xF  }
0xf7: {  	s14 =	simm.s32 $0x890;
	[tilespmem:v14+s0+$0x0] =	vst.idx.msk vm1, v15  }
0xf8: {  	s6 =	sadd.s32 $0xFFFFFFFF, s6;
	p2 =	por $0x1, $0x1;
	v11 =	vld [tilespmem:s14+$0x0]  }
0xf9: {  	s30 =	simm.s32 $0x0;
	s11 =	smov.u32 s12;
	s10 =	simm.s32 $0xD00  }
.LBB2_11:
0xfa: {  	p3 =	sne.s32 s6, $0x1;
	_ =	sdelay $0x1  }
0xfb: {  	s30 =	sadd.s32 $0x10, s30  }
0xfc: {  	v14 =	vor.u32 s30, v3  }
0xfd: {  	vm2 =	vlt.s32 v11, v13;
	vm1 =	vlt.s32 v14, v10  }
0xfe: {  	vm3 =	vge.s32 v11, v12;
	vm1 =	vmand vm1, vm2  }
0xff: {  	vm1 =	vmand vm1, vm3  }
0x100: {  	v14 =	vsel vm1, $0x1, v4  }
0x101: {  	(xrf0) =	vadd.scan.msk.s32 $0xffff, v14;
	_ =	sdelay $0x2  }
0x102: {  	s4 =	spop (v2sf)  }
0x103: {  	s4 =	sadd.s32 s4, s11  }
0x104: {  	s11 =	sadd.s32 $0x80000000, s4  }
0x105: {  	v14 =	vmov s11;
	v15, _, _ =	vpop (xrf0)  }
0x106: {  	v14 =	vadd.s32 $0xFFFFFFFF, v14;
	v16 =	vxor.u32 $0x80000000, v15  }
0x107: {  	v14 =	vbroadcast v14, $0x0;
	(xrf0) =	vmax.scan.msk.u32 $0xffff, v16;
	_ =	sdelay $0x1  }
0x108: {  	s10 =	sadd.s32 $0x10, s10;
	v14 =	vadd.s32 v15, v14  }
0x109: {  	v15 =	vld [tilespmem:s10+$0x0];
	_ =	sdelay $0x2  }
.Ltmp9:
0x10a: {  	v16, _, _ =	vpop (xrf0);
	(pc) =	sbr.rel @p3 .LBB2_11-.Ltmp9, $4  }
0x10b: {  	[tilespmem:v14+s31+$0x0] =	vst.idx.msk vm1, v11;
	(v2sf) =	vpush v16, $0xF  }
0x10c: {  	[tilespmem:v14+s0+$0x0] =	vst.idx.msk vm1, v15  }
0x10d: {  	s14 =	sadd.s32 $0x10, s14  }
0x10e: {  	s6 =	sadd.s32 $0xFFFFFFFF, s6;
	v11 =	vld [tilespmem:s14+$0x0]  }
.Ltmp10:
0x10f: {  	_ = 	snop;
	(pc) =	sbr.rel .LBB2_12-.Ltmp10, $1  }
0x110: {  	_ =	sdelay $0x3  }
.LBB2_10:
.Ltmp11:
0x111: {  	(pc) =	sbr.rel .LBB2_12-.Ltmp11, $2  }
0x112: {  	_ =	sdelay $0x2  }
0x113: {  	s30 =	simm.s32 $0x0;
	s11 =	smov.u32 s12;
	s10 =	simm.s32 $0xD00  }
.LBB2_14:
0x114: {  	s2 =	sadd.s32 $0xF, s12  }
0x115: {  	s3 =	sand.u32 $0xF, s2  }
0x116: {  	s14 =	sshra.s32 s2, $0x1F;
	p2 =	slt.s32 s2, $0x1;
	p1 =	sne.s32 s3, $0x0  }
0x117: {  	s3 =	sshrl.u32 s14, $0x1C;
	p1 =	por !p2, !p1  }
0x118: {  	s2 =	sadd.s32 s3, s2;
	s3 =	simm.s32 $0x1;
	p1 =	por !p1, !p1  }
0x119: {  	s2 =	sshra.s32 s2, $0x4;
	s3 =	simm.s32 @!p1 $0x0  }
0x11a: {  	s3 =	ssub.s32 s2, s3  }
0x11b: {  	p1 =	slt.s32 s3, $0x1  }
.Ltmp12:
0x11c: {  	_ = 	snop;
	(pc) =	sbr.rel @p1 .LBB2_23-.Ltmp12, $3  }
0x11d: {  	_ =	sdelay $0x1  }
0x11e: {  	v10 =	vmov s12;
	s30 =	simm.s32 $0x1A80  }
0x11f: {  	[tilespmem:v5+s30+$0x0] =	vst.idx.msk $0x1, v10  }
0x120: {  	p3 =	sne.s32 s3, $0x1  }
.Ltmp13:
0x121: {  	_ = 	snop;
	(pc) =	sbr.rel @!p3 .LBB2_16-.Ltmp13, $4  }
0x122: {  	s4 =	simm.s32 $0x0  }
0x123: {  	v11 =	vor.u32 s4, v3  }
0x124: {  	s2 =	simm.s32 $0x1600;
	s3 =	sadd.s32 $0xFFFFFFFF, s3;
	v12 =	vmov s4;
	vm1 =	vgt.s32 v11, $0x0  }
0x125: {  	s5 =	simm.s32 $0x10;
	p1 =	por $0x0, $0x0;
	p2 =	por $0x0, $0x0;
	v12 =	vshra.s32 v12, $0x1F;
	vm1 =	vmmov vm1  }
0x126: {  	v13 =	vshrl.u32 v12, $0x19  }
0x127: {  	p3 =	sne.s32 s3, $0x1;
	v13 =	vadd.s32 v13, v11  }
.Ltmp14:
0x128: {  	v17 =	vor.u32 s5, v3;
	v14 =	vsel vm1, $0x1, v4;
	v13 =	vshra.s32 v13, $0x7;
	(pc) =	sbr.rel @!p3 .LBB2_18-.Ltmp14, $4  }
0x129: {  	vm1 =	vgt.s32 v17, $0x0;
	v12 =	vadd.s32 v14, v12;
	v14 =	vshll.u32 v13, $0x7  }
0x12a: {  	vm2 =	vne.s32 v12, $0x1;
	v12 =	vmov s5;
	vm3 =	vne.s32 v11, v14  }
0x12b: {  	vm1 =	vmmov vm1;
	v12 =	vshra.s32 v12, $0x1F;
	vm2 =	vmand vm3, vm2  }
0x12c: {  	s3 =	sadd.s32 $0xFFFFFFFF, s3;
	s6 =	simm.s32 $0x20;
	p1 =	por $0x1, $0x1;
	v14 =	vand.u32 $0x7F, v11;
	vm3 =	vlt.s32 v11, v10;
	v18 =	vsel vm2, $0xFFFFFFFF, v4  }
0x12d: {  	v11 =	vor.u32 s6, v3  }
0x12e: {  	v15 =	vshrl.u32 v12, $0x19;
	v13 =	vadd.s32 v18, v13;
	vm2 =	vmmov vm3  }
0x12f: {  	v18 =	vsel vm1, $0x1, v4;
	p3 =	sne.s32 s3, $0x1;
	vm3 =	vgt.s32 v11, $0x0;
	v15 =	vadd.s32 v15, v17  }
.Ltmp15:
0x130: {  	v16 =	vshll.u32 v13, $0x7;
	v12 =	vadd.s32 v18, v12;
	v13 =	vshra.s32 v15, $0x7;
	(pc) =	sbr.rel @!p3 .LBB2_20-.Ltmp15, $4  }
0x131: {  	v15 =	vor.u32 v14, v16;
	vm1 =	vmmov vm3;
	v16 =	vld [tilespmem:s2+$0x0];
	v14 =	vshll.u32 v13, $0x7  }
0x132: {  	vm3 =	vne.s32 v12, $0x1;
	v12 =	vmov s6;
	vm4 =	vne.s32 v17, v14  }
0x133: {  	s5 =	sadd.s32 $0xFFFFFFFF, s3;
	v12 =	vshra.s32 v12, $0x1F;
	vm4 =	vmand vm4, vm3  }
0x134: {  	p2 =	por $0x1, $0x1;
	s3 =	simm.s32 $0x1600;
	s6 =	simm.s32 $0x30;
	v14 =	vand.u32 $0x7F, v17;
	vm3 =	vlt.s32 v17, v10;
	v18 =	vsel vm4, $0xFFFFFFFF, v4  }
.LBB2_21:
0x135: {  	v17 =	vor.u32 s6, v3  }
0x136: {  	p3 =	sne.s32 s5, $0x1;
	s5 =	sadd.s32 $0xFFFFFFFF, s5;
	v19 =	vshrl.u32 v12, $0x19;
	v13 =	vadd.s32 v18, v13;
	[tilespmem:v15+s1+$0x0] =	vst.idx.msk vm2, v16;
	s3 =	sadd.s32 $0x10, s3;
	vm2 =	vmmov vm3  }
0x137: {  	vm3 =	vgt.s32 v17, $0x0;
	v15 =	vadd.s32 v19, v11;
	v18 =	vshll.u32 v13, $0x7  }
.Ltmp16:
0x138: {  	v19 =	vsel vm1, $0x1, v4;
	v13 =	vshra.s32 v15, $0x7;
	v16 =	vld [tilespmem:s3+$0x0];
	v15 =	vor.u32 v14, v18;
	(pc) =	sbr.rel @p3 .LBB2_21-.Ltmp16, $4  }
0x139: {  	v12 =	vadd.s32 v19, v12;
	vm1 =	vmmov vm3;
	v14 =	vshll.u32 v13, $0x7  }
0x13a: {  	vm3 =	vne.s32 v12, $0x1;
	vm4 =	vne.s32 v11, v14  }
0x13b: {  	v12 =	vmov s6;
	v14 =	vand.u32 $0x7F, v11;
	vm4 =	vmand vm4, vm3  }
0x13c: {  	s6 =	sadd.s32 $0x10, s6;
	v12 =	vshra.s32 v12, $0x1F;
	vm3 =	vlt.s32 v11, v10;
	v11 =	vmovc v17;
	v18 =	vsel vm4, $0xFFFFFFFF, v4  }
.LBB2_22:
0x13d: {  	_ =	sdelay $0x4  }
0x13e: {  	v17 =	vshrl.u32 v12, $0x19;
	v13 =	vadd.s32 @p1 v18, v13;
	s3 =	sadd.s32 @p2 $0x10, s3;
	s4 =	simm.s32 $0x1600;
	[tilespmem:v15+s1+$0x0] =	vst.idx.msk @p2 vm2, v16;
	vm2 =	vmmov @p1 vm3  }
0x13f: {  	v59 =	vsel vm1, $0x1, v4;
	v17 =	vadd.s32 v17, v11;
	v13 =	vshll.u32 @p1 v13, $0x7;
	s4 =	smov.u32 @p2 s3  }
0x140: {  	vm1 =	vmmov @p1 vm2;
	v58 =	vshra.s32 v17, $0x7;
	v17 =	vld @p1 [tilespmem:s4+$0x0];
	v13 =	vor.u32 @p1 v14, v13  }
0x141: {  	v60 =	vadd.s32 v59, v12;
	v61 =	vshll.u32 v58, $0x7;
	v13 =	vpsel p1, v13, v0  }
0x142: {  	vm2 =	vne.s32 v60, $0x1;
	vm3 =	vne.s32 v11, v61  }
0x143: {  	vm2 =	vmand vm3, vm2  }
0x144: {  	v62 =	vsel vm2, $0xFFFFFFFF, v4  }
0x145: {  	s3 =	sadd.s32 @p1 $0x10, s4;
	vm2 =	vlt.s32 v11, v10;
	v10 =	vpsel p1, v17, v0;
	v12 =	vadd.s32 v62, v58  }
0x146: {  	s2 =	smov.u32 @p1 s3;
	v11 =	vand.u32 $0x7F, v11;
	[tilespmem:v13+s1+$0x0] =	vst.idx.msk @p1 vm1, v10;
	v10 =	vshll.u32 v12, $0x7  }
0x147: {  	v63 =	vld [tilespmem:s2+$0x0];
	v10 =	vor.u32 v11, v10;
	_ =	sdelay $0x4  }
0x148: {  	vm1 =	vmmov vm2;
	[tilespmem:v10+s1+$0x0] =	vst.idx.msk vm2, v63  }
.LBB2_23:
0x149: {  	s9 =	simm.s32 $0x0  }
.LBB2_24:
0x14a: {  	s2 =	smul.u32 $0x10C98, s9;
	_ =	sdelay $0x1  }
0x14b: {  	s2 =	sshrl.u32 s2, $0x13  }
0x14c: {  	s2 =	smul.u32 $0x3D, s2  }
0x14d: {  	s11 =	sshll.u32 s9, $0x3  }
0x14e: {  	_ =	swait.ge [sflag:s29], $0x1000;
	s2 =	ssub.s32 s11, s2  }
0x14f: {  	[sflag:s29] =	ssyncset.done $0x0;
	s5 =	sand.u32 $0xFFFF, s2  }
0x150: {  	[sflag:s29] =	ssyncadd.s32 $0xFFFFF000;
	s2 =	sor.u32 $0x1A80, s5  }
0x151: {  	v10 =	vld [tilespmem:s2+$0x0]  }
0x152: {  	v11 =	vld [tilespmem:s5+$0x1A81];
	_ =	sdelay $0x3  }
0x153: {  	(v2sf) =	vpush v10, $0x0  }
0x154: {  	(v2sf) =	vpush v11, $0x0;
	_ =	sdelay $0xd  }
0x155: {  	s10 =	spop (v2sf)  }
0x156: {  	s14 =	spop (v2sf)  }
0x157: {  	s6 =	ssub.s32 s14, s10  }
0x158: {  	s2 =	sadd.s32 $0xF, s6  }
0x159: {  	s3 =	sand.u32 $0xF, s2  }
0x15a: {  	s30 =	sshra.s32 s2, $0x1F;
	p2 =	slt.s32 s2, $0x1;
	p1 =	sne.s32 s3, $0x0  }
0x15b: {  	s3 =	sshrl.u32 s30, $0x1C;
	p1 =	por !p2, !p1  }
0x15c: {  	s2 =	sadd.s32 s3, s2;
	s3 =	simm.s32 $0x1;
	p1 =	por !p1, !p1  }
0x15d: {  	s2 =	sshra.s32 s2, $0x4;
	s3 =	simm.s32 @!p1 $0x0  }
0x15e: {  	s3 =	ssub.s32 s2, s3  }
0x15f: {  	p1 =	slt.s32 s3, $0x1  }
.Ltmp17:
0x160: {  	_ = 	snop;
	(pc) =	sbr.rel @p1 .LBB2_28-.Ltmp17, $1  }
0x161: {  	_ =	sdelay $0x3  }
0x162: {  	s2 =	sshll.u32 s10, $0x2  }
0x163: {  	s2 =	sshra.s32 s2, $0x2  }
0x164: {  	s2 =	sadd.s32 $0x1180, s2  }
0x165: {  	v12 =	vld [tilespmem:s2+$0x0];
	_ =	sdelay $0x1  }
0x166: {  	s4 =	sshll.u32 s5, $0x9;
	s14 =	rddreg [dreg:$0x6]  }
0x167: {  	s4 =	sadd.s32 s14, s4  }
0x168: {  	v10 =	vmov s4  }
0x169: {  	s5 =	smul.u32 $0x2193, s11;
	s30 =	simm.s32 $0x0;
	v13 =	vsub.s32 v12, v10  }
0x16a: {  	v11 =	vmov s6;
	v14 =	vor.u32 s30, v3;
	v13 =	vshll.u32 v13, $0x3  }
0x16b: {  	s4 =	sshrl.u32 s5, $0x10;
	vm1 =	vlt.s32 v14, v11;
	v12 =	vand.u32 $0x7F, v12;
	v13 =	vand.u32 $0xFFFFFC00, v13  }
0x16c: {  	s4 =	sand.u32 $0x3FF8, s4;
	v19 =	vor.u32 v12, v13  }
0x16d: {  	s14 =	sadd.s32 $0x0, s10;
	v12 =	vmov s4  }
0x16e: {  	v13 =	vmov s14;
	v12 =	vand.u32 $0x78, v12  }
0x16f: {  	v13 =	vshll.u32 v13, $0x7;
	v12 =	vbroadcast v12, $0x0  }
0x170: {  	v21 =	vadd.s32 v6, v13  }
0x171: {  	v15 =	vor.u32 v12, v21;
	v14 =	vld.idx.msk [tilespmem:v19+s15+$0x0], vm1  }
0x172: {  	v16 =	vor.u32 $0x80, v19  }
0x173: {  	s6 =	sor.u32 $0x1, s4  }
0x174: {  	v13 =	vmov s6  }
0x175: {  	v13 =	vbroadcast v13, $0x0  }
0x176: {  	[tilespmem:v15+s7+$0x0] =	vst.idx.msk vm1, v14  }
0x177: {  	v15 =	vld.idx.msk [tilespmem:v16+s15+$0x0], vm1;
	v16 =	vadd.s32 v13, v21  }
0x178: {  	v17 =	vor.u32 $0x100, v19  }
0x179: {  	s14 =	sor.u32 $0x2, s4  }
0x17a: {  	v14 =	vmov s14  }
0x17b: {  	v14 =	vbroadcast v14, $0x0  }
0x17c: {  	[tilespmem:v16+s7+$0x0] =	vst.idx.msk vm1, v15  }
0x17d: {  	v16 =	vld.idx.msk [tilespmem:v17+s15+$0x0], vm1;
	v17 =	vadd.s32 v14, v21  }
0x17e: {  	v18 =	vor.u32 $0x180, v19  }
0x17f: {  	s6 =	sor.u32 $0x3, s4  }
0x180: {  	v15 =	vmov s6  }
0x181: {  	v15 =	vbroadcast v15, $0x0  }
0x182: {  	[tilespmem:v17+s7+$0x0] =	vst.idx.msk vm1, v16  }
0x183: {  	v17 =	vld.idx.msk [tilespmem:v18+s15+$0x0], vm1;
	v18 =	vadd.s32 v15, v21  }
0x184: {  	v20 =	vor.u32 $0x200, v19  }
0x185: {  	s14 =	sor.u32 $0x4, s4  }
0x186: {  	v16 =	vmov s14  }
0x187: {  	v16 =	vbroadcast v16, $0x0  }
0x188: {  	[tilespmem:v18+s7+$0x0] =	vst.idx.msk vm1, v17  }
0x189: {  	v18 =	vld.idx.msk [tilespmem:v20+s15+$0x0], vm1;
	v20 =	vadd.s32 v16, v21  }
0x18a: {  	v22 =	vor.u32 $0x280, v19  }
0x18b: {  	s6 =	sor.u32 $0x5, s4  }
0x18c: {  	v17 =	vmov s6  }
0x18d: {  	v17 =	vbroadcast v17, $0x0  }
0x18e: {  	[tilespmem:v20+s7+$0x0] =	vst.idx.msk vm1, v18  }
0x18f: {  	v20 =	vld.idx.msk [tilespmem:v22+s15+$0x0], vm1;
	v22 =	vadd.s32 v17, v21  }
0x190: {  	v23 =	vor.u32 $0x300, v19  }
0x191: {  	s14 =	sor.u32 $0x6, s4  }
0x192: {  	v18 =	vmov s14  }
0x193: {  	v18 =	vbroadcast v18, $0x0  }
0x194: {  	[tilespmem:v22+s7+$0x0] =	vst.idx.msk vm1, v20  }
0x195: {  	v22 =	vadd.s32 v18, v21;
	v20 =	vld.idx.msk [tilespmem:v23+s15+$0x0], vm1  }
0x196: {  	p1 =	sne.s32 s3, $0x1;
	v23 =	vor.u32 $0x380, v19  }
.Ltmp18:
0x197: {  	s4 =	sor.u32 $0x7, s4;
	(pc) =	sbr.rel @!p1 .LBB2_27-.Ltmp18, $4  }
0x198: {  	v19 =	vmov s4  }
0x199: {  	v19 =	vbroadcast v19, $0x0  }
0x19a: {  	[tilespmem:v22+s7+$0x0] =	vst.idx.msk vm1, v20  }
0x19b: {  	s3 =	sadd.s32 $0xFFFFFFFF, s3;
	v21 =	vadd.s32 v19, v21;
	v20 =	vld.idx.msk [tilespmem:v23+s15+$0x0], vm1  }
.LBB2_26:
0x19c: {  	_ =	sdelay $0x3  }
0x19d: {  	p1 =	sne.s32 s3, $0x1;
	s2 =	sadd.s32 $0x10, s2;
	s30 =	sadd.s32 $0x10, s30;
	[tilespmem:v21+s7+$0x0] =	vst.idx.msk vm1, v20  }
0x19e: {  	s3 =	sadd.s32 $0xFFFFFFFF, s3;
	v20 =	vld [tilespmem:s2+$0x0];
	_ =	sdelay $0x4  }
0x19f: {  	v21 =	vsub.s32 v20, v10  }
0x1a0: {  	v22 =	vor.u32 s30, v3;
	v21 =	vshll.u32 v21, $0x3  }
0x1a1: {  	vm1 =	vlt.s32 v22, v11;
	v20 =	vand.u32 $0x7F, v20;
	v21 =	vand.u32 $0xFFFFFC00, v21  }
0x1a2: {  	v20 =	vor.u32 v20, v21;
	_ =	sdelay $0x1  }
0x1a3: {  	s4 =	sadd.s32 s30, s10  }
0x1a4: {  	v21 =	vmov s4  }
0x1a5: {  	v21 =	vshll.u32 v21, $0x7  }
0x1a6: {  	v21 =	vadd.s32 v6, v21;
	v22 =	vld.idx.msk [tilespmem:v20+s15+$0x0], vm1  }
0x1a7: {  	v23 =	vor.u32 v12, v21  }
0x1a8: {  	v24 =	vor.u32 $0x80, v20;
	_ =	sdelay $0x3  }
0x1a9: {  	[tilespmem:v23+s7+$0x0] =	vst.idx.msk vm1, v22  }
0x1aa: {  	v22 =	vld.idx.msk [tilespmem:v24+s15+$0x0], vm1  }
0x1ab: {  	v23 =	vadd.s32 v13, v21  }
0x1ac: {  	v24 =	vor.u32 $0x100, v20;
	_ =	sdelay $0x3  }
0x1ad: {  	[tilespmem:v23+s7+$0x0] =	vst.idx.msk vm1, v22  }
0x1ae: {  	v22 =	vld.idx.msk [tilespmem:v24+s15+$0x0], vm1  }
0x1af: {  	v23 =	vadd.s32 v14, v21  }
0x1b0: {  	v24 =	vor.u32 $0x180, v20;
	_ =	sdelay $0x3  }
0x1b1: {  	[tilespmem:v23+s7+$0x0] =	vst.idx.msk vm1, v22  }
0x1b2: {  	v22 =	vld.idx.msk [tilespmem:v24+s15+$0x0], vm1  }
0x1b3: {  	v23 =	vadd.s32 v15, v21  }
0x1b4: {  	v24 =	vor.u32 $0x200, v20;
	_ =	sdelay $0x3  }
0x1b5: {  	[tilespmem:v23+s7+$0x0] =	vst.idx.msk vm1, v22  }
0x1b6: {  	v22 =	vld.idx.msk [tilespmem:v24+s15+$0x0], vm1  }
0x1b7: {  	v23 =	vadd.s32 v16, v21  }
0x1b8: {  	v24 =	vor.u32 $0x280, v20;
	_ =	sdelay $0x3  }
0x1b9: {  	[tilespmem:v23+s7+$0x0] =	vst.idx.msk vm1, v22  }
0x1ba: {  	v22 =	vld.idx.msk [tilespmem:v24+s15+$0x0], vm1  }
0x1bb: {  	v23 =	vadd.s32 v17, v21  }
0x1bc: {  	v24 =	vor.u32 $0x300, v20;
	_ =	sdelay $0x3  }
0x1bd: {  	[tilespmem:v23+s7+$0x0] =	vst.idx.msk vm1, v22  }
0x1be: {  	v22 =	vld.idx.msk [tilespmem:v24+s15+$0x0], vm1  }
0x1bf: {  	v23 =	vadd.s32 v18, v21  }
0x1c0: {  	v20 =	vor.u32 $0x380, v20;
	_ =	sdelay $0x1  }
.Ltmp19:
0x1c1: {  	(pc) =	sbr.rel @p1 .LBB2_26-.Ltmp19, $4  }
0x1c2: {  	_ = 	snop  }
0x1c3: {  	[tilespmem:v23+s7+$0x0] =	vst.idx.msk vm1, v22  }
0x1c4: {  	v20 =	vld.idx.msk [tilespmem:v20+s15+$0x0], vm1  }
0x1c5: {  	v21 =	vadd.s32 v19, v21  }
.LBB2_27:
0x1c6: {  	_ =	sdelay $0x4  }
0x1c7: {  	[tilespmem:v21+s7+$0x0] =	vst.idx.msk vm1, v20  }
.LBB2_28:
0x1c8: {  	p1 =	seq.s32 s9, $0x3C  }
0x1c9: {  	s2 =	sadd.s32 @!p1 $0x8, s11  }
0x1ca: {  	s3 =	smulhi.u32 @!p1 $0x4325C53F, s2;
	_ =	sdelay $0x1  }
0x1cb: {  	s3 =	sshrl.u32 @!p1 s3, $0x4  }
0x1cc: {  	s4 =	smul.u32 @!p1 $0x3D, s3  }
0x1cd: {  	s30 =	sor.u32 $0x1, s11  }
0x1ce: {  	s6 =	smulhi.u32 $0x4325C53F, s30;
	s2 =	ssub.s32 @!p1 s2, s4  }
0x1cf: {  	s3 =	smul.u32 @!p1 $0xF4280, s3;
	s4 =	rddreg [dreg:$0x7];
	s2 =	sshll.u32 @!p1 s2, $0x9  }
0x1d0: {  	s10 =	simm.s32 @!p1 $0x0;
	s2 =	sadd.s32 @!p1 s2, s4  }
0x1d1: {  	s5 =	sshrl.u32 s6, $0x4;
	s4 =	simm.s32 @!p1 $0x15C00;
	s2 =	sadd.s32 @!p1 s3, s2  }
0x1d2: {  	[tilespmem:s4], [sflag:$0x1] =	stream.linear.gather @!p1 [hbm4b:s2+s10], $0x1000, $0x38;
	[tilespmem:$0x1E280] =	vst v63  }
0x1d3: {  	s2 =	smul.u32 $0x3D, s5  }
0x1d4: {  	_ =	swait.ge [sflag:s29], $0x1000  }
0x1d5: {  	[sflag:s29] =	ssyncset.done $0x0;
	s3 =	ssub.s32 s30, s2  }
0x1d6: {  	[sflag:s29] =	ssyncadd.s32 $0xFFFFF000;
	s2 =	sor.u32 $0x1A80, s3  }
0x1d7: {  	v10 =	vld [tilespmem:s2+$0x0]  }
0x1d8: {  	v11 =	vld [tilespmem:s3+$0x1A81];
	_ =	sdelay $0x3  }
0x1d9: {  	(v2sf) =	vpush v10, $0x0  }
0x1da: {  	(v2sf) =	vpush v11, $0x0;
	_ =	sdelay $0xd  }
0x1db: {  	s2 =	spop (v2sf)  }
0x1dc: {  	s14 =	spop (v2sf)  }
0x1dd: {  	s14 =	ssub.s32 s14, s2  }
0x1de: {  	s4 =	sadd.s32 $0xF, s14  }
0x1df: {  	s5 =	sand.u32 $0xF, s4  }
0x1e0: {  	s30 =	sshra.s32 s4, $0x1F;
	p3 =	slt.s32 s4, $0x1;
	p2 =	sne.s32 s5, $0x0  }
0x1e1: {  	s5 =	sshrl.u32 s30, $0x1C;
	p2 =	por !p3, !p2  }
0x1e2: {  	s4 =	sadd.s32 s5, s4;
	s5 =	simm.s32 $0x1;
	p2 =	por !p2, !p2  }
0x1e3: {  	s4 =	sshra.s32 s4, $0x4;
	s5 =	simm.s32 @!p2 $0x0  }
0x1e4: {  	s5 =	ssub.s32 s4, s5  }
0x1e5: {  	p2 =	slt.s32 s5, $0x1  }
.Ltmp20:
0x1e6: {  	_ = 	snop;
	(pc) =	sbr.rel @p2 .LBB2_32-.Ltmp20, $1  }
0x1e7: {  	_ =	sdelay $0x3  }
0x1e8: {  	s4 =	sshll.u32 s2, $0x2  }
0x1e9: {  	s4 =	sshra.s32 s4, $0x2  }
0x1ea: {  	s30 =	sadd.s32 $0x1180, s4  }
0x1eb: {  	v12 =	vld [tilespmem:s30+$0x0];
	_ =	sdelay $0x1  }
0x1ec: {  	s3 =	sshll.u32 s3, $0x9;
	s4 =	rddreg [dreg:$0x6]  }
0x1ed: {  	s3 =	sadd.s32 s4, s3  }
0x1ee: {  	v10 =	vmov s3  }
0x1ef: {  	s3 =	simm.s32 $0x0;
	v13 =	vsub.s32 v12, v10  }
0x1f0: {  	v11 =	vmov s14;
	v14 =	vor.u32 s3, v3;
	v13 =	vshll.u32 v13, $0x3  }
0x1f1: {  	vm1 =	vlt.s32 v14, v11;
	v12 =	vand.u32 $0x7F, v12;
	v13 =	vand.u32 $0xFFFFFC00, v13  }
0x1f2: {  	s6 =	sshrl.u32 s6, $0x1;
	v19 =	vor.u32 v12, v13  }
0x1f3: {  	s14 =	sadd.s32 $0x0, s2;
	s4 =	sand.u32 $0x1FFFFFF8, s6  }
0x1f4: {  	v12 =	vmov s4;
	v13 =	vmov s14  }
0x1f5: {  	v12 =	vbroadcast v12, $0x0;
	v13 =	vshll.u32 v13, $0x7  }
0x1f6: {  	v21 =	vadd.s32 v6, v13  }
0x1f7: {  	v15 =	vadd.s32 v12, v21;
	v14 =	vld.idx.msk [tilespmem:v19+s16+$0x0], vm1  }
0x1f8: {  	v16 =	vor.u32 $0x80, v19  }
0x1f9: {  	s14 =	sor.u32 $0x1, s4  }
0x1fa: {  	v13 =	vmov s14  }
0x1fb: {  	v13 =	vbroadcast v13, $0x0  }
0x1fc: {  	[tilespmem:v15+s7+$0x0] =	vst.idx.msk vm1, v14  }
0x1fd: {  	v15 =	vld.idx.msk [tilespmem:v16+s16+$0x0], vm1;
	v16 =	vadd.s32 v13, v21  }
0x1fe: {  	v17 =	vor.u32 $0x100, v19  }
0x1ff: {  	s14 =	sor.u32 $0x2, s4  }
0x200: {  	v14 =	vmov s14  }
0x201: {  	v14 =	vbroadcast v14, $0x0  }
0x202: {  	[tilespmem:v16+s7+$0x0] =	vst.idx.msk vm1, v15  }
0x203: {  	v16 =	vld.idx.msk [tilespmem:v17+s16+$0x0], vm1;
	v17 =	vadd.s32 v14, v21  }
0x204: {  	v18 =	vor.u32 $0x180, v19  }
0x205: {  	s14 =	sor.u32 $0x3, s4  }
0x206: {  	v15 =	vmov s14  }
0x207: {  	v15 =	vbroadcast v15, $0x0  }
0x208: {  	[tilespmem:v17+s7+$0x0] =	vst.idx.msk vm1, v16  }
0x209: {  	v17 =	vld.idx.msk [tilespmem:v18+s16+$0x0], vm1;
	v18 =	vadd.s32 v15, v21  }
0x20a: {  	v20 =	vor.u32 $0x200, v19  }
0x20b: {  	s14 =	sor.u32 $0x4, s4  }
0x20c: {  	v16 =	vmov s14  }
0x20d: {  	v16 =	vbroadcast v16, $0x0  }
0x20e: {  	[tilespmem:v18+s7+$0x0] =	vst.idx.msk vm1, v17  }
0x20f: {  	v18 =	vld.idx.msk [tilespmem:v20+s16+$0x0], vm1;
	v20 =	vadd.s32 v16, v21  }
0x210: {  	v22 =	vor.u32 $0x280, v19  }
0x211: {  	s14 =	sor.u32 $0x5, s4  }
0x212: {  	v17 =	vmov s14  }
0x213: {  	v17 =	vbroadcast v17, $0x0  }
0x214: {  	[tilespmem:v20+s7+$0x0] =	vst.idx.msk vm1, v18  }
0x215: {  	v20 =	vld.idx.msk [tilespmem:v22+s16+$0x0], vm1;
	v22 =	vadd.s32 v17, v21  }
0x216: {  	v23 =	vor.u32 $0x300, v19  }
0x217: {  	s14 =	sor.u32 $0x6, s4  }
0x218: {  	v18 =	vmov s14  }
0x219: {  	v18 =	vbroadcast v18, $0x0  }
0x21a: {  	[tilespmem:v22+s7+$0x0] =	vst.idx.msk vm1, v20  }
0x21b: {  	v22 =	vadd.s32 v18, v21;
	v20 =	vld.idx.msk [tilespmem:v23+s16+$0x0], vm1  }
0x21c: {  	p2 =	sne.s32 s5, $0x1;
	v23 =	vor.u32 $0x380, v19  }
.Ltmp21:
0x21d: {  	s4 =	sor.u32 $0x7, s4;
	(pc) =	sbr.rel @!p2 .LBB2_31-.Ltmp21, $4  }
0x21e: {  	v19 =	vmov s4  }
0x21f: {  	v19 =	vbroadcast v19, $0x0  }
0x220: {  	[tilespmem:v22+s7+$0x0] =	vst.idx.msk vm1, v20  }
0x221: {  	s5 =	sadd.s32 $0xFFFFFFFF, s5;
	v21 =	vadd.s32 v19, v21;
	v20 =	vld.idx.msk [tilespmem:v23+s16+$0x0], vm1  }
.LBB2_30:
0x222: {  	_ =	sdelay $0x3  }
0x223: {  	p2 =	sne.s32 s5, $0x1;
	s30 =	sadd.s32 $0x10, s30;
	s3 =	sadd.s32 $0x10, s3;
	[tilespmem:v21+s7+$0x0] =	vst.idx.msk vm1, v20  }
0x224: {  	s5 =	sadd.s32 $0xFFFFFFFF, s5;
	v20 =	vld [tilespmem:s30+$0x0];
	_ =	sdelay $0x4  }
0x225: {  	v21 =	vsub.s32 v20, v10  }
0x226: {  	v22 =	vor.u32 s3, v3;
	v21 =	vshll.u32 v21, $0x3  }
0x227: {  	vm1 =	vlt.s32 v22, v11;
	v20 =	vand.u32 $0x7F, v20;
	v21 =	vand.u32 $0xFFFFFC00, v21  }
0x228: {  	v20 =	vor.u32 v20, v21;
	_ =	sdelay $0x1  }
0x229: {  	s4 =	sadd.s32 s3, s2  }
0x22a: {  	v21 =	vmov s4  }
0x22b: {  	v21 =	vshll.u32 v21, $0x7  }
0x22c: {  	v21 =	vadd.s32 v6, v21;
	v22 =	vld.idx.msk [tilespmem:v20+s16+$0x0], vm1  }
0x22d: {  	v23 =	vadd.s32 v12, v21  }
0x22e: {  	v24 =	vor.u32 $0x80, v20;
	_ =	sdelay $0x3  }
0x22f: {  	[tilespmem:v23+s7+$0x0] =	vst.idx.msk vm1, v22  }
0x230: {  	v22 =	vld.idx.msk [tilespmem:v24+s16+$0x0], vm1  }
0x231: {  	v23 =	vadd.s32 v13, v21  }
0x232: {  	v24 =	vor.u32 $0x100, v20;
	_ =	sdelay $0x3  }
0x233: {  	[tilespmem:v23+s7+$0x0] =	vst.idx.msk vm1, v22  }
0x234: {  	v22 =	vld.idx.msk [tilespmem:v24+s16+$0x0], vm1  }
0x235: {  	v23 =	vadd.s32 v14, v21  }
0x236: {  	v24 =	vor.u32 $0x180, v20;
	_ =	sdelay $0x3  }
0x237: {  	[tilespmem:v23+s7+$0x0] =	vst.idx.msk vm1, v22  }
0x238: {  	v22 =	vld.idx.msk [tilespmem:v24+s16+$0x0], vm1  }
0x239: {  	v23 =	vadd.s32 v15, v21  }
0x23a: {  	v24 =	vor.u32 $0x200, v20;
	_ =	sdelay $0x3  }
0x23b: {  	[tilespmem:v23+s7+$0x0] =	vst.idx.msk vm1, v22  }
0x23c: {  	v22 =	vld.idx.msk [tilespmem:v24+s16+$0x0], vm1  }
0x23d: {  	v23 =	vadd.s32 v16, v21  }
0x23e: {  	v24 =	vor.u32 $0x280, v20;
	_ =	sdelay $0x3  }
0x23f: {  	[tilespmem:v23+s7+$0x0] =	vst.idx.msk vm1, v22  }
0x240: {  	v22 =	vld.idx.msk [tilespmem:v24+s16+$0x0], vm1  }
0x241: {  	v23 =	vadd.s32 v17, v21  }
0x242: {  	v24 =	vor.u32 $0x300, v20;
	_ =	sdelay $0x3  }
0x243: {  	[tilespmem:v23+s7+$0x0] =	vst.idx.msk vm1, v22  }
0x244: {  	v22 =	vld.idx.msk [tilespmem:v24+s16+$0x0], vm1  }
0x245: {  	v23 =	vadd.s32 v18, v21  }
0x246: {  	v20 =	vor.u32 $0x380, v20;
	_ =	sdelay $0x1  }
.Ltmp22:
0x247: {  	(pc) =	sbr.rel @p2 .LBB2_30-.Ltmp22, $4  }
0x248: {  	_ = 	snop  }
0x249: {  	[tilespmem:v23+s7+$0x0] =	vst.idx.msk vm1, v22  }
0x24a: {  	v20 =	vld.idx.msk [tilespmem:v20+s16+$0x0], vm1  }
0x24b: {  	v21 =	vadd.s32 v19, v21  }
.LBB2_31:
0x24c: {  	_ =	sdelay $0x4  }
0x24d: {  	[tilespmem:v21+s7+$0x0] =	vst.idx.msk vm1, v20  }
.LBB2_32:
0x24e: {  	s2 =	sadd.s32 @!p1 $0x9, s11  }
0x24f: {  	s3 =	smulhi.u32 @!p1 $0x4325C53F, s2;
	_ =	sdelay $0x1  }
0x250: {  	s3 =	sshrl.u32 @!p1 s3, $0x4  }
0x251: {  	s4 =	smul.u32 @!p1 $0x3D, s3;
	_ =	sdelay $0x1  }
0x252: {  	s2 =	ssub.s32 @!p1 s2, s4  }
0x253: {  	s3 =	smul.u32 @!p1 $0xF4280, s3;
	s4 =	rddreg [dreg:$0x7];
	s2 =	sshll.u32 @!p1 s2, $0x9  }
0x254: {  	s5 =	sor.u32 $0x2, s11;
	s2 =	sadd.s32 @!p1 s2, s4  }
0x255: {  	s6 =	smulhi.u32 $0x4325C53F, s5;
	s2 =	sadd.s32 @!p1 s3, s2;
	s3 =	simm.s32 @!p1 $0x16C00  }
0x256: {  	[tilespmem:s3], [sflag:$0x1] =	stream.linear.gather @!p1 [hbm4b:s2+s10], $0x1000, $0x38;
	[tilespmem:$0x1E280] =	vst v63  }
0x257: {  	s10 =	sshrl.u32 s6, $0x4  }
0x258: {  	s2 =	smul.u32 $0x3D, s10  }
0x259: {  	_ =	swait.ge [sflag:s29], $0x1000  }
0x25a: {  	[sflag:s29] =	ssyncset.done $0x0;
	s3 =	ssub.s32 s5, s2  }
0x25b: {  	[sflag:s29] =	ssyncadd.s32 $0xFFFFF000;
	s2 =	sor.u32 $0x1A80, s3  }
0x25c: {  	v10 =	vld [tilespmem:s2+$0x0]  }
0x25d: {  	v11 =	vld [tilespmem:s3+$0x1A81];
	_ =	sdelay $0x3  }
0x25e: {  	(v2sf) =	vpush v10, $0x0  }
0x25f: {  	(v2sf) =	vpush v11, $0x0;
	_ =	sdelay $0xd  }
0x260: {  	s2 =	spop (v2sf)  }
0x261: {  	s14 =	spop (v2sf)  }
0x262: {  	s14 =	ssub.s32 s14, s2  }
0x263: {  	s4 =	sadd.s32 $0xF, s14  }
0x264: {  	s5 =	sand.u32 $0xF, s4  }
0x265: {  	s30 =	sshra.s32 s4, $0x1F;
	p3 =	slt.s32 s4, $0x1;
	p2 =	sne.s32 s5, $0x0  }
0x266: {  	s5 =	sshrl.u32 s30, $0x1C;
	p2 =	por !p3, !p2  }
0x267: {  	s4 =	sadd.s32 s5, s4;
	s5 =	simm.s32 $0x1;
	p2 =	por !p2, !p2  }
0x268: {  	s4 =	sshra.s32 s4, $0x4;
	s5 =	simm.s32 @!p2 $0x0  }
0x269: {  	s5 =	ssub.s32 s4, s5  }
0x26a: {  	p2 =	slt.s32 s5, $0x1  }
.Ltmp23:
0x26b: {  	_ = 	snop;
	(pc) =	sbr.rel @p2 .LBB2_36-.Ltmp23, $1  }
0x26c: {  	_ =	sdelay $0x3  }
0x26d: {  	s4 =	sshll.u32 s2, $0x2  }
0x26e: {  	s4 =	sshra.s32 s4, $0x2  }
0x26f: {  	s10 =	sadd.s32 $0x1180, s4  }
0x270: {  	v12 =	vld [tilespmem:s10+$0x0];
	_ =	sdelay $0x1  }
0x271: {  	s3 =	sshll.u32 s3, $0x9;
	s30 =	rddreg [dreg:$0x6]  }
0x272: {  	s3 =	sadd.s32 s30, s3  }
0x273: {  	v10 =	vmov s3  }
0x274: {  	s3 =	simm.s32 $0x0;
	v13 =	vsub.s32 v12, v10  }
0x275: {  	v11 =	vmov s14;
	v14 =	vor.u32 s3, v3;
	v13 =	vshll.u32 v13, $0x3  }
0x276: {  	vm1 =	vlt.s32 v14, v11;
	v12 =	vand.u32 $0x7F, v12;
	v13 =	vand.u32 $0xFFFFFC00, v13  }
0x277: {  	s14 =	sshrl.u32 s6, $0x1;
	v19 =	vor.u32 v12, v13  }
0x278: {  	s30 =	sadd.s32 $0x0, s2;
	s4 =	sand.u32 $0x1FFFFFF8, s14  }
0x279: {  	v12 =	vmov s4;
	v13 =	vmov s30  }
0x27a: {  	v12 =	vbroadcast v12, $0x0;
	v13 =	vshll.u32 v13, $0x7  }
0x27b: {  	v21 =	vadd.s32 v6, v13  }
0x27c: {  	v15 =	vadd.s32 v12, v21;
	v14 =	vld.idx.msk [tilespmem:v19+s17+$0x0], vm1  }
0x27d: {  	v16 =	vor.u32 $0x80, v19  }
0x27e: {  	s14 =	sor.u32 $0x1, s4  }
0x27f: {  	v13 =	vmov s14  }
0x280: {  	v13 =	vbroadcast v13, $0x0  }
0x281: {  	[tilespmem:v15+s7+$0x0] =	vst.idx.msk vm1, v14  }
0x282: {  	v15 =	vld.idx.msk [tilespmem:v16+s17+$0x0], vm1;
	v16 =	vadd.s32 v13, v21  }
0x283: {  	v17 =	vor.u32 $0x100, v19  }
0x284: {  	s30 =	sor.u32 $0x2, s4  }
0x285: {  	v14 =	vmov s30  }
0x286: {  	v14 =	vbroadcast v14, $0x0  }
0x287: {  	[tilespmem:v16+s7+$0x0] =	vst.idx.msk vm1, v15  }
0x288: {  	v16 =	vld.idx.msk [tilespmem:v17+s17+$0x0], vm1;
	v17 =	vadd.s32 v14, v21  }
0x289: {  	v18 =	vor.u32 $0x180, v19  }
0x28a: {  	s14 =	sor.u32 $0x3, s4  }
0x28b: {  	v15 =	vmov s14  }
0x28c: {  	v15 =	vbroadcast v15, $0x0  }
0x28d: {  	[tilespmem:v17+s7+$0x0] =	vst.idx.msk vm1, v16  }
0x28e: {  	v17 =	vld.idx.msk [tilespmem:v18+s17+$0x0], vm1;
	v18 =	vadd.s32 v15, v21  }
0x28f: {  	v20 =	vor.u32 $0x200, v19  }
0x290: {  	s30 =	sor.u32 $0x4, s4  }
0x291: {  	v16 =	vmov s30  }
0x292: {  	v16 =	vbroadcast v16, $0x0  }
0x293: {  	[tilespmem:v18+s7+$0x0] =	vst.idx.msk vm1, v17  }
0x294: {  	v18 =	vld.idx.msk [tilespmem:v20+s17+$0x0], vm1;
	v20 =	vadd.s32 v16, v21  }
0x295: {  	v22 =	vor.u32 $0x280, v19  }
0x296: {  	s14 =	sor.u32 $0x5, s4  }
0x297: {  	v17 =	vmov s14  }
0x298: {  	v17 =	vbroadcast v17, $0x0  }
0x299: {  	[tilespmem:v20+s7+$0x0] =	vst.idx.msk vm1, v18  }
0x29a: {  	v20 =	vld.idx.msk [tilespmem:v22+s17+$0x0], vm1;
	v22 =	vadd.s32 v17, v21  }
0x29b: {  	v23 =	vor.u32 $0x300, v19  }
0x29c: {  	s30 =	sor.u32 $0x6, s4  }
0x29d: {  	v18 =	vmov s30  }
0x29e: {  	v18 =	vbroadcast v18, $0x0  }
0x29f: {  	[tilespmem:v22+s7+$0x0] =	vst.idx.msk vm1, v20  }
0x2a0: {  	v22 =	vadd.s32 v18, v21;
	v20 =	vld.idx.msk [tilespmem:v23+s17+$0x0], vm1  }
0x2a1: {  	p2 =	sne.s32 s5, $0x1;
	v23 =	vor.u32 $0x380, v19  }
.Ltmp24:
0x2a2: {  	s4 =	sor.u32 $0x7, s4;
	(pc) =	sbr.rel @!p2 .LBB2_35-.Ltmp24, $4  }
0x2a3: {  	v19 =	vmov s4  }
0x2a4: {  	v19 =	vbroadcast v19, $0x0  }
0x2a5: {  	[tilespmem:v22+s7+$0x0] =	vst.idx.msk vm1, v20  }
0x2a6: {  	s5 =	sadd.s32 $0xFFFFFFFF, s5;
	v21 =	vadd.s32 v19, v21;
	v20 =	vld.idx.msk [tilespmem:v23+s17+$0x0], vm1  }
.LBB2_34:
0x2a7: {  	_ =	sdelay $0x3  }
0x2a8: {  	p2 =	sne.s32 s5, $0x1;
	s10 =	sadd.s32 $0x10, s10;
	s3 =	sadd.s32 $0x10, s3;
	[tilespmem:v21+s7+$0x0] =	vst.idx.msk vm1, v20  }
0x2a9: {  	s5 =	sadd.s32 $0xFFFFFFFF, s5;
	v20 =	vld [tilespmem:s10+$0x0];
	_ =	sdelay $0x4  }
0x2aa: {  	v21 =	vsub.s32 v20, v10  }
0x2ab: {  	v22 =	vor.u32 s3, v3;
	v21 =	vshll.u32 v21, $0x3  }
0x2ac: {  	vm1 =	vlt.s32 v22, v11;
	v20 =	vand.u32 $0x7F, v20;
	v21 =	vand.u32 $0xFFFFFC00, v21  }
0x2ad: {  	v20 =	vor.u32 v20, v21;
	_ =	sdelay $0x1  }
0x2ae: {  	s4 =	sadd.s32 s3, s2  }
0x2af: {  	v21 =	vmov s4  }
0x2b0: {  	v21 =	vshll.u32 v21, $0x7  }
0x2b1: {  	v21 =	vadd.s32 v6, v21;
	v22 =	vld.idx.msk [tilespmem:v20+s17+$0x0], vm1  }
0x2b2: {  	v23 =	vadd.s32 v12, v21  }
0x2b3: {  	v24 =	vor.u32 $0x80, v20;
	_ =	sdelay $0x3  }
0x2b4: {  	[tilespmem:v23+s7+$0x0] =	vst.idx.msk vm1, v22  }
0x2b5: {  	v22 =	vld.idx.msk [tilespmem:v24+s17+$0x0], vm1  }
0x2b6: {  	v23 =	vadd.s32 v13, v21  }
0x2b7: {  	v24 =	vor.u32 $0x100, v20;
	_ =	sdelay $0x3  }
0x2b8: {  	[tilespmem:v23+s7+$0x0] =	vst.idx.msk vm1, v22  }
0x2b9: {  	v22 =	vld.idx.msk [tilespmem:v24+s17+$0x0], vm1  }
0x2ba: {  	v23 =	vadd.s32 v14, v21  }
0x2bb: {  	v24 =	vor.u32 $0x180, v20;
	_ =	sdelay $0x3  }
0x2bc: {  	[tilespmem:v23+s7+$0x0] =	vst.idx.msk vm1, v22  }
0x2bd: {  	v22 =	vld.idx.msk [tilespmem:v24+s17+$0x0], vm1  }
0x2be: {  	v23 =	vadd.s32 v15, v21  }
0x2bf: {  	v24 =	vor.u32 $0x200, v20;
	_ =	sdelay $0x3  }
0x2c0: {  	[tilespmem:v23+s7+$0x0] =	vst.idx.msk vm1, v22  }
0x2c1: {  	v22 =	vld.idx.msk [tilespmem:v24+s17+$0x0], vm1  }
0x2c2: {  	v23 =	vadd.s32 v16, v21  }
0x2c3: {  	v24 =	vor.u32 $0x280, v20;
	_ =	sdelay $0x3  }
0x2c4: {  	[tilespmem:v23+s7+$0x0] =	vst.idx.msk vm1, v22  }
0x2c5: {  	v22 =	vld.idx.msk [tilespmem:v24+s17+$0x0], vm1  }
0x2c6: {  	v23 =	vadd.s32 v17, v21  }
0x2c7: {  	v24 =	vor.u32 $0x300, v20;
	_ =	sdelay $0x3  }
0x2c8: {  	[tilespmem:v23+s7+$0x0] =	vst.idx.msk vm1, v22  }
0x2c9: {  	v22 =	vld.idx.msk [tilespmem:v24+s17+$0x0], vm1  }
0x2ca: {  	v23 =	vadd.s32 v18, v21  }
0x2cb: {  	v20 =	vor.u32 $0x380, v20;
	_ =	sdelay $0x1  }
.Ltmp25:
0x2cc: {  	(pc) =	sbr.rel @p2 .LBB2_34-.Ltmp25, $4  }
0x2cd: {  	_ = 	snop  }
0x2ce: {  	[tilespmem:v23+s7+$0x0] =	vst.idx.msk vm1, v22  }
0x2cf: {  	v20 =	vld.idx.msk [tilespmem:v20+s17+$0x0], vm1  }
0x2d0: {  	v21 =	vadd.s32 v19, v21  }
.LBB2_35:
0x2d1: {  	_ =	sdelay $0x4  }
0x2d2: {  	[tilespmem:v21+s7+$0x0] =	vst.idx.msk vm1, v20  }
.LBB2_36:
0x2d3: {  	s2 =	sadd.s32 @!p1 $0xA, s11  }
0x2d4: {  	s3 =	smulhi.u32 @!p1 $0x4325C53F, s2;
	_ =	sdelay $0x1  }
0x2d5: {  	s3 =	sshrl.u32 @!p1 s3, $0x4  }
0x2d6: {  	s4 =	smul.u32 @!p1 $0x3D, s3  }
0x2d7: {  	s30 =	sor.u32 $0x3, s11  }
0x2d8: {  	s6 =	smulhi.u32 $0x4325C53F, s30;
	s2 =	ssub.s32 @!p1 s2, s4  }
0x2d9: {  	s3 =	smul.u32 @!p1 $0xF4280, s3;
	s4 =	rddreg [dreg:$0x7];
	s2 =	sshll.u32 @!p1 s2, $0x9  }
0x2da: {  	s10 =	simm.s32 @!p1 $0x0;
	s2 =	sadd.s32 @!p1 s2, s4  }
0x2db: {  	s5 =	sshrl.u32 s6, $0x4;
	s4 =	simm.s32 @!p1 $0x17C00;
	s2 =	sadd.s32 @!p1 s3, s2  }
0x2dc: {  	[tilespmem:s4], [sflag:$0x1] =	stream.linear.gather @!p1 [hbm4b:s2+s10], $0x1000, $0x38;
	[tilespmem:$0x1E280] =	vst v63  }
0x2dd: {  	s2 =	smul.u32 $0x3D, s5  }
0x2de: {  	_ =	swait.ge [sflag:s29], $0x1000  }
0x2df: {  	[sflag:s29] =	ssyncset.done $0x0;
	s3 =	ssub.s32 s30, s2  }
0x2e0: {  	[sflag:s29] =	ssyncadd.s32 $0xFFFFF000;
	s2 =	sor.u32 $0x1A80, s3  }
0x2e1: {  	v10 =	vld [tilespmem:s2+$0x0]  }
0x2e2: {  	v11 =	vld [tilespmem:s3+$0x1A81];
	_ =	sdelay $0x3  }
0x2e3: {  	(v2sf) =	vpush v10, $0x0  }
0x2e4: {  	(v2sf) =	vpush v11, $0x0;
	_ =	sdelay $0xd  }
0x2e5: {  	s2 =	spop (v2sf)  }
0x2e6: {  	s14 =	spop (v2sf)  }
0x2e7: {  	s14 =	ssub.s32 s14, s2  }
0x2e8: {  	s4 =	sadd.s32 $0xF, s14  }
0x2e9: {  	s5 =	sand.u32 $0xF, s4  }
0x2ea: {  	s30 =	sshra.s32 s4, $0x1F;
	p3 =	slt.s32 s4, $0x1;
	p2 =	sne.s32 s5, $0x0  }
0x2eb: {  	s5 =	sshrl.u32 s30, $0x1C;
	p2 =	por !p3, !p2  }
0x2ec: {  	s4 =	sadd.s32 s5, s4;
	s5 =	simm.s32 $0x1;
	p2 =	por !p2, !p2  }
0x2ed: {  	s4 =	sshra.s32 s4, $0x4;
	s5 =	simm.s32 @!p2 $0x0  }
0x2ee: {  	s5 =	ssub.s32 s4, s5  }
0x2ef: {  	p2 =	slt.s32 s5, $0x1  }
.Ltmp26:
0x2f0: {  	_ = 	snop;
	(pc) =	sbr.rel @p2 .LBB2_40-.Ltmp26, $1  }
0x2f1: {  	_ =	sdelay $0x3  }
0x2f2: {  	s4 =	sshll.u32 s2, $0x2  }
0x2f3: {  	s4 =	sshra.s32 s4, $0x2  }
0x2f4: {  	s30 =	sadd.s32 $0x1180, s4  }
0x2f5: {  	v12 =	vld [tilespmem:s30+$0x0];
	_ =	sdelay $0x1  }
0x2f6: {  	s3 =	sshll.u32 s3, $0x9;
	s4 =	rddreg [dreg:$0x6]  }
0x2f7: {  	s3 =	sadd.s32 s4, s3  }
0x2f8: {  	v10 =	vmov s3  }
0x2f9: {  	s3 =	simm.s32 $0x0;
	v13 =	vsub.s32 v12, v10  }
0x2fa: {  	v11 =	vmov s14;
	v14 =	vor.u32 s3, v3;
	v13 =	vshll.u32 v13, $0x3  }
0x2fb: {  	vm1 =	vlt.s32 v14, v11;
	v12 =	vand.u32 $0x7F, v12;
	v13 =	vand.u32 $0xFFFFFC00, v13  }
0x2fc: {  	s6 =	sshrl.u32 s6, $0x1;
	v19 =	vor.u32 v12, v13  }
0x2fd: {  	s14 =	sadd.s32 $0x0, s2;
	s4 =	sand.u32 $0x1FFFFFF8, s6  }
0x2fe: {  	v12 =	vmov s4;
	v13 =	vmov s14  }
0x2ff: {  	v12 =	vbroadcast v12, $0x0;
	v13 =	vshll.u32 v13, $0x7  }
0x300: {  	v21 =	vadd.s32 v6, v13  }
0x301: {  	v15 =	vadd.s32 v12, v21;
	v14 =	vld.idx.msk [tilespmem:v19+s18+$0x0], vm1  }
0x302: {  	v16 =	vor.u32 $0x80, v19  }
0x303: {  	s14 =	sor.u32 $0x1, s4  }
0x304: {  	v13 =	vmov s14  }
0x305: {  	v13 =	vbroadcast v13, $0x0  }
0x306: {  	[tilespmem:v15+s7+$0x0] =	vst.idx.msk vm1, v14  }
0x307: {  	v15 =	vld.idx.msk [tilespmem:v16+s18+$0x0], vm1;
	v16 =	vadd.s32 v13, v21  }
0x308: {  	v17 =	vor.u32 $0x100, v19  }
0x309: {  	s14 =	sor.u32 $0x2, s4  }
0x30a: {  	v14 =	vmov s14  }
0x30b: {  	v14 =	vbroadcast v14, $0x0  }
0x30c: {  	[tilespmem:v16+s7+$0x0] =	vst.idx.msk vm1, v15  }
0x30d: {  	v16 =	vld.idx.msk [tilespmem:v17+s18+$0x0], vm1;
	v17 =	vadd.s32 v14, v21  }
0x30e: {  	v18 =	vor.u32 $0x180, v19  }
0x30f: {  	s14 =	sor.u32 $0x3, s4  }
0x310: {  	v15 =	vmov s14  }
0x311: {  	v15 =	vbroadcast v15, $0x0  }
0x312: {  	[tilespmem:v17+s7+$0x0] =	vst.idx.msk vm1, v16  }
0x313: {  	v17 =	vld.idx.msk [tilespmem:v18+s18+$0x0], vm1;
	v18 =	vadd.s32 v15, v21  }
0x314: {  	v20 =	vor.u32 $0x200, v19  }
0x315: {  	s14 =	sor.u32 $0x4, s4  }
0x316: {  	v16 =	vmov s14  }
0x317: {  	v16 =	vbroadcast v16, $0x0  }
0x318: {  	[tilespmem:v18+s7+$0x0] =	vst.idx.msk vm1, v17  }
0x319: {  	v18 =	vld.idx.msk [tilespmem:v20+s18+$0x0], vm1;
	v20 =	vadd.s32 v16, v21  }
0x31a: {  	v22 =	vor.u32 $0x280, v19  }
0x31b: {  	s14 =	sor.u32 $0x5, s4  }
0x31c: {  	v17 =	vmov s14  }
0x31d: {  	v17 =	vbroadcast v17, $0x0  }
0x31e: {  	[tilespmem:v20+s7+$0x0] =	vst.idx.msk vm1, v18  }
0x31f: {  	v20 =	vld.idx.msk [tilespmem:v22+s18+$0x0], vm1;
	v22 =	vadd.s32 v17, v21  }
0x320: {  	v23 =	vor.u32 $0x300, v19  }
0x321: {  	s14 =	sor.u32 $0x6, s4  }
0x322: {  	v18 =	vmov s14  }
0x323: {  	v18 =	vbroadcast v18, $0x0  }
0x324: {  	[tilespmem:v22+s7+$0x0] =	vst.idx.msk vm1, v20  }
0x325: {  	v22 =	vadd.s32 v18, v21;
	v20 =	vld.idx.msk [tilespmem:v23+s18+$0x0], vm1  }
0x326: {  	p2 =	sne.s32 s5, $0x1;
	v23 =	vor.u32 $0x380, v19  }
.Ltmp27:
0x327: {  	s4 =	sor.u32 $0x7, s4;
	(pc) =	sbr.rel @!p2 .LBB2_39-.Ltmp27, $4  }
0x328: {  	v19 =	vmov s4  }
0x329: {  	v19 =	vbroadcast v19, $0x0  }
0x32a: {  	[tilespmem:v22+s7+$0x0] =	vst.idx.msk vm1, v20  }
0x32b: {  	s5 =	sadd.s32 $0xFFFFFFFF, s5;
	v21 =	vadd.s32 v19, v21;
	v20 =	vld.idx.msk [tilespmem:v23+s18+$0x0], vm1  }
.LBB2_38:
0x32c: {  	_ =	sdelay $0x3  }
0x32d: {  	p2 =	sne.s32 s5, $0x1;
	s30 =	sadd.s32 $0x10, s30;
	s3 =	sadd.s32 $0x10, s3;
	[tilespmem:v21+s7+$0x0] =	vst.idx.msk vm1, v20  }
0x32e: {  	s5 =	sadd.s32 $0xFFFFFFFF, s5;
	v20 =	vld [tilespmem:s30+$0x0];
	_ =	sdelay $0x4  }
0x32f: {  	v21 =	vsub.s32 v20, v10  }
0x330: {  	v22 =	vor.u32 s3, v3;
	v21 =	vshll.u32 v21, $0x3  }
0x331: {  	vm1 =	vlt.s32 v22, v11;
	v20 =	vand.u32 $0x7F, v20;
	v21 =	vand.u32 $0xFFFFFC00, v21  }
0x332: {  	v20 =	vor.u32 v20, v21;
	_ =	sdelay $0x1  }
0x333: {  	s4 =	sadd.s32 s3, s2  }
0x334: {  	v21 =	vmov s4  }
0x335: {  	v21 =	vshll.u32 v21, $0x7  }
0x336: {  	v21 =	vadd.s32 v6, v21;
	v22 =	vld.idx.msk [tilespmem:v20+s18+$0x0], vm1  }
0x337: {  	v23 =	vadd.s32 v12, v21  }
0x338: {  	v24 =	vor.u32 $0x80, v20;
	_ =	sdelay $0x3  }
0x339: {  	[tilespmem:v23+s7+$0x0] =	vst.idx.msk vm1, v22  }
0x33a: {  	v22 =	vld.idx.msk [tilespmem:v24+s18+$0x0], vm1  }
0x33b: {  	v23 =	vadd.s32 v13, v21  }
0x33c: {  	v24 =	vor.u32 $0x100, v20;
	_ =	sdelay $0x3  }
0x33d: {  	[tilespmem:v23+s7+$0x0] =	vst.idx.msk vm1, v22  }
0x33e: {  	v22 =	vld.idx.msk [tilespmem:v24+s18+$0x0], vm1  }
0x33f: {  	v23 =	vadd.s32 v14, v21  }
0x340: {  	v24 =	vor.u32 $0x180, v20;
	_ =	sdelay $0x3  }
0x341: {  	[tilespmem:v23+s7+$0x0] =	vst.idx.msk vm1, v22  }
0x342: {  	v22 =	vld.idx.msk [tilespmem:v24+s18+$0x0], vm1  }
0x343: {  	v23 =	vadd.s32 v15, v21  }
0x344: {  	v24 =	vor.u32 $0x200, v20;
	_ =	sdelay $0x3  }
0x345: {  	[tilespmem:v23+s7+$0x0] =	vst.idx.msk vm1, v22  }
0x346: {  	v22 =	vld.idx.msk [tilespmem:v24+s18+$0x0], vm1  }
0x347: {  	v23 =	vadd.s32 v16, v21  }
0x348: {  	v24 =	vor.u32 $0x280, v20;
	_ =	sdelay $0x3  }
0x349: {  	[tilespmem:v23+s7+$0x0] =	vst.idx.msk vm1, v22  }
0x34a: {  	v22 =	vld.idx.msk [tilespmem:v24+s18+$0x0], vm1  }
0x34b: {  	v23 =	vadd.s32 v17, v21  }
0x34c: {  	v24 =	vor.u32 $0x300, v20;
	_ =	sdelay $0x3  }
0x34d: {  	[tilespmem:v23+s7+$0x0] =	vst.idx.msk vm1, v22  }
0x34e: {  	v22 =	vld.idx.msk [tilespmem:v24+s18+$0x0], vm1  }
0x34f: {  	v23 =	vadd.s32 v18, v21  }
0x350: {  	v20 =	vor.u32 $0x380, v20;
	_ =	sdelay $0x1  }
.Ltmp28:
0x351: {  	(pc) =	sbr.rel @p2 .LBB2_38-.Ltmp28, $4  }
0x352: {  	_ = 	snop  }
0x353: {  	[tilespmem:v23+s7+$0x0] =	vst.idx.msk vm1, v22  }
0x354: {  	v20 =	vld.idx.msk [tilespmem:v20+s18+$0x0], vm1  }
0x355: {  	v21 =	vadd.s32 v19, v21  }
.LBB2_39:
0x356: {  	_ =	sdelay $0x4  }
0x357: {  	[tilespmem:v21+s7+$0x0] =	vst.idx.msk vm1, v20  }
.LBB2_40:
0x358: {  	s2 =	sadd.s32 @!p1 $0xB, s11  }
0x359: {  	s3 =	smulhi.u32 @!p1 $0x4325C53F, s2;
	_ =	sdelay $0x1  }
0x35a: {  	s3 =	sshrl.u32 @!p1 s3, $0x4  }
0x35b: {  	s4 =	smul.u32 @!p1 $0x3D, s3;
	_ =	sdelay $0x1  }
0x35c: {  	s2 =	ssub.s32 @!p1 s2, s4  }
0x35d: {  	s3 =	smul.u32 @!p1 $0xF4280, s3;
	s4 =	rddreg [dreg:$0x7];
	s2 =	sshll.u32 @!p1 s2, $0x9  }
0x35e: {  	s5 =	sor.u32 $0x4, s11;
	s2 =	sadd.s32 @!p1 s2, s4  }
0x35f: {  	s6 =	smulhi.u32 $0x4325C53F, s5;
	s2 =	sadd.s32 @!p1 s3, s2;
	s3 =	simm.s32 @!p1 $0x18C00  }
0x360: {  	[tilespmem:s3], [sflag:$0x1] =	stream.linear.gather @!p1 [hbm4b:s2+s10], $0x1000, $0x38;
	[tilespmem:$0x1E280] =	vst v63  }
0x361: {  	s10 =	sshrl.u32 s6, $0x4  }
0x362: {  	s2 =	smul.u32 $0x3D, s10  }
0x363: {  	_ =	swait.ge [sflag:s29], $0x1000  }
0x364: {  	[sflag:s29] =	ssyncset.done $0x0;
	s3 =	ssub.s32 s5, s2  }
0x365: {  	[sflag:s29] =	ssyncadd.s32 $0xFFFFF000;
	s2 =	sor.u32 $0x1A80, s3  }
0x366: {  	v10 =	vld [tilespmem:s2+$0x0]  }
0x367: {  	v11 =	vld [tilespmem:s3+$0x1A81];
	_ =	sdelay $0x3  }
0x368: {  	(v2sf) =	vpush v10, $0x0  }
0x369: {  	(v2sf) =	vpush v11, $0x0;
	_ =	sdelay $0xd  }
0x36a: {  	s2 =	spop (v2sf)  }
0x36b: {  	s14 =	spop (v2sf)  }
0x36c: {  	s14 =	ssub.s32 s14, s2  }
0x36d: {  	s4 =	sadd.s32 $0xF, s14  }
0x36e: {  	s5 =	sand.u32 $0xF, s4  }
0x36f: {  	s30 =	sshra.s32 s4, $0x1F;
	p3 =	slt.s32 s4, $0x1;
	p2 =	sne.s32 s5, $0x0  }
0x370: {  	s5 =	sshrl.u32 s30, $0x1C;
	p2 =	por !p3, !p2  }
0x371: {  	s4 =	sadd.s32 s5, s4;
	s5 =	simm.s32 $0x1;
	p2 =	por !p2, !p2  }
0x372: {  	s4 =	sshra.s32 s4, $0x4;
	s5 =	simm.s32 @!p2 $0x0  }
0x373: {  	s5 =	ssub.s32 s4, s5  }
0x374: {  	p2 =	slt.s32 s5, $0x1  }
.Ltmp29:
0x375: {  	_ = 	snop;
	(pc) =	sbr.rel @p2 .LBB2_44-.Ltmp29, $1  }
0x376: {  	_ =	sdelay $0x3  }
0x377: {  	s4 =	sshll.u32 s2, $0x2  }
0x378: {  	s4 =	sshra.s32 s4, $0x2  }
0x379: {  	s10 =	sadd.s32 $0x1180, s4  }
0x37a: {  	v12 =	vld [tilespmem:s10+$0x0];
	_ =	sdelay $0x1  }
0x37b: {  	s3 =	sshll.u32 s3, $0x9;
	s30 =	rddreg [dreg:$0x6]  }
0x37c: {  	s3 =	sadd.s32 s30, s3  }
0x37d: {  	v10 =	vmov s3  }
0x37e: {  	s3 =	simm.s32 $0x0;
	v13 =	vsub.s32 v12, v10  }
0x37f: {  	v11 =	vmov s14;
	v14 =	vor.u32 s3, v3;
	v13 =	vshll.u32 v13, $0x3  }
0x380: {  	vm1 =	vlt.s32 v14, v11;
	v12 =	vand.u32 $0x7F, v12;
	v13 =	vand.u32 $0xFFFFFC00, v13  }
0x381: {  	s14 =	sshrl.u32 s6, $0x1;
	v19 =	vor.u32 v12, v13  }
0x382: {  	s30 =	sadd.s32 $0x0, s2;
	s4 =	sand.u32 $0x1FFFFFF8, s14  }
0x383: {  	v12 =	vmov s4;
	v13 =	vmov s30  }
0x384: {  	v12 =	vbroadcast v12, $0x0;
	v13 =	vshll.u32 v13, $0x7  }
0x385: {  	v21 =	vadd.s32 v6, v13  }
0x386: {  	v15 =	vadd.s32 v12, v21;
	v14 =	vld.idx.msk [tilespmem:v19+s19+$0x0], vm1  }
0x387: {  	v16 =	vor.u32 $0x80, v19  }
0x388: {  	s14 =	sor.u32 $0x1, s4  }
0x389: {  	v13 =	vmov s14  }
0x38a: {  	v13 =	vbroadcast v13, $0x0  }
0x38b: {  	[tilespmem:v15+s7+$0x0] =	vst.idx.msk vm1, v14  }
0x38c: {  	v15 =	vld.idx.msk [tilespmem:v16+s19+$0x0], vm1;
	v16 =	vadd.s32 v13, v21  }
0x38d: {  	v17 =	vor.u32 $0x100, v19  }
0x38e: {  	s30 =	sor.u32 $0x2, s4  }
0x38f: {  	v14 =	vmov s30  }
0x390: {  	v14 =	vbroadcast v14, $0x0  }
0x391: {  	[tilespmem:v16+s7+$0x0] =	vst.idx.msk vm1, v15  }
0x392: {  	v16 =	vld.idx.msk [tilespmem:v17+s19+$0x0], vm1;
	v17 =	vadd.s32 v14, v21  }
0x393: {  	v18 =	vor.u32 $0x180, v19  }
0x394: {  	s14 =	sor.u32 $0x3, s4  }
0x395: {  	v15 =	vmov s14  }
0x396: {  	v15 =	vbroadcast v15, $0x0  }
0x397: {  	[tilespmem:v17+s7+$0x0] =	vst.idx.msk vm1, v16  }
0x398: {  	v17 =	vld.idx.msk [tilespmem:v18+s19+$0x0], vm1;
	v18 =	vadd.s32 v15, v21  }
0x399: {  	v20 =	vor.u32 $0x200, v19  }
0x39a: {  	s30 =	sor.u32 $0x4, s4  }
0x39b: {  	v16 =	vmov s30  }
0x39c: {  	v16 =	vbroadcast v16, $0x0  }
0x39d: {  	[tilespmem:v18+s7+$0x0] =	vst.idx.msk vm1, v17  }
0x39e: {  	v18 =	vld.idx.msk [tilespmem:v20+s19+$0x0], vm1;
	v20 =	vadd.s32 v16, v21  }
0x39f: {  	v22 =	vor.u32 $0x280, v19  }
0x3a0: {  	s14 =	sor.u32 $0x5, s4  }
0x3a1: {  	v17 =	vmov s14  }
0x3a2: {  	v17 =	vbroadcast v17, $0x0  }
0x3a3: {  	[tilespmem:v20+s7+$0x0] =	vst.idx.msk vm1, v18  }
0x3a4: {  	v20 =	vld.idx.msk [tilespmem:v22+s19+$0x0], vm1;
	v22 =	vadd.s32 v17, v21  }
0x3a5: {  	v23 =	vor.u32 $0x300, v19  }
0x3a6: {  	s30 =	sor.u32 $0x6, s4  }
0x3a7: {  	v18 =	vmov s30  }
0x3a8: {  	v18 =	vbroadcast v18, $0x0  }
0x3a9: {  	[tilespmem:v22+s7+$0x0] =	vst.idx.msk vm1, v20  }
0x3aa: {  	v22 =	vadd.s32 v18, v21;
	v20 =	vld.idx.msk [tilespmem:v23+s19+$0x0], vm1  }
0x3ab: {  	p2 =	sne.s32 s5, $0x1;
	v23 =	vor.u32 $0x380, v19  }
.Ltmp30:
0x3ac: {  	s4 =	sor.u32 $0x7, s4;
	(pc) =	sbr.rel @!p2 .LBB2_43-.Ltmp30, $4  }
0x3ad: {  	v19 =	vmov s4  }
0x3ae: {  	v19 =	vbroadcast v19, $0x0  }
0x3af: {  	[tilespmem:v22+s7+$0x0] =	vst.idx.msk vm1, v20  }
0x3b0: {  	s5 =	sadd.s32 $0xFFFFFFFF, s5;
	v21 =	vadd.s32 v19, v21;
	v20 =	vld.idx.msk [tilespmem:v23+s19+$0x0], vm1  }
.LBB2_42:
0x3b1: {  	_ =	sdelay $0x3  }
0x3b2: {  	p2 =	sne.s32 s5, $0x1;
	s10 =	sadd.s32 $0x10, s10;
	s3 =	sadd.s32 $0x10, s3;
	[tilespmem:v21+s7+$0x0] =	vst.idx.msk vm1, v20  }
0x3b3: {  	s5 =	sadd.s32 $0xFFFFFFFF, s5;
	v20 =	vld [tilespmem:s10+$0x0];
	_ =	sdelay $0x4  }
0x3b4: {  	v21 =	vsub.s32 v20, v10  }
0x3b5: {  	v22 =	vor.u32 s3, v3;
	v21 =	vshll.u32 v21, $0x3  }
0x3b6: {  	vm1 =	vlt.s32 v22, v11;
	v20 =	vand.u32 $0x7F, v20;
	v21 =	vand.u32 $0xFFFFFC00, v21  }
0x3b7: {  	v20 =	vor.u32 v20, v21;
	_ =	sdelay $0x1  }
0x3b8: {  	s4 =	sadd.s32 s3, s2  }
0x3b9: {  	v21 =	vmov s4  }
0x3ba: {  	v21 =	vshll.u32 v21, $0x7  }
0x3bb: {  	v21 =	vadd.s32 v6, v21;
	v22 =	vld.idx.msk [tilespmem:v20+s19+$0x0], vm1  }
0x3bc: {  	v23 =	vadd.s32 v12, v21  }
0x3bd: {  	v24 =	vor.u32 $0x80, v20;
	_ =	sdelay $0x3  }
0x3be: {  	[tilespmem:v23+s7+$0x0] =	vst.idx.msk vm1, v22  }
0x3bf: {  	v22 =	vld.idx.msk [tilespmem:v24+s19+$0x0], vm1  }
0x3c0: {  	v23 =	vadd.s32 v13, v21  }
0x3c1: {  	v24 =	vor.u32 $0x100, v20;
	_ =	sdelay $0x3  }
0x3c2: {  	[tilespmem:v23+s7+$0x0] =	vst.idx.msk vm1, v22  }
0x3c3: {  	v22 =	vld.idx.msk [tilespmem:v24+s19+$0x0], vm1  }
0x3c4: {  	v23 =	vadd.s32 v14, v21  }
0x3c5: {  	v24 =	vor.u32 $0x180, v20;
	_ =	sdelay $0x3  }
0x3c6: {  	[tilespmem:v23+s7+$0x0] =	vst.idx.msk vm1, v22  }
0x3c7: {  	v22 =	vld.idx.msk [tilespmem:v24+s19+$0x0], vm1  }
0x3c8: {  	v23 =	vadd.s32 v15, v21  }
0x3c9: {  	v24 =	vor.u32 $0x200, v20;
	_ =	sdelay $0x3  }
0x3ca: {  	[tilespmem:v23+s7+$0x0] =	vst.idx.msk vm1, v22  }
0x3cb: {  	v22 =	vld.idx.msk [tilespmem:v24+s19+$0x0], vm1  }
0x3cc: {  	v23 =	vadd.s32 v16, v21  }
0x3cd: {  	v24 =	vor.u32 $0x280, v20;
	_ =	sdelay $0x3  }
0x3ce: {  	[tilespmem:v23+s7+$0x0] =	vst.idx.msk vm1, v22  }
0x3cf: {  	v22 =	vld.idx.msk [tilespmem:v24+s19+$0x0], vm1  }
0x3d0: {  	v23 =	vadd.s32 v17, v21  }
0x3d1: {  	v24 =	vor.u32 $0x300, v20;
	_ =	sdelay $0x3  }
0x3d2: {  	[tilespmem:v23+s7+$0x0] =	vst.idx.msk vm1, v22  }
0x3d3: {  	v22 =	vld.idx.msk [tilespmem:v24+s19+$0x0], vm1  }
0x3d4: {  	v23 =	vadd.s32 v18, v21  }
0x3d5: {  	v20 =	vor.u32 $0x380, v20;
	_ =	sdelay $0x1  }
.Ltmp31:
0x3d6: {  	(pc) =	sbr.rel @p2 .LBB2_42-.Ltmp31, $4  }
0x3d7: {  	_ = 	snop  }
0x3d8: {  	[tilespmem:v23+s7+$0x0] =	vst.idx.msk vm1, v22  }
0x3d9: {  	v20 =	vld.idx.msk [tilespmem:v20+s19+$0x0], vm1  }
0x3da: {  	v21 =	vadd.s32 v19, v21  }
.LBB2_43:
0x3db: {  	_ =	sdelay $0x4  }
0x3dc: {  	[tilespmem:v21+s7+$0x0] =	vst.idx.msk vm1, v20  }
.LBB2_44:
0x3dd: {  	s2 =	sadd.s32 @!p1 $0xC, s11  }
0x3de: {  	s3 =	smulhi.u32 @!p1 $0x4325C53F, s2;
	_ =	sdelay $0x1  }
0x3df: {  	s3 =	sshrl.u32 @!p1 s3, $0x4  }
0x3e0: {  	s4 =	smul.u32 @!p1 $0x3D, s3  }
0x3e1: {  	s30 =	sor.u32 $0x5, s11  }
0x3e2: {  	s6 =	smulhi.u32 $0x4325C53F, s30;
	s2 =	ssub.s32 @!p1 s2, s4  }
0x3e3: {  	s3 =	smul.u32 @!p1 $0xF4280, s3;
	s4 =	rddreg [dreg:$0x7];
	s2 =	sshll.u32 @!p1 s2, $0x9  }
0x3e4: {  	s10 =	simm.s32 @!p1 $0x0;
	s2 =	sadd.s32 @!p1 s2, s4  }
0x3e5: {  	s5 =	sshrl.u32 s6, $0x4;
	s4 =	simm.s32 @!p1 $0x19C00;
	s2 =	sadd.s32 @!p1 s3, s2  }
0x3e6: {  	[tilespmem:s4], [sflag:$0x1] =	stream.linear.gather @!p1 [hbm4b:s2+s10], $0x1000, $0x38;
	[tilespmem:$0x1E280] =	vst v63  }
0x3e7: {  	s2 =	smul.u32 $0x3D, s5  }
0x3e8: {  	_ =	swait.ge [sflag:s29], $0x1000  }
0x3e9: {  	[sflag:s29] =	ssyncset.done $0x0;
	s3 =	ssub.s32 s30, s2  }
0x3ea: {  	[sflag:s29] =	ssyncadd.s32 $0xFFFFF000;
	s2 =	sor.u32 $0x1A80, s3  }
0x3eb: {  	v10 =	vld [tilespmem:s2+$0x0]  }
0x3ec: {  	v11 =	vld [tilespmem:s3+$0x1A81];
	_ =	sdelay $0x3  }
0x3ed: {  	(v2sf) =	vpush v10, $0x0  }
0x3ee: {  	(v2sf) =	vpush v11, $0x0;
	_ =	sdelay $0xd  }
0x3ef: {  	s2 =	spop (v2sf)  }
0x3f0: {  	s14 =	spop (v2sf)  }
0x3f1: {  	s14 =	ssub.s32 s14, s2  }
0x3f2: {  	s4 =	sadd.s32 $0xF, s14  }
0x3f3: {  	s5 =	sand.u32 $0xF, s4  }
0x3f4: {  	s30 =	sshra.s32 s4, $0x1F;
	p3 =	slt.s32 s4, $0x1;
	p2 =	sne.s32 s5, $0x0  }
0x3f5: {  	s5 =	sshrl.u32 s30, $0x1C;
	p2 =	por !p3, !p2  }
0x3f6: {  	s4 =	sadd.s32 s5, s4;
	s5 =	simm.s32 $0x1;
	p2 =	por !p2, !p2  }
0x3f7: {  	s4 =	sshra.s32 s4, $0x4;
	s5 =	simm.s32 @!p2 $0x0  }
0x3f8: {  	s5 =	ssub.s32 s4, s5  }
0x3f9: {  	p2 =	slt.s32 s5, $0x1  }
.Ltmp32:
0x3fa: {  	_ = 	snop;
	(pc) =	sbr.rel @p2 .LBB2_48-.Ltmp32, $1  }
0x3fb: {  	_ =	sdelay $0x3  }
0x3fc: {  	s4 =	sshll.u32 s2, $0x2  }
0x3fd: {  	s4 =	sshra.s32 s4, $0x2  }
0x3fe: {  	s30 =	sadd.s32 $0x1180, s4  }
0x3ff: {  	v12 =	vld [tilespmem:s30+$0x0];
	_ =	sdelay $0x1  }
0x400: {  	s3 =	sshll.u32 s3, $0x9;
	s4 =	rddreg [dreg:$0x6]  }
0x401: {  	s3 =	sadd.s32 s4, s3  }
0x402: {  	v10 =	vmov s3  }
0x403: {  	s3 =	simm.s32 $0x0;
	v13 =	vsub.s32 v12, v10  }
0x404: {  	v11 =	vmov s14;
	v14 =	vor.u32 s3, v3;
	v13 =	vshll.u32 v13, $0x3  }
0x405: {  	vm1 =	vlt.s32 v14, v11;
	v12 =	vand.u32 $0x7F, v12;
	v13 =	vand.u32 $0xFFFFFC00, v13  }
0x406: {  	s6 =	sshrl.u32 s6, $0x1;
	v19 =	vor.u32 v12, v13  }
0x407: {  	s14 =	sadd.s32 $0x0, s2;
	s4 =	sand.u32 $0x1FFFFFF8, s6  }
0x408: {  	v12 =	vmov s4;
	v13 =	vmov s14  }
0x409: {  	v12 =	vbroadcast v12, $0x0;
	v13 =	vshll.u32 v13, $0x7  }
0x40a: {  	v21 =	vadd.s32 v6, v13  }
0x40b: {  	v15 =	vadd.s32 v12, v21;
	v14 =	vld.idx.msk [tilespmem:v19+s20+$0x0], vm1  }
0x40c: {  	v16 =	vor.u32 $0x80, v19  }
0x40d: {  	s14 =	sor.u32 $0x1, s4  }
0x40e: {  	v13 =	vmov s14  }
0x40f: {  	v13 =	vbroadcast v13, $0x0  }
0x410: {  	[tilespmem:v15+s7+$0x0] =	vst.idx.msk vm1, v14  }
0x411: {  	v15 =	vld.idx.msk [tilespmem:v16+s20+$0x0], vm1;
	v16 =	vadd.s32 v13, v21  }
0x412: {  	v17 =	vor.u32 $0x100, v19  }
0x413: {  	s14 =	sor.u32 $0x2, s4  }
0x414: {  	v14 =	vmov s14  }
0x415: {  	v14 =	vbroadcast v14, $0x0  }
0x416: {  	[tilespmem:v16+s7+$0x0] =	vst.idx.msk vm1, v15  }
0x417: {  	v16 =	vld.idx.msk [tilespmem:v17+s20+$0x0], vm1;
	v17 =	vadd.s32 v14, v21  }
0x418: {  	v18 =	vor.u32 $0x180, v19  }
0x419: {  	s14 =	sor.u32 $0x3, s4  }
0x41a: {  	v15 =	vmov s14  }
0x41b: {  	v15 =	vbroadcast v15, $0x0  }
0x41c: {  	[tilespmem:v17+s7+$0x0] =	vst.idx.msk vm1, v16  }
0x41d: {  	v17 =	vld.idx.msk [tilespmem:v18+s20+$0x0], vm1;
	v18 =	vadd.s32 v15, v21  }
0x41e: {  	v20 =	vor.u32 $0x200, v19  }
0x41f: {  	s14 =	sor.u32 $0x4, s4  }
0x420: {  	v16 =	vmov s14  }
0x421: {  	v16 =	vbroadcast v16, $0x0  }
0x422: {  	[tilespmem:v18+s7+$0x0] =	vst.idx.msk vm1, v17  }
0x423: {  	v18 =	vld.idx.msk [tilespmem:v20+s20+$0x0], vm1;
	v20 =	vadd.s32 v16, v21  }
0x424: {  	v22 =	vor.u32 $0x280, v19  }
0x425: {  	s14 =	sor.u32 $0x5, s4  }
0x426: {  	v17 =	vmov s14  }
0x427: {  	v17 =	vbroadcast v17, $0x0  }
0x428: {  	[tilespmem:v20+s7+$0x0] =	vst.idx.msk vm1, v18  }
0x429: {  	v20 =	vld.idx.msk [tilespmem:v22+s20+$0x0], vm1;
	v22 =	vadd.s32 v17, v21  }
0x42a: {  	v23 =	vor.u32 $0x300, v19  }
0x42b: {  	s14 =	sor.u32 $0x6, s4  }
0x42c: {  	v18 =	vmov s14  }
0x42d: {  	v18 =	vbroadcast v18, $0x0  }
0x42e: {  	[tilespmem:v22+s7+$0x0] =	vst.idx.msk vm1, v20  }
0x42f: {  	v22 =	vadd.s32 v18, v21;
	v20 =	vld.idx.msk [tilespmem:v23+s20+$0x0], vm1  }
0x430: {  	p2 =	sne.s32 s5, $0x1;
	v23 =	vor.u32 $0x380, v19  }
.Ltmp33:
0x431: {  	s4 =	sor.u32 $0x7, s4;
	(pc) =	sbr.rel @!p2 .LBB2_47-.Ltmp33, $4  }
0x432: {  	v19 =	vmov s4  }
0x433: {  	v19 =	vbroadcast v19, $0x0  }
0x434: {  	[tilespmem:v22+s7+$0x0] =	vst.idx.msk vm1, v20  }
0x435: {  	s5 =	sadd.s32 $0xFFFFFFFF, s5;
	v21 =	vadd.s32 v19, v21;
	v20 =	vld.idx.msk [tilespmem:v23+s20+$0x0], vm1  }
.LBB2_46:
0x436: {  	_ =	sdelay $0x3  }
0x437: {  	p2 =	sne.s32 s5, $0x1;
	s30 =	sadd.s32 $0x10, s30;
	s3 =	sadd.s32 $0x10, s3;
	[tilespmem:v21+s7+$0x0] =	vst.idx.msk vm1, v20  }
0x438: {  	s5 =	sadd.s32 $0xFFFFFFFF, s5;
	v20 =	vld [tilespmem:s30+$0x0];
	_ =	sdelay $0x4  }
0x439: {  	v21 =	vsub.s32 v20, v10  }
0x43a: {  	v22 =	vor.u32 s3, v3;
	v21 =	vshll.u32 v21, $0x3  }
0x43b: {  	vm1 =	vlt.s32 v22, v11;
	v20 =	vand.u32 $0x7F, v20;
	v21 =	vand.u32 $0xFFFFFC00, v21  }
0x43c: {  	v20 =	vor.u32 v20, v21;
	_ =	sdelay $0x1  }
0x43d: {  	s4 =	sadd.s32 s3, s2  }
0x43e: {  	v21 =	vmov s4  }
0x43f: {  	v21 =	vshll.u32 v21, $0x7  }
0x440: {  	v21 =	vadd.s32 v6, v21;
	v22 =	vld.idx.msk [tilespmem:v20+s20+$0x0], vm1  }
0x441: {  	v23 =	vadd.s32 v12, v21  }
0x442: {  	v24 =	vor.u32 $0x80, v20;
	_ =	sdelay $0x3  }
0x443: {  	[tilespmem:v23+s7+$0x0] =	vst.idx.msk vm1, v22  }
0x444: {  	v22 =	vld.idx.msk [tilespmem:v24+s20+$0x0], vm1  }
0x445: {  	v23 =	vadd.s32 v13, v21  }
0x446: {  	v24 =	vor.u32 $0x100, v20;
	_ =	sdelay $0x3  }
0x447: {  	[tilespmem:v23+s7+$0x0] =	vst.idx.msk vm1, v22  }
0x448: {  	v22 =	vld.idx.msk [tilespmem:v24+s20+$0x0], vm1  }
0x449: {  	v23 =	vadd.s32 v14, v21  }
0x44a: {  	v24 =	vor.u32 $0x180, v20;
	_ =	sdelay $0x3  }
0x44b: {  	[tilespmem:v23+s7+$0x0] =	vst.idx.msk vm1, v22  }
0x44c: {  	v22 =	vld.idx.msk [tilespmem:v24+s20+$0x0], vm1  }
0x44d: {  	v23 =	vadd.s32 v15, v21  }
0x44e: {  	v24 =	vor.u32 $0x200, v20;
	_ =	sdelay $0x3  }
0x44f: {  	[tilespmem:v23+s7+$0x0] =	vst.idx.msk vm1, v22  }
0x450: {  	v22 =	vld.idx.msk [tilespmem:v24+s20+$0x0], vm1  }
0x451: {  	v23 =	vadd.s32 v16, v21  }
0x452: {  	v24 =	vor.u32 $0x280, v20;
	_ =	sdelay $0x3  }
0x453: {  	[tilespmem:v23+s7+$0x0] =	vst.idx.msk vm1, v22  }
0x454: {  	v22 =	vld.idx.msk [tilespmem:v24+s20+$0x0], vm1  }
0x455: {  	v23 =	vadd.s32 v17, v21  }
0x456: {  	v24 =	vor.u32 $0x300, v20;
	_ =	sdelay $0x3  }
0x457: {  	[tilespmem:v23+s7+$0x0] =	vst.idx.msk vm1, v22  }
0x458: {  	v22 =	vld.idx.msk [tilespmem:v24+s20+$0x0], vm1  }
0x459: {  	v23 =	vadd.s32 v18, v21  }
0x45a: {  	v20 =	vor.u32 $0x380, v20;
	_ =	sdelay $0x1  }
.Ltmp34:
0x45b: {  	(pc) =	sbr.rel @p2 .LBB2_46-.Ltmp34, $4  }
0x45c: {  	_ = 	snop  }
0x45d: {  	[tilespmem:v23+s7+$0x0] =	vst.idx.msk vm1, v22  }
0x45e: {  	v20 =	vld.idx.msk [tilespmem:v20+s20+$0x0], vm1  }
0x45f: {  	v21 =	vadd.s32 v19, v21  }
.LBB2_47:
0x460: {  	_ =	sdelay $0x4  }
0x461: {  	[tilespmem:v21+s7+$0x0] =	vst.idx.msk vm1, v20  }
.LBB2_48:
0x462: {  	s2 =	sadd.s32 @!p1 $0xD, s11  }
0x463: {  	s3 =	smulhi.u32 @!p1 $0x4325C53F, s2;
	_ =	sdelay $0x1  }
0x464: {  	s3 =	sshrl.u32 @!p1 s3, $0x4  }
0x465: {  	s4 =	smul.u32 @!p1 $0x3D, s3;
	_ =	sdelay $0x1  }
0x466: {  	s2 =	ssub.s32 @!p1 s2, s4  }
0x467: {  	s3 =	smul.u32 @!p1 $0xF4280, s3;
	s4 =	rddreg [dreg:$0x7];
	s2 =	sshll.u32 @!p1 s2, $0x9  }
0x468: {  	s14 =	sor.u32 $0x6, s11;
	s2 =	sadd.s32 @!p1 s2, s4  }
0x469: {  	s6 =	smulhi.u32 $0x4325C53F, s14;
	s2 =	sadd.s32 @!p1 s3, s2;
	s3 =	simm.s32 @!p1 $0x1AC00  }
0x46a: {  	[tilespmem:s3], [sflag:$0x1] =	stream.linear.gather @!p1 [hbm4b:s2+s10], $0x1000, $0x38;
	[tilespmem:$0x1E280] =	vst v63  }
0x46b: {  	s3 =	sshrl.u32 s6, $0x4  }
0x46c: {  	s2 =	smul.u32 $0x3D, s3  }
0x46d: {  	_ =	swait.ge [sflag:s29], $0x1000  }
0x46e: {  	[sflag:s29] =	ssyncset.done $0x0;
	s3 =	ssub.s32 s14, s2  }
0x46f: {  	[sflag:s29] =	ssyncadd.s32 $0xFFFFF000;
	s2 =	sor.u32 $0x1A80, s3  }
0x470: {  	v10 =	vld [tilespmem:s2+$0x0]  }
0x471: {  	v11 =	vld [tilespmem:s3+$0x1A81];
	_ =	sdelay $0x3  }
0x472: {  	(v2sf) =	vpush v10, $0x0  }
0x473: {  	(v2sf) =	vpush v11, $0x0;
	_ =	sdelay $0xd  }
0x474: {  	s2 =	spop (v2sf)  }
0x475: {  	s5 =	spop (v2sf)  }
0x476: {  	s14 =	ssub.s32 s5, s2  }
0x477: {  	s4 =	sadd.s32 $0xF, s14  }
0x478: {  	s5 =	sand.u32 $0xF, s4  }
0x479: {  	s10 =	sshra.s32 s4, $0x1F;
	p3 =	slt.s32 s4, $0x1;
	p2 =	sne.s32 s5, $0x0  }
0x47a: {  	s5 =	sshrl.u32 s10, $0x1C;
	p2 =	por !p3, !p2  }
0x47b: {  	s4 =	sadd.s32 s5, s4;
	s5 =	simm.s32 $0x1;
	p2 =	por !p2, !p2  }
0x47c: {  	s4 =	sshra.s32 s4, $0x4;
	s5 =	simm.s32 @!p2 $0x0  }
0x47d: {  	s5 =	ssub.s32 s4, s5  }
0x47e: {  	p2 =	slt.s32 s5, $0x1  }
.Ltmp35:
0x47f: {  	_ = 	snop;
	(pc) =	sbr.rel @p2 .LBB2_52-.Ltmp35, $2  }
0x480: {  	_ =	sdelay $0x2  }
0x481: {  	s30 =	simm.s32 $0x0  }
0x482: {  	s4 =	sshll.u32 s2, $0x2  }
0x483: {  	s4 =	sshra.s32 s4, $0x2  }
0x484: {  	s10 =	sadd.s32 $0x1180, s4  }
0x485: {  	v12 =	vld [tilespmem:s10+$0x0];
	_ =	sdelay $0x1  }
0x486: {  	s3 =	sshll.u32 s3, $0x9;
	s4 =	rddreg [dreg:$0x6]  }
0x487: {  	s3 =	sadd.s32 s4, s3  }
0x488: {  	v10 =	vmov s3  }
0x489: {  	s3 =	simm.s32 $0x0;
	v13 =	vsub.s32 v12, v10  }
0x48a: {  	v11 =	vmov s14;
	v14 =	vor.u32 s3, v3;
	v13 =	vshll.u32 v13, $0x3  }
0x48b: {  	vm1 =	vlt.s32 v14, v11;
	v12 =	vand.u32 $0x7F, v12;
	v13 =	vand.u32 $0xFFFFFC00, v13  }
0x48c: {  	s6 =	sshrl.u32 s6, $0x1;
	v19 =	vor.u32 v12, v13  }
0x48d: {  	s14 =	sadd.s32 $0x0, s2;
	s4 =	sand.u32 $0x1FFFFFF8, s6  }
0x48e: {  	v12 =	vmov s4;
	v13 =	vmov s14  }
0x48f: {  	v12 =	vbroadcast v12, $0x0;
	v13 =	vshll.u32 v13, $0x7  }
0x490: {  	v21 =	vadd.s32 v6, v13  }
0x491: {  	v15 =	vadd.s32 v12, v21;
	v14 =	vld.idx.msk [tilespmem:v19+s21+$0x0], vm1  }
0x492: {  	v16 =	vor.u32 $0x80, v19  }
0x493: {  	s14 =	sor.u32 $0x1, s4  }
0x494: {  	v13 =	vmov s14  }
0x495: {  	v13 =	vbroadcast v13, $0x0  }
0x496: {  	[tilespmem:v15+s7+$0x0] =	vst.idx.msk vm1, v14  }
0x497: {  	v15 =	vld.idx.msk [tilespmem:v16+s21+$0x0], vm1;
	v16 =	vadd.s32 v13, v21  }
0x498: {  	v17 =	vor.u32 $0x100, v19  }
0x499: {  	s14 =	sor.u32 $0x2, s4  }
0x49a: {  	v14 =	vmov s14  }
0x49b: {  	v14 =	vbroadcast v14, $0x0  }
0x49c: {  	[tilespmem:v16+s7+$0x0] =	vst.idx.msk vm1, v15  }
0x49d: {  	v16 =	vld.idx.msk [tilespmem:v17+s21+$0x0], vm1;
	v17 =	vadd.s32 v14, v21  }
0x49e: {  	v18 =	vor.u32 $0x180, v19  }
0x49f: {  	s14 =	sor.u32 $0x3, s4  }
0x4a0: {  	v15 =	vmov s14  }
0x4a1: {  	v15 =	vbroadcast v15, $0x0  }
0x4a2: {  	[tilespmem:v17+s7+$0x0] =	vst.idx.msk vm1, v16  }
0x4a3: {  	v17 =	vld.idx.msk [tilespmem:v18+s21+$0x0], vm1;
	v18 =	vadd.s32 v15, v21  }
0x4a4: {  	v20 =	vor.u32 $0x200, v19  }
0x4a5: {  	s14 =	sor.u32 $0x4, s4  }
0x4a6: {  	v16 =	vmov s14  }
0x4a7: {  	v16 =	vbroadcast v16, $0x0  }
0x4a8: {  	[tilespmem:v18+s7+$0x0] =	vst.idx.msk vm1, v17  }
0x4a9: {  	v18 =	vld.idx.msk [tilespmem:v20+s21+$0x0], vm1;
	v20 =	vadd.s32 v16, v21  }
0x4aa: {  	v22 =	vor.u32 $0x280, v19  }
0x4ab: {  	s14 =	sor.u32 $0x5, s4  }
0x4ac: {  	v17 =	vmov s14  }
0x4ad: {  	v17 =	vbroadcast v17, $0x0  }
0x4ae: {  	[tilespmem:v20+s7+$0x0] =	vst.idx.msk vm1, v18  }
0x4af: {  	v20 =	vld.idx.msk [tilespmem:v22+s21+$0x0], vm1;
	v22 =	vadd.s32 v17, v21  }
0x4b0: {  	v23 =	vor.u32 $0x300, v19  }
0x4b1: {  	s14 =	sor.u32 $0x6, s4  }
0x4b2: {  	v18 =	vmov s14  }
0x4b3: {  	v18 =	vbroadcast v18, $0x0  }
0x4b4: {  	[tilespmem:v22+s7+$0x0] =	vst.idx.msk vm1, v20  }
0x4b5: {  	v22 =	vadd.s32 v18, v21;
	v20 =	vld.idx.msk [tilespmem:v23+s21+$0x0], vm1  }
0x4b6: {  	p2 =	sne.s32 s5, $0x1;
	v23 =	vor.u32 $0x380, v19  }
.Ltmp36:
0x4b7: {  	s4 =	sor.u32 $0x7, s4;
	(pc) =	sbr.rel @!p2 .LBB2_51-.Ltmp36, $4  }
0x4b8: {  	v19 =	vmov s4  }
0x4b9: {  	v19 =	vbroadcast v19, $0x0  }
0x4ba: {  	[tilespmem:v22+s7+$0x0] =	vst.idx.msk vm1, v20  }
0x4bb: {  	s5 =	sadd.s32 $0xFFFFFFFF, s5;
	v21 =	vadd.s32 v19, v21;
	v20 =	vld.idx.msk [tilespmem:v23+s21+$0x0], vm1  }
.LBB2_50:
0x4bc: {  	_ =	sdelay $0x3  }
0x4bd: {  	p2 =	sne.s32 s5, $0x1;
	s10 =	sadd.s32 $0x10, s10;
	s3 =	sadd.s32 $0x10, s3;
	[tilespmem:v21+s7+$0x0] =	vst.idx.msk vm1, v20  }
0x4be: {  	s5 =	sadd.s32 $0xFFFFFFFF, s5;
	v20 =	vld [tilespmem:s10+$0x0];
	_ =	sdelay $0x4  }
0x4bf: {  	v21 =	vsub.s32 v20, v10  }
0x4c0: {  	v22 =	vor.u32 s3, v3;
	v21 =	vshll.u32 v21, $0x3  }
0x4c1: {  	vm1 =	vlt.s32 v22, v11;
	v20 =	vand.u32 $0x7F, v20;
	v21 =	vand.u32 $0xFFFFFC00, v21  }
0x4c2: {  	v20 =	vor.u32 v20, v21;
	_ =	sdelay $0x1  }
0x4c3: {  	s4 =	sadd.s32 s3, s2  }
0x4c4: {  	v21 =	vmov s4  }
0x4c5: {  	v21 =	vshll.u32 v21, $0x7  }
0x4c6: {  	v21 =	vadd.s32 v6, v21;
	v22 =	vld.idx.msk [tilespmem:v20+s21+$0x0], vm1  }
0x4c7: {  	v23 =	vadd.s32 v12, v21  }
0x4c8: {  	v24 =	vor.u32 $0x80, v20;
	_ =	sdelay $0x3  }
0x4c9: {  	[tilespmem:v23+s7+$0x0] =	vst.idx.msk vm1, v22  }
0x4ca: {  	v22 =	vld.idx.msk [tilespmem:v24+s21+$0x0], vm1  }
0x4cb: {  	v23 =	vadd.s32 v13, v21  }
0x4cc: {  	v24 =	vor.u32 $0x100, v20;
	_ =	sdelay $0x3  }
0x4cd: {  	[tilespmem:v23+s7+$0x0] =	vst.idx.msk vm1, v22  }
0x4ce: {  	v22 =	vld.idx.msk [tilespmem:v24+s21+$0x0], vm1  }
0x4cf: {  	v23 =	vadd.s32 v14, v21  }
0x4d0: {  	v24 =	vor.u32 $0x180, v20;
	_ =	sdelay $0x3  }
0x4d1: {  	[tilespmem:v23+s7+$0x0] =	vst.idx.msk vm1, v22  }
0x4d2: {  	v22 =	vld.idx.msk [tilespmem:v24+s21+$0x0], vm1  }
0x4d3: {  	v23 =	vadd.s32 v15, v21  }
0x4d4: {  	v24 =	vor.u32 $0x200, v20;
	_ =	sdelay $0x3  }
0x4d5: {  	[tilespmem:v23+s7+$0x0] =	vst.idx.msk vm1, v22  }
0x4d6: {  	v22 =	vld.idx.msk [tilespmem:v24+s21+$0x0], vm1  }
0x4d7: {  	v23 =	vadd.s32 v16, v21  }
0x4d8: {  	v24 =	vor.u32 $0x280, v20;
	_ =	sdelay $0x3  }
0x4d9: {  	[tilespmem:v23+s7+$0x0] =	vst.idx.msk vm1, v22  }
0x4da: {  	v22 =	vld.idx.msk [tilespmem:v24+s21+$0x0], vm1  }
0x4db: {  	v23 =	vadd.s32 v17, v21  }
0x4dc: {  	v24 =	vor.u32 $0x300, v20;
	_ =	sdelay $0x3  }
0x4dd: {  	[tilespmem:v23+s7+$0x0] =	vst.idx.msk vm1, v22  }
0x4de: {  	v22 =	vld.idx.msk [tilespmem:v24+s21+$0x0], vm1  }
0x4df: {  	v23 =	vadd.s32 v18, v21  }
0x4e0: {  	v20 =	vor.u32 $0x380, v20;
	_ =	sdelay $0x1  }
.Ltmp37:
0x4e1: {  	(pc) =	sbr.rel @p2 .LBB2_50-.Ltmp37, $4  }
0x4e2: {  	_ = 	snop  }
0x4e3: {  	[tilespmem:v23+s7+$0x0] =	vst.idx.msk vm1, v22  }
0x4e4: {  	v20 =	vld.idx.msk [tilespmem:v20+s21+$0x0], vm1  }
0x4e5: {  	v21 =	vadd.s32 v19, v21  }
.LBB2_51:
0x4e6: {  	_ =	sdelay $0x4  }
0x4e7: {  	[tilespmem:v21+s7+$0x0] =	vst.idx.msk vm1, v20  }
.LBB2_52:
0x4e8: {  	s2 =	sadd.s32 @!p1 $0xE, s11  }
0x4e9: {  	s3 =	smulhi.u32 @!p1 $0x4325C53F, s2;
	_ =	sdelay $0x1  }
0x4ea: {  	s3 =	sshrl.u32 @!p1 s3, $0x4  }
0x4eb: {  	s4 =	smul.u32 @!p1 $0x3D, s3;
	_ =	sdelay $0x1  }
0x4ec: {  	s2 =	ssub.s32 @!p1 s2, s4  }
0x4ed: {  	s3 =	smul.u32 @!p1 $0xF4280, s3;
	s4 =	rddreg [dreg:$0x7];
	s2 =	sshll.u32 @!p1 s2, $0x9  }
0x4ee: {  	s14 =	sor.u32 $0x7, s11;
	s5 =	simm.s32 @!p1 $0x1BC00;
	s2 =	sadd.s32 @!p1 s2, s4  }
0x4ef: {  	s6 =	smulhi.u32 $0x4325C53F, s14;
	s4 =	simm.s32 @!p1 $0x0;
	s2 =	sadd.s32 @!p1 s3, s2  }
0x4f0: {  	[tilespmem:s5], [sflag:$0x1] =	stream.linear.gather @!p1 [hbm4b:s2+s4], $0x1000, $0x38;
	[tilespmem:$0x1E280] =	vst v63  }
0x4f1: {  	s4 =	sshrl.u32 s6, $0x4  }
0x4f2: {  	s2 =	smul.u32 $0x3D, s4  }
0x4f3: {  	_ =	swait.ge [sflag:s29], $0x1000  }
0x4f4: {  	[sflag:s29] =	ssyncset.done $0x0;
	s3 =	ssub.s32 s14, s2  }
0x4f5: {  	[sflag:s29] =	ssyncadd.s32 $0xFFFFF000;
	s2 =	sor.u32 $0x1A80, s3  }
0x4f6: {  	v10 =	vld [tilespmem:s2+$0x0]  }
0x4f7: {  	v11 =	vld [tilespmem:s3+$0x1A81];
	_ =	sdelay $0x3  }
0x4f8: {  	(v2sf) =	vpush v10, $0x0  }
0x4f9: {  	(v2sf) =	vpush v11, $0x0;
	_ =	sdelay $0xd  }
0x4fa: {  	s2 =	spop (v2sf)  }
0x4fb: {  	s5 =	spop (v2sf)  }
0x4fc: {  	s14 =	ssub.s32 s5, s2  }
0x4fd: {  	s4 =	sadd.s32 $0xF, s14  }
0x4fe: {  	s10 =	sand.u32 $0xF, s4  }
0x4ff: {  	p3 =	slt.s32 s4, $0x1;
	p2 =	sne.s32 s10, $0x0;
	s10 =	sshra.s32 s4, $0x1F  }
0x500: {  	s5 =	sshrl.u32 s10, $0x1C;
	p2 =	por !p3, !p2  }
0x501: {  	s4 =	sadd.s32 s5, s4;
	p2 =	por !p2, !p2;
	s5 =	simm.s32 $0x1  }
0x502: {  	s4 =	sshra.s32 s4, $0x4;
	s5 =	simm.s32 @!p2 $0x0  }
0x503: {  	s5 =	ssub.s32 s4, s5  }
0x504: {  	p2 =	slt.s32 s5, $0x1  }
.Ltmp38:
0x505: {  	_ = 	snop;
	(pc) =	sbr.rel @p2 .LBB2_56-.Ltmp38, $1  }
0x506: {  	_ =	sdelay $0x3  }
0x507: {  	s4 =	sshll.u32 s2, $0x2  }
0x508: {  	s4 =	sshra.s32 s4, $0x2  }
0x509: {  	s10 =	sadd.s32 $0x1180, s4  }
0x50a: {  	v12 =	vld [tilespmem:s10+$0x0];
	_ =	sdelay $0x1  }
0x50b: {  	s3 =	sshll.u32 s3, $0x9;
	s4 =	rddreg [dreg:$0x6]  }
0x50c: {  	s3 =	sadd.s32 s4, s3  }
0x50d: {  	v10 =	vmov s3  }
0x50e: {  	s3 =	simm.s32 $0x0;
	v13 =	vsub.s32 v12, v10  }
0x50f: {  	v11 =	vmov s14;
	v14 =	vor.u32 s3, v3;
	v13 =	vshll.u32 v13, $0x3  }
0x510: {  	vm1 =	vlt.s32 v14, v11;
	v12 =	vand.u32 $0x7F, v12;
	v13 =	vand.u32 $0xFFFFFC00, v13  }
0x511: {  	s6 =	sshrl.u32 s6, $0x1;
	v19 =	vor.u32 v12, v13  }
0x512: {  	s14 =	sadd.s32 $0x0, s2;
	s4 =	sand.u32 $0x1FFFFFF8, s6  }
0x513: {  	v12 =	vmov s4;
	v13 =	vmov s14  }
0x514: {  	v12 =	vbroadcast v12, $0x0;
	v13 =	vshll.u32 v13, $0x7  }
0x515: {  	v21 =	vadd.s32 v6, v13  }
0x516: {  	v15 =	vadd.s32 v12, v21;
	v14 =	vld.idx.msk [tilespmem:v19+s22+$0x0], vm1  }
0x517: {  	v16 =	vor.u32 $0x80, v19  }
0x518: {  	s14 =	sor.u32 $0x1, s4  }
0x519: {  	v13 =	vmov s14  }
0x51a: {  	v13 =	vbroadcast v13, $0x0  }
0x51b: {  	[tilespmem:v15+s7+$0x0] =	vst.idx.msk vm1, v14  }
0x51c: {  	v15 =	vld.idx.msk [tilespmem:v16+s22+$0x0], vm1;
	v16 =	vadd.s32 v13, v21  }
0x51d: {  	v17 =	vor.u32 $0x100, v19  }
0x51e: {  	s14 =	sor.u32 $0x2, s4  }
0x51f: {  	v14 =	vmov s14  }
0x520: {  	v14 =	vbroadcast v14, $0x0  }
0x521: {  	[tilespmem:v16+s7+$0x0] =	vst.idx.msk vm1, v15  }
0x522: {  	v16 =	vld.idx.msk [tilespmem:v17+s22+$0x0], vm1;
	v17 =	vadd.s32 v14, v21  }
0x523: {  	v18 =	vor.u32 $0x180, v19  }
0x524: {  	s14 =	sor.u32 $0x3, s4  }
0x525: {  	v15 =	vmov s14  }
0x526: {  	v15 =	vbroadcast v15, $0x0  }
0x527: {  	[tilespmem:v17+s7+$0x0] =	vst.idx.msk vm1, v16  }
0x528: {  	v17 =	vld.idx.msk [tilespmem:v18+s22+$0x0], vm1;
	v18 =	vadd.s32 v15, v21  }
0x529: {  	v20 =	vor.u32 $0x200, v19  }
0x52a: {  	s14 =	sor.u32 $0x4, s4  }
0x52b: {  	v16 =	vmov s14  }
0x52c: {  	v16 =	vbroadcast v16, $0x0  }
0x52d: {  	[tilespmem:v18+s7+$0x0] =	vst.idx.msk vm1, v17  }
0x52e: {  	v18 =	vld.idx.msk [tilespmem:v20+s22+$0x0], vm1;
	v20 =	vadd.s32 v16, v21  }
0x52f: {  	v22 =	vor.u32 $0x280, v19  }
0x530: {  	s14 =	sor.u32 $0x5, s4  }
0x531: {  	v17 =	vmov s14  }
0x532: {  	v17 =	vbroadcast v17, $0x0  }
0x533: {  	[tilespmem:v20+s7+$0x0] =	vst.idx.msk vm1, v18  }
0x534: {  	v20 =	vld.idx.msk [tilespmem:v22+s22+$0x0], vm1;
	v22 =	vadd.s32 v17, v21  }
0x535: {  	v23 =	vor.u32 $0x300, v19  }
0x536: {  	s14 =	sor.u32 $0x6, s4  }
0x537: {  	v18 =	vmov s14  }
0x538: {  	v18 =	vbroadcast v18, $0x0  }
0x539: {  	[tilespmem:v22+s7+$0x0] =	vst.idx.msk vm1, v20  }
0x53a: {  	v22 =	vadd.s32 v18, v21;
	v20 =	vld.idx.msk [tilespmem:v23+s22+$0x0], vm1  }
0x53b: {  	p2 =	sne.s32 s5, $0x1;
	v23 =	vor.u32 $0x380, v19  }
.Ltmp39:
0x53c: {  	s4 =	sor.u32 $0x7, s4;
	(pc) =	sbr.rel @!p2 .LBB2_55-.Ltmp39, $4  }
0x53d: {  	v19 =	vmov s4  }
0x53e: {  	v19 =	vbroadcast v19, $0x0  }
0x53f: {  	[tilespmem:v22+s7+$0x0] =	vst.idx.msk vm1, v20  }
0x540: {  	s5 =	sadd.s32 $0xFFFFFFFF, s5;
	v21 =	vadd.s32 v19, v21;
	v20 =	vld.idx.msk [tilespmem:v23+s22+$0x0], vm1  }
.LBB2_54:
0x541: {  	_ =	sdelay $0x3  }
0x542: {  	p2 =	sne.s32 s5, $0x1;
	s10 =	sadd.s32 $0x10, s10;
	s3 =	sadd.s32 $0x10, s3;
	[tilespmem:v21+s7+$0x0] =	vst.idx.msk vm1, v20  }
0x543: {  	s5 =	sadd.s32 $0xFFFFFFFF, s5;
	v20 =	vld [tilespmem:s10+$0x0];
	_ =	sdelay $0x4  }
0x544: {  	v21 =	vsub.s32 v20, v10  }
0x545: {  	v22 =	vor.u32 s3, v3;
	v21 =	vshll.u32 v21, $0x3  }
0x546: {  	vm1 =	vlt.s32 v22, v11;
	v20 =	vand.u32 $0x7F, v20;
	v21 =	vand.u32 $0xFFFFFC00, v21  }
0x547: {  	v20 =	vor.u32 v20, v21;
	_ =	sdelay $0x1  }
0x548: {  	s4 =	sadd.s32 s3, s2  }
0x549: {  	v21 =	vmov s4  }
0x54a: {  	v21 =	vshll.u32 v21, $0x7  }
0x54b: {  	v21 =	vadd.s32 v6, v21;
	v22 =	vld.idx.msk [tilespmem:v20+s22+$0x0], vm1  }
0x54c: {  	v23 =	vadd.s32 v12, v21  }
0x54d: {  	v24 =	vor.u32 $0x80, v20;
	_ =	sdelay $0x3  }
0x54e: {  	[tilespmem:v23+s7+$0x0] =	vst.idx.msk vm1, v22  }
0x54f: {  	v22 =	vld.idx.msk [tilespmem:v24+s22+$0x0], vm1  }
0x550: {  	v23 =	vadd.s32 v13, v21  }
0x551: {  	v24 =	vor.u32 $0x100, v20;
	_ =	sdelay $0x3  }
0x552: {  	[tilespmem:v23+s7+$0x0] =	vst.idx.msk vm1, v22  }
0x553: {  	v22 =	vld.idx.msk [tilespmem:v24+s22+$0x0], vm1  }
0x554: {  	v23 =	vadd.s32 v14, v21  }
0x555: {  	v24 =	vor.u32 $0x180, v20;
	_ =	sdelay $0x3  }
0x556: {  	[tilespmem:v23+s7+$0x0] =	vst.idx.msk vm1, v22  }
0x557: {  	v22 =	vld.idx.msk [tilespmem:v24+s22+$0x0], vm1  }
0x558: {  	v23 =	vadd.s32 v15, v21  }
0x559: {  	v24 =	vor.u32 $0x200, v20;
	_ =	sdelay $0x3  }
0x55a: {  	[tilespmem:v23+s7+$0x0] =	vst.idx.msk vm1, v22  }
0x55b: {  	v22 =	vld.idx.msk [tilespmem:v24+s22+$0x0], vm1  }
0x55c: {  	v23 =	vadd.s32 v16, v21  }
0x55d: {  	v24 =	vor.u32 $0x280, v20;
	_ =	sdelay $0x3  }
0x55e: {  	[tilespmem:v23+s7+$0x0] =	vst.idx.msk vm1, v22  }
0x55f: {  	v22 =	vld.idx.msk [tilespmem:v24+s22+$0x0], vm1  }
0x560: {  	v23 =	vadd.s32 v17, v21  }
0x561: {  	v24 =	vor.u32 $0x300, v20;
	_ =	sdelay $0x3  }
0x562: {  	[tilespmem:v23+s7+$0x0] =	vst.idx.msk vm1, v22  }
0x563: {  	v22 =	vld.idx.msk [tilespmem:v24+s22+$0x0], vm1  }
0x564: {  	v23 =	vadd.s32 v18, v21  }
0x565: {  	v20 =	vor.u32 $0x380, v20;
	_ =	sdelay $0x1  }
.Ltmp40:
0x566: {  	(pc) =	sbr.rel @p2 .LBB2_54-.Ltmp40, $4  }
0x567: {  	_ = 	snop  }
0x568: {  	[tilespmem:v23+s7+$0x0] =	vst.idx.msk vm1, v22  }
0x569: {  	v20 =	vld.idx.msk [tilespmem:v20+s22+$0x0], vm1  }
0x56a: {  	v21 =	vadd.s32 v19, v21  }
.LBB2_55:
0x56b: {  	_ =	sdelay $0x4  }
0x56c: {  	[tilespmem:v21+s7+$0x0] =	vst.idx.msk vm1, v20  }
.LBB2_56:
.Ltmp41:
0x56d: {  	(pc) =	sbr.rel @p1 .LBB2_58-.Ltmp41, $1  }
0x56e: {  	_ =	sdelay $0x3  }
0x56f: {  	s2 =	sadd.s32 $0xF, s11  }
0x570: {  	s3 =	smulhi.u32 $0x4325C53F, s2;
	_ =	sdelay $0x1  }
0x571: {  	s3 =	sshrl.u32 s3, $0x4  }
0x572: {  	s4 =	smul.u32 $0x3D, s3;
	_ =	sdelay $0x1  }
.Ltmp42:
0x573: {  	s2 =	ssub.s32 s2, s4;
	(pc) =	sbr.rel .LBB2_24-.Ltmp42, $4  }
0x574: {  	s14 =	rddreg [dreg:$0x7];
	s3 =	smul.u32 $0xF4280, s3;
	s2 =	sshll.u32 s2, $0x9  }
0x575: {  	s2 =	sadd.s32 s2, s14  }
0x576: {  	s9 =	sadd.s32 $0x1, s9;
	s2 =	sadd.s32 s3, s2  }
0x577: {  	[tilespmem:s22], [sflag:$0x1] =	stream.linear.gather [hbm4b:s2+s30], $0x1000, $0x38;
	[tilespmem:$0x1E280] =	vst v63  }
.LBB2_58:
0x578: {  	p1 =	slt.s32 @!p0 s13, $0x1  }
0x579: {  	p1 =	por p0, p1  }
.Ltmp43:
0x57a: {  	_ = 	snop;
	(pc) =	sbr.rel @p1 .LBB2_62-.Ltmp43, $2  }
0x57b: {  	_ =	sdelay $0x2  }
0x57c: {  	s6 =	rddreg [dreg:$0x10]  }
0x57d: {  	s2 =	simm.s32 $0x1B00  }
0x57e: {  	v10 =	vld [tilespmem:s2+$0x0];
	_ =	sdelay $0x4  }
0x57f: {  	(v2sf) =	vpush v10, $0x0;
	_ =	sdelay $0x9  }
0x580: {  	s3 =	sshra.s32 s12, $0x1F  }
0x581: {  	s3 =	sshrl.u32 s3, $0x19  }
0x582: {  	s3 =	sadd.s32 s3, s12  }
0x583: {  	s9 =	simm.s32 $0x1B80;
	s5 =	sand.u32 $0xFFFFFF80, s3  }
0x584: {  	s4 =	rddreg [dreg:$0x5];
	p1 =	slt.s32 s12, $0x1;
	p4 =	sne.s32 s12, s5  }
0x585: {  	s3 =	sshrl.u32 s3, $0x7;
	p1 =	por !p1, !p4;
	s6 =	spop (v2sf)  }
0x586: {  	p1 =	por !p1, !p1;
	s10 =	sadd.s32 $0xFFF0C000, s6;
	s6 =	sand.u32 $0x7, s6  }
0x587: {  	s11 =	sshra.s32 s10, $0x1F;
	p2 =	slt.s32 s10, $0x1;
	p3 =	sne.s32 s6, $0x0  }
0x588: {  	s6 =	simm.s32 $0x1;
	s11 =	sshrl.u32 s11, $0x1D;
	p2 =	por !p2, !p3  }
0x589: {  	s5 =	sadd.s32 s11, s10;
	p2 =	por !p2, !p2;
	s11 =	simm.s32 $0x1  }
0x58a: {  	s5 =	sshra.s32 s5, $0x3;
	s6 =	simm.s32 @!p2 $0x0;
	s11 =	simm.s32 @!p1 $0x0  }
0x58b: {  	s13 =	sand.u32 $0x7F, s12;
	s5 =	ssub.s32 s5, s6;
	s3 =	ssub.s32 s3, s11  }
0x58c: {  	s14 =	sshll.u32 s5, $0x3;
	s5 =	sshll.u32 s5, $0x7;
	s3 =	sshll.u32 s3, $0x7  }
0x58d: {  	s5 =	sand.u32 $0x1FFFFF80, s5;
	s10 =	ssub.s32 s10, s14;
	s3 =	sor.u32 s13, s3  }
0x58e: {  	v10 =	vld.msk [tilespmem:s9+$0x0 ss:$0x0], $0xffff;
	s4 =	sadd.s32 s4, s5;
	v11 =	vmov s3;
	s10 =	sshll.u32 s10, $0x7  }
0x58f: {  	[tilespmem:s8], [sflag:$0x3] =	stream.linear.gather [hbm4b:s4+s30], $0x400, $0x38;
	v12 =	vor.u32 s10, v3;
	[tilespmem:$0x1E280] =	vst v63  }
0x590: {  	_ =	swait.ge [sflag:s23], $0x400  }
0x591: {  	[sflag:s23] =	ssyncset.done $0x0  }
0x592: {  	[sflag:s23] =	ssyncadd.s32 $0xFFFFFC00  }
0x593: {  	s11 =	sshll.u32 s12, $0x7;
	[tilespmem:v11+s1+$0x0] =	vst.idx.msk $0x1, v10  }
0x594: {  	v10 =	vor.u32 s11, v3;
	v11 =	vld.idx.msk [tilespmem:v12+s8+$0x0], $0xffff  }
0x595: {  	v61 =	vor.u32 s10, v7;
	_ =	sdelay $0x3  }
0x596: {  	[tilespmem:v10+s7+$0x0] =	vst.idx.msk $0xffff, v11  }
0x597: {  	v10 =	vor.u32 s11, v7;
	v11 =	vld.idx.msk [tilespmem:v61+s8+$0x0], $0xffff  }
0x598: {  	v62 =	vor.u32 s10, v8;
	_ =	sdelay $0x3  }
0x599: {  	[tilespmem:v10+s7+$0x0] =	vst.idx.msk $0xffff, v11  }
0x59a: {  	v10 =	vor.u32 s11, v8;
	v11 =	vld.idx.msk [tilespmem:v62+s8+$0x0], $0xffff  }
0x59b: {  	v63 =	vor.u32 s10, v9;
	s13 =	rddreg [dreg:$0x11]  }
0x59c: {  	s14 =	rddreg [dreg:$0x12]  }
0x59d: {  	s3 =	sadd.s32 s13, s14  }
0x59e: {  	s3 =	sadd.s32 $0x80000000, s3  }
0x59f: {  	p1 =	sne.s32 s3, $0x1;
	[tilespmem:v10+s7+$0x0] =	vst.idx.msk $0xffff, v11  }
.Ltmp44:
0x5a0: {  	v10 =	vor.u32 s11, v9;
	v11 =	vld.idx.msk [tilespmem:v63+s8+$0x0], $0xffff;
	(pc) =	sbr.rel @!p1 .LBB2_61-.Ltmp44, $2  }
0x5a1: {  	_ =	sdelay $0x2  }
0x5a2: {  	s3 =	sadd.s32 $0xFFFFFFFF, s3  }
.LBB2_60:
0x5a3: {  	s2 =	sadd.s32 $0x1, s2;
	[tilespmem:v10+s7+$0x0] =	vst.idx.msk $0xffff, v11  }
0x5a4: {  	v10 =	vld [tilespmem:s2+$0x0];
	_ =	sdelay $0x4  }
0x5a5: {  	(v2sf) =	vpush v10, $0x0;
	_ =	sdelay $0x8  }
0x5a6: {  	s12 =	sadd.s32 $0x1, s12  }
0x5a7: {  	s4 =	sshra.s32 s12, $0x1F  }
0x5a8: {  	s4 =	sshrl.u32 s4, $0x19  }
0x5a9: {  	s4 =	sadd.s32 s4, s12  }
0x5aa: {  	s9 =	sadd.s32 $0x1, s9;
	s6 =	sand.u32 $0xFFFFFF80, s4  }
0x5ab: {  	s5 =	rddreg [dreg:$0x5];
	p2 =	slt.s32 s12, $0x1;
	p3 =	sne.s32 s12, s6  }
0x5ac: {  	s4 =	sshrl.u32 s4, $0x7;
	p2 =	por !p2, !p3;
	s11 =	spop (v2sf)  }
0x5ad: {  	p2 =	por !p2, !p2;
	s13 =	sadd.s32 $0xFFF0C000, s11;
	s11 =	sand.u32 $0x7, s11  }
0x5ae: {  	s14 =	sshra.s32 s13, $0x1F;
	p4 =	slt.s32 s13, $0x1;
	p5 =	sne.s32 s11, $0x0  }
0x5af: {  	s11 =	simm.s32 $0x1;
	s6 =	sshrl.u32 s14, $0x1D;
	p4 =	por !p4, !p5  }
0x5b0: {  	s14 =	simm.s32 $0x1;
	s6 =	sadd.s32 s6, s13;
	p3 =	por !p4, !p4  }
0x5b1: {  	s14 =	simm.s32 @!p2 $0x0;
	s6 =	sshra.s32 s6, $0x3;
	s11 =	simm.s32 @!p3 $0x0  }
0x5b2: {  	s10 =	sand.u32 $0x7F, s12;
	s4 =	ssub.s32 s4, s14;
	s6 =	ssub.s32 s6, s11  }
0x5b3: {  	s4 =	sshll.u32 s4, $0x7;
	s11 =	sshll.u32 s6, $0x3;
	s6 =	sshll.u32 s6, $0x7  }
0x5b4: {  	s4 =	sor.u32 s10, s4;
	s6 =	sand.u32 $0x1FFFFF80, s6;
	s11 =	ssub.s32 s13, s11  }
0x5b5: {  	v10 =	vld.msk [tilespmem:s9+$0x0 ss:$0x0], $0xffff;
	v11 =	vmov s4;
	s5 =	sadd.s32 s5, s6;
	s13 =	sshll.u32 s11, $0x7  }
0x5b6: {  	[tilespmem:s8], [sflag:$0x3] =	stream.linear.gather [hbm4b:s5+s30], $0x400, $0x38;
	v12 =	vor.u32 s13, v3;
	[tilespmem:$0x1E280] =	vst v63  }
0x5b7: {  	_ =	swait.ge [sflag:s23], $0x400  }
0x5b8: {  	[sflag:s23] =	ssyncset.done $0x0  }
0x5b9: {  	[sflag:s23] =	ssyncadd.s32 $0xFFFFFC00  }
0x5ba: {  	s14 =	sshll.u32 s12, $0x7;
	[tilespmem:v11+s1+$0x0] =	vst.idx.msk $0x1, v10  }
0x5bb: {  	v10 =	vor.u32 s14, v3;
	v11 =	vld.idx.msk [tilespmem:v12+s8+$0x0], $0xffff  }
0x5bc: {  	v61 =	vor.u32 s13, v7;
	_ =	sdelay $0x3  }
0x5bd: {  	[tilespmem:v10+s7+$0x0] =	vst.idx.msk $0xffff, v11  }
0x5be: {  	v10 =	vor.u32 s14, v7;
	v11 =	vld.idx.msk [tilespmem:v61+s8+$0x0], $0xffff  }
0x5bf: {  	v62 =	vor.u32 s13, v8;
	_ =	sdelay $0x3  }
0x5c0: {  	[tilespmem:v10+s7+$0x0] =	vst.idx.msk $0xffff, v11  }
0x5c1: {  	v10 =	vor.u32 s14, v8;
	v11 =	vld.idx.msk [tilespmem:v62+s8+$0x0], $0xffff  }
0x5c2: {  	p1 =	sne.s32 s3, $0x1;
	v63 =	vor.u32 s13, v9  }
.Ltmp45:
0x5c3: {  	_ = 	snop;
	(pc) =	sbr.rel @p1 .LBB2_60-.Ltmp45, $3  }
0x5c4: {  	_ =	sdelay $0x1  }
0x5c5: {  	[tilespmem:v10+s7+$0x0] =	vst.idx.msk $0xffff, v11  }
0x5c6: {  	s3 =	sadd.s32 $0xFFFFFFFF, s3;
	v10 =	vor.u32 s14, v9;
	v11 =	vld.idx.msk [tilespmem:v63+s8+$0x0], $0xffff  }
.Ltmp46:
0x5c7: {  	_ = 	snop;
	(pc) =	sbr.rel .LBB2_61-.Ltmp46, $1  }
0x5c8: {  	_ =	sdelay $0x3  }
.LBB2_16:
.Ltmp47:
0x5c9: {  	(pc) =	sbr.rel .LBB2_22-.Ltmp47, $2  }
0x5ca: {  	_ =	sdelay $0x2  }
0x5cb: {  	s3 =	simm.s32 $0x1600  }
.LBB2_18:
.Ltmp48:
0x5cc: {  	(pc) =	sbr.rel .LBB2_22-.Ltmp48, $2  }
0x5cd: {  	_ =	sdelay $0x2  }
0x5ce: {  	s3 =	simm.s32 $0x1600;
	v11 =	vmov v17  }
.LBB2_20:
.Ltmp49:
0x5cf: {  	(pc) =	sbr.rel .LBB2_22-.Ltmp49, $2  }
0x5d0: {  	_ =	sdelay $0x2  }
0x5d1: {  	s3 =	simm.s32 $0x1600  }
.LBB2_63:
0x5d2: {  	_ =	sfence.sel $0x180000  }
0x5d3: {  	[bflag:$0x0] =	sbarrier.arrive $0xFFFF  }
0x5d4: {  	_ =	strace $0x90000047  }
0x5d5: {  	s0 =	stileid.u32;
	[bflag:$0x2] =	sbarrier.arrive $0xFFFF  }
0x5d6: {  	p0 =	sne.s32 s0, $0x0;
	s0 =	rddreg [dreg:$0x4]  }
0x5d7: {  	s0 =	sadd.s32 @!p0 $0x100000, s0  }
0x5d8: {  	[sflag:s0] =	ssyncadd.tile.s32 @!p0 $0x1;
	_ =	shalt  }
.Lfunc_end2:
_tile_overlayer_lowered:
.L_overlay_start_2:
0x5d9: {  	(tag) =	ssettag $0x2  }
0x5da: {  	s0 =	rddreg [dreg:$0x0];
	s2 =	stileid.u32  }
0x5db: {  	s1 =	rddreg [dreg:$0x1];
	p0 =	sne.s32 s2, $0x0  }
0x5dc: {  	s3 =	rddreg [dreg:$0x2];
	[bflag:$0x3] =	sbarrier.arrive $0xFFFF;
	s2 =	simm.s32 @!p0 $0x1C03  }
0x5dd: {  	[timem:s3], [sflag:s2] =	dma.local @!p0 [hbm:s0], s1  }
0x5de: {  	s0 =	simm.s32 @!p0 $0x3  }
0x5df: {  	_ =	swait.ge @!p0 [sflag:s0], s1  }
0x5e0: {  	s1 =	ssub.s32 @!p0 $0x0, s1;
	[sflag:s0] =	ssyncset.done @!p0 $0x0  }
0x5e1: {  	[sflag:s0] =	ssyncadd.s32 @!p0 s1  }
0x5e2: {  	[bflag:$0x3] =	sbarrier.arrive $0xFFFF  }
0x5e3: {  	_ =	shalt  }

</sc_bundles>
